<compile_context>
chip_gen: v7x
topology: tpu7x:2x2x1
jax: 0.10.2.dev20260603
libtpu: 0.0.44.dev20260713+nightly
codegen_flags: <defaults>
</compile_context>

<pallas_src>
import functools

import jax
import jax.numpy as jnp
from jax import lax
from jax.experimental import pallas as pl
from jax.experimental.pallas import tpu as pltpu
from jax.experimental.pallas import tpu_sc as plsc

NC = 2
NS = 16
NW = NC * NS
LN = 32


def _sc_mesh():
    return plsc.VectorSubcoreMesh(core_axis_name="c", subcore_axis_name="s")


def _sc_degree(dst3, zeros_blk, ones_blk, CH_A, CH_B):
    _, CH, _ = dst3.shape
    NP = zeros_blk.shape[0] * NS
    PT = NP // NS

    @functools.partial(
        pl.kernel,
        mesh=_sc_mesh(),
        out_type=jax.ShapeDtypeStruct((NC, NP, 8), jnp.float32),
        compiler_params=pltpu.CompilerParams(use_tc_tiling_on_sc=False),
        scratch_types=[
            pltpu.VMEM((CH, LN), jnp.int32),
            pltpu.VMEM((LN, 8), jnp.float32),
            pltpu.VMEM_SHARED((NP, 8), jnp.float32),
        ],
    )
    def deg_kernel(dst_h, zb_h, ones_h, out_h, dst_v, ones_v, acc):
        cid = lax.axis_index("c")
        sid = lax.axis_index("s")
        wid = cid * NS + sid
        chc = jnp.where(cid == 0, CH_A, CH_B)
        pltpu.sync_copy(zb_h, acc.at[pl.ds(sid * PT, PT)])
        pltpu.sync_copy(dst_h.at[wid], dst_v)
        pltpu.sync_copy(ones_h, ones_v)
        plsc.subcore_barrier()

        def step(j, carry):
            for b in range(5):
                c = j * 5 + b
                pltpu.sync_copy(ones_v, acc.at[dst_v.at[c]], add=True)
            return carry

        lax.fori_loop(0, chc // 5, step, 0)
        plsc.subcore_barrier()
        pltpu.sync_copy(acc.at[pl.ds(sid * PT, PT)],
                        out_h.at[cid, pl.ds(sid * PT, PT)])

    return deg_kernel(dst3, zeros_blk, ones_blk)


def _sc_propagate(y, src3, dst3, zeros_blk, NBUF, CH_A, CH_B):
    NP, F = y.shape
    _, CH, _ = src3.shape
    PT = NP // NS

    @functools.partial(
        pl.kernel,
        mesh=_sc_mesh(),
        out_type=jax.ShapeDtypeStruct((NC, NP, F), jnp.float32),
        compiler_params=pltpu.CompilerParams(use_tc_tiling_on_sc=False),
        scratch_types=(
            [pltpu.VMEM((CH, LN), jnp.int32),
             pltpu.VMEM((CH, LN), jnp.int32)]
            + [pltpu.VMEM((LN, F), jnp.float32) for _ in range(NBUF)]
            + [pltpu.SemaphoreType.DMA for _ in range(NBUF)]
            + [pltpu.VMEM_SHARED((NP, F), jnp.float32)]
        ),
    )
    def prop_kernel(y_h, src_h, dst_h, zb_h, out_h, src_v, dst_v, *rest):
        rows = rest[:NBUF]
        sems = rest[NBUF:2 * NBUF]
        acc = rest[2 * NBUF]
        cid = lax.axis_index("c")
        sid = lax.axis_index("s")
        wid = cid * NS + sid
        chc = jnp.where(cid == 0, CH_A, CH_B)
        pltpu.sync_copy(zb_h, acc.at[pl.ds(sid * PT, PT)])
        pltpu.sync_copy(src_h.at[wid], src_v)
        pltpu.sync_copy(dst_h.at[wid], dst_v)
        plsc.subcore_barrier()

        for b in range(NBUF - 1):
            pltpu.async_copy(y_h.at[src_v.at[b]], rows[b], sems[b])

        def step(j, carry):
            for b in range(NBUF):
                c = j * NBUF + b
                pltpu.make_async_copy(y_h.at[src_v.at[c]],
                                      rows[b], sems[b]).wait()
                cn = jnp.minimum(c + NBUF - 1, chc - 1)
                bn = (b + NBUF - 1) % NBUF
                pltpu.async_copy(y_h.at[src_v.at[cn]], rows[bn], sems[bn])
                pltpu.sync_copy(rows[b], acc.at[dst_v.at[c]], add=True)
            return carry

        lax.fori_loop(0, chc // NBUF, step, 0)
        for k in range(NBUF - 1):
            b = k % NBUF
            pltpu.make_async_copy(y_h.at[src_v.at[0]],
                                  rows[b], sems[b]).wait()
        plsc.subcore_barrier()
        pltpu.sync_copy(acc.at[pl.ds(sid * PT, PT)],
                        out_h.at[cid, pl.ds(sid * PT, PT)])

    return prop_kernel(y, src3, dst3, zeros_blk)


def _edge_layout(edge_index, N, CH_A, CH_B):
    E = edge_index.shape[1]
    cap_a = NS * CH_A * LN
    cap = cap_a + NS * CH_B * LN
    src = jnp.pad(edge_index[0], (0, cap - E))
    dst = jnp.pad(edge_index[1], (0, cap - E), constant_values=N)

    CHM = max(CH_A, CH_B)

    def shape3(a):
        a0 = a[:cap_a].reshape(NS, CH_A, LN)
        a1 = a[cap_a:].reshape(NS, CH_B, LN)
        a0 = jnp.pad(a0, ((0, 0), (0, CHM - CH_A), (0, 0)))
        a1 = jnp.pad(a1, ((0, 0), (0, CHM - CH_B), (0, 0)))
        return jnp.concatenate([a0, a1], axis=0)

    return shape3(src), shape3(dst)


def _deg_inv_sqrt(p0_r, p1_r):
    deg = p0_r[:, 0:1] + p1_r[:, 0:1] + 1.0
    return lax.rsqrt(jnp.maximum(deg, 1e-12))


def _tc_first(xp, W, p0, p1, blk_r):
    NP, K = xp.shape
    F = W.shape[1]
    nb = NP // blk_r

    def body(x_r, w_r, p0_r, p1_r, o_r):
        d = _deg_inv_sqrt(p0_r, p1_r)
        o_r[...] = jnp.dot(x_r[...], w_r[...],
                           preferred_element_type=jnp.float32) * d

    return pl.pallas_call(
        body,
        grid=(nb,),
        in_specs=[
            pl.BlockSpec((blk_r, K), lambda i: (i, 0)),
            pl.BlockSpec((K, F), lambda i: (0, 0)),
            pl.BlockSpec((blk_r, 8), lambda i: (i, 0)),
            pl.BlockSpec((blk_r, 8), lambda i: (i, 0)),
        ],
        out_specs=pl.BlockSpec((blk_r, F), lambda i: (i, 0)),
        out_shape=jax.ShapeDtypeStruct((NP, F), jnp.float32),
    )(xp, W, p0, p1)


def _tc_mid(s0, s1, yp, p0, p1, b2d, W, blk_r):
    NP, K = yp.shape
    F = W.shape[1]
    nb = NP // blk_r

    def body(s0_r, s1_r, y_r, p0_r, p1_r, b_r, w_r, o_r):
        d = _deg_inv_sqrt(p0_r, p1_r)
        z = d * (s0_r[...] + s1_r[...] + y_r[...]) + b_r[...]
        a = jnp.maximum(z, 0.0)
        o_r[...] = jnp.dot(a, w_r[...],
                           preferred_element_type=jnp.float32) * d

    return pl.pallas_call(
        body,
        grid=(nb,),
        in_specs=[
            pl.BlockSpec((blk_r, K), lambda i: (i, 0)),
            pl.BlockSpec((blk_r, K), lambda i: (i, 0)),
            pl.BlockSpec((blk_r, K), lambda i: (i, 0)),
            pl.BlockSpec((blk_r, 8), lambda i: (i, 0)),
            pl.BlockSpec((blk_r, 8), lambda i: (i, 0)),
            pl.BlockSpec((1, K), lambda i: (0, 0)),
            pl.BlockSpec((K, F), lambda i: (0, 0)),
        ],
        out_specs=pl.BlockSpec((blk_r, F), lambda i: (i, 0)),
        out_shape=jax.ShapeDtypeStruct((NP, F), jnp.float32),
    )(s0, s1, yp, p0, p1, b2d, W)


def _tc_final(s0, s1, yp, p0, p1, b2d, blk_r):
    NP, K = yp.shape
    nb = NP // blk_r

    def body(s0_r, s1_r, y_r, p0_r, p1_r, b_r, o_r):
        d = _deg_inv_sqrt(p0_r, p1_r)
        z = d * (s0_r[...] + s1_r[...] + y_r[...]) + b_r[...]
        m = jnp.max(z, axis=1, keepdims=True)
        e = jnp.exp(z - m)
        lse = jnp.log(jnp.sum(e, axis=1, keepdims=True)) + m
        o_r[...] = z - lse

    return pl.pallas_call(
        body,
        grid=(nb,),
        in_specs=[
            pl.BlockSpec((blk_r, K), lambda i: (i, 0)),
            pl.BlockSpec((blk_r, K), lambda i: (i, 0)),
            pl.BlockSpec((blk_r, K), lambda i: (i, 0)),
            pl.BlockSpec((blk_r, 8), lambda i: (i, 0)),
            pl.BlockSpec((blk_r, 8), lambda i: (i, 0)),
            pl.BlockSpec((1, K), lambda i: (0, 0)),
        ],
        out_specs=pl.BlockSpec((blk_r, K), lambda i: (i, 0)),
        out_shape=jax.ShapeDtypeStruct((NP, K), jnp.float32),
    )(s0, s1, yp, p0, p1, b2d)


def kernel(x, edge_index, W1, b1, W2, b2, W3, b3):
    N, K = x.shape
    E = edge_index.shape[1]

    NP = ((N + NS * 8 - 1) // (NS * 8)) * (NS * 8)
    PT = NP // NS

    src1, dst1 = _edge_layout(edge_index, N, 410, 220)
    src2, dst2 = _edge_layout(edge_index, N, 434, 196)
    _, dstd = _edge_layout(edge_index, N, 315, 315)
    xp = jnp.pad(x, ((0, NP - N), (0, 0)))

    z8 = jnp.zeros((PT, 8), jnp.float32)
    ones8 = jnp.ones((LN, 8), jnp.float32)
    zK = jnp.zeros((PT, K), jnp.float32)
    F2 = W2.shape[1]
    zF = jnp.zeros((PT, F2), jnp.float32)

    blk_r = PT

    pdeg = _sc_degree(dstd, z8, ones8, 315, 315)
    p0, p1 = pdeg[0], pdeg[1]

    y1 = _tc_first(xp, W1, p0, p1, blk_r)
    s1 = _sc_propagate(y1, src1, dst1, zK, 5, 410, 220)
    y2 = _tc_mid(s1[0], s1[1], y1, p0, p1, b1.reshape(1, -1), W2, blk_r)
    s2 = _sc_propagate(y2, src2, dst2, zF, 7, 434, 196)
    y3 = _tc_mid(s2[0], s2[1], y2, p0, p1, b2.reshape(1, -1), W3, blk_r)
    s3 = _sc_propagate(y3, src2, dst2, zF, 7, 434, 196)
    out = _tc_final(s3[0], s3[1], y3, p0, p1, b3.reshape(1, -1), blk_r)
    return out[:N]

# --- scband reference (transcript-rebuilt; emitter-appended) ---
"""Pipeline reference for scband-gcn-48301202211002 (READ-ONLY COPY).

The authoritative reference and input builder live on the scoring server;
editing this copy changes nothing except your own understanding.
"""

import jax, jax.numpy as jnp
import numpy as np

N_NODES = 10000
N_EDGES = 320000


def _glorot(key, shape):
    fan_in, fan_out = shape[0], shape[1]
    limit = np.sqrt(6.0 / (fan_in + fan_out))
    return jax.random.uniform(key, shape, dtype=jnp.float32, minval=-limit, maxval=limit)


def setup_inputs(seed: int = 0) -> dict:
    key = jax.random.key(seed)
    ks = jax.random.split(key, 8)
    x = jax.random.normal(ks[0], (N_NODES, 128), dtype=jnp.float32)
    edge_index = jax.random.randint(ks[1], (2, N_EDGES), 0, N_NODES, dtype=jnp.int32)
    W1 = _glorot(ks[2], (128, 128))
    b1 = jnp.zeros((128,), dtype=jnp.float32)
    W2 = _glorot(ks[3], (128, 64))
    b2 = jnp.zeros((64,), dtype=jnp.float32)
    W3 = _glorot(ks[4], (64, 64))
    b3 = jnp.zeros((64,), dtype=jnp.float32)
    return {"x": x, "edge_index": edge_index, "W1": W1, "b1": b1, "W2": W2, "b2": b2, "W3": W3, "b3": b3}


def _gcn_conv(x, src, dst, deg_inv_sqrt, W, b):
    # PyG GCNConv: h = X W; out[i] = sum_{j->i} norm(j,i) * h[j] + b
    h = x @ W
    norm = deg_inv_sqrt[src] * deg_inv_sqrt[dst]
    msg = h[src] * norm[:, None]
    out = jnp.zeros((x.shape[0], h.shape[1]), dtype=h.dtype).at[dst].add(msg)
    return out + b


def reference(x, edge_index, W1, b1, W2, b2, W3, b3):
    N = x.shape[0]
    loop = jnp.arange(N, dtype=edge_index.dtype)
    src = jnp.concatenate([edge_index[0], loop])
    dst = jnp.concatenate([edge_index[1], loop])
    # symmetric normalization with self-loops, edge weight 1
    deg = jnp.zeros((N,), dtype=x.dtype).at[dst].add(jnp.ones((src.shape[0],), dtype=x.dtype))
    deg_inv_sqrt = jax.lax.rsqrt(jnp.maximum(deg, 1e-12))
    h = _gcn_conv(x, src, dst, deg_inv_sqrt, W1, b1)
    h = jax.nn.relu(h)
    h = _gcn_conv(h, src, dst, deg_inv_sqrt, W2, b2)
    h = jax.nn.relu(h)
    h = _gcn_conv(h, src, dst, deg_inv_sqrt, W3, b3)
    return jax.nn.log_softmax(h, axis=1)

if __name__ == "__main__":
    import jax
    _d = setup_inputs()
    print(jax.jit(kernel)(*tuple(_d.values())))

</pallas_src>

<mosaic_0001>
#map = affine_map<(d0, d1) -> (0, 0)>
#map1 = affine_map<(d0, d1) -> (0, 0, 0)>
module attributes {stable_mosaic.version = 14 : i64} {
  func.func @prop_kernel(%arg0: i32, %arg1: i32, %arg2: memref<10112x128xf32, #tpu.memory_space<hbm>>, %arg3: memref<32x410x32xi32, #tpu.memory_space<hbm>>, %arg4: memref<32x410x32xi32, #tpu.memory_space<hbm>>, %arg5: memref<632x128xf32, #tpu.memory_space<hbm>>, %arg6: memref<2x10112x128xf32, #tpu.memory_space<hbm>>, %arg7: memref<410x32xi32, #tpu.memory_space<vmem>>, %arg8: memref<410x32xi32, #tpu.memory_space<vmem>>, %arg9: memref<32x128xf32, #tpu.memory_space<vmem>>, %arg10: memref<32x128xf32, #tpu.memory_space<vmem>>, %arg11: memref<32x128xf32, #tpu.memory_space<vmem>>, %arg12: memref<32x128xf32, #tpu.memory_space<vmem>>, %arg13: memref<32x128xf32, #tpu.memory_space<vmem>>, %arg14: memref<!tpu.dma_semaphore, #tpu.memory_space<semaphore_mem>>, %arg15: memref<!tpu.dma_semaphore, #tpu.memory_space<semaphore_mem>>, %arg16: memref<!tpu.dma_semaphore, #tpu.memory_space<semaphore_mem>>, %arg17: memref<!tpu.dma_semaphore, #tpu.memory_space<semaphore_mem>>, %arg18: memref<!tpu.dma_semaphore, #tpu.memory_space<semaphore_mem>>, %arg19: memref<10112x128xf32, #tpu.memory_space<vmem_shared>>) attributes {dimension_semantics = [#tpu.dimension_semantics<core_parallel>, #tpu.dimension_semantics<subcore_parallel>], iteration_bounds = array<i64: 2, 16>, scalar_prefetch = 0 : i64, scratch_operands = 13 : i64, tpu.core_type = #tpu.core_type<sc_vector_subcore>, window_params = [{transform_indices = #map}, {transform_indices = #map1}, {transform_indices = #map1}, {transform_indices = #map}, {transform_indices = #map1}]} {
    %mul3A = arith.constant 16 : i32
    %mul3A_0 = arith.muli %arg0, %mul3A : i32
    %add3A = arith.addi %mul3A_0, %arg1 : i32
    %eq3A = arith.constant 0 : i32
    %eq3A_1 = arith.cmpi eq, %arg0, %eq3A : i32
    %jit3A = arith.constant 410 : i32
    %jit3A_2 = arith.constant 220 : i32
    %select_n3A = arith.select %eq3A_1, %jit3A, %jit3A_2 : i32
    %mul3A_3 = arith.constant 632 : i32
    %mul3A_4 = arith.muli %arg1, %mul3A_3 : i32
    "tpu.region"() ({
      %run_scoped3A = tpu.sem_alloc : memref<!tpu.dma_semaphore, #tpu.memory_space<semaphore_mem>>
      %dma_start3A_91 = arith.constant 0 : i32
      %dma_start3A_92 = tpu.memref_slice %arg19[%mul3A_4, %dma_start3A_91] : memref<10112x128xf32, #tpu.memory_space<vmem_shared>> -> memref<632x128xf32, #tpu.memory_space<vmem_shared>>
      tpu.enqueue_dma source(%arg5 : memref<632x128xf32, #tpu.memory_space<hbm>>) target(%dma_start3A_92 : memref<632x128xf32, #tpu.memory_space<vmem_shared>>) target_semaphore(%run_scoped3A : memref<!tpu.dma_semaphore, #tpu.memory_space<semaphore_mem>>)
      %dma_wait3A_93 = arith.constant 0 : i32
      %dma_wait3A_94 = tpu.memref_slice %arg19[%mul3A_4, %dma_wait3A_93] : memref<10112x128xf32, #tpu.memory_space<vmem_shared>> -> memref<632x128xf32, #tpu.memory_space<vmem_shared>>
      tpu.wait_dma2 semaphore(%run_scoped3A : memref<!tpu.dma_semaphore, #tpu.memory_space<semaphore_mem>>) src(%arg5 : memref<632x128xf32, #tpu.memory_space<hbm>>) dst(%dma_wait3A_94 : memref<632x128xf32, #tpu.memory_space<vmem_shared>>)
      tpu.yield
    }) : () -> ()
    "tpu.region"() ({
      %run_scoped3A = tpu.sem_alloc : memref<!tpu.dma_semaphore, #tpu.memory_space<semaphore_mem>>
      %dma_start3A_91 = arith.constant 0 : i32
      %dma_start3A_92 = arith.constant 0 : i32
      %dma_start3A_93 = tpu.memref_slice %arg3[%add3A, %dma_start3A_91, %dma_start3A_92] : memref<32x410x32xi32, #tpu.memory_space<hbm>> -> memref<1x410x32xi32, #tpu.memory_space<hbm>>
      %dma_start3A_94 = tpu.memref_squeeze %dma_start3A_93 : memref<1x410x32xi32, #tpu.memory_space<hbm>> -> memref<410x32xi32, #tpu.memory_space<hbm>>
      %dma_start3A_95 = arith.constant 0 : i32
      %dma_start3A_96 = arith.constant 0 : i32
      %dma_start3A_97 = tpu.memref_slice %arg3[%add3A, %dma_start3A_95, %dma_start3A_96] : memref<32x410x32xi32, #tpu.memory_space<hbm>> -> memref<1x410x32xi32, #tpu.memory_space<hbm>>
      %dma_start3A_98 = tpu.memref_squeeze %dma_start3A_97 : memref<1x410x32xi32, #tpu.memory_space<hbm>> -> memref<410x32xi32, #tpu.memory_space<hbm>>
      tpu.enqueue_dma source(%dma_start3A_98 : memref<410x32xi32, #tpu.memory_space<hbm>>) target(%arg7 : memref<410x32xi32, #tpu.memory_space<vmem>>) target_semaphore(%run_scoped3A : memref<!tpu.dma_semaphore, #tpu.memory_space<semaphore_mem>>)
      %dma_wait3A_99 = arith.constant 0 : i32
      %dma_wait3A_100 = arith.constant 0 : i32
      %dma_wait3A_101 = tpu.memref_slice %arg3[%add3A, %dma_wait3A_99, %dma_wait3A_100] : memref<32x410x32xi32, #tpu.memory_space<hbm>> -> memref<1x410x32xi32, #tpu.memory_space<hbm>>
      %dma_wait3A_102 = tpu.memref_squeeze %dma_wait3A_101 : memref<1x410x32xi32, #tpu.memory_space<hbm>> -> memref<410x32xi32, #tpu.memory_space<hbm>>
      %dma_wait3A_103 = arith.constant 0 : i32
      %dma_wait3A_104 = arith.constant 0 : i32
      %dma_wait3A_105 = tpu.memref_slice %arg3[%add3A, %dma_wait3A_103, %dma_wait3A_104] : memref<32x410x32xi32, #tpu.memory_space<hbm>> -> memref<1x410x32xi32, #tpu.memory_space<hbm>>
      %dma_wait3A_106 = tpu.memref_squeeze %dma_wait3A_105 : memref<1x410x32xi32, #tpu.memory_space<hbm>> -> memref<410x32xi32, #tpu.memory_space<hbm>>
      tpu.wait_dma2 semaphore(%run_scoped3A : memref<!tpu.dma_semaphore, #tpu.memory_space<semaphore_mem>>) src(%dma_wait3A_106 : memref<410x32xi32, #tpu.memory_space<hbm>>) dst(%arg7 : memref<410x32xi32, #tpu.memory_space<vmem>>)
      tpu.yield
    }) : () -> ()
    "tpu.region"() ({
      %run_scoped3A = tpu.sem_alloc : memref<!tpu.dma_semaphore, #tpu.memory_space<semaphore_mem>>
      %dma_start3A_91 = arith.constant 0 : i32
      %dma_start3A_92 = arith.constant 0 : i32
      %dma_start3A_93 = tpu.memref_slice %arg4[%add3A, %dma_start3A_91, %dma_start3A_92] : memref<32x410x32xi32, #tpu.memory_space<hbm>> -> memref<1x410x32xi32, #tpu.memory_space<hbm>>
      %dma_start3A_94 = tpu.memref_squeeze %dma_start3A_93 : memref<1x410x32xi32, #tpu.memory_space<hbm>> -> memref<410x32xi32, #tpu.memory_space<hbm>>
      %dma_start3A_95 = arith.constant 0 : i32
      %dma_start3A_96 = arith.constant 0 : i32
      %dma_start3A_97 = tpu.memref_slice %arg4[%add3A, %dma_start3A_95, %dma_start3A_96] : memref<32x410x32xi32, #tpu.memory_space<hbm>> -> memref<1x410x32xi32, #tpu.memory_space<hbm>>
      %dma_start3A_98 = tpu.memref_squeeze %dma_start3A_97 : memref<1x410x32xi32, #tpu.memory_space<hbm>> -> memref<410x32xi32, #tpu.memory_space<hbm>>
      tpu.enqueue_dma source(%dma_start3A_98 : memref<410x32xi32, #tpu.memory_space<hbm>>) target(%arg8 : memref<410x32xi32, #tpu.memory_space<vmem>>) target_semaphore(%run_scoped3A : memref<!tpu.dma_semaphore, #tpu.memory_space<semaphore_mem>>)
      %dma_wait3A_99 = arith.constant 0 : i32
      %dma_wait3A_100 = arith.constant 0 : i32
      %dma_wait3A_101 = tpu.memref_slice %arg4[%add3A, %dma_wait3A_99, %dma_wait3A_100] : memref<32x410x32xi32, #tpu.memory_space<hbm>> -> memref<1x410x32xi32, #tpu.memory_space<hbm>>
      %dma_wait3A_102 = tpu.memref_squeeze %dma_wait3A_101 : memref<1x410x32xi32, #tpu.memory_space<hbm>> -> memref<410x32xi32, #tpu.memory_space<hbm>>
      %dma_wait3A_103 = arith.constant 0 : i32
      %dma_wait3A_104 = arith.constant 0 : i32
      %dma_wait3A_105 = tpu.memref_slice %arg4[%add3A, %dma_wait3A_103, %dma_wait3A_104] : memref<32x410x32xi32, #tpu.memory_space<hbm>> -> memref<1x410x32xi32, #tpu.memory_space<hbm>>
      %dma_wait3A_106 = tpu.memref_squeeze %dma_wait3A_105 : memref<1x410x32xi32, #tpu.memory_space<hbm>> -> memref<410x32xi32, #tpu.memory_space<hbm>>
      tpu.wait_dma2 semaphore(%run_scoped3A : memref<!tpu.dma_semaphore, #tpu.memory_space<semaphore_mem>>) src(%dma_wait3A_106 : memref<410x32xi32, #tpu.memory_space<hbm>>) dst(%arg8 : memref<410x32xi32, #tpu.memory_space<vmem>>)
      tpu.yield
    }) : () -> ()
    %barrier3A = arith.constant 0 : index
    tpu.barrier barrier_id(%barrier3A)
    %dma_start3A = arith.constant 0 : i32
    %dma_start3A_5 = arith.constant 0 : i32
    %dma_start3A_6 = tpu.memref_slice %arg7[%dma_start3A, %dma_start3A_5] : memref<410x32xi32, #tpu.memory_space<vmem>> -> memref<1x32xi32, #tpu.memory_space<vmem>>
    %dma_start3A_7 = tpu.memref_squeeze %dma_start3A_6 : memref<1x32xi32, #tpu.memory_space<vmem>> -> memref<32xi32, #tpu.memory_space<vmem>>
    %dma_start3A_8 = arith.constant 0 : i32
    %dma_start3A_9 = arith.constant 0 : i32
    %dma_start3A_10 = tpu.memref_slice %arg2[%dma_start3A_8, %dma_start3A_9] : memref<10112x128xf32, #tpu.memory_space<hbm>> -> memref<10112x128xf32, #tpu.memory_space<hbm>>
    tpu.enqueue_indirect_dma source(%dma_start3A_10 : memref<10112x128xf32, #tpu.memory_space<hbm>>) target(%arg9 : memref<32x128xf32, #tpu.memory_space<vmem>>) offsets(%dma_start3A_7 : memref<32xi32, #tpu.memory_space<vmem>>) semaphore(%arg14 : memref<!tpu.dma_semaphore, #tpu.memory_space<semaphore_mem>>)
    %dma_start3A_11 = arith.constant 1 : i32
    %dma_start3A_12 = arith.constant 0 : i32
    %dma_start3A_13 = tpu.memref_slice %arg7[%dma_start3A_11, %dma_start3A_12] : memref<410x32xi32, #tpu.memory_space<vmem>> -> memref<1x32xi32, #tpu.memory_space<vmem>>
    %dma_start3A_14 = tpu.memref_squeeze %dma_start3A_13 : memref<1x32xi32, #tpu.memory_space<vmem>> -> memref<32xi32, #tpu.memory_space<vmem>>
    %dma_start3A_15 = arith.constant 0 : i32
    %dma_start3A_16 = arith.constant 0 : i32
    %dma_start3A_17 = tpu.memref_slice %arg2[%dma_start3A_15, %dma_start3A_16] : memref<10112x128xf32, #tpu.memory_space<hbm>> -> memref<10112x128xf32, #tpu.memory_space<hbm>>
    tpu.enqueue_indirect_dma source(%dma_start3A_17 : memref<10112x128xf32, #tpu.memory_space<hbm>>) target(%arg10 : memref<32x128xf32, #tpu.memory_space<vmem>>) offsets(%dma_start3A_14 : memref<32xi32, #tpu.memory_space<vmem>>) semaphore(%arg15 : memref<!tpu.dma_semaphore, #tpu.memory_space<semaphore_mem>>)
    %dma_start3A_18 = arith.constant 2 : i32
    %dma_start3A_19 = arith.constant 0 : i32
    %dma_start3A_20 = tpu.memref_slice %arg7[%dma_start3A_18, %dma_start3A_19] : memref<410x32xi32, #tpu.memory_space<vmem>> -> memref<1x32xi32, #tpu.memory_space<vmem>>
    %dma_start3A_21 = tpu.memref_squeeze %dma_start3A_20 : memref<1x32xi32, #tpu.memory_space<vmem>> -> memref<32xi32, #tpu.memory_space<vmem>>
    %dma_start3A_22 = arith.constant 0 : i32
    %dma_start3A_23 = arith.constant 0 : i32
    %dma_start3A_24 = tpu.memref_slice %arg2[%dma_start3A_22, %dma_start3A_23] : memref<10112x128xf32, #tpu.memory_space<hbm>> -> memref<10112x128xf32, #tpu.memory_space<hbm>>
    tpu.enqueue_indirect_dma source(%dma_start3A_24 : memref<10112x128xf32, #tpu.memory_space<hbm>>) target(%arg11 : memref<32x128xf32, #tpu.memory_space<vmem>>) offsets(%dma_start3A_21 : memref<32xi32, #tpu.memory_space<vmem>>) semaphore(%arg16 : memref<!tpu.dma_semaphore, #tpu.memory_space<semaphore_mem>>)
    %dma_start3A_25 = arith.constant 3 : i32
    %dma_start3A_26 = arith.constant 0 : i32
    %dma_start3A_27 = tpu.memref_slice %arg7[%dma_start3A_25, %dma_start3A_26] : memref<410x32xi32, #tpu.memory_space<vmem>> -> memref<1x32xi32, #tpu.memory_space<vmem>>
    %dma_start3A_28 = tpu.memref_squeeze %dma_start3A_27 : memref<1x32xi32, #tpu.memory_space<vmem>> -> memref<32xi32, #tpu.memory_space<vmem>>
    %dma_start3A_29 = arith.constant 0 : i32
    %dma_start3A_30 = arith.constant 0 : i32
    %dma_start3A_31 = tpu.memref_slice %arg2[%dma_start3A_29, %dma_start3A_30] : memref<10112x128xf32, #tpu.memory_space<hbm>> -> memref<10112x128xf32, #tpu.memory_space<hbm>>
    tpu.enqueue_indirect_dma source(%dma_start3A_31 : memref<10112x128xf32, #tpu.memory_space<hbm>>) target(%arg12 : memref<32x128xf32, #tpu.memory_space<vmem>>) offsets(%dma_start3A_28 : memref<32xi32, #tpu.memory_space<vmem>>) semaphore(%arg17 : memref<!tpu.dma_semaphore, #tpu.memory_space<semaphore_mem>>)
    %jit3A_32 = arith.constant 5 : i32
    %div3A = arith.divsi %select_n3A, %jit3A_32 : i32
    %sign3A = arith.constant 0 : i32
    %sign3A_33 = arith.cmpi sgt, %select_n3A, %sign3A : i32
    %sign3A_34 = arith.extui %sign3A_33 : i1 to i32
    %sign3A_35 = arith.constant 0 : i32
    %sign3A_36 = arith.cmpi slt, %select_n3A, %sign3A_35 : i32
    %sign3A_37 = arith.extui %sign3A_36 : i1 to i32
    %sign3A_38 = arith.subi %sign3A_34, %sign3A_37 : i32
    %sign3A_39 = arith.constant 0 : i32
    %sign3A_40 = arith.cmpi sgt, %jit3A_32, %sign3A_39 : i32
    %sign3A_41 = arith.extui %sign3A_40 : i1 to i32
    %sign3A_42 = arith.constant 0 : i32
    %sign3A_43 = arith.cmpi slt, %jit3A_32, %sign3A_42 : i32
    %sign3A_44 = arith.extui %sign3A_43 : i1 to i32
    %sign3A_45 = arith.subi %sign3A_41, %sign3A_44 : i32
    %ne3A = arith.cmpi ne, %sign3A_38, %sign3A_45 : i32
    %rem3A = arith.remsi %select_n3A, %jit3A_32 : i32
    %ne3A_46 = arith.constant 0 : i32
    %ne3A_47 = arith.cmpi ne, %rem3A, %ne3A_46 : i32
    %and3A = arith.andi %ne3A, %ne3A_47 : i1
    %sub3A = arith.constant 1 : i32
    %sub3A_48 = arith.subi %div3A, %sub3A : i32
    %select_n3A_49 = arith.select %and3A, %sub3A_48, %div3A : i32
    %while3A = arith.constant 0 : i32
    %while3A_50 = arith.constant 0 : i32
    %while3A_51 = arith.subi %select_n3A_49, %while3A_50 : i32
    %while3A_52 = arith.addi %while3A_50, %while3A_51 : i32
    %while3A_53 = arith.constant 1 : i32
    %while3A_54 = arith.divsi %while3A_51, %while3A_53 : i32
    %while3A_55 = arith.muli %while3A_54, %while3A_53 : i32
    %while3A_56 = arith.addi %while3A_50, %while3A_55 : i32
    %while3A_57 = arith.constant 1 : i32
    scf.for %while3A_91 = %while3A_50 to %while3A_56 step %while3A_57  : i32 {
      %mul3A_92 = arith.constant 5 : i32
      %mul3A_93 = arith.muli %while3A_91, %mul3A_92 : i32
      %add3A_94 = arith.constant 0 : i32
      %add3A_95 = arith.addi %mul3A_93, %add3A_94 : i32
      %dma_wait3A_96 = arith.constant 0 : i32
      %dma_wait3A_97 = tpu.memref_slice %arg7[%add3A_95, %dma_wait3A_96] : memref<410x32xi32, #tpu.memory_space<vmem>> -> memref<1x32xi32, #tpu.memory_space<vmem>>
      %dma_wait3A_98 = tpu.memref_squeeze %dma_wait3A_97 : memref<1x32xi32, #tpu.memory_space<vmem>> -> memref<32xi32, #tpu.memory_space<vmem>>
      %dma_wait3A_99 = arith.constant 0 : i32
      %dma_wait3A_100 = arith.constant 0 : i32
      %dma_wait3A_101 = tpu.memref_slice %arg2[%dma_wait3A_99, %dma_wait3A_100] : memref<10112x128xf32, #tpu.memory_space<hbm>> -> memref<10112x128xf32, #tpu.memory_space<hbm>>
      tpu.wait_indirect_dma semaphore(%arg14 : memref<!tpu.dma_semaphore, #tpu.memory_space<semaphore_mem>>) src(%dma_wait3A_101 : memref<10112x128xf32, #tpu.memory_space<hbm>>) dst(%arg9 : memref<32x128xf32, #tpu.memory_space<vmem>>)
      %add3A_102 = arith.constant 5 : i32
      %add3A_103 = arith.addi %add3A_95, %add3A_102 : i32
      %sub3A_104 = arith.constant 1 : i32
      %sub3A_105 = arith.subi %add3A_103, %sub3A_104 : i32
      %sub3A_106 = arith.constant 1 : i32
      %sub3A_107 = arith.subi %select_n3A, %sub3A_106 : i32
      %min3A = arith.minsi %sub3A_105, %sub3A_107 : i32
      %dma_start3A_108 = arith.constant 0 : i32
      %dma_start3A_109 = tpu.memref_slice %arg7[%min3A, %dma_start3A_108] : memref<410x32xi32, #tpu.memory_space<vmem>> -> memref<1x32xi32, #tpu.memory_space<vmem>>
      %dma_start3A_110 = tpu.memref_squeeze %dma_start3A_109 : memref<1x32xi32, #tpu.memory_space<vmem>> -> memref<32xi32, #tpu.memory_space<vmem>>
      %dma_start3A_111 = arith.constant 0 : i32
      %dma_start3A_112 = arith.constant 0 : i32
      %dma_start3A_113 = tpu.memref_slice %arg2[%dma_start3A_111, %dma_start3A_112] : memref<10112x128xf32, #tpu.memory_space<hbm>> -> memref<10112x128xf32, #tpu.memory_space<hbm>>
      tpu.enqueue_indirect_dma source(%dma_start3A_113 : memref<10112x128xf32, #tpu.memory_space<hbm>>) target(%arg13 : memref<32x128xf32, #tpu.memory_space<vmem>>) offsets(%dma_start3A_110 : memref<32xi32, #tpu.memory_space<vmem>>) semaphore(%arg18 : memref<!tpu.dma_semaphore, #tpu.memory_space<semaphore_mem>>)
      "tpu.region"() ({
        %run_scoped3A = tpu.sem_alloc : memref<!tpu.dma_semaphore, #tpu.memory_space<semaphore_mem>>
        %dma_start3A_206 = arith.constant 0 : i32
        %dma_start3A_207 = tpu.memref_slice %arg8[%add3A_95, %dma_start3A_206] : memref<410x32xi32, #tpu.memory_space<vmem>> -> memref<1x32xi32, #tpu.memory_space<vmem>>
        %dma_start3A_208 = tpu.memref_squeeze %dma_start3A_207 : memref<1x32xi32, #tpu.memory_space<vmem>> -> memref<32xi32, #tpu.memory_space<vmem>>
        %dma_start3A_209 = arith.constant 0 : i32
        %dma_start3A_210 = arith.constant 0 : i32
        %dma_start3A_211 = tpu.memref_slice %arg19[%dma_start3A_209, %dma_start3A_210] : memref<10112x128xf32, #tpu.memory_space<vmem_shared>> -> memref<10112x128xf32, #tpu.memory_space<vmem_shared>>
        tpu.enqueue_indirect_dma source(%arg9 : memref<32x128xf32, #tpu.memory_space<vmem>>) target(%dma_start3A_211 : memref<10112x128xf32, #tpu.memory_space<vmem_shared>>) offsets(%dma_start3A_208 : memref<32xi32, #tpu.memory_space<vmem>>) semaphore(%run_scoped3A : memref<!tpu.dma_semaphore, #tpu.memory_space<semaphore_mem>>) {add = true}
        %dma_wait3A_212 = arith.constant 0 : i32
        %dma_wait3A_213 = tpu.memref_slice %arg8[%add3A_95, %dma_wait3A_212] : memref<410x32xi32, #tpu.memory_space<vmem>> -> memref<1x32xi32, #tpu.memory_space<vmem>>
        %dma_wait3A_214 = tpu.memref_squeeze %dma_wait3A_213 : memref<1x32xi32, #tpu.memory_space<vmem>> -> memref<32xi32, #tpu.memory_space<vmem>>
        %dma_wait3A_215 = arith.constant 0 : i32
        %dma_wait3A_216 = arith.constant 0 : i32
        %dma_wait3A_217 = tpu.memref_slice %arg19[%dma_wait3A_215, %dma_wait3A_216] : memref<10112x128xf32, #tpu.memory_space<vmem_shared>> -> memref<10112x128xf32, #tpu.memory_space<vmem_shared>>
        tpu.wait_indirect_dma semaphore(%run_scoped3A : memref<!tpu.dma_semaphore, #tpu.memory_space<semaphore_mem>>) src(%arg9 : memref<32x128xf32, #tpu.memory_space<vmem>>) dst(%dma_wait3A_217 : memref<10112x128xf32, #tpu.memory_space<vmem_shared>>)
        tpu.yield
      }) : () -> ()
      %mul3A_114 = arith.constant 5 : i32
      %mul3A_115 = arith.muli %while3A_91, %mul3A_114 : i32
      %add3A_116 = arith.constant 1 : i32
      %add3A_117 = arith.addi %mul3A_115, %add3A_116 : i32
      %dma_wait3A_118 = arith.constant 0 : i32
      %dma_wait3A_119 = tpu.memref_slice %arg7[%add3A_117, %dma_wait3A_118] : memref<410x32xi32, #tpu.memory_space<vmem>> -> memref<1x32xi32, #tpu.memory_space<vmem>>
      %dma_wait3A_120 = tpu.memref_squeeze %dma_wait3A_119 : memref<1x32xi32, #tpu.memory_space<vmem>> -> memref<32xi32, #tpu.memory_space<vmem>>
      %dma_wait3A_121 = arith.constant 0 : i32
      %dma_wait3A_122 = arith.constant 0 : i32
      %dma_wait3A_123 = tpu.memref_slice %arg2[%dma_wait3A_121, %dma_wait3A_122] : memref<10112x128xf32, #tpu.memory_space<hbm>> -> memref<10112x128xf32, #tpu.memory_space<hbm>>
      tpu.wait_indirect_dma semaphore(%arg15 : memref<!tpu.dma_semaphore, #tpu.memory_space<semaphore_mem>>) src(%dma_wait3A_123 : memref<10112x128xf32, #tpu.memory_space<hbm>>) dst(%arg10 : memref<32x128xf32, #tpu.memory_space<vmem>>)
      %add3A_124 = arith.constant 5 : i32
      %add3A_125 = arith.addi %add3A_117, %add3A_124 : i32
      %sub3A_126 = arith.constant 1 : i32
      %sub3A_127 = arith.subi %add3A_125, %sub3A_126 : i32
      %sub3A_128 = arith.constant 1 : i32
      %sub3A_129 = arith.subi %select_n3A, %sub3A_128 : i32
      %min3A_130 = arith.minsi %sub3A_127, %sub3A_129 : i32
      %dma_start3A_131 = arith.constant 0 : i32
      %dma_start3A_132 = tpu.memref_slice %arg7[%min3A_130, %dma_start3A_131] : memref<410x32xi32, #tpu.memory_space<vmem>> -> memref<1x32xi32, #tpu.memory_space<vmem>>
      %dma_start3A_133 = tpu.memref_squeeze %dma_start3A_132 : memref<1x32xi32, #tpu.memory_space<vmem>> -> memref<32xi32, #tpu.memory_space<vmem>>
      %dma_start3A_134 = arith.constant 0 : i32
      %dma_start3A_135 = arith.constant 0 : i32
      %dma_start3A_136 = tpu.memref_slice %arg2[%dma_start3A_134, %dma_start3A_135] : memref<10112x128xf32, #tpu.memory_space<hbm>> -> memref<10112x128xf32, #tpu.memory_space<hbm>>
      tpu.enqueue_indirect_dma source(%dma_start3A_136 : memref<10112x128xf32, #tpu.memory_space<hbm>>) target(%arg9 : memref<32x128xf32, #tpu.memory_space<vmem>>) offsets(%dma_start3A_133 : memref<32xi32, #tpu.memory_space<vmem>>) semaphore(%arg14 : memref<!tpu.dma_semaphore, #tpu.memory_space<semaphore_mem>>)
      "tpu.region"() ({
        %run_scoped3A = tpu.sem_alloc : memref<!tpu.dma_semaphore, #tpu.memory_space<semaphore_mem>>
        %dma_start3A_206 = arith.constant 0 : i32
        %dma_start3A_207 = tpu.memref_slice %arg8[%add3A_117, %dma_start3A_206] : memref<410x32xi32, #tpu.memory_space<vmem>> -> memref<1x32xi32, #tpu.memory_space<vmem>>
        %dma_start3A_208 = tpu.memref_squeeze %dma_start3A_207 : memref<1x32xi32, #tpu.memory_space<vmem>> -> memref<32xi32, #tpu.memory_space<vmem>>
        %dma_start3A_209 = arith.constant 0 : i32
        %dma_start3A_210 = arith.constant 0 : i32
        %dma_start3A_211 = tpu.memref_slice %arg19[%dma_start3A_209, %dma_start3A_210] : memref<10112x128xf32, #tpu.memory_space<vmem_shared>> -> memref<10112x128xf32, #tpu.memory_space<vmem_shared>>
        tpu.enqueue_indirect_dma source(%arg10 : memref<32x128xf32, #tpu.memory_space<vmem>>) target(%dma_start3A_211 : memref<10112x128xf32, #tpu.memory_space<vmem_shared>>) offsets(%dma_start3A_208 : memref<32xi32, #tpu.memory_space<vmem>>) semaphore(%run_scoped3A : memref<!tpu.dma_semaphore, #tpu.memory_space<semaphore_mem>>) {add = true}
        %dma_wait3A_212 = arith.constant 0 : i32
        %dma_wait3A_213 = tpu.memref_slice %arg8[%add3A_117, %dma_wait3A_212] : memref<410x32xi32, #tpu.memory_space<vmem>> -> memref<1x32xi32, #tpu.memory_space<vmem>>
        %dma_wait3A_214 = tpu.memref_squeeze %dma_wait3A_213 : memref<1x32xi32, #tpu.memory_space<vmem>> -> memref<32xi32, #tpu.memory_space<vmem>>
        %dma_wait3A_215 = arith.constant 0 : i32
        %dma_wait3A_216 = arith.constant 0 : i32
        %dma_wait3A_217 = tpu.memref_slice %arg19[%dma_wait3A_215, %dma_wait3A_216] : memref<10112x128xf32, #tpu.memory_space<vmem_shared>> -> memref<10112x128xf32, #tpu.memory_space<vmem_shared>>
        tpu.wait_indirect_dma semaphore(%run_scoped3A : memref<!tpu.dma_semaphore, #tpu.memory_space<semaphore_mem>>) src(%arg10 : memref<32x128xf32, #tpu.memory_space<vmem>>) dst(%dma_wait3A_217 : memref<10112x128xf32, #tpu.memory_space<vmem_shared>>)
        tpu.yield
      }) : () -> ()
      %mul3A_137 = arith.constant 5 : i32
      %mul3A_138 = arith.muli %while3A_91, %mul3A_137 : i32
      %add3A_139 = arith.constant 2 : i32
      %add3A_140 = arith.addi %mul3A_138, %add3A_139 : i32
      %dma_wait3A_141 = arith.constant 0 : i32
      %dma_wait3A_142 = tpu.memref_slice %arg7[%add3A_140, %dma_wait3A_141] : memref<410x32xi32, #tpu.memory_space<vmem>> -> memref<1x32xi32, #tpu.memory_space<vmem>>
      %dma_wait3A_143 = tpu.memref_squeeze %dma_wait3A_142 : memref<1x32xi32, #tpu.memory_space<vmem>> -> memref<32xi32, #tpu.memory_space<vmem>>
      %dma_wait3A_144 = arith.constant 0 : i32
      %dma_wait3A_145 = arith.constant 0 : i32
      %dma_wait3A_146 = tpu.memref_slice %arg2[%dma_wait3A_144, %dma_wait3A_145] : memref<10112x128xf32, #tpu.memory_space<hbm>> -> memref<10112x128xf32, #tpu.memory_space<hbm>>
      tpu.wait_indirect_dma semaphore(%arg16 : memref<!tpu.dma_semaphore, #tpu.memory_space<semaphore_mem>>) src(%dma_wait3A_146 : memref<10112x128xf32, #tpu.memory_space<hbm>>) dst(%arg11 : memref<32x128xf32, #tpu.memory_space<vmem>>)
      %add3A_147 = arith.constant 5 : i32
      %add3A_148 = arith.addi %add3A_140, %add3A_147 : i32
      %sub3A_149 = arith.constant 1 : i32
      %sub3A_150 = arith.subi %add3A_148, %sub3A_149 : i32
      %sub3A_151 = arith.constant 1 : i32
      %sub3A_152 = arith.subi %select_n3A, %sub3A_151 : i32
      %min3A_153 = arith.minsi %sub3A_150, %sub3A_152 : i32
      %dma_start3A_154 = arith.constant 0 : i32
      %dma_start3A_155 = tpu.memref_slice %arg7[%min3A_153, %dma_start3A_154] : memref<410x32xi32, #tpu.memory_space<vmem>> -> memref<1x32xi32, #tpu.memory_space<vmem>>
      %dma_start3A_156 = tpu.memref_squeeze %dma_start3A_155 : memref<1x32xi32, #tpu.memory_space<vmem>> -> memref<32xi32, #tpu.memory_space<vmem>>
      %dma_start3A_157 = arith.constant 0 : i32
      %dma_start3A_158 = arith.constant 0 : i32
      %dma_start3A_159 = tpu.memref_slice %arg2[%dma_start3A_157, %dma_start3A_158] : memref<10112x128xf32, #tpu.memory_space<hbm>> -> memref<10112x128xf32, #tpu.memory_space<hbm>>
      tpu.enqueue_indirect_dma source(%dma_start3A_159 : memref<10112x128xf32, #tpu.memory_space<hbm>>) target(%arg10 : memref<32x128xf32, #tpu.memory_space<vmem>>) offsets(%dma_start3A_156 : memref<32xi32, #tpu.memory_space<vmem>>) semaphore(%arg15 : memref<!tpu.dma_semaphore, #tpu.memory_space<semaphore_mem>>)
      "tpu.region"() ({
        %run_scoped3A = tpu.sem_alloc : memref<!tpu.dma_semaphore, #tpu.memory_space<semaphore_mem>>
        %dma_start3A_206 = arith.constant 0 : i32
        %dma_start3A_207 = tpu.memref_slice %arg8[%add3A_140, %dma_start3A_206] : memref<410x32xi32, #tpu.memory_space<vmem>> -> memref<1x32xi32, #tpu.memory_space<vmem>>
        %dma_start3A_208 = tpu.memref_squeeze %dma_start3A_207 : memref<1x32xi32, #tpu.memory_space<vmem>> -> memref<32xi32, #tpu.memory_space<vmem>>
        %dma_start3A_209 = arith.constant 0 : i32
        %dma_start3A_210 = arith.constant 0 : i32
        %dma_start3A_211 = tpu.memref_slice %arg19[%dma_start3A_209, %dma_start3A_210] : memref<10112x128xf32, #tpu.memory_space<vmem_shared>> -> memref<10112x128xf32, #tpu.memory_space<vmem_shared>>
        tpu.enqueue_indirect_dma source(%arg11 : memref<32x128xf32, #tpu.memory_space<vmem>>) target(%dma_start3A_211 : memref<10112x128xf32, #tpu.memory_space<vmem_shared>>) offsets(%dma_start3A_208 : memref<32xi32, #tpu.memory_space<vmem>>) semaphore(%run_scoped3A : memref<!tpu.dma_semaphore, #tpu.memory_space<semaphore_mem>>) {add = true}
        %dma_wait3A_212 = arith.constant 0 : i32
        %dma_wait3A_213 = tpu.memref_slice %arg8[%add3A_140, %dma_wait3A_212] : memref<410x32xi32, #tpu.memory_space<vmem>> -> memref<1x32xi32, #tpu.memory_space<vmem>>
        %dma_wait3A_214 = tpu.memref_squeeze %dma_wait3A_213 : memref<1x32xi32, #tpu.memory_space<vmem>> -> memref<32xi32, #tpu.memory_space<vmem>>
        %dma_wait3A_215 = arith.constant 0 : i32
        %dma_wait3A_216 = arith.constant 0 : i32
        %dma_wait3A_217 = tpu.memref_slice %arg19[%dma_wait3A_215, %dma_wait3A_216] : memref<10112x128xf32, #tpu.memory_space<vmem_shared>> -> memref<10112x128xf32, #tpu.memory_space<vmem_shared>>
        tpu.wait_indirect_dma semaphore(%run_scoped3A : memref<!tpu.dma_semaphore, #tpu.memory_space<semaphore_mem>>) src(%arg11 : memref<32x128xf32, #tpu.memory_space<vmem>>) dst(%dma_wait3A_217 : memref<10112x128xf32, #tpu.memory_space<vmem_shared>>)
        tpu.yield
      }) : () -> ()
      %mul3A_160 = arith.constant 5 : i32
      %mul3A_161 = arith.muli %while3A_91, %mul3A_160 : i32
      %add3A_162 = arith.constant 3 : i32
      %add3A_163 = arith.addi %mul3A_161, %add3A_162 : i32
      %dma_wait3A_164 = arith.constant 0 : i32
      %dma_wait3A_165 = tpu.memref_slice %arg7[%add3A_163, %dma_wait3A_164] : memref<410x32xi32, #tpu.memory_space<vmem>> -> memref<1x32xi32, #tpu.memory_space<vmem>>
      %dma_wait3A_166 = tpu.memref_squeeze %dma_wait3A_165 : memref<1x32xi32, #tpu.memory_space<vmem>> -> memref<32xi32, #tpu.memory_space<vmem>>
      %dma_wait3A_167 = arith.constant 0 : i32
      %dma_wait3A_168 = arith.constant 0 : i32
      %dma_wait3A_169 = tpu.memref_slice %arg2[%dma_wait3A_167, %dma_wait3A_168] : memref<10112x128xf32, #tpu.memory_space<hbm>> -> memref<10112x128xf32, #tpu.memory_space<hbm>>
      tpu.wait_indirect_dma semaphore(%arg17 : memref<!tpu.dma_semaphore, #tpu.memory_space<semaphore_mem>>) src(%dma_wait3A_169 : memref<10112x128xf32, #tpu.memory_space<hbm>>) dst(%arg12 : memref<32x128xf32, #tpu.memory_space<vmem>>)
      %add3A_170 = arith.constant 5 : i32
      %add3A_171 = arith.addi %add3A_163, %add3A_170 : i32
      %sub3A_172 = arith.constant 1 : i32
      %sub3A_173 = arith.subi %add3A_171, %sub3A_172 : i32
      %sub3A_174 = arith.constant 1 : i32
      %sub3A_175 = arith.subi %select_n3A, %sub3A_174 : i32
      %min3A_176 = arith.minsi %sub3A_173, %sub3A_175 : i32
      %dma_start3A_177 = arith.constant 0 : i32
      %dma_start3A_178 = tpu.memref_slice %arg7[%min3A_176, %dma_start3A_177] : memref<410x32xi32, #tpu.memory_space<vmem>> -> memref<1x32xi32, #tpu.memory_space<vmem>>
      %dma_start3A_179 = tpu.memref_squeeze %dma_start3A_178 : memref<1x32xi32, #tpu.memory_space<vmem>> -> memref<32xi32, #tpu.memory_space<vmem>>
      %dma_start3A_180 = arith.constant 0 : i32
      %dma_start3A_181 = arith.constant 0 : i32
      %dma_start3A_182 = tpu.memref_slice %arg2[%dma_start3A_180, %dma_start3A_181] : memref<10112x128xf32, #tpu.memory_space<hbm>> -> memref<10112x128xf32, #tpu.memory_space<hbm>>
      tpu.enqueue_indirect_dma source(%dma_start3A_182 : memref<10112x128xf32, #tpu.memory_space<hbm>>) target(%arg11 : memref<32x128xf32, #tpu.memory_space<vmem>>) offsets(%dma_start3A_179 : memref<32xi32, #tpu.memory_space<vmem>>) semaphore(%arg16 : memref<!tpu.dma_semaphore, #tpu.memory_space<semaphore_mem>>)
      "tpu.region"() ({
        %run_scoped3A = tpu.sem_alloc : memref<!tpu.dma_semaphore, #tpu.memory_space<semaphore_mem>>
        %dma_start3A_206 = arith.constant 0 : i32
        %dma_start3A_207 = tpu.memref_slice %arg8[%add3A_163, %dma_start3A_206] : memref<410x32xi32, #tpu.memory_space<vmem>> -> memref<1x32xi32, #tpu.memory_space<vmem>>
        %dma_start3A_208 = tpu.memref_squeeze %dma_start3A_207 : memref<1x32xi32, #tpu.memory_space<vmem>> -> memref<32xi32, #tpu.memory_space<vmem>>
        %dma_start3A_209 = arith.constant 0 : i32
        %dma_start3A_210 = arith.constant 0 : i32
        %dma_start3A_211 = tpu.memref_slice %arg19[%dma_start3A_209, %dma_start3A_210] : memref<10112x128xf32, #tpu.memory_space<vmem_shared>> -> memref<10112x128xf32, #tpu.memory_space<vmem_shared>>
        tpu.enqueue_indirect_dma source(%arg12 : memref<32x128xf32, #tpu.memory_space<vmem>>) target(%dma_start3A_211 : memref<10112x128xf32, #tpu.memory_space<vmem_shared>>) offsets(%dma_start3A_208 : memref<32xi32, #tpu.memory_space<vmem>>) semaphore(%run_scoped3A : memref<!tpu.dma_semaphore, #tpu.memory_space<semaphore_mem>>) {add = true}
        %dma_wait3A_212 = arith.constant 0 : i32
        %dma_wait3A_213 = tpu.memref_slice %arg8[%add3A_163, %dma_wait3A_212] : memref<410x32xi32, #tpu.memory_space<vmem>> -> memref<1x32xi32, #tpu.memory_space<vmem>>
        %dma_wait3A_214 = tpu.memref_squeeze %dma_wait3A_213 : memref<1x32xi32, #tpu.memory_space<vmem>> -> memref<32xi32, #tpu.memory_space<vmem>>
        %dma_wait3A_215 = arith.constant 0 : i32
        %dma_wait3A_216 = arith.constant 0 : i32
        %dma_wait3A_217 = tpu.memref_slice %arg19[%dma_wait3A_215, %dma_wait3A_216] : memref<10112x128xf32, #tpu.memory_space<vmem_shared>> -> memref<10112x128xf32, #tpu.memory_space<vmem_shared>>
        tpu.wait_indirect_dma semaphore(%run_scoped3A : memref<!tpu.dma_semaphore, #tpu.memory_space<semaphore_mem>>) src(%arg12 : memref<32x128xf32, #tpu.memory_space<vmem>>) dst(%dma_wait3A_217 : memref<10112x128xf32, #tpu.memory_space<vmem_shared>>)
        tpu.yield
      }) : () -> ()
      %mul3A_183 = arith.constant 5 : i32
      %mul3A_184 = arith.muli %while3A_91, %mul3A_183 : i32
      %add3A_185 = arith.constant 4 : i32
      %add3A_186 = arith.addi %mul3A_184, %add3A_185 : i32
      %dma_wait3A_187 = arith.constant 0 : i32
      %dma_wait3A_188 = tpu.memref_slice %arg7[%add3A_186, %dma_wait3A_187] : memref<410x32xi32, #tpu.memory_space<vmem>> -> memref<1x32xi32, #tpu.memory_space<vmem>>
      %dma_wait3A_189 = tpu.memref_squeeze %dma_wait3A_188 : memref<1x32xi32, #tpu.memory_space<vmem>> -> memref<32xi32, #tpu.memory_space<vmem>>
      %dma_wait3A_190 = arith.constant 0 : i32
      %dma_wait3A_191 = arith.constant 0 : i32
      %dma_wait3A_192 = tpu.memref_slice %arg2[%dma_wait3A_190, %dma_wait3A_191] : memref<10112x128xf32, #tpu.memory_space<hbm>> -> memref<10112x128xf32, #tpu.memory_space<hbm>>
      tpu.wait_indirect_dma semaphore(%arg18 : memref<!tpu.dma_semaphore, #tpu.memory_space<semaphore_mem>>) src(%dma_wait3A_192 : memref<10112x128xf32, #tpu.memory_space<hbm>>) dst(%arg13 : memref<32x128xf32, #tpu.memory_space<vmem>>)
      %add3A_193 = arith.constant 5 : i32
      %add3A_194 = arith.addi %add3A_186, %add3A_193 : i32
      %sub3A_195 = arith.constant 1 : i32
      %sub3A_196 = arith.subi %add3A_194, %sub3A_195 : i32
      %sub3A_197 = arith.constant 1 : i32
      %sub3A_198 = arith.subi %select_n3A, %sub3A_197 : i32
      %min3A_199 = arith.minsi %sub3A_196, %sub3A_198 : i32
      %dma_start3A_200 = arith.constant 0 : i32
      %dma_start3A_201 = tpu.memref_slice %arg7[%min3A_199, %dma_start3A_200] : memref<410x32xi32, #tpu.memory_space<vmem>> -> memref<1x32xi32, #tpu.memory_space<vmem>>
      %dma_start3A_202 = tpu.memref_squeeze %dma_start3A_201 : memref<1x32xi32, #tpu.memory_space<vmem>> -> memref<32xi32, #tpu.memory_space<vmem>>
      %dma_start3A_203 = arith.constant 0 : i32
      %dma_start3A_204 = arith.constant 0 : i32
      %dma_start3A_205 = tpu.memref_slice %arg2[%dma_start3A_203, %dma_start3A_204] : memref<10112x128xf32, #tpu.memory_space<hbm>> -> memref<10112x128xf32, #tpu.memory_space<hbm>>
      tpu.enqueue_indirect_dma source(%dma_start3A_205 : memref<10112x128xf32, #tpu.memory_space<hbm>>) target(%arg12 : memref<32x128xf32, #tpu.memory_space<vmem>>) offsets(%dma_start3A_202 : memref<32xi32, #tpu.memory_space<vmem>>) semaphore(%arg17 : memref<!tpu.dma_semaphore, #tpu.memory_space<semaphore_mem>>)
      "tpu.region"() ({
        %run_scoped3A = tpu.sem_alloc : memref<!tpu.dma_semaphore, #tpu.memory_space<semaphore_mem>>
        %dma_start3A_206 = arith.constant 0 : i32
        %dma_start3A_207 = tpu.memref_slice %arg8[%add3A_186, %dma_start3A_206] : memref<410x32xi32, #tpu.memory_space<vmem>> -> memref<1x32xi32, #tpu.memory_space<vmem>>
        %dma_start3A_208 = tpu.memref_squeeze %dma_start3A_207 : memref<1x32xi32, #tpu.memory_space<vmem>> -> memref<32xi32, #tpu.memory_space<vmem>>
        %dma_start3A_209 = arith.constant 0 : i32
        %dma_start3A_210 = arith.constant 0 : i32
        %dma_start3A_211 = tpu.memref_slice %arg19[%dma_start3A_209, %dma_start3A_210] : memref<10112x128xf32, #tpu.memory_space<vmem_shared>> -> memref<10112x128xf32, #tpu.memory_space<vmem_shared>>
        tpu.enqueue_indirect_dma source(%arg13 : memref<32x128xf32, #tpu.memory_space<vmem>>) target(%dma_start3A_211 : memref<10112x128xf32, #tpu.memory_space<vmem_shared>>) offsets(%dma_start3A_208 : memref<32xi32, #tpu.memory_space<vmem>>) semaphore(%run_scoped3A : memref<!tpu.dma_semaphore, #tpu.memory_space<semaphore_mem>>) {add = true}
        %dma_wait3A_212 = arith.constant 0 : i32
        %dma_wait3A_213 = tpu.memref_slice %arg8[%add3A_186, %dma_wait3A_212] : memref<410x32xi32, #tpu.memory_space<vmem>> -> memref<1x32xi32, #tpu.memory_space<vmem>>
        %dma_wait3A_214 = tpu.memref_squeeze %dma_wait3A_213 : memref<1x32xi32, #tpu.memory_space<vmem>> -> memref<32xi32, #tpu.memory_space<vmem>>
        %dma_wait3A_215 = arith.constant 0 : i32
        %dma_wait3A_216 = arith.constant 0 : i32
        %dma_wait3A_217 = tpu.memref_slice %arg19[%dma_wait3A_215, %dma_wait3A_216] : memref<10112x128xf32, #tpu.memory_space<vmem_shared>> -> memref<10112x128xf32, #tpu.memory_space<vmem_shared>>
        tpu.wait_indirect_dma semaphore(%run_scoped3A : memref<!tpu.dma_semaphore, #tpu.memory_space<semaphore_mem>>) src(%arg13 : memref<32x128xf32, #tpu.memory_space<vmem>>) dst(%dma_wait3A_217 : memref<10112x128xf32, #tpu.memory_space<vmem_shared>>)
        tpu.yield
      }) : () -> ()
    }
    %while3A_58 = arith.constant 1 : i32
    scf.for %while3A_91 = %while3A_56 to %while3A_52 step %while3A_58  : i32 {
      %mul3A_92 = arith.constant 5 : i32
      %mul3A_93 = arith.muli %while3A_91, %mul3A_92 : i32
      %add3A_94 = arith.constant 0 : i32
      %add3A_95 = arith.addi %mul3A_93, %add3A_94 : i32
      %dma_wait3A_96 = arith.constant 0 : i32
      %dma_wait3A_97 = tpu.memref_slice %arg7[%add3A_95, %dma_wait3A_96] : memref<410x32xi32, #tpu.memory_space<vmem>> -> memref<1x32xi32, #tpu.memory_space<vmem>>
      %dma_wait3A_98 = tpu.memref_squeeze %dma_wait3A_97 : memref<1x32xi32, #tpu.memory_space<vmem>> -> memref<32xi32, #tpu.memory_space<vmem>>
      %dma_wait3A_99 = arith.constant 0 : i32
      %dma_wait3A_100 = arith.constant 0 : i32
      %dma_wait3A_101 = tpu.memref_slice %arg2[%dma_wait3A_99, %dma_wait3A_100] : memref<10112x128xf32, #tpu.memory_space<hbm>> -> memref<10112x128xf32, #tpu.memory_space<hbm>>
      tpu.wait_indirect_dma semaphore(%arg14 : memref<!tpu.dma_semaphore, #tpu.memory_space<semaphore_mem>>) src(%dma_wait3A_101 : memref<10112x128xf32, #tpu.memory_space<hbm>>) dst(%arg9 : memref<32x128xf32, #tpu.memory_space<vmem>>)
      %add3A_102 = arith.constant 5 : i32
      %add3A_103 = arith.addi %add3A_95, %add3A_102 : i32
      %sub3A_104 = arith.constant 1 : i32
      %sub3A_105 = arith.subi %add3A_103, %sub3A_104 : i32
      %sub3A_106 = arith.constant 1 : i32
      %sub3A_107 = arith.subi %select_n3A, %sub3A_106 : i32
      %min3A = arith.minsi %sub3A_105, %sub3A_107 : i32
      %dma_start3A_108 = arith.constant 0 : i32
      %dma_start3A_109 = tpu.memref_slice %arg7[%min3A, %dma_start3A_108] : memref<410x32xi32, #tpu.memory_space<vmem>> -> memref<1x32xi32, #tpu.memory_space<vmem>>
      %dma_start3A_110 = tpu.memref_squeeze %dma_start3A_109 : memref<1x32xi32, #tpu.memory_space<vmem>> -> memref<32xi32, #tpu.memory_space<vmem>>
      %dma_start3A_111 = arith.constant 0 : i32
      %dma_start3A_112 = arith.constant 0 : i32
      %dma_start3A_113 = tpu.memref_slice %arg2[%dma_start3A_111, %dma_start3A_112] : memref<10112x128xf32, #tpu.memory_space<hbm>> -> memref<10112x128xf32, #tpu.memory_space<hbm>>
      tpu.enqueue_indirect_dma source(%dma_start3A_113 : memref<10112x128xf32, #tpu.memory_space<hbm>>) target(%arg13 : memref<32x128xf32, #tpu.memory_space<vmem>>) offsets(%dma_start3A_110 : memref<32xi32, #tpu.memory_space<vmem>>) semaphore(%arg18 : memref<!tpu.dma_semaphore, #tpu.memory_space<semaphore_mem>>)
      "tpu.region"() ({
        %run_scoped3A = tpu.sem_alloc : memref<!tpu.dma_semaphore, #tpu.memory_space<semaphore_mem>>
        %dma_start3A_206 = arith.constant 0 : i32
        %dma_start3A_207 = tpu.memref_slice %arg8[%add3A_95, %dma_start3A_206] : memref<410x32xi32, #tpu.memory_space<vmem>> -> memref<1x32xi32, #tpu.memory_space<vmem>>
        %dma_start3A_208 = tpu.memref_squeeze %dma_start3A_207 : memref<1x32xi32, #tpu.memory_space<vmem>> -> memref<32xi32, #tpu.memory_space<vmem>>
        %dma_start3A_209 = arith.constant 0 : i32
        %dma_start3A_210 = arith.constant 0 : i32
        %dma_start3A_211 = tpu.memref_slice %arg19[%dma_start3A_209, %dma_start3A_210] : memref<10112x128xf32, #tpu.memory_space<vmem_shared>> -> memref<10112x128xf32, #tpu.memory_space<vmem_shared>>
        tpu.enqueue_indirect_dma source(%arg9 : memref<32x128xf32, #tpu.memory_space<vmem>>) target(%dma_start3A_211 : memref<10112x128xf32, #tpu.memory_space<vmem_shared>>) offsets(%dma_start3A_208 : memref<32xi32, #tpu.memory_space<vmem>>) semaphore(%run_scoped3A : memref<!tpu.dma_semaphore, #tpu.memory_space<semaphore_mem>>) {add = true}
        %dma_wait3A_212 = arith.constant 0 : i32
        %dma_wait3A_213 = tpu.memref_slice %arg8[%add3A_95, %dma_wait3A_212] : memref<410x32xi32, #tpu.memory_space<vmem>> -> memref<1x32xi32, #tpu.memory_space<vmem>>
        %dma_wait3A_214 = tpu.memref_squeeze %dma_wait3A_213 : memref<1x32xi32, #tpu.memory_space<vmem>> -> memref<32xi32, #tpu.memory_space<vmem>>
        %dma_wait3A_215 = arith.constant 0 : i32
        %dma_wait3A_216 = arith.constant 0 : i32
        %dma_wait3A_217 = tpu.memref_slice %arg19[%dma_wait3A_215, %dma_wait3A_216] : memref<10112x128xf32, #tpu.memory_space<vmem_shared>> -> memref<10112x128xf32, #tpu.memory_space<vmem_shared>>
        tpu.wait_indirect_dma semaphore(%run_scoped3A : memref<!tpu.dma_semaphore, #tpu.memory_space<semaphore_mem>>) src(%arg9 : memref<32x128xf32, #tpu.memory_space<vmem>>) dst(%dma_wait3A_217 : memref<10112x128xf32, #tpu.memory_space<vmem_shared>>)
        tpu.yield
      }) : () -> ()
      %mul3A_114 = arith.constant 5 : i32
      %mul3A_115 = arith.muli %while3A_91, %mul3A_114 : i32
      %add3A_116 = arith.constant 1 : i32
      %add3A_117 = arith.addi %mul3A_115, %add3A_116 : i32
      %dma_wait3A_118 = arith.constant 0 : i32
      %dma_wait3A_119 = tpu.memref_slice %arg7[%add3A_117, %dma_wait3A_118] : memref<410x32xi32, #tpu.memory_space<vmem>> -> memref<1x32xi32, #tpu.memory_space<vmem>>
      %dma_wait3A_120 = tpu.memref_squeeze %dma_wait3A_119 : memref<1x32xi32, #tpu.memory_space<vmem>> -> memref<32xi32, #tpu.memory_space<vmem>>
      %dma_wait3A_121 = arith.constant 0 : i32
      %dma_wait3A_122 = arith.constant 0 : i32
      %dma_wait3A_123 = tpu.memref_slice %arg2[%dma_wait3A_121, %dma_wait3A_122] : memref<10112x128xf32, #tpu.memory_space<hbm>> -> memref<10112x128xf32, #tpu.memory_space<hbm>>
      tpu.wait_indirect_dma semaphore(%arg15 : memref<!tpu.dma_semaphore, #tpu.memory_space<semaphore_mem>>) src(%dma_wait3A_123 : memref<10112x128xf32, #tpu.memory_space<hbm>>) dst(%arg10 : memref<32x128xf32, #tpu.memory_space<vmem>>)
      %add3A_124 = arith.constant 5 : i32
      %add3A_125 = arith.addi %add3A_117, %add3A_124 : i32
      %sub3A_126 = arith.constant 1 : i32
      %sub3A_127 = arith.subi %add3A_125, %sub3A_126 : i32
      %sub3A_128 = arith.constant 1 : i32
      %sub3A_129 = arith.subi %select_n3A, %sub3A_128 : i32
      %min3A_130 = arith.minsi %sub3A_127, %sub3A_129 : i32
      %dma_start3A_131 = arith.constant 0 : i32
      %dma_start3A_132 = tpu.memref_slice %arg7[%min3A_130, %dma_start3A_131] : memref<410x32xi32, #tpu.memory_space<vmem>> -> memref<1x32xi32, #tpu.memory_space<vmem>>
      %dma_start3A_133 = tpu.memref_squeeze %dma_start3A_132 : memref<1x32xi32, #tpu.memory_space<vmem>> -> memref<32xi32, #tpu.memory_space<vmem>>
      %dma_start3A_134 = arith.constant 0 : i32
      %dma_start3A_135 = arith.constant 0 : i32
      %dma_start3A_136 = tpu.memref_slice %arg2[%dma_start3A_134, %dma_start3A_135] : memref<10112x128xf32, #tpu.memory_space<hbm>> -> memref<10112x128xf32, #tpu.memory_space<hbm>>
      tpu.enqueue_indirect_dma source(%dma_start3A_136 : memref<10112x128xf32, #tpu.memory_space<hbm>>) target(%arg9 : memref<32x128xf32, #tpu.memory_space<vmem>>) offsets(%dma_start3A_133 : memref<32xi32, #tpu.memory_space<vmem>>) semaphore(%arg14 : memref<!tpu.dma_semaphore, #tpu.memory_space<semaphore_mem>>)
      "tpu.region"() ({
        %run_scoped3A = tpu.sem_alloc : memref<!tpu.dma_semaphore, #tpu.memory_space<semaphore_mem>>
        %dma_start3A_206 = arith.constant 0 : i32
        %dma_start3A_207 = tpu.memref_slice %arg8[%add3A_117, %dma_start3A_206] : memref<410x32xi32, #tpu.memory_space<vmem>> -> memref<1x32xi32, #tpu.memory_space<vmem>>
        %dma_start3A_208 = tpu.memref_squeeze %dma_start3A_207 : memref<1x32xi32, #tpu.memory_space<vmem>> -> memref<32xi32, #tpu.memory_space<vmem>>
        %dma_start3A_209 = arith.constant 0 : i32
        %dma_start3A_210 = arith.constant 0 : i32
        %dma_start3A_211 = tpu.memref_slice %arg19[%dma_start3A_209, %dma_start3A_210] : memref<10112x128xf32, #tpu.memory_space<vmem_shared>> -> memref<10112x128xf32, #tpu.memory_space<vmem_shared>>
        tpu.enqueue_indirect_dma source(%arg10 : memref<32x128xf32, #tpu.memory_space<vmem>>) target(%dma_start3A_211 : memref<10112x128xf32, #tpu.memory_space<vmem_shared>>) offsets(%dma_start3A_208 : memref<32xi32, #tpu.memory_space<vmem>>) semaphore(%run_scoped3A : memref<!tpu.dma_semaphore, #tpu.memory_space<semaphore_mem>>) {add = true}
        %dma_wait3A_212 = arith.constant 0 : i32
        %dma_wait3A_213 = tpu.memref_slice %arg8[%add3A_117, %dma_wait3A_212] : memref<410x32xi32, #tpu.memory_space<vmem>> -> memref<1x32xi32, #tpu.memory_space<vmem>>
        %dma_wait3A_214 = tpu.memref_squeeze %dma_wait3A_213 : memref<1x32xi32, #tpu.memory_space<vmem>> -> memref<32xi32, #tpu.memory_space<vmem>>
        %dma_wait3A_215 = arith.constant 0 : i32
        %dma_wait3A_216 = arith.constant 0 : i32
        %dma_wait3A_217 = tpu.memref_slice %arg19[%dma_wait3A_215, %dma_wait3A_216] : memref<10112x128xf32, #tpu.memory_space<vmem_shared>> -> memref<10112x128xf32, #tpu.memory_space<vmem_shared>>
        tpu.wait_indirect_dma semaphore(%run_scoped3A : memref<!tpu.dma_semaphore, #tpu.memory_space<semaphore_mem>>) src(%arg10 : memref<32x128xf32, #tpu.memory_space<vmem>>) dst(%dma_wait3A_217 : memref<10112x128xf32, #tpu.memory_space<vmem_shared>>)
        tpu.yield
      }) : () -> ()
      %mul3A_137 = arith.constant 5 : i32
      %mul3A_138 = arith.muli %while3A_91, %mul3A_137 : i32
      %add3A_139 = arith.constant 2 : i32
      %add3A_140 = arith.addi %mul3A_138, %add3A_139 : i32
      %dma_wait3A_141 = arith.constant 0 : i32
      %dma_wait3A_142 = tpu.memref_slice %arg7[%add3A_140, %dma_wait3A_141] : memref<410x32xi32, #tpu.memory_space<vmem>> -> memref<1x32xi32, #tpu.memory_space<vmem>>
      %dma_wait3A_143 = tpu.memref_squeeze %dma_wait3A_142 : memref<1x32xi32, #tpu.memory_space<vmem>> -> memref<32xi32, #tpu.memory_space<vmem>>
      %dma_wait3A_144 = arith.constant 0 : i32
      %dma_wait3A_145 = arith.constant 0 : i32
      %dma_wait3A_146 = tpu.memref_slice %arg2[%dma_wait3A_144, %dma_wait3A_145] : memref<10112x128xf32, #tpu.memory_space<hbm>> -> memref<10112x128xf32, #tpu.memory_space<hbm>>
      tpu.wait_indirect_dma semaphore(%arg16 : memref<!tpu.dma_semaphore, #tpu.memory_space<semaphore_mem>>) src(%dma_wait3A_146 : memref<10112x128xf32, #tpu.memory_space<hbm>>) dst(%arg11 : memref<32x128xf32, #tpu.memory_space<vmem>>)
      %add3A_147 = arith.constant 5 : i32
      %add3A_148 = arith.addi %add3A_140, %add3A_147 : i32
      %sub3A_149 = arith.constant 1 : i32
      %sub3A_150 = arith.subi %add3A_148, %sub3A_149 : i32
      %sub3A_151 = arith.constant 1 : i32
      %sub3A_152 = arith.subi %select_n3A, %sub3A_151 : i32
      %min3A_153 = arith.minsi %sub3A_150, %sub3A_152 : i32
      %dma_start3A_154 = arith.constant 0 : i32
      %dma_start3A_155 = tpu.memref_slice %arg7[%min3A_153, %dma_start3A_154] : memref<410x32xi32, #tpu.memory_space<vmem>> -> memref<1x32xi32, #tpu.memory_space<vmem>>
      %dma_start3A_156 = tpu.memref_squeeze %dma_start3A_155 : memref<1x32xi32, #tpu.memory_space<vmem>> -> memref<32xi32, #tpu.memory_space<vmem>>
      %dma_start3A_157 = arith.constant 0 : i32
      %dma_start3A_158 = arith.constant 0 : i32
      %dma_start3A_159 = tpu.memref_slice %arg2[%dma_start3A_157, %dma_start3A_158] : memref<10112x128xf32, #tpu.memory_space<hbm>> -> memref<10112x128xf32, #tpu.memory_space<hbm>>
      tpu.enqueue_indirect_dma source(%dma_start3A_159 : memref<10112x128xf32, #tpu.memory_space<hbm>>) target(%arg10 : memref<32x128xf32, #tpu.memory_space<vmem>>) offsets(%dma_start3A_156 : memref<32xi32, #tpu.memory_space<vmem>>) semaphore(%arg15 : memref<!tpu.dma_semaphore, #tpu.memory_space<semaphore_mem>>)
      "tpu.region"() ({
        %run_scoped3A = tpu.sem_alloc : memref<!tpu.dma_semaphore, #tpu.memory_space<semaphore_mem>>
        %dma_start3A_206 = arith.constant 0 : i32
        %dma_start3A_207 = tpu.memref_slice %arg8[%add3A_140, %dma_start3A_206] : memref<410x32xi32, #tpu.memory_space<vmem>> -> memref<1x32xi32, #tpu.memory_space<vmem>>
        %dma_start3A_208 = tpu.memref_squeeze %dma_start3A_207 : memref<1x32xi32, #tpu.memory_space<vmem>> -> memref<32xi32, #tpu.memory_space<vmem>>
        %dma_start3A_209 = arith.constant 0 : i32
        %dma_start3A_210 = arith.constant 0 : i32
        %dma_start3A_211 = tpu.memref_slice %arg19[%dma_start3A_209, %dma_start3A_210] : memref<10112x128xf32, #tpu.memory_space<vmem_shared>> -> memref<10112x128xf32, #tpu.memory_space<vmem_shared>>
        tpu.enqueue_indirect_dma source(%arg11 : memref<32x128xf32, #tpu.memory_space<vmem>>) target(%dma_start3A_211 : memref<10112x128xf32, #tpu.memory_space<vmem_shared>>) offsets(%dma_start3A_208 : memref<32xi32, #tpu.memory_space<vmem>>) semaphore(%run_scoped3A : memref<!tpu.dma_semaphore, #tpu.memory_space<semaphore_mem>>) {add = true}
        %dma_wait3A_212 = arith.constant 0 : i32
        %dma_wait3A_213 = tpu.memref_slice %arg8[%add3A_140, %dma_wait3A_212] : memref<410x32xi32, #tpu.memory_space<vmem>> -> memref<1x32xi32, #tpu.memory_space<vmem>>
        %dma_wait3A_214 = tpu.memref_squeeze %dma_wait3A_213 : memref<1x32xi32, #tpu.memory_space<vmem>> -> memref<32xi32, #tpu.memory_space<vmem>>
        %dma_wait3A_215 = arith.constant 0 : i32
        %dma_wait3A_216 = arith.constant 0 : i32
        %dma_wait3A_217 = tpu.memref_slice %arg19[%dma_wait3A_215, %dma_wait3A_216] : memref<10112x128xf32, #tpu.memory_space<vmem_shared>> -> memref<10112x128xf32, #tpu.memory_space<vmem_shared>>
        tpu.wait_indirect_dma semaphore(%run_scoped3A : memref<!tpu.dma_semaphore, #tpu.memory_space<semaphore_mem>>) src(%arg11 : memref<32x128xf32, #tpu.memory_space<vmem>>) dst(%dma_wait3A_217 : memref<10112x128xf32, #tpu.memory_space<vmem_shared>>)
        tpu.yield
      }) : () -> ()
      %mul3A_160 = arith.constant 5 : i32
      %mul3A_161 = arith.muli %while3A_91, %mul3A_160 : i32
      %add3A_162 = arith.constant 3 : i32
      %add3A_163 = arith.addi %mul3A_161, %add3A_162 : i32
      %dma_wait3A_164 = arith.constant 0 : i32
      %dma_wait3A_165 = tpu.memref_slice %arg7[%add3A_163, %dma_wait3A_164] : memref<410x32xi32, #tpu.memory_space<vmem>> -> memref<1x32xi32, #tpu.memory_space<vmem>>
      %dma_wait3A_166 = tpu.memref_squeeze %dma_wait3A_165 : memref<1x32xi32, #tpu.memory_space<vmem>> -> memref<32xi32, #tpu.memory_space<vmem>>
      %dma_wait3A_167 = arith.constant 0 : i32
      %dma_wait3A_168 = arith.constant 0 : i32
      %dma_wait3A_169 = tpu.memref_slice %arg2[%dma_wait3A_167, %dma_wait3A_168] : memref<10112x128xf32, #tpu.memory_space<hbm>> -> memref<10112x128xf32, #tpu.memory_space<hbm>>
      tpu.wait_indirect_dma semaphore(%arg17 : memref<!tpu.dma_semaphore, #tpu.memory_space<semaphore_mem>>) src(%dma_wait3A_169 : memref<10112x128xf32, #tpu.memory_space<hbm>>) dst(%arg12 : memref<32x128xf32, #tpu.memory_space<vmem>>)
      %add3A_170 = arith.constant 5 : i32
      %add3A_171 = arith.addi %add3A_163, %add3A_170 : i32
      %sub3A_172 = arith.constant 1 : i32
      %sub3A_173 = arith.subi %add3A_171, %sub3A_172 : i32
      %sub3A_174 = arith.constant 1 : i32
      %sub3A_175 = arith.subi %select_n3A, %sub3A_174 : i32
      %min3A_176 = arith.minsi %sub3A_173, %sub3A_175 : i32
      %dma_start3A_177 = arith.constant 0 : i32
      %dma_start3A_178 = tpu.memref_slice %arg7[%min3A_176, %dma_start3A_177] : memref<410x32xi32, #tpu.memory_space<vmem>> -> memref<1x32xi32, #tpu.memory_space<vmem>>
      %dma_start3A_179 = tpu.memref_squeeze %dma_start3A_178 : memref<1x32xi32, #tpu.memory_space<vmem>> -> memref<32xi32, #tpu.memory_space<vmem>>
      %dma_start3A_180 = arith.constant 0 : i32
      %dma_start3A_181 = arith.constant 0 : i32
      %dma_start3A_182 = tpu.memref_slice %arg2[%dma_start3A_180, %dma_start3A_181] : memref<10112x128xf32, #tpu.memory_space<hbm>> -> memref<10112x128xf32, #tpu.memory_space<hbm>>
      tpu.enqueue_indirect_dma source(%dma_start3A_182 : memref<10112x128xf32, #tpu.memory_space<hbm>>) target(%arg11 : memref<32x128xf32, #tpu.memory_space<vmem>>) offsets(%dma_start3A_179 : memref<32xi32, #tpu.memory_space<vmem>>) semaphore(%arg16 : memref<!tpu.dma_semaphore, #tpu.memory_space<semaphore_mem>>)
      "tpu.region"() ({
        %run_scoped3A = tpu.sem_alloc : memref<!tpu.dma_semaphore, #tpu.memory_space<semaphore_mem>>
        %dma_start3A_206 = arith.constant 0 : i32
        %dma_start3A_207 = tpu.memref_slice %arg8[%add3A_163, %dma_start3A_206] : memref<410x32xi32, #tpu.memory_space<vmem>> -> memref<1x32xi32, #tpu.memory_space<vmem>>
        %dma_start3A_208 = tpu.memref_squeeze %dma_start3A_207 : memref<1x32xi32, #tpu.memory_space<vmem>> -> memref<32xi32, #tpu.memory_space<vmem>>
        %dma_start3A_209 = arith.constant 0 : i32
        %dma_start3A_210 = arith.constant 0 : i32
        %dma_start3A_211 = tpu.memref_slice %arg19[%dma_start3A_209, %dma_start3A_210] : memref<10112x128xf32, #tpu.memory_space<vmem_shared>> -> memref<10112x128xf32, #tpu.memory_space<vmem_shared>>
        tpu.enqueue_indirect_dma source(%arg12 : memref<32x128xf32, #tpu.memory_space<vmem>>) target(%dma_start3A_211 : memref<10112x128xf32, #tpu.memory_space<vmem_shared>>) offsets(%dma_start3A_208 : memref<32xi32, #tpu.memory_space<vmem>>) semaphore(%run_scoped3A : memref<!tpu.dma_semaphore, #tpu.memory_space<semaphore_mem>>) {add = true}
        %dma_wait3A_212 = arith.constant 0 : i32
        %dma_wait3A_213 = tpu.memref_slice %arg8[%add3A_163, %dma_wait3A_212] : memref<410x32xi32, #tpu.memory_space<vmem>> -> memref<1x32xi32, #tpu.memory_space<vmem>>
        %dma_wait3A_214 = tpu.memref_squeeze %dma_wait3A_213 : memref<1x32xi32, #tpu.memory_space<vmem>> -> memref<32xi32, #tpu.memory_space<vmem>>
        %dma_wait3A_215 = arith.constant 0 : i32
        %dma_wait3A_216 = arith.constant 0 : i32
        %dma_wait3A_217 = tpu.memref_slice %arg19[%dma_wait3A_215, %dma_wait3A_216] : memref<10112x128xf32, #tpu.memory_space<vmem_shared>> -> memref<10112x128xf32, #tpu.memory_space<vmem_shared>>
        tpu.wait_indirect_dma semaphore(%run_scoped3A : memref<!tpu.dma_semaphore, #tpu.memory_space<semaphore_mem>>) src(%arg12 : memref<32x128xf32, #tpu.memory_space<vmem>>) dst(%dma_wait3A_217 : memref<10112x128xf32, #tpu.memory_space<vmem_shared>>)
        tpu.yield
      }) : () -> ()
      %mul3A_183 = arith.constant 5 : i32
      %mul3A_184 = arith.muli %while3A_91, %mul3A_183 : i32
      %add3A_185 = arith.constant 4 : i32
      %add3A_186 = arith.addi %mul3A_184, %add3A_185 : i32
      %dma_wait3A_187 = arith.constant 0 : i32
      %dma_wait3A_188 = tpu.memref_slice %arg7[%add3A_186, %dma_wait3A_187] : memref<410x32xi32, #tpu.memory_space<vmem>> -> memref<1x32xi32, #tpu.memory_space<vmem>>
      %dma_wait3A_189 = tpu.memref_squeeze %dma_wait3A_188 : memref<1x32xi32, #tpu.memory_space<vmem>> -> memref<32xi32, #tpu.memory_space<vmem>>
      %dma_wait3A_190 = arith.constant 0 : i32
      %dma_wait3A_191 = arith.constant 0 : i32
      %dma_wait3A_192 = tpu.memref_slice %arg2[%dma_wait3A_190, %dma_wait3A_191] : memref<10112x128xf32, #tpu.memory_space<hbm>> -> memref<10112x128xf32, #tpu.memory_space<hbm>>
      tpu.wait_indirect_dma semaphore(%arg18 : memref<!tpu.dma_semaphore, #tpu.memory_space<semaphore_mem>>) src(%dma_wait3A_192 : memref<10112x128xf32, #tpu.memory_space<hbm>>) dst(%arg13 : memref<32x128xf32, #tpu.memory_space<vmem>>)
      %add3A_193 = arith.constant 5 : i32
      %add3A_194 = arith.addi %add3A_186, %add3A_193 : i32
      %sub3A_195 = arith.constant 1 : i32
      %sub3A_196 = arith.subi %add3A_194, %sub3A_195 : i32
      %sub3A_197 = arith.constant 1 : i32
      %sub3A_198 = arith.subi %select_n3A, %sub3A_197 : i32
      %min3A_199 = arith.minsi %sub3A_196, %sub3A_198 : i32
      %dma_start3A_200 = arith.constant 0 : i32
      %dma_start3A_201 = tpu.memref_slice %arg7[%min3A_199, %dma_start3A_200] : memref<410x32xi32, #tpu.memory_space<vmem>> -> memref<1x32xi32, #tpu.memory_space<vmem>>
      %dma_start3A_202 = tpu.memref_squeeze %dma_start3A_201 : memref<1x32xi32, #tpu.memory_space<vmem>> -> memref<32xi32, #tpu.memory_space<vmem>>
      %dma_start3A_203 = arith.constant 0 : i32
      %dma_start3A_204 = arith.constant 0 : i32
      %dma_start3A_205 = tpu.memref_slice %arg2[%dma_start3A_203, %dma_start3A_204] : memref<10112x128xf32, #tpu.memory_space<hbm>> -> memref<10112x128xf32, #tpu.memory_space<hbm>>
      tpu.enqueue_indirect_dma source(%dma_start3A_205 : memref<10112x128xf32, #tpu.memory_space<hbm>>) target(%arg12 : memref<32x128xf32, #tpu.memory_space<vmem>>) offsets(%dma_start3A_202 : memref<32xi32, #tpu.memory_space<vmem>>) semaphore(%arg17 : memref<!tpu.dma_semaphore, #tpu.memory_space<semaphore_mem>>)
      "tpu.region"() ({
        %run_scoped3A = tpu.sem_alloc : memref<!tpu.dma_semaphore, #tpu.memory_space<semaphore_mem>>
        %dma_start3A_206 = arith.constant 0 : i32
        %dma_start3A_207 = tpu.memref_slice %arg8[%add3A_186, %dma_start3A_206] : memref<410x32xi32, #tpu.memory_space<vmem>> -> memref<1x32xi32, #tpu.memory_space<vmem>>
        %dma_start3A_208 = tpu.memref_squeeze %dma_start3A_207 : memref<1x32xi32, #tpu.memory_space<vmem>> -> memref<32xi32, #tpu.memory_space<vmem>>
        %dma_start3A_209 = arith.constant 0 : i32
        %dma_start3A_210 = arith.constant 0 : i32
        %dma_start3A_211 = tpu.memref_slice %arg19[%dma_start3A_209, %dma_start3A_210] : memref<10112x128xf32, #tpu.memory_space<vmem_shared>> -> memref<10112x128xf32, #tpu.memory_space<vmem_shared>>
        tpu.enqueue_indirect_dma source(%arg13 : memref<32x128xf32, #tpu.memory_space<vmem>>) target(%dma_start3A_211 : memref<10112x128xf32, #tpu.memory_space<vmem_shared>>) offsets(%dma_start3A_208 : memref<32xi32, #tpu.memory_space<vmem>>) semaphore(%run_scoped3A : memref<!tpu.dma_semaphore, #tpu.memory_space<semaphore_mem>>) {add = true}
        %dma_wait3A_212 = arith.constant 0 : i32
        %dma_wait3A_213 = tpu.memref_slice %arg8[%add3A_186, %dma_wait3A_212] : memref<410x32xi32, #tpu.memory_space<vmem>> -> memref<1x32xi32, #tpu.memory_space<vmem>>
        %dma_wait3A_214 = tpu.memref_squeeze %dma_wait3A_213 : memref<1x32xi32, #tpu.memory_space<vmem>> -> memref<32xi32, #tpu.memory_space<vmem>>
        %dma_wait3A_215 = arith.constant 0 : i32
        %dma_wait3A_216 = arith.constant 0 : i32
        %dma_wait3A_217 = tpu.memref_slice %arg19[%dma_wait3A_215, %dma_wait3A_216] : memref<10112x128xf32, #tpu.memory_space<vmem_shared>> -> memref<10112x128xf32, #tpu.memory_space<vmem_shared>>
        tpu.wait_indirect_dma semaphore(%run_scoped3A : memref<!tpu.dma_semaphore, #tpu.memory_space<semaphore_mem>>) src(%arg13 : memref<32x128xf32, #tpu.memory_space<vmem>>) dst(%dma_wait3A_217 : memref<10112x128xf32, #tpu.memory_space<vmem_shared>>)
        tpu.yield
      }) : () -> ()
    }
    %dma_wait3A = arith.constant 0 : i32
    %dma_wait3A_59 = arith.constant 0 : i32
    %dma_wait3A_60 = tpu.memref_slice %arg7[%dma_wait3A, %dma_wait3A_59] : memref<410x32xi32, #tpu.memory_space<vmem>> -> memref<1x32xi32, #tpu.memory_space<vmem>>
    %dma_wait3A_61 = tpu.memref_squeeze %dma_wait3A_60 : memref<1x32xi32, #tpu.memory_space<vmem>> -> memref<32xi32, #tpu.memory_space<vmem>>
    %dma_wait3A_62 = arith.constant 0 : i32
    %dma_wait3A_63 = arith.constant 0 : i32
    %dma_wait3A_64 = tpu.memref_slice %arg2[%dma_wait3A_62, %dma_wait3A_63] : memref<10112x128xf32, #tpu.memory_space<hbm>> -> memref<10112x128xf32, #tpu.memory_space<hbm>>
    tpu.wait_indirect_dma semaphore(%arg14 : memref<!tpu.dma_semaphore, #tpu.memory_space<semaphore_mem>>) src(%dma_wait3A_64 : memref<10112x128xf32, #tpu.memory_space<hbm>>) dst(%arg9 : memref<32x128xf32, #tpu.memory_space<vmem>>)
    %dma_wait3A_65 = arith.constant 0 : i32
    %dma_wait3A_66 = arith.constant 0 : i32
    %dma_wait3A_67 = tpu.memref_slice %arg7[%dma_wait3A_65, %dma_wait3A_66] : memref<410x32xi32, #tpu.memory_space<vmem>> -> memref<1x32xi32, #tpu.memory_space<vmem>>
    %dma_wait3A_68 = tpu.memref_squeeze %dma_wait3A_67 : memref<1x32xi32, #tpu.memory_space<vmem>> -> memref<32xi32, #tpu.memory_space<vmem>>
    %dma_wait3A_69 = arith.constant 0 : i32
    %dma_wait3A_70 = arith.constant 0 : i32
    %dma_wait3A_71 = tpu.memref_slice %arg2[%dma_wait3A_69, %dma_wait3A_70] : memref<10112x128xf32, #tpu.memory_space<hbm>> -> memref<10112x128xf32, #tpu.memory_space<hbm>>
    tpu.wait_indirect_dma semaphore(%arg15 : memref<!tpu.dma_semaphore, #tpu.memory_space<semaphore_mem>>) src(%dma_wait3A_71 : memref<10112x128xf32, #tpu.memory_space<hbm>>) dst(%arg10 : memref<32x128xf32, #tpu.memory_space<vmem>>)
    %dma_wait3A_72 = arith.constant 0 : i32
    %dma_wait3A_73 = arith.constant 0 : i32
    %dma_wait3A_74 = tpu.memref_slice %arg7[%dma_wait3A_72, %dma_wait3A_73] : memref<410x32xi32, #tpu.memory_space<vmem>> -> memref<1x32xi32, #tpu.memory_space<vmem>>
    %dma_wait3A_75 = tpu.memref_squeeze %dma_wait3A_74 : memref<1x32xi32, #tpu.memory_space<vmem>> -> memref<32xi32, #tpu.memory_space<vmem>>
    %dma_wait3A_76 = arith.constant 0 : i32
    %dma_wait3A_77 = arith.constant 0 : i32
    %dma_wait3A_78 = tpu.memref_slice %arg2[%dma_wait3A_76, %dma_wait3A_77] : memref<10112x128xf32, #tpu.memory_space<hbm>> -> memref<10112x128xf32, #tpu.memory_space<hbm>>
    tpu.wait_indirect_dma semaphore(%arg16 : memref<!tpu.dma_semaphore, #tpu.memory_space<semaphore_mem>>) src(%dma_wait3A_78 : memref<10112x128xf32, #tpu.memory_space<hbm>>) dst(%arg11 : memref<32x128xf32, #tpu.memory_space<vmem>>)
    %dma_wait3A_79 = arith.constant 0 : i32
    %dma_wait3A_80 = arith.constant 0 : i32
    %dma_wait3A_81 = tpu.memref_slice %arg7[%dma_wait3A_79, %dma_wait3A_80] : memref<410x32xi32, #tpu.memory_space<vmem>> -> memref<1x32xi32, #tpu.memory_space<vmem>>
    %dma_wait3A_82 = tpu.memref_squeeze %dma_wait3A_81 : memref<1x32xi32, #tpu.memory_space<vmem>> -> memref<32xi32, #tpu.memory_space<vmem>>
    %dma_wait3A_83 = arith.constant 0 : i32
    %dma_wait3A_84 = arith.constant 0 : i32
    %dma_wait3A_85 = tpu.memref_slice %arg2[%dma_wait3A_83, %dma_wait3A_84] : memref<10112x128xf32, #tpu.memory_space<hbm>> -> memref<10112x128xf32, #tpu.memory_space<hbm>>
    tpu.wait_indirect_dma semaphore(%arg17 : memref<!tpu.dma_semaphore, #tpu.memory_space<semaphore_mem>>) src(%dma_wait3A_85 : memref<10112x128xf32, #tpu.memory_space<hbm>>) dst(%arg12 : memref<32x128xf32, #tpu.memory_space<vmem>>)
    %barrier3A_86 = arith.constant 0 : index
    tpu.barrier barrier_id(%barrier3A_86)
    %mul3A_87 = arith.constant 632 : i32
    %mul3A_88 = arith.muli %arg1, %mul3A_87 : i32
    %mul3A_89 = arith.constant 632 : i32
    %mul3A_90 = arith.muli %arg1, %mul3A_89 : i32
    "tpu.region"() ({
      %run_scoped3A = tpu.sem_alloc : memref<!tpu.dma_semaphore, #tpu.memory_space<semaphore_mem>>
      %dma_start3A_91 = arith.constant 0 : i32
      %dma_start3A_92 = tpu.memref_slice %arg6[%arg0, %mul3A_90, %dma_start3A_91] : memref<2x10112x128xf32, #tpu.memory_space<hbm>> -> memref<1x632x128xf32, #tpu.memory_space<hbm>>
      %dma_start3A_93 = tpu.memref_squeeze %dma_start3A_92 : memref<1x632x128xf32, #tpu.memory_space<hbm>> -> memref<632x128xf32, #tpu.memory_space<hbm>>
      %dma_start3A_94 = arith.constant 0 : i32
      %dma_start3A_95 = tpu.memref_slice %arg19[%mul3A_88, %dma_start3A_94] : memref<10112x128xf32, #tpu.memory_space<vmem_shared>> -> memref<632x128xf32, #tpu.memory_space<vmem_shared>>
      tpu.enqueue_dma source(%dma_start3A_95 : memref<632x128xf32, #tpu.memory_space<vmem_shared>>) target(%dma_start3A_93 : memref<632x128xf32, #tpu.memory_space<hbm>>) target_semaphore(%run_scoped3A : memref<!tpu.dma_semaphore, #tpu.memory_space<semaphore_mem>>)
      %dma_wait3A_96 = arith.constant 0 : i32
      %dma_wait3A_97 = tpu.memref_slice %arg6[%arg0, %mul3A_90, %dma_wait3A_96] : memref<2x10112x128xf32, #tpu.memory_space<hbm>> -> memref<1x632x128xf32, #tpu.memory_space<hbm>>
      %dma_wait3A_98 = tpu.memref_squeeze %dma_wait3A_97 : memref<1x632x128xf32, #tpu.memory_space<hbm>> -> memref<632x128xf32, #tpu.memory_space<hbm>>
      %dma_wait3A_99 = arith.constant 0 : i32
      %dma_wait3A_100 = tpu.memref_slice %arg19[%mul3A_88, %dma_wait3A_99] : memref<10112x128xf32, #tpu.memory_space<vmem_shared>> -> memref<632x128xf32, #tpu.memory_space<vmem_shared>>
      tpu.wait_dma2 semaphore(%run_scoped3A : memref<!tpu.dma_semaphore, #tpu.memory_space<semaphore_mem>>) src(%dma_wait3A_100 : memref<632x128xf32, #tpu.memory_space<vmem_shared>>) dst(%dma_wait3A_98 : memref<632x128xf32, #tpu.memory_space<hbm>>)
      tpu.yield
    }) : () -> ()
    return
  }
}

#map = affine_map<(d0, d1) -> (0, 0, 0)>
#map1 = affine_map<(d0, d1) -> (0, 0)>
module attributes {stable_mosaic.version = 14 : i64} {
  func.func @deg_kernel(%arg0: i32, %arg1: i32, %arg2: memref<32x315x32xi32, #tpu.memory_space<hbm>>, %arg3: memref<632x8xf32, #tpu.memory_space<hbm>>, %arg4: memref<32x8xf32, #tpu.memory_space<hbm>>, %arg5: memref<2x10112x8xf32, #tpu.memory_space<hbm>>, %arg6: memref<315x32xi32, #tpu.memory_space<vmem>>, %arg7: memref<32x8xf32, #tpu.memory_space<vmem>>, %arg8: memref<10112x8xf32, #tpu.memory_space<vmem_shared>>) attributes {dimension_semantics = [#tpu.dimension_semantics<core_parallel>, #tpu.dimension_semantics<subcore_parallel>], iteration_bounds = array<i64: 2, 16>, scalar_prefetch = 0 : i64, scratch_operands = 3 : i64, tpu.core_type = #tpu.core_type<sc_vector_subcore>, window_params = [{transform_indices = #map}, {transform_indices = #map1}, {transform_indices = #map1}, {transform_indices = #map}]} {
    %mul3A = arith.constant 16 : i32
    %mul3A_0 = arith.muli %arg0, %mul3A : i32
    %add3A = arith.addi %mul3A_0, %arg1 : i32
    %eq3A = arith.constant 0 : i32
    %eq3A_1 = arith.cmpi eq, %arg0, %eq3A : i32
    %jit3A = arith.constant 315 : i32
    %jit3A_2 = arith.constant 315 : i32
    %select_n3A = arith.select %eq3A_1, %jit3A, %jit3A_2 : i32
    %mul3A_3 = arith.constant 632 : i32
    %mul3A_4 = arith.muli %arg1, %mul3A_3 : i32
    "tpu.region"() ({
      %run_scoped3A = tpu.sem_alloc : memref<!tpu.dma_semaphore, #tpu.memory_space<semaphore_mem>>
      %dma_start3A = arith.constant 0 : i32
      %dma_start3A_37 = tpu.memref_slice %arg8[%mul3A_4, %dma_start3A] : memref<10112x8xf32, #tpu.memory_space<vmem_shared>> -> memref<632x8xf32, #tpu.memory_space<vmem_shared>>
      tpu.enqueue_dma source(%arg3 : memref<632x8xf32, #tpu.memory_space<hbm>>) target(%dma_start3A_37 : memref<632x8xf32, #tpu.memory_space<vmem_shared>>) target_semaphore(%run_scoped3A : memref<!tpu.dma_semaphore, #tpu.memory_space<semaphore_mem>>)
      %dma_wait3A = arith.constant 0 : i32
      %dma_wait3A_38 = tpu.memref_slice %arg8[%mul3A_4, %dma_wait3A] : memref<10112x8xf32, #tpu.memory_space<vmem_shared>> -> memref<632x8xf32, #tpu.memory_space<vmem_shared>>
      tpu.wait_dma2 semaphore(%run_scoped3A : memref<!tpu.dma_semaphore, #tpu.memory_space<semaphore_mem>>) src(%arg3 : memref<632x8xf32, #tpu.memory_space<hbm>>) dst(%dma_wait3A_38 : memref<632x8xf32, #tpu.memory_space<vmem_shared>>)
      tpu.yield
    }) : () -> ()
    "tpu.region"() ({
      %run_scoped3A = tpu.sem_alloc : memref<!tpu.dma_semaphore, #tpu.memory_space<semaphore_mem>>
      %dma_start3A = arith.constant 0 : i32
      %dma_start3A_37 = arith.constant 0 : i32
      %dma_start3A_38 = tpu.memref_slice %arg2[%add3A, %dma_start3A, %dma_start3A_37] : memref<32x315x32xi32, #tpu.memory_space<hbm>> -> memref<1x315x32xi32, #tpu.memory_space<hbm>>
      %dma_start3A_39 = tpu.memref_squeeze %dma_start3A_38 : memref<1x315x32xi32, #tpu.memory_space<hbm>> -> memref<315x32xi32, #tpu.memory_space<hbm>>
      %dma_start3A_40 = arith.constant 0 : i32
      %dma_start3A_41 = arith.constant 0 : i32
      %dma_start3A_42 = tpu.memref_slice %arg2[%add3A, %dma_start3A_40, %dma_start3A_41] : memref<32x315x32xi32, #tpu.memory_space<hbm>> -> memref<1x315x32xi32, #tpu.memory_space<hbm>>
      %dma_start3A_43 = tpu.memref_squeeze %dma_start3A_42 : memref<1x315x32xi32, #tpu.memory_space<hbm>> -> memref<315x32xi32, #tpu.memory_space<hbm>>
      tpu.enqueue_dma source(%dma_start3A_43 : memref<315x32xi32, #tpu.memory_space<hbm>>) target(%arg6 : memref<315x32xi32, #tpu.memory_space<vmem>>) target_semaphore(%run_scoped3A : memref<!tpu.dma_semaphore, #tpu.memory_space<semaphore_mem>>)
      %dma_wait3A = arith.constant 0 : i32
      %dma_wait3A_44 = arith.constant 0 : i32
      %dma_wait3A_45 = tpu.memref_slice %arg2[%add3A, %dma_wait3A, %dma_wait3A_44] : memref<32x315x32xi32, #tpu.memory_space<hbm>> -> memref<1x315x32xi32, #tpu.memory_space<hbm>>
      %dma_wait3A_46 = tpu.memref_squeeze %dma_wait3A_45 : memref<1x315x32xi32, #tpu.memory_space<hbm>> -> memref<315x32xi32, #tpu.memory_space<hbm>>
      %dma_wait3A_47 = arith.constant 0 : i32
      %dma_wait3A_48 = arith.constant 0 : i32
      %dma_wait3A_49 = tpu.memref_slice %arg2[%add3A, %dma_wait3A_47, %dma_wait3A_48] : memref<32x315x32xi32, #tpu.memory_space<hbm>> -> memref<1x315x32xi32, #tpu.memory_space<hbm>>
      %dma_wait3A_50 = tpu.memref_squeeze %dma_wait3A_49 : memref<1x315x32xi32, #tpu.memory_space<hbm>> -> memref<315x32xi32, #tpu.memory_space<hbm>>
      tpu.wait_dma2 semaphore(%run_scoped3A : memref<!tpu.dma_semaphore, #tpu.memory_space<semaphore_mem>>) src(%dma_wait3A_50 : memref<315x32xi32, #tpu.memory_space<hbm>>) dst(%arg6 : memref<315x32xi32, #tpu.memory_space<vmem>>)
      tpu.yield
    }) : () -> ()
    "tpu.region"() ({
      %run_scoped3A = tpu.sem_alloc : memref<!tpu.dma_semaphore, #tpu.memory_space<semaphore_mem>>
      tpu.enqueue_dma source(%arg4 : memref<32x8xf32, #tpu.memory_space<hbm>>) target(%arg7 : memref<32x8xf32, #tpu.memory_space<vmem>>) target_semaphore(%run_scoped3A : memref<!tpu.dma_semaphore, #tpu.memory_space<semaphore_mem>>)
      tpu.wait_dma2 semaphore(%run_scoped3A : memref<!tpu.dma_semaphore, #tpu.memory_space<semaphore_mem>>) src(%arg4 : memref<32x8xf32, #tpu.memory_space<hbm>>) dst(%arg7 : memref<32x8xf32, #tpu.memory_space<vmem>>)
      tpu.yield
    }) : () -> ()
    %barrier3A = arith.constant 0 : index
    tpu.barrier barrier_id(%barrier3A)
    %jit3A_5 = arith.constant 5 : i32
    %div3A = arith.divsi %select_n3A, %jit3A_5 : i32
    %sign3A = arith.constant 0 : i32
    %sign3A_6 = arith.cmpi sgt, %select_n3A, %sign3A : i32
    %sign3A_7 = arith.extui %sign3A_6 : i1 to i32
    %sign3A_8 = arith.constant 0 : i32
    %sign3A_9 = arith.cmpi slt, %select_n3A, %sign3A_8 : i32
    %sign3A_10 = arith.extui %sign3A_9 : i1 to i32
    %sign3A_11 = arith.subi %sign3A_7, %sign3A_10 : i32
    %sign3A_12 = arith.constant 0 : i32
    %sign3A_13 = arith.cmpi sgt, %jit3A_5, %sign3A_12 : i32
    %sign3A_14 = arith.extui %sign3A_13 : i1 to i32
    %sign3A_15 = arith.constant 0 : i32
    %sign3A_16 = arith.cmpi slt, %jit3A_5, %sign3A_15 : i32
    %sign3A_17 = arith.extui %sign3A_16 : i1 to i32
    %sign3A_18 = arith.subi %sign3A_14, %sign3A_17 : i32
    %ne3A = arith.cmpi ne, %sign3A_11, %sign3A_18 : i32
    %rem3A = arith.remsi %select_n3A, %jit3A_5 : i32
    %ne3A_19 = arith.constant 0 : i32
    %ne3A_20 = arith.cmpi ne, %rem3A, %ne3A_19 : i32
    %and3A = arith.andi %ne3A, %ne3A_20 : i1
    %sub3A = arith.constant 1 : i32
    %sub3A_21 = arith.subi %div3A, %sub3A : i32
    %select_n3A_22 = arith.select %and3A, %sub3A_21, %div3A : i32
    %while3A = arith.constant 0 : i32
    %while3A_23 = arith.constant 0 : i32
    %while3A_24 = arith.subi %select_n3A_22, %while3A_23 : i32
    %while3A_25 = arith.addi %while3A_23, %while3A_24 : i32
    %while3A_26 = arith.constant 1 : i32
    %while3A_27 = arith.divsi %while3A_24, %while3A_26 : i32
    %while3A_28 = arith.muli %while3A_27, %while3A_26 : i32
    %while3A_29 = arith.addi %while3A_23, %while3A_28 : i32
    %while3A_30 = arith.constant 1 : i32
    scf.for %while3A_37 = %while3A_23 to %while3A_29 step %while3A_30  : i32 {
      %mul3A_38 = arith.constant 5 : i32
      %mul3A_39 = arith.muli %while3A_37, %mul3A_38 : i32
      %add3A_40 = arith.constant 0 : i32
      %add3A_41 = arith.addi %mul3A_39, %add3A_40 : i32
      "tpu.region"() ({
        %run_scoped3A = tpu.sem_alloc : memref<!tpu.dma_semaphore, #tpu.memory_space<semaphore_mem>>
        %dma_start3A = arith.constant 0 : i32
        %dma_start3A_58 = tpu.memref_slice %arg6[%add3A_41, %dma_start3A] : memref<315x32xi32, #tpu.memory_space<vmem>> -> memref<1x32xi32, #tpu.memory_space<vmem>>
        %dma_start3A_59 = tpu.memref_squeeze %dma_start3A_58 : memref<1x32xi32, #tpu.memory_space<vmem>> -> memref<32xi32, #tpu.memory_space<vmem>>
        %dma_start3A_60 = arith.constant 0 : i32
        %dma_start3A_61 = arith.constant 0 : i32
        %dma_start3A_62 = tpu.memref_slice %arg8[%dma_start3A_60, %dma_start3A_61] : memref<10112x8xf32, #tpu.memory_space<vmem_shared>> -> memref<10112x8xf32, #tpu.memory_space<vmem_shared>>
        tpu.enqueue_indirect_dma source(%arg7 : memref<32x8xf32, #tpu.memory_space<vmem>>) target(%dma_start3A_62 : memref<10112x8xf32, #tpu.memory_space<vmem_shared>>) offsets(%dma_start3A_59 : memref<32xi32, #tpu.memory_space<vmem>>) semaphore(%run_scoped3A : memref<!tpu.dma_semaphore, #tpu.memory_space<semaphore_mem>>) {add = true}
        %dma_wait3A = arith.constant 0 : i32
        %dma_wait3A_63 = tpu.memref_slice %arg6[%add3A_41, %dma_wait3A] : memref<315x32xi32, #tpu.memory_space<vmem>> -> memref<1x32xi32, #tpu.memory_space<vmem>>
        %dma_wait3A_64 = tpu.memref_squeeze %dma_wait3A_63 : memref<1x32xi32, #tpu.memory_space<vmem>> -> memref<32xi32, #tpu.memory_space<vmem>>
        %dma_wait3A_65 = arith.constant 0 : i32
        %dma_wait3A_66 = arith.constant 0 : i32
        %dma_wait3A_67 = tpu.memref_slice %arg8[%dma_wait3A_65, %dma_wait3A_66] : memref<10112x8xf32, #tpu.memory_space<vmem_shared>> -> memref<10112x8xf32, #tpu.memory_space<vmem_shared>>
        tpu.wait_indirect_dma semaphore(%run_scoped3A : memref<!tpu.dma_semaphore, #tpu.memory_space<semaphore_mem>>) src(%arg7 : memref<32x8xf32, #tpu.memory_space<vmem>>) dst(%dma_wait3A_67 : memref<10112x8xf32, #tpu.memory_space<vmem_shared>>)
        tpu.yield
      }) : () -> ()
      %mul3A_42 = arith.constant 5 : i32
      %mul3A_43 = arith.muli %while3A_37, %mul3A_42 : i32
      %add3A_44 = arith.constant 1 : i32
      %add3A_45 = arith.addi %mul3A_43, %add3A_44 : i32
      "tpu.region"() ({
        %run_scoped3A = tpu.sem_alloc : memref<!tpu.dma_semaphore, #tpu.memory_space<semaphore_mem>>
        %dma_start3A = arith.constant 0 : i32
        %dma_start3A_58 = tpu.memref_slice %arg6[%add3A_45, %dma_start3A] : memref<315x32xi32, #tpu.memory_space<vmem>> -> memref<1x32xi32, #tpu.memory_space<vmem>>
        %dma_start3A_59 = tpu.memref_squeeze %dma_start3A_58 : memref<1x32xi32, #tpu.memory_space<vmem>> -> memref<32xi32, #tpu.memory_space<vmem>>
        %dma_start3A_60 = arith.constant 0 : i32
        %dma_start3A_61 = arith.constant 0 : i32
        %dma_start3A_62 = tpu.memref_slice %arg8[%dma_start3A_60, %dma_start3A_61] : memref<10112x8xf32, #tpu.memory_space<vmem_shared>> -> memref<10112x8xf32, #tpu.memory_space<vmem_shared>>
        tpu.enqueue_indirect_dma source(%arg7 : memref<32x8xf32, #tpu.memory_space<vmem>>) target(%dma_start3A_62 : memref<10112x8xf32, #tpu.memory_space<vmem_shared>>) offsets(%dma_start3A_59 : memref<32xi32, #tpu.memory_space<vmem>>) semaphore(%run_scoped3A : memref<!tpu.dma_semaphore, #tpu.memory_space<semaphore_mem>>) {add = true}
        %dma_wait3A = arith.constant 0 : i32
        %dma_wait3A_63 = tpu.memref_slice %arg6[%add3A_45, %dma_wait3A] : memref<315x32xi32, #tpu.memory_space<vmem>> -> memref<1x32xi32, #tpu.memory_space<vmem>>
        %dma_wait3A_64 = tpu.memref_squeeze %dma_wait3A_63 : memref<1x32xi32, #tpu.memory_space<vmem>> -> memref<32xi32, #tpu.memory_space<vmem>>
        %dma_wait3A_65 = arith.constant 0 : i32
        %dma_wait3A_66 = arith.constant 0 : i32
        %dma_wait3A_67 = tpu.memref_slice %arg8[%dma_wait3A_65, %dma_wait3A_66] : memref<10112x8xf32, #tpu.memory_space<vmem_shared>> -> memref<10112x8xf32, #tpu.memory_space<vmem_shared>>
        tpu.wait_indirect_dma semaphore(%run_scoped3A : memref<!tpu.dma_semaphore, #tpu.memory_space<semaphore_mem>>) src(%arg7 : memref<32x8xf32, #tpu.memory_space<vmem>>) dst(%dma_wait3A_67 : memref<10112x8xf32, #tpu.memory_space<vmem_shared>>)
        tpu.yield
      }) : () -> ()
      %mul3A_46 = arith.constant 5 : i32
      %mul3A_47 = arith.muli %while3A_37, %mul3A_46 : i32
      %add3A_48 = arith.constant 2 : i32
      %add3A_49 = arith.addi %mul3A_47, %add3A_48 : i32
      "tpu.region"() ({
        %run_scoped3A = tpu.sem_alloc : memref<!tpu.dma_semaphore, #tpu.memory_space<semaphore_mem>>
        %dma_start3A = arith.constant 0 : i32
        %dma_start3A_58 = tpu.memref_slice %arg6[%add3A_49, %dma_start3A] : memref<315x32xi32, #tpu.memory_space<vmem>> -> memref<1x32xi32, #tpu.memory_space<vmem>>
        %dma_start3A_59 = tpu.memref_squeeze %dma_start3A_58 : memref<1x32xi32, #tpu.memory_space<vmem>> -> memref<32xi32, #tpu.memory_space<vmem>>
        %dma_start3A_60 = arith.constant 0 : i32
        %dma_start3A_61 = arith.constant 0 : i32
        %dma_start3A_62 = tpu.memref_slice %arg8[%dma_start3A_60, %dma_start3A_61] : memref<10112x8xf32, #tpu.memory_space<vmem_shared>> -> memref<10112x8xf32, #tpu.memory_space<vmem_shared>>
        tpu.enqueue_indirect_dma source(%arg7 : memref<32x8xf32, #tpu.memory_space<vmem>>) target(%dma_start3A_62 : memref<10112x8xf32, #tpu.memory_space<vmem_shared>>) offsets(%dma_start3A_59 : memref<32xi32, #tpu.memory_space<vmem>>) semaphore(%run_scoped3A : memref<!tpu.dma_semaphore, #tpu.memory_space<semaphore_mem>>) {add = true}
        %dma_wait3A = arith.constant 0 : i32
        %dma_wait3A_63 = tpu.memref_slice %arg6[%add3A_49, %dma_wait3A] : memref<315x32xi32, #tpu.memory_space<vmem>> -> memref<1x32xi32, #tpu.memory_space<vmem>>
        %dma_wait3A_64 = tpu.memref_squeeze %dma_wait3A_63 : memref<1x32xi32, #tpu.memory_space<vmem>> -> memref<32xi32, #tpu.memory_space<vmem>>
        %dma_wait3A_65 = arith.constant 0 : i32
        %dma_wait3A_66 = arith.constant 0 : i32
        %dma_wait3A_67 = tpu.memref_slice %arg8[%dma_wait3A_65, %dma_wait3A_66] : memref<10112x8xf32, #tpu.memory_space<vmem_shared>> -> memref<10112x8xf32, #tpu.memory_space<vmem_shared>>
        tpu.wait_indirect_dma semaphore(%run_scoped3A : memref<!tpu.dma_semaphore, #tpu.memory_space<semaphore_mem>>) src(%arg7 : memref<32x8xf32, #tpu.memory_space<vmem>>) dst(%dma_wait3A_67 : memref<10112x8xf32, #tpu.memory_space<vmem_shared>>)
        tpu.yield
      }) : () -> ()
      %mul3A_50 = arith.constant 5 : i32
      %mul3A_51 = arith.muli %while3A_37, %mul3A_50 : i32
      %add3A_52 = arith.constant 3 : i32
      %add3A_53 = arith.addi %mul3A_51, %add3A_52 : i32
      "tpu.region"() ({
        %run_scoped3A = tpu.sem_alloc : memref<!tpu.dma_semaphore, #tpu.memory_space<semaphore_mem>>
        %dma_start3A = arith.constant 0 : i32
        %dma_start3A_58 = tpu.memref_slice %arg6[%add3A_53, %dma_start3A] : memref<315x32xi32, #tpu.memory_space<vmem>> -> memref<1x32xi32, #tpu.memory_space<vmem>>
        %dma_start3A_59 = tpu.memref_squeeze %dma_start3A_58 : memref<1x32xi32, #tpu.memory_space<vmem>> -> memref<32xi32, #tpu.memory_space<vmem>>
        %dma_start3A_60 = arith.constant 0 : i32
        %dma_start3A_61 = arith.constant 0 : i32
        %dma_start3A_62 = tpu.memref_slice %arg8[%dma_start3A_60, %dma_start3A_61] : memref<10112x8xf32, #tpu.memory_space<vmem_shared>> -> memref<10112x8xf32, #tpu.memory_space<vmem_shared>>
        tpu.enqueue_indirect_dma source(%arg7 : memref<32x8xf32, #tpu.memory_space<vmem>>) target(%dma_start3A_62 : memref<10112x8xf32, #tpu.memory_space<vmem_shared>>) offsets(%dma_start3A_59 : memref<32xi32, #tpu.memory_space<vmem>>) semaphore(%run_scoped3A : memref<!tpu.dma_semaphore, #tpu.memory_space<semaphore_mem>>) {add = true}
        %dma_wait3A = arith.constant 0 : i32
        %dma_wait3A_63 = tpu.memref_slice %arg6[%add3A_53, %dma_wait3A] : memref<315x32xi32, #tpu.memory_space<vmem>> -> memref<1x32xi32, #tpu.memory_space<vmem>>
        %dma_wait3A_64 = tpu.memref_squeeze %dma_wait3A_63 : memref<1x32xi32, #tpu.memory_space<vmem>> -> memref<32xi32, #tpu.memory_space<vmem>>
        %dma_wait3A_65 = arith.constant 0 : i32
        %dma_wait3A_66 = arith.constant 0 : i32
        %dma_wait3A_67 = tpu.memref_slice %arg8[%dma_wait3A_65, %dma_wait3A_66] : memref<10112x8xf32, #tpu.memory_space<vmem_shared>> -> memref<10112x8xf32, #tpu.memory_space<vmem_shared>>
        tpu.wait_indirect_dma semaphore(%run_scoped3A : memref<!tpu.dma_semaphore, #tpu.memory_space<semaphore_mem>>) src(%arg7 : memref<32x8xf32, #tpu.memory_space<vmem>>) dst(%dma_wait3A_67 : memref<10112x8xf32, #tpu.memory_space<vmem_shared>>)
        tpu.yield
      }) : () -> ()
      %mul3A_54 = arith.constant 5 : i32
      %mul3A_55 = arith.muli %while3A_37, %mul3A_54 : i32
      %add3A_56 = arith.constant 4 : i32
      %add3A_57 = arith.addi %mul3A_55, %add3A_56 : i32
      "tpu.region"() ({
        %run_scoped3A = tpu.sem_alloc : memref<!tpu.dma_semaphore, #tpu.memory_space<semaphore_mem>>
        %dma_start3A = arith.constant 0 : i32
        %dma_start3A_58 = tpu.memref_slice %arg6[%add3A_57, %dma_start3A] : memref<315x32xi32, #tpu.memory_space<vmem>> -> memref<1x32xi32, #tpu.memory_space<vmem>>
        %dma_start3A_59 = tpu.memref_squeeze %dma_start3A_58 : memref<1x32xi32, #tpu.memory_space<vmem>> -> memref<32xi32, #tpu.memory_space<vmem>>
        %dma_start3A_60 = arith.constant 0 : i32
        %dma_start3A_61 = arith.constant 0 : i32
        %dma_start3A_62 = tpu.memref_slice %arg8[%dma_start3A_60, %dma_start3A_61] : memref<10112x8xf32, #tpu.memory_space<vmem_shared>> -> memref<10112x8xf32, #tpu.memory_space<vmem_shared>>
        tpu.enqueue_indirect_dma source(%arg7 : memref<32x8xf32, #tpu.memory_space<vmem>>) target(%dma_start3A_62 : memref<10112x8xf32, #tpu.memory_space<vmem_shared>>) offsets(%dma_start3A_59 : memref<32xi32, #tpu.memory_space<vmem>>) semaphore(%run_scoped3A : memref<!tpu.dma_semaphore, #tpu.memory_space<semaphore_mem>>) {add = true}
        %dma_wait3A = arith.constant 0 : i32
        %dma_wait3A_63 = tpu.memref_slice %arg6[%add3A_57, %dma_wait3A] : memref<315x32xi32, #tpu.memory_space<vmem>> -> memref<1x32xi32, #tpu.memory_space<vmem>>
        %dma_wait3A_64 = tpu.memref_squeeze %dma_wait3A_63 : memref<1x32xi32, #tpu.memory_space<vmem>> -> memref<32xi32, #tpu.memory_space<vmem>>
        %dma_wait3A_65 = arith.constant 0 : i32
        %dma_wait3A_66 = arith.constant 0 : i32
        %dma_wait3A_67 = tpu.memref_slice %arg8[%dma_wait3A_65, %dma_wait3A_66] : memref<10112x8xf32, #tpu.memory_space<vmem_shared>> -> memref<10112x8xf32, #tpu.memory_space<vmem_shared>>
        tpu.wait_indirect_dma semaphore(%run_scoped3A : memref<!tpu.dma_semaphore, #tpu.memory_space<semaphore_mem>>) src(%arg7 : memref<32x8xf32, #tpu.memory_space<vmem>>) dst(%dma_wait3A_67 : memref<10112x8xf32, #tpu.memory_space<vmem_shared>>)
        tpu.yield
      }) : () -> ()
    }
    %while3A_31 = arith.constant 1 : i32
    scf.for %while3A_37 = %while3A_29 to %while3A_25 step %while3A_31  : i32 {
      %mul3A_38 = arith.constant 5 : i32
      %mul3A_39 = arith.muli %while3A_37, %mul3A_38 : i32
      %add3A_40 = arith.constant 0 : i32
      %add3A_41 = arith.addi %mul3A_39, %add3A_40 : i32
      "tpu.region"() ({
        %run_scoped3A = tpu.sem_alloc : memref<!tpu.dma_semaphore, #tpu.memory_space<semaphore_mem>>
        %dma_start3A = arith.constant 0 : i32
        %dma_start3A_58 = tpu.memref_slice %arg6[%add3A_41, %dma_start3A] : memref<315x32xi32, #tpu.memory_space<vmem>> -> memref<1x32xi32, #tpu.memory_space<vmem>>
        %dma_start3A_59 = tpu.memref_squeeze %dma_start3A_58 : memref<1x32xi32, #tpu.memory_space<vmem>> -> memref<32xi32, #tpu.memory_space<vmem>>
        %dma_start3A_60 = arith.constant 0 : i32
        %dma_start3A_61 = arith.constant 0 : i32
        %dma_start3A_62 = tpu.memref_slice %arg8[%dma_start3A_60, %dma_start3A_61] : memref<10112x8xf32, #tpu.memory_space<vmem_shared>> -> memref<10112x8xf32, #tpu.memory_space<vmem_shared>>
        tpu.enqueue_indirect_dma source(%arg7 : memref<32x8xf32, #tpu.memory_space<vmem>>) target(%dma_start3A_62 : memref<10112x8xf32, #tpu.memory_space<vmem_shared>>) offsets(%dma_start3A_59 : memref<32xi32, #tpu.memory_space<vmem>>) semaphore(%run_scoped3A : memref<!tpu.dma_semaphore, #tpu.memory_space<semaphore_mem>>) {add = true}
        %dma_wait3A = arith.constant 0 : i32
        %dma_wait3A_63 = tpu.memref_slice %arg6[%add3A_41, %dma_wait3A] : memref<315x32xi32, #tpu.memory_space<vmem>> -> memref<1x32xi32, #tpu.memory_space<vmem>>
        %dma_wait3A_64 = tpu.memref_squeeze %dma_wait3A_63 : memref<1x32xi32, #tpu.memory_space<vmem>> -> memref<32xi32, #tpu.memory_space<vmem>>
        %dma_wait3A_65 = arith.constant 0 : i32
        %dma_wait3A_66 = arith.constant 0 : i32
        %dma_wait3A_67 = tpu.memref_slice %arg8[%dma_wait3A_65, %dma_wait3A_66] : memref<10112x8xf32, #tpu.memory_space<vmem_shared>> -> memref<10112x8xf32, #tpu.memory_space<vmem_shared>>
        tpu.wait_indirect_dma semaphore(%run_scoped3A : memref<!tpu.dma_semaphore, #tpu.memory_space<semaphore_mem>>) src(%arg7 : memref<32x8xf32, #tpu.memory_space<vmem>>) dst(%dma_wait3A_67 : memref<10112x8xf32, #tpu.memory_space<vmem_shared>>)
        tpu.yield
      }) : () -> ()
      %mul3A_42 = arith.constant 5 : i32
      %mul3A_43 = arith.muli %while3A_37, %mul3A_42 : i32
      %add3A_44 = arith.constant 1 : i32
      %add3A_45 = arith.addi %mul3A_43, %add3A_44 : i32
      "tpu.region"() ({
        %run_scoped3A = tpu.sem_alloc : memref<!tpu.dma_semaphore, #tpu.memory_space<semaphore_mem>>
        %dma_start3A = arith.constant 0 : i32
        %dma_start3A_58 = tpu.memref_slice %arg6[%add3A_45, %dma_start3A] : memref<315x32xi32, #tpu.memory_space<vmem>> -> memref<1x32xi32, #tpu.memory_space<vmem>>
        %dma_start3A_59 = tpu.memref_squeeze %dma_start3A_58 : memref<1x32xi32, #tpu.memory_space<vmem>> -> memref<32xi32, #tpu.memory_space<vmem>>
        %dma_start3A_60 = arith.constant 0 : i32
        %dma_start3A_61 = arith.constant 0 : i32
        %dma_start3A_62 = tpu.memref_slice %arg8[%dma_start3A_60, %dma_start3A_61] : memref<10112x8xf32, #tpu.memory_space<vmem_shared>> -> memref<10112x8xf32, #tpu.memory_space<vmem_shared>>
        tpu.enqueue_indirect_dma source(%arg7 : memref<32x8xf32, #tpu.memory_space<vmem>>) target(%dma_start3A_62 : memref<10112x8xf32, #tpu.memory_space<vmem_shared>>) offsets(%dma_start3A_59 : memref<32xi32, #tpu.memory_space<vmem>>) semaphore(%run_scoped3A : memref<!tpu.dma_semaphore, #tpu.memory_space<semaphore_mem>>) {add = true}
        %dma_wait3A = arith.constant 0 : i32
        %dma_wait3A_63 = tpu.memref_slice %arg6[%add3A_45, %dma_wait3A] : memref<315x32xi32, #tpu.memory_space<vmem>> -> memref<1x32xi32, #tpu.memory_space<vmem>>
        %dma_wait3A_64 = tpu.memref_squeeze %dma_wait3A_63 : memref<1x32xi32, #tpu.memory_space<vmem>> -> memref<32xi32, #tpu.memory_space<vmem>>
        %dma_wait3A_65 = arith.constant 0 : i32
        %dma_wait3A_66 = arith.constant 0 : i32
        %dma_wait3A_67 = tpu.memref_slice %arg8[%dma_wait3A_65, %dma_wait3A_66] : memref<10112x8xf32, #tpu.memory_space<vmem_shared>> -> memref<10112x8xf32, #tpu.memory_space<vmem_shared>>
        tpu.wait_indirect_dma semaphore(%run_scoped3A : memref<!tpu.dma_semaphore, #tpu.memory_space<semaphore_mem>>) src(%arg7 : memref<32x8xf32, #tpu.memory_space<vmem>>) dst(%dma_wait3A_67 : memref<10112x8xf32, #tpu.memory_space<vmem_shared>>)
        tpu.yield
      }) : () -> ()
      %mul3A_46 = arith.constant 5 : i32
      %mul3A_47 = arith.muli %while3A_37, %mul3A_46 : i32
      %add3A_48 = arith.constant 2 : i32
      %add3A_49 = arith.addi %mul3A_47, %add3A_48 : i32
      "tpu.region"() ({
        %run_scoped3A = tpu.sem_alloc : memref<!tpu.dma_semaphore, #tpu.memory_space<semaphore_mem>>
        %dma_start3A = arith.constant 0 : i32
        %dma_start3A_58 = tpu.memref_slice %arg6[%add3A_49, %dma_start3A] : memref<315x32xi32, #tpu.memory_space<vmem>> -> memref<1x32xi32, #tpu.memory_space<vmem>>
        %dma_start3A_59 = tpu.memref_squeeze %dma_start3A_58 : memref<1x32xi32, #tpu.memory_space<vmem>> -> memref<32xi32, #tpu.memory_space<vmem>>
        %dma_start3A_60 = arith.constant 0 : i32
        %dma_start3A_61 = arith.constant 0 : i32
        %dma_start3A_62 = tpu.memref_slice %arg8[%dma_start3A_60, %dma_start3A_61] : memref<10112x8xf32, #tpu.memory_space<vmem_shared>> -> memref<10112x8xf32, #tpu.memory_space<vmem_shared>>
        tpu.enqueue_indirect_dma source(%arg7 : memref<32x8xf32, #tpu.memory_space<vmem>>) target(%dma_start3A_62 : memref<10112x8xf32, #tpu.memory_space<vmem_shared>>) offsets(%dma_start3A_59 : memref<32xi32, #tpu.memory_space<vmem>>) semaphore(%run_scoped3A : memref<!tpu.dma_semaphore, #tpu.memory_space<semaphore_mem>>) {add = true}
        %dma_wait3A = arith.constant 0 : i32
        %dma_wait3A_63 = tpu.memref_slice %arg6[%add3A_49, %dma_wait3A] : memref<315x32xi32, #tpu.memory_space<vmem>> -> memref<1x32xi32, #tpu.memory_space<vmem>>
        %dma_wait3A_64 = tpu.memref_squeeze %dma_wait3A_63 : memref<1x32xi32, #tpu.memory_space<vmem>> -> memref<32xi32, #tpu.memory_space<vmem>>
        %dma_wait3A_65 = arith.constant 0 : i32
        %dma_wait3A_66 = arith.constant 0 : i32
        %dma_wait3A_67 = tpu.memref_slice %arg8[%dma_wait3A_65, %dma_wait3A_66] : memref<10112x8xf32, #tpu.memory_space<vmem_shared>> -> memref<10112x8xf32, #tpu.memory_space<vmem_shared>>
        tpu.wait_indirect_dma semaphore(%run_scoped3A : memref<!tpu.dma_semaphore, #tpu.memory_space<semaphore_mem>>) src(%arg7 : memref<32x8xf32, #tpu.memory_space<vmem>>) dst(%dma_wait3A_67 : memref<10112x8xf32, #tpu.memory_space<vmem_shared>>)
        tpu.yield
      }) : () -> ()
      %mul3A_50 = arith.constant 5 : i32
      %mul3A_51 = arith.muli %while3A_37, %mul3A_50 : i32
      %add3A_52 = arith.constant 3 : i32
      %add3A_53 = arith.addi %mul3A_51, %add3A_52 : i32
      "tpu.region"() ({
        %run_scoped3A = tpu.sem_alloc : memref<!tpu.dma_semaphore, #tpu.memory_space<semaphore_mem>>
        %dma_start3A = arith.constant 0 : i32
        %dma_start3A_58 = tpu.memref_slice %arg6[%add3A_53, %dma_start3A] : memref<315x32xi32, #tpu.memory_space<vmem>> -> memref<1x32xi32, #tpu.memory_space<vmem>>
        %dma_start3A_59 = tpu.memref_squeeze %dma_start3A_58 : memref<1x32xi32, #tpu.memory_space<vmem>> -> memref<32xi32, #tpu.memory_space<vmem>>
        %dma_start3A_60 = arith.constant 0 : i32
        %dma_start3A_61 = arith.constant 0 : i32
        %dma_start3A_62 = tpu.memref_slice %arg8[%dma_start3A_60, %dma_start3A_61] : memref<10112x8xf32, #tpu.memory_space<vmem_shared>> -> memref<10112x8xf32, #tpu.memory_space<vmem_shared>>
        tpu.enqueue_indirect_dma source(%arg7 : memref<32x8xf32, #tpu.memory_space<vmem>>) target(%dma_start3A_62 : memref<10112x8xf32, #tpu.memory_space<vmem_shared>>) offsets(%dma_start3A_59 : memref<32xi32, #tpu.memory_space<vmem>>) semaphore(%run_scoped3A : memref<!tpu.dma_semaphore, #tpu.memory_space<semaphore_mem>>) {add = true}
        %dma_wait3A = arith.constant 0 : i32
        %dma_wait3A_63 = tpu.memref_slice %arg6[%add3A_53, %dma_wait3A] : memref<315x32xi32, #tpu.memory_space<vmem>> -> memref<1x32xi32, #tpu.memory_space<vmem>>
        %dma_wait3A_64 = tpu.memref_squeeze %dma_wait3A_63 : memref<1x32xi32, #tpu.memory_space<vmem>> -> memref<32xi32, #tpu.memory_space<vmem>>
        %dma_wait3A_65 = arith.constant 0 : i32
        %dma_wait3A_66 = arith.constant 0 : i32
        %dma_wait3A_67 = tpu.memref_slice %arg8[%dma_wait3A_65, %dma_wait3A_66] : memref<10112x8xf32, #tpu.memory_space<vmem_shared>> -> memref<10112x8xf32, #tpu.memory_space<vmem_shared>>
        tpu.wait_indirect_dma semaphore(%run_scoped3A : memref<!tpu.dma_semaphore, #tpu.memory_space<semaphore_mem>>) src(%arg7 : memref<32x8xf32, #tpu.memory_space<vmem>>) dst(%dma_wait3A_67 : memref<10112x8xf32, #tpu.memory_space<vmem_shared>>)
        tpu.yield
      }) : () -> ()
      %mul3A_54 = arith.constant 5 : i32
      %mul3A_55 = arith.muli %while3A_37, %mul3A_54 : i32
      %add3A_56 = arith.constant 4 : i32
      %add3A_57 = arith.addi %mul3A_55, %add3A_56 : i32
      "tpu.region"() ({
        %run_scoped3A = tpu.sem_alloc : memref<!tpu.dma_semaphore, #tpu.memory_space<semaphore_mem>>
        %dma_start3A = arith.constant 0 : i32
        %dma_start3A_58 = tpu.memref_slice %arg6[%add3A_57, %dma_start3A] : memref<315x32xi32, #tpu.memory_space<vmem>> -> memref<1x32xi32, #tpu.memory_space<vmem>>
        %dma_start3A_59 = tpu.memref_squeeze %dma_start3A_58 : memref<1x32xi32, #tpu.memory_space<vmem>> -> memref<32xi32, #tpu.memory_space<vmem>>
        %dma_start3A_60 = arith.constant 0 : i32
        %dma_start3A_61 = arith.constant 0 : i32
        %dma_start3A_62 = tpu.memref_slice %arg8[%dma_start3A_60, %dma_start3A_61] : memref<10112x8xf32, #tpu.memory_space<vmem_shared>> -> memref<10112x8xf32, #tpu.memory_space<vmem_shared>>
        tpu.enqueue_indirect_dma source(%arg7 : memref<32x8xf32, #tpu.memory_space<vmem>>) target(%dma_start3A_62 : memref<10112x8xf32, #tpu.memory_space<vmem_shared>>) offsets(%dma_start3A_59 : memref<32xi32, #tpu.memory_space<vmem>>) semaphore(%run_scoped3A : memref<!tpu.dma_semaphore, #tpu.memory_space<semaphore_mem>>) {add = true}
        %dma_wait3A = arith.constant 0 : i32
        %dma_wait3A_63 = tpu.memref_slice %arg6[%add3A_57, %dma_wait3A] : memref<315x32xi32, #tpu.memory_space<vmem>> -> memref<1x32xi32, #tpu.memory_space<vmem>>
        %dma_wait3A_64 = tpu.memref_squeeze %dma_wait3A_63 : memref<1x32xi32, #tpu.memory_space<vmem>> -> memref<32xi32, #tpu.memory_space<vmem>>
        %dma_wait3A_65 = arith.constant 0 : i32
        %dma_wait3A_66 = arith.constant 0 : i32
        %dma_wait3A_67 = tpu.memref_slice %arg8[%dma_wait3A_65, %dma_wait3A_66] : memref<10112x8xf32, #tpu.memory_space<vmem_shared>> -> memref<10112x8xf32, #tpu.memory_space<vmem_shared>>
        tpu.wait_indirect_dma semaphore(%run_scoped3A : memref<!tpu.dma_semaphore, #tpu.memory_space<semaphore_mem>>) src(%arg7 : memref<32x8xf32, #tpu.memory_space<vmem>>) dst(%dma_wait3A_67 : memref<10112x8xf32, #tpu.memory_space<vmem_shared>>)
        tpu.yield
      }) : () -> ()
    }
    %barrier3A_32 = arith.constant 0 : index
    tpu.barrier barrier_id(%barrier3A_32)
    %mul3A_33 = arith.constant 632 : i32
    %mul3A_34 = arith.muli %arg1, %mul3A_33 : i32
    %mul3A_35 = arith.constant 632 : i32
    %mul3A_36 = arith.muli %arg1, %mul3A_35 : i32
    "tpu.region"() ({
      %run_scoped3A = tpu.sem_alloc : memref<!tpu.dma_semaphore, #tpu.memory_space<semaphore_mem>>
      %dma_start3A = arith.constant 0 : i32
      %dma_start3A_37 = tpu.memref_slice %arg5[%arg0, %mul3A_36, %dma_start3A] : memref<2x10112x8xf32, #tpu.memory_space<hbm>> -> memref<1x632x8xf32, #tpu.memory_space<hbm>>
      %dma_start3A_38 = tpu.memref_squeeze %dma_start3A_37 : memref<1x632x8xf32, #tpu.memory_space<hbm>> -> memref<632x8xf32, #tpu.memory_space<hbm>>
      %dma_start3A_39 = arith.constant 0 : i32
      %dma_start3A_40 = tpu.memref_slice %arg8[%mul3A_34, %dma_start3A_39] : memref<10112x8xf32, #tpu.memory_space<vmem_shared>> -> memref<632x8xf32, #tpu.memory_space<vmem_shared>>
      tpu.enqueue_dma source(%dma_start3A_40 : memref<632x8xf32, #tpu.memory_space<vmem_shared>>) target(%dma_start3A_38 : memref<632x8xf32, #tpu.memory_space<hbm>>) target_semaphore(%run_scoped3A : memref<!tpu.dma_semaphore, #tpu.memory_space<semaphore_mem>>)
      %dma_wait3A = arith.constant 0 : i32
      %dma_wait3A_41 = tpu.memref_slice %arg5[%arg0, %mul3A_36, %dma_wait3A] : memref<2x10112x8xf32, #tpu.memory_space<hbm>> -> memref<1x632x8xf32, #tpu.memory_space<hbm>>
      %dma_wait3A_42 = tpu.memref_squeeze %dma_wait3A_41 : memref<1x632x8xf32, #tpu.memory_space<hbm>> -> memref<632x8xf32, #tpu.memory_space<hbm>>
      %dma_wait3A_43 = arith.constant 0 : i32
      %dma_wait3A_44 = tpu.memref_slice %arg8[%mul3A_34, %dma_wait3A_43] : memref<10112x8xf32, #tpu.memory_space<vmem_shared>> -> memref<632x8xf32, #tpu.memory_space<vmem_shared>>
      tpu.wait_dma2 semaphore(%run_scoped3A : memref<!tpu.dma_semaphore, #tpu.memory_space<semaphore_mem>>) src(%dma_wait3A_44 : memref<632x8xf32, #tpu.memory_space<vmem_shared>>) dst(%dma_wait3A_42 : memref<632x8xf32, #tpu.memory_space<hbm>>)
      tpu.yield
    }) : () -> ()
    return
  }
}

#map = affine_map<(d0, d1) -> (0, 0)>
#map1 = affine_map<(d0, d1) -> (0, 0, 0)>
module attributes {stable_mosaic.version = 14 : i64} {
  func.func @prop_kernel(%arg0: i32, %arg1: i32, %arg2: memref<10112x64xf32, #tpu.memory_space<hbm>>, %arg3: memref<32x434x32xi32, #tpu.memory_space<hbm>>, %arg4: memref<32x434x32xi32, #tpu.memory_space<hbm>>, %arg5: memref<632x64xf32, #tpu.memory_space<hbm>>, %arg6: memref<2x10112x64xf32, #tpu.memory_space<hbm>>, %arg7: memref<434x32xi32, #tpu.memory_space<vmem>>, %arg8: memref<434x32xi32, #tpu.memory_space<vmem>>, %arg9: memref<32x64xf32, #tpu.memory_space<vmem>>, %arg10: memref<32x64xf32, #tpu.memory_space<vmem>>, %arg11: memref<32x64xf32, #tpu.memory_space<vmem>>, %arg12: memref<32x64xf32, #tpu.memory_space<vmem>>, %arg13: memref<32x64xf32, #tpu.memory_space<vmem>>, %arg14: memref<32x64xf32, #tpu.memory_space<vmem>>, %arg15: memref<32x64xf32, #tpu.memory_space<vmem>>, %arg16: memref<!tpu.dma_semaphore, #tpu.memory_space<semaphore_mem>>, %arg17: memref<!tpu.dma_semaphore, #tpu.memory_space<semaphore_mem>>, %arg18: memref<!tpu.dma_semaphore, #tpu.memory_space<semaphore_mem>>, %arg19: memref<!tpu.dma_semaphore, #tpu.memory_space<semaphore_mem>>, %arg20: memref<!tpu.dma_semaphore, #tpu.memory_space<semaphore_mem>>, %arg21: memref<!tpu.dma_semaphore, #tpu.memory_space<semaphore_mem>>, %arg22: memref<!tpu.dma_semaphore, #tpu.memory_space<semaphore_mem>>, %arg23: memref<10112x64xf32, #tpu.memory_space<vmem_shared>>) attributes {dimension_semantics = [#tpu.dimension_semantics<core_parallel>, #tpu.dimension_semantics<subcore_parallel>], iteration_bounds = array<i64: 2, 16>, scalar_prefetch = 0 : i64, scratch_operands = 17 : i64, tpu.core_type = #tpu.core_type<sc_vector_subcore>, window_params = [{transform_indices = #map}, {transform_indices = #map1}, {transform_indices = #map1}, {transform_indices = #map}, {transform_indices = #map1}]} {
    %mul3A = arith.constant 16 : i32
    %mul3A_0 = arith.muli %arg0, %mul3A : i32
    %add3A = arith.addi %mul3A_0, %arg1 : i32
    %eq3A = arith.constant 0 : i32
    %eq3A_1 = arith.cmpi eq, %arg0, %eq3A : i32
    %jit3A = arith.constant 434 : i32
    %jit3A_2 = arith.constant 196 : i32
    %select_n3A = arith.select %eq3A_1, %jit3A, %jit3A_2 : i32
    %mul3A_3 = arith.constant 632 : i32
    %mul3A_4 = arith.muli %arg1, %mul3A_3 : i32
    "tpu.region"() ({
      %run_scoped3A = tpu.sem_alloc : memref<!tpu.dma_semaphore, #tpu.memory_space<semaphore_mem>>
      %dma_start3A_119 = arith.constant 0 : i32
      %dma_start3A_120 = tpu.memref_slice %arg23[%mul3A_4, %dma_start3A_119] : memref<10112x64xf32, #tpu.memory_space<vmem_shared>> -> memref<632x64xf32, #tpu.memory_space<vmem_shared>>
      tpu.enqueue_dma source(%arg5 : memref<632x64xf32, #tpu.memory_space<hbm>>) target(%dma_start3A_120 : memref<632x64xf32, #tpu.memory_space<vmem_shared>>) target_semaphore(%run_scoped3A : memref<!tpu.dma_semaphore, #tpu.memory_space<semaphore_mem>>)
      %dma_wait3A_121 = arith.constant 0 : i32
      %dma_wait3A_122 = tpu.memref_slice %arg23[%mul3A_4, %dma_wait3A_121] : memref<10112x64xf32, #tpu.memory_space<vmem_shared>> -> memref<632x64xf32, #tpu.memory_space<vmem_shared>>
      tpu.wait_dma2 semaphore(%run_scoped3A : memref<!tpu.dma_semaphore, #tpu.memory_space<semaphore_mem>>) src(%arg5 : memref<632x64xf32, #tpu.memory_space<hbm>>) dst(%dma_wait3A_122 : memref<632x64xf32, #tpu.memory_space<vmem_shared>>)
      tpu.yield
    }) : () -> ()
    "tpu.region"() ({
      %run_scoped3A = tpu.sem_alloc : memref<!tpu.dma_semaphore, #tpu.memory_space<semaphore_mem>>
      %dma_start3A_119 = arith.constant 0 : i32
      %dma_start3A_120 = arith.constant 0 : i32
      %dma_start3A_121 = tpu.memref_slice %arg3[%add3A, %dma_start3A_119, %dma_start3A_120] : memref<32x434x32xi32, #tpu.memory_space<hbm>> -> memref<1x434x32xi32, #tpu.memory_space<hbm>>
      %dma_start3A_122 = tpu.memref_squeeze %dma_start3A_121 : memref<1x434x32xi32, #tpu.memory_space<hbm>> -> memref<434x32xi32, #tpu.memory_space<hbm>>
      %dma_start3A_123 = arith.constant 0 : i32
      %dma_start3A_124 = arith.constant 0 : i32
      %dma_start3A_125 = tpu.memref_slice %arg3[%add3A, %dma_start3A_123, %dma_start3A_124] : memref<32x434x32xi32, #tpu.memory_space<hbm>> -> memref<1x434x32xi32, #tpu.memory_space<hbm>>
      %dma_start3A_126 = tpu.memref_squeeze %dma_start3A_125 : memref<1x434x32xi32, #tpu.memory_space<hbm>> -> memref<434x32xi32, #tpu.memory_space<hbm>>
      tpu.enqueue_dma source(%dma_start3A_126 : memref<434x32xi32, #tpu.memory_space<hbm>>) target(%arg7 : memref<434x32xi32, #tpu.memory_space<vmem>>) target_semaphore(%run_scoped3A : memref<!tpu.dma_semaphore, #tpu.memory_space<semaphore_mem>>)
      %dma_wait3A_127 = arith.constant 0 : i32
      %dma_wait3A_128 = arith.constant 0 : i32
      %dma_wait3A_129 = tpu.memref_slice %arg3[%add3A, %dma_wait3A_127, %dma_wait3A_128] : memref<32x434x32xi32, #tpu.memory_space<hbm>> -> memref<1x434x32xi32, #tpu.memory_space<hbm>>
      %dma_wait3A_130 = tpu.memref_squeeze %dma_wait3A_129 : memref<1x434x32xi32, #tpu.memory_space<hbm>> -> memref<434x32xi32, #tpu.memory_space<hbm>>
      %dma_wait3A_131 = arith.constant 0 : i32
      %dma_wait3A_132 = arith.constant 0 : i32
      %dma_wait3A_133 = tpu.memref_slice %arg3[%add3A, %dma_wait3A_131, %dma_wait3A_132] : memref<32x434x32xi32, #tpu.memory_space<hbm>> -> memref<1x434x32xi32, #tpu.memory_space<hbm>>
      %dma_wait3A_134 = tpu.memref_squeeze %dma_wait3A_133 : memref<1x434x32xi32, #tpu.memory_space<hbm>> -> memref<434x32xi32, #tpu.memory_space<hbm>>
      tpu.wait_dma2 semaphore(%run_scoped3A : memref<!tpu.dma_semaphore, #tpu.memory_space<semaphore_mem>>) src(%dma_wait3A_134 : memref<434x32xi32, #tpu.memory_space<hbm>>) dst(%arg7 : memref<434x32xi32, #tpu.memory_space<vmem>>)
      tpu.yield
    }) : () -> ()
    "tpu.region"() ({
      %run_scoped3A = tpu.sem_alloc : memref<!tpu.dma_semaphore, #tpu.memory_space<semaphore_mem>>
      %dma_start3A_119 = arith.constant 0 : i32
      %dma_start3A_120 = arith.constant 0 : i32
      %dma_start3A_121 = tpu.memref_slice %arg4[%add3A, %dma_start3A_119, %dma_start3A_120] : memref<32x434x32xi32, #tpu.memory_space<hbm>> -> memref<1x434x32xi32, #tpu.memory_space<hbm>>
      %dma_start3A_122 = tpu.memref_squeeze %dma_start3A_121 : memref<1x434x32xi32, #tpu.memory_space<hbm>> -> memref<434x32xi32, #tpu.memory_space<hbm>>
      %dma_start3A_123 = arith.constant 0 : i32
      %dma_start3A_124 = arith.constant 0 : i32
      %dma_start3A_125 = tpu.memref_slice %arg4[%add3A, %dma_start3A_123, %dma_start3A_124] : memref<32x434x32xi32, #tpu.memory_space<hbm>> -> memref<1x434x32xi32, #tpu.memory_space<hbm>>
      %dma_start3A_126 = tpu.memref_squeeze %dma_start3A_125 : memref<1x434x32xi32, #tpu.memory_space<hbm>> -> memref<434x32xi32, #tpu.memory_space<hbm>>
      tpu.enqueue_dma source(%dma_start3A_126 : memref<434x32xi32, #tpu.memory_space<hbm>>) target(%arg8 : memref<434x32xi32, #tpu.memory_space<vmem>>) target_semaphore(%run_scoped3A : memref<!tpu.dma_semaphore, #tpu.memory_space<semaphore_mem>>)
      %dma_wait3A_127 = arith.constant 0 : i32
      %dma_wait3A_128 = arith.constant 0 : i32
      %dma_wait3A_129 = tpu.memref_slice %arg4[%add3A, %dma_wait3A_127, %dma_wait3A_128] : memref<32x434x32xi32, #tpu.memory_space<hbm>> -> memref<1x434x32xi32, #tpu.memory_space<hbm>>
      %dma_wait3A_130 = tpu.memref_squeeze %dma_wait3A_129 : memref<1x434x32xi32, #tpu.memory_space<hbm>> -> memref<434x32xi32, #tpu.memory_space<hbm>>
      %dma_wait3A_131 = arith.constant 0 : i32
      %dma_wait3A_132 = arith.constant 0 : i32
      %dma_wait3A_133 = tpu.memref_slice %arg4[%add3A, %dma_wait3A_131, %dma_wait3A_132] : memref<32x434x32xi32, #tpu.memory_space<hbm>> -> memref<1x434x32xi32, #tpu.memory_space<hbm>>
      %dma_wait3A_134 = tpu.memref_squeeze %dma_wait3A_133 : memref<1x434x32xi32, #tpu.memory_space<hbm>> -> memref<434x32xi32, #tpu.memory_space<hbm>>
      tpu.wait_dma2 semaphore(%run_scoped3A : memref<!tpu.dma_semaphore, #tpu.memory_space<semaphore_mem>>) src(%dma_wait3A_134 : memref<434x32xi32, #tpu.memory_space<hbm>>) dst(%arg8 : memref<434x32xi32, #tpu.memory_space<vmem>>)
      tpu.yield
    }) : () -> ()
    %barrier3A = arith.constant 0 : index
    tpu.barrier barrier_id(%barrier3A)
    %dma_start3A = arith.constant 0 : i32
    %dma_start3A_5 = arith.constant 0 : i32
    %dma_start3A_6 = tpu.memref_slice %arg7[%dma_start3A, %dma_start3A_5] : memref<434x32xi32, #tpu.memory_space<vmem>> -> memref<1x32xi32, #tpu.memory_space<vmem>>
    %dma_start3A_7 = tpu.memref_squeeze %dma_start3A_6 : memref<1x32xi32, #tpu.memory_space<vmem>> -> memref<32xi32, #tpu.memory_space<vmem>>
    %dma_start3A_8 = arith.constant 0 : i32
    %dma_start3A_9 = arith.constant 0 : i32
    %dma_start3A_10 = tpu.memref_slice %arg2[%dma_start3A_8, %dma_start3A_9] : memref<10112x64xf32, #tpu.memory_space<hbm>> -> memref<10112x64xf32, #tpu.memory_space<hbm>>
    tpu.enqueue_indirect_dma source(%dma_start3A_10 : memref<10112x64xf32, #tpu.memory_space<hbm>>) target(%arg9 : memref<32x64xf32, #tpu.memory_space<vmem>>) offsets(%dma_start3A_7 : memref<32xi32, #tpu.memory_space<vmem>>) semaphore(%arg16 : memref<!tpu.dma_semaphore, #tpu.memory_space<semaphore_mem>>)
    %dma_start3A_11 = arith.constant 1 : i32
    %dma_start3A_12 = arith.constant 0 : i32
    %dma_start3A_13 = tpu.memref_slice %arg7[%dma_start3A_11, %dma_start3A_12] : memref<434x32xi32, #tpu.memory_space<vmem>> -> memref<1x32xi32, #tpu.memory_space<vmem>>
    %dma_start3A_14 = tpu.memref_squeeze %dma_start3A_13 : memref<1x32xi32, #tpu.memory_space<vmem>> -> memref<32xi32, #tpu.memory_space<vmem>>
    %dma_start3A_15 = arith.constant 0 : i32
    %dma_start3A_16 = arith.constant 0 : i32
    %dma_start3A_17 = tpu.memref_slice %arg2[%dma_start3A_15, %dma_start3A_16] : memref<10112x64xf32, #tpu.memory_space<hbm>> -> memref<10112x64xf32, #tpu.memory_space<hbm>>
    tpu.enqueue_indirect_dma source(%dma_start3A_17 : memref<10112x64xf32, #tpu.memory_space<hbm>>) target(%arg10 : memref<32x64xf32, #tpu.memory_space<vmem>>) offsets(%dma_start3A_14 : memref<32xi32, #tpu.memory_space<vmem>>) semaphore(%arg17 : memref<!tpu.dma_semaphore, #tpu.memory_space<semaphore_mem>>)
    %dma_start3A_18 = arith.constant 2 : i32
    %dma_start3A_19 = arith.constant 0 : i32
    %dma_start3A_20 = tpu.memref_slice %arg7[%dma_start3A_18, %dma_start3A_19] : memref<434x32xi32, #tpu.memory_space<vmem>> -> memref<1x32xi32, #tpu.memory_space<vmem>>
    %dma_start3A_21 = tpu.memref_squeeze %dma_start3A_20 : memref<1x32xi32, #tpu.memory_space<vmem>> -> memref<32xi32, #tpu.memory_space<vmem>>
    %dma_start3A_22 = arith.constant 0 : i32
    %dma_start3A_23 = arith.constant 0 : i32
    %dma_start3A_24 = tpu.memref_slice %arg2[%dma_start3A_22, %dma_start3A_23] : memref<10112x64xf32, #tpu.memory_space<hbm>> -> memref<10112x64xf32, #tpu.memory_space<hbm>>
    tpu.enqueue_indirect_dma source(%dma_start3A_24 : memref<10112x64xf32, #tpu.memory_space<hbm>>) target(%arg11 : memref<32x64xf32, #tpu.memory_space<vmem>>) offsets(%dma_start3A_21 : memref<32xi32, #tpu.memory_space<vmem>>) semaphore(%arg18 : memref<!tpu.dma_semaphore, #tpu.memory_space<semaphore_mem>>)
    %dma_start3A_25 = arith.constant 3 : i32
    %dma_start3A_26 = arith.constant 0 : i32
    %dma_start3A_27 = tpu.memref_slice %arg7[%dma_start3A_25, %dma_start3A_26] : memref<434x32xi32, #tpu.memory_space<vmem>> -> memref<1x32xi32, #tpu.memory_space<vmem>>
    %dma_start3A_28 = tpu.memref_squeeze %dma_start3A_27 : memref<1x32xi32, #tpu.memory_space<vmem>> -> memref<32xi32, #tpu.memory_space<vmem>>
    %dma_start3A_29 = arith.constant 0 : i32
    %dma_start3A_30 = arith.constant 0 : i32
    %dma_start3A_31 = tpu.memref_slice %arg2[%dma_start3A_29, %dma_start3A_30] : memref<10112x64xf32, #tpu.memory_space<hbm>> -> memref<10112x64xf32, #tpu.memory_space<hbm>>
    tpu.enqueue_indirect_dma source(%dma_start3A_31 : memref<10112x64xf32, #tpu.memory_space<hbm>>) target(%arg12 : memref<32x64xf32, #tpu.memory_space<vmem>>) offsets(%dma_start3A_28 : memref<32xi32, #tpu.memory_space<vmem>>) semaphore(%arg19 : memref<!tpu.dma_semaphore, #tpu.memory_space<semaphore_mem>>)
    %dma_start3A_32 = arith.constant 4 : i32
    %dma_start3A_33 = arith.constant 0 : i32
    %dma_start3A_34 = tpu.memref_slice %arg7[%dma_start3A_32, %dma_start3A_33] : memref<434x32xi32, #tpu.memory_space<vmem>> -> memref<1x32xi32, #tpu.memory_space<vmem>>
    %dma_start3A_35 = tpu.memref_squeeze %dma_start3A_34 : memref<1x32xi32, #tpu.memory_space<vmem>> -> memref<32xi32, #tpu.memory_space<vmem>>
    %dma_start3A_36 = arith.constant 0 : i32
    %dma_start3A_37 = arith.constant 0 : i32
    %dma_start3A_38 = tpu.memref_slice %arg2[%dma_start3A_36, %dma_start3A_37] : memref<10112x64xf32, #tpu.memory_space<hbm>> -> memref<10112x64xf32, #tpu.memory_space<hbm>>
    tpu.enqueue_indirect_dma source(%dma_start3A_38 : memref<10112x64xf32, #tpu.memory_space<hbm>>) target(%arg13 : memref<32x64xf32, #tpu.memory_space<vmem>>) offsets(%dma_start3A_35 : memref<32xi32, #tpu.memory_space<vmem>>) semaphore(%arg20 : memref<!tpu.dma_semaphore, #tpu.memory_space<semaphore_mem>>)
    %dma_start3A_39 = arith.constant 5 : i32
    %dma_start3A_40 = arith.constant 0 : i32
    %dma_start3A_41 = tpu.memref_slice %arg7[%dma_start3A_39, %dma_start3A_40] : memref<434x32xi32, #tpu.memory_space<vmem>> -> memref<1x32xi32, #tpu.memory_space<vmem>>
    %dma_start3A_42 = tpu.memref_squeeze %dma_start3A_41 : memref<1x32xi32, #tpu.memory_space<vmem>> -> memref<32xi32, #tpu.memory_space<vmem>>
    %dma_start3A_43 = arith.constant 0 : i32
    %dma_start3A_44 = arith.constant 0 : i32
    %dma_start3A_45 = tpu.memref_slice %arg2[%dma_start3A_43, %dma_start3A_44] : memref<10112x64xf32, #tpu.memory_space<hbm>> -> memref<10112x64xf32, #tpu.memory_space<hbm>>
    tpu.enqueue_indirect_dma source(%dma_start3A_45 : memref<10112x64xf32, #tpu.memory_space<hbm>>) target(%arg14 : memref<32x64xf32, #tpu.memory_space<vmem>>) offsets(%dma_start3A_42 : memref<32xi32, #tpu.memory_space<vmem>>) semaphore(%arg21 : memref<!tpu.dma_semaphore, #tpu.memory_space<semaphore_mem>>)
    %jit3A_46 = arith.constant 7 : i32
    %div3A = arith.divsi %select_n3A, %jit3A_46 : i32
    %sign3A = arith.constant 0 : i32
    %sign3A_47 = arith.cmpi sgt, %select_n3A, %sign3A : i32
    %sign3A_48 = arith.extui %sign3A_47 : i1 to i32
    %sign3A_49 = arith.constant 0 : i32
    %sign3A_50 = arith.cmpi slt, %select_n3A, %sign3A_49 : i32
    %sign3A_51 = arith.extui %sign3A_50 : i1 to i32
    %sign3A_52 = arith.subi %sign3A_48, %sign3A_51 : i32
    %sign3A_53 = arith.constant 0 : i32
    %sign3A_54 = arith.cmpi sgt, %jit3A_46, %sign3A_53 : i32
    %sign3A_55 = arith.extui %sign3A_54 : i1 to i32
    %sign3A_56 = arith.constant 0 : i32
    %sign3A_57 = arith.cmpi slt, %jit3A_46, %sign3A_56 : i32
    %sign3A_58 = arith.extui %sign3A_57 : i1 to i32
    %sign3A_59 = arith.subi %sign3A_55, %sign3A_58 : i32
    %ne3A = arith.cmpi ne, %sign3A_52, %sign3A_59 : i32
    %rem3A = arith.remsi %select_n3A, %jit3A_46 : i32
    %ne3A_60 = arith.constant 0 : i32
    %ne3A_61 = arith.cmpi ne, %rem3A, %ne3A_60 : i32
    %and3A = arith.andi %ne3A, %ne3A_61 : i1
    %sub3A = arith.constant 1 : i32
    %sub3A_62 = arith.subi %div3A, %sub3A : i32
    %select_n3A_63 = arith.select %and3A, %sub3A_62, %div3A : i32
    %while3A = arith.constant 0 : i32
    %while3A_64 = arith.constant 0 : i32
    %while3A_65 = arith.subi %select_n3A_63, %while3A_64 : i32
    %while3A_66 = arith.addi %while3A_64, %while3A_65 : i32
    %while3A_67 = arith.constant 1 : i32
    %while3A_68 = arith.divsi %while3A_65, %while3A_67 : i32
    %while3A_69 = arith.muli %while3A_68, %while3A_67 : i32
    %while3A_70 = arith.addi %while3A_64, %while3A_69 : i32
    %while3A_71 = arith.constant 1 : i32
    scf.for %while3A_119 = %while3A_64 to %while3A_70 step %while3A_71  : i32 {
      %mul3A_120 = arith.constant 7 : i32
      %mul3A_121 = arith.muli %while3A_119, %mul3A_120 : i32
      %add3A_122 = arith.constant 0 : i32
      %add3A_123 = arith.addi %mul3A_121, %add3A_122 : i32
      %dma_wait3A_124 = arith.constant 0 : i32
      %dma_wait3A_125 = tpu.memref_slice %arg7[%add3A_123, %dma_wait3A_124] : memref<434x32xi32, #tpu.memory_space<vmem>> -> memref<1x32xi32, #tpu.memory_space<vmem>>
      %dma_wait3A_126 = tpu.memref_squeeze %dma_wait3A_125 : memref<1x32xi32, #tpu.memory_space<vmem>> -> memref<32xi32, #tpu.memory_space<vmem>>
      %dma_wait3A_127 = arith.constant 0 : i32
      %dma_wait3A_128 = arith.constant 0 : i32
      %dma_wait3A_129 = tpu.memref_slice %arg2[%dma_wait3A_127, %dma_wait3A_128] : memref<10112x64xf32, #tpu.memory_space<hbm>> -> memref<10112x64xf32, #tpu.memory_space<hbm>>
      tpu.wait_indirect_dma semaphore(%arg16 : memref<!tpu.dma_semaphore, #tpu.memory_space<semaphore_mem>>) src(%dma_wait3A_129 : memref<10112x64xf32, #tpu.memory_space<hbm>>) dst(%arg9 : memref<32x64xf32, #tpu.memory_space<vmem>>)
      %add3A_130 = arith.constant 7 : i32
      %add3A_131 = arith.addi %add3A_123, %add3A_130 : i32
      %sub3A_132 = arith.constant 1 : i32
      %sub3A_133 = arith.subi %add3A_131, %sub3A_132 : i32
      %sub3A_134 = arith.constant 1 : i32
      %sub3A_135 = arith.subi %select_n3A, %sub3A_134 : i32
      %min3A = arith.minsi %sub3A_133, %sub3A_135 : i32
      %dma_start3A_136 = arith.constant 0 : i32
      %dma_start3A_137 = tpu.memref_slice %arg7[%min3A, %dma_start3A_136] : memref<434x32xi32, #tpu.memory_space<vmem>> -> memref<1x32xi32, #tpu.memory_space<vmem>>
      %dma_start3A_138 = tpu.memref_squeeze %dma_start3A_137 : memref<1x32xi32, #tpu.memory_space<vmem>> -> memref<32xi32, #tpu.memory_space<vmem>>
      %dma_start3A_139 = arith.constant 0 : i32
      %dma_start3A_140 = arith.constant 0 : i32
      %dma_start3A_141 = tpu.memref_slice %arg2[%dma_start3A_139, %dma_start3A_140] : memref<10112x64xf32, #tpu.memory_space<hbm>> -> memref<10112x64xf32, #tpu.memory_space<hbm>>
      tpu.enqueue_indirect_dma source(%dma_start3A_141 : memref<10112x64xf32, #tpu.memory_space<hbm>>) target(%arg15 : memref<32x64xf32, #tpu.memory_space<vmem>>) offsets(%dma_start3A_138 : memref<32xi32, #tpu.memory_space<vmem>>) semaphore(%arg22 : memref<!tpu.dma_semaphore, #tpu.memory_space<semaphore_mem>>)
      "tpu.region"() ({
        %run_scoped3A = tpu.sem_alloc : memref<!tpu.dma_semaphore, #tpu.memory_space<semaphore_mem>>
        %dma_start3A_280 = arith.constant 0 : i32
        %dma_start3A_281 = tpu.memref_slice %arg8[%add3A_123, %dma_start3A_280] : memref<434x32xi32, #tpu.memory_space<vmem>> -> memref<1x32xi32, #tpu.memory_space<vmem>>
        %dma_start3A_282 = tpu.memref_squeeze %dma_start3A_281 : memref<1x32xi32, #tpu.memory_space<vmem>> -> memref<32xi32, #tpu.memory_space<vmem>>
        %dma_start3A_283 = arith.constant 0 : i32
        %dma_start3A_284 = arith.constant 0 : i32
        %dma_start3A_285 = tpu.memref_slice %arg23[%dma_start3A_283, %dma_start3A_284] : memref<10112x64xf32, #tpu.memory_space<vmem_shared>> -> memref<10112x64xf32, #tpu.memory_space<vmem_shared>>
        tpu.enqueue_indirect_dma source(%arg9 : memref<32x64xf32, #tpu.memory_space<vmem>>) target(%dma_start3A_285 : memref<10112x64xf32, #tpu.memory_space<vmem_shared>>) offsets(%dma_start3A_282 : memref<32xi32, #tpu.memory_space<vmem>>) semaphore(%run_scoped3A : memref<!tpu.dma_semaphore, #tpu.memory_space<semaphore_mem>>) {add = true}
        %dma_wait3A_286 = arith.constant 0 : i32
        %dma_wait3A_287 = tpu.memref_slice %arg8[%add3A_123, %dma_wait3A_286] : memref<434x32xi32, #tpu.memory_space<vmem>> -> memref<1x32xi32, #tpu.memory_space<vmem>>
        %dma_wait3A_288 = tpu.memref_squeeze %dma_wait3A_287 : memref<1x32xi32, #tpu.memory_space<vmem>> -> memref<32xi32, #tpu.memory_space<vmem>>
        %dma_wait3A_289 = arith.constant 0 : i32
        %dma_wait3A_290 = arith.constant 0 : i32
        %dma_wait3A_291 = tpu.memref_slice %arg23[%dma_wait3A_289, %dma_wait3A_290] : memref<10112x64xf32, #tpu.memory_space<vmem_shared>> -> memref<10112x64xf32, #tpu.memory_space<vmem_shared>>
        tpu.wait_indirect_dma semaphore(%run_scoped3A : memref<!tpu.dma_semaphore, #tpu.memory_space<semaphore_mem>>) src(%arg9 : memref<32x64xf32, #tpu.memory_space<vmem>>) dst(%dma_wait3A_291 : memref<10112x64xf32, #tpu.memory_space<vmem_shared>>)
        tpu.yield
      }) : () -> ()
      %mul3A_142 = arith.constant 7 : i32
      %mul3A_143 = arith.muli %while3A_119, %mul3A_142 : i32
      %add3A_144 = arith.constant 1 : i32
      %add3A_145 = arith.addi %mul3A_143, %add3A_144 : i32
      %dma_wait3A_146 = arith.constant 0 : i32
      %dma_wait3A_147 = tpu.memref_slice %arg7[%add3A_145, %dma_wait3A_146] : memref<434x32xi32, #tpu.memory_space<vmem>> -> memref<1x32xi32, #tpu.memory_space<vmem>>
      %dma_wait3A_148 = tpu.memref_squeeze %dma_wait3A_147 : memref<1x32xi32, #tpu.memory_space<vmem>> -> memref<32xi32, #tpu.memory_space<vmem>>
      %dma_wait3A_149 = arith.constant 0 : i32
      %dma_wait3A_150 = arith.constant 0 : i32
      %dma_wait3A_151 = tpu.memref_slice %arg2[%dma_wait3A_149, %dma_wait3A_150] : memref<10112x64xf32, #tpu.memory_space<hbm>> -> memref<10112x64xf32, #tpu.memory_space<hbm>>
      tpu.wait_indirect_dma semaphore(%arg17 : memref<!tpu.dma_semaphore, #tpu.memory_space<semaphore_mem>>) src(%dma_wait3A_151 : memref<10112x64xf32, #tpu.memory_space<hbm>>) dst(%arg10 : memref<32x64xf32, #tpu.memory_space<vmem>>)
      %add3A_152 = arith.constant 7 : i32
      %add3A_153 = arith.addi %add3A_145, %add3A_152 : i32
      %sub3A_154 = arith.constant 1 : i32
      %sub3A_155 = arith.subi %add3A_153, %sub3A_154 : i32
      %sub3A_156 = arith.constant 1 : i32
      %sub3A_157 = arith.subi %select_n3A, %sub3A_156 : i32
      %min3A_158 = arith.minsi %sub3A_155, %sub3A_157 : i32
      %dma_start3A_159 = arith.constant 0 : i32
      %dma_start3A_160 = tpu.memref_slice %arg7[%min3A_158, %dma_start3A_159] : memref<434x32xi32, #tpu.memory_space<vmem>> -> memref<1x32xi32, #tpu.memory_space<vmem>>
      %dma_start3A_161 = tpu.memref_squeeze %dma_start3A_160 : memref<1x32xi32, #tpu.memory_space<vmem>> -> memref<32xi32, #tpu.memory_space<vmem>>
      %dma_start3A_162 = arith.constant 0 : i32
      %dma_start3A_163 = arith.constant 0 : i32
      %dma_start3A_164 = tpu.memref_slice %arg2[%dma_start3A_162, %dma_start3A_163] : memref<10112x64xf32, #tpu.memory_space<hbm>> -> memref<10112x64xf32, #tpu.memory_space<hbm>>
      tpu.enqueue_indirect_dma source(%dma_start3A_164 : memref<10112x64xf32, #tpu.memory_space<hbm>>) target(%arg9 : memref<32x64xf32, #tpu.memory_space<vmem>>) offsets(%dma_start3A_161 : memref<32xi32, #tpu.memory_space<vmem>>) semaphore(%arg16 : memref<!tpu.dma_semaphore, #tpu.memory_space<semaphore_mem>>)
      "tpu.region"() ({
        %run_scoped3A = tpu.sem_alloc : memref<!tpu.dma_semaphore, #tpu.memory_space<semaphore_mem>>
        %dma_start3A_280 = arith.constant 0 : i32
        %dma_start3A_281 = tpu.memref_slice %arg8[%add3A_145, %dma_start3A_280] : memref<434x32xi32, #tpu.memory_space<vmem>> -> memref<1x32xi32, #tpu.memory_space<vmem>>
        %dma_start3A_282 = tpu.memref_squeeze %dma_start3A_281 : memref<1x32xi32, #tpu.memory_space<vmem>> -> memref<32xi32, #tpu.memory_space<vmem>>
        %dma_start3A_283 = arith.constant 0 : i32
        %dma_start3A_284 = arith.constant 0 : i32
        %dma_start3A_285 = tpu.memref_slice %arg23[%dma_start3A_283, %dma_start3A_284] : memref<10112x64xf32, #tpu.memory_space<vmem_shared>> -> memref<10112x64xf32, #tpu.memory_space<vmem_shared>>
        tpu.enqueue_indirect_dma source(%arg10 : memref<32x64xf32, #tpu.memory_space<vmem>>) target(%dma_start3A_285 : memref<10112x64xf32, #tpu.memory_space<vmem_shared>>) offsets(%dma_start3A_282 : memref<32xi32, #tpu.memory_space<vmem>>) semaphore(%run_scoped3A : memref<!tpu.dma_semaphore, #tpu.memory_space<semaphore_mem>>) {add = true}
        %dma_wait3A_286 = arith.constant 0 : i32
        %dma_wait3A_287 = tpu.memref_slice %arg8[%add3A_145, %dma_wait3A_286] : memref<434x32xi32, #tpu.memory_space<vmem>> -> memref<1x32xi32, #tpu.memory_space<vmem>>
        %dma_wait3A_288 = tpu.memref_squeeze %dma_wait3A_287 : memref<1x32xi32, #tpu.memory_space<vmem>> -> memref<32xi32, #tpu.memory_space<vmem>>
        %dma_wait3A_289 = arith.constant 0 : i32
        %dma_wait3A_290 = arith.constant 0 : i32
        %dma_wait3A_291 = tpu.memref_slice %arg23[%dma_wait3A_289, %dma_wait3A_290] : memref<10112x64xf32, #tpu.memory_space<vmem_shared>> -> memref<10112x64xf32, #tpu.memory_space<vmem_shared>>
        tpu.wait_indirect_dma semaphore(%run_scoped3A : memref<!tpu.dma_semaphore, #tpu.memory_space<semaphore_mem>>) src(%arg10 : memref<32x64xf32, #tpu.memory_space<vmem>>) dst(%dma_wait3A_291 : memref<10112x64xf32, #tpu.memory_space<vmem_shared>>)
        tpu.yield
      }) : () -> ()
      %mul3A_165 = arith.constant 7 : i32
      %mul3A_166 = arith.muli %while3A_119, %mul3A_165 : i32
      %add3A_167 = arith.constant 2 : i32
      %add3A_168 = arith.addi %mul3A_166, %add3A_167 : i32
      %dma_wait3A_169 = arith.constant 0 : i32
      %dma_wait3A_170 = tpu.memref_slice %arg7[%add3A_168, %dma_wait3A_169] : memref<434x32xi32, #tpu.memory_space<vmem>> -> memref<1x32xi32, #tpu.memory_space<vmem>>
      %dma_wait3A_171 = tpu.memref_squeeze %dma_wait3A_170 : memref<1x32xi32, #tpu.memory_space<vmem>> -> memref<32xi32, #tpu.memory_space<vmem>>
      %dma_wait3A_172 = arith.constant 0 : i32
      %dma_wait3A_173 = arith.constant 0 : i32
      %dma_wait3A_174 = tpu.memref_slice %arg2[%dma_wait3A_172, %dma_wait3A_173] : memref<10112x64xf32, #tpu.memory_space<hbm>> -> memref<10112x64xf32, #tpu.memory_space<hbm>>
      tpu.wait_indirect_dma semaphore(%arg18 : memref<!tpu.dma_semaphore, #tpu.memory_space<semaphore_mem>>) src(%dma_wait3A_174 : memref<10112x64xf32, #tpu.memory_space<hbm>>) dst(%arg11 : memref<32x64xf32, #tpu.memory_space<vmem>>)
      %add3A_175 = arith.constant 7 : i32
      %add3A_176 = arith.addi %add3A_168, %add3A_175 : i32
      %sub3A_177 = arith.constant 1 : i32
      %sub3A_178 = arith.subi %add3A_176, %sub3A_177 : i32
      %sub3A_179 = arith.constant 1 : i32
      %sub3A_180 = arith.subi %select_n3A, %sub3A_179 : i32
      %min3A_181 = arith.minsi %sub3A_178, %sub3A_180 : i32
      %dma_start3A_182 = arith.constant 0 : i32
      %dma_start3A_183 = tpu.memref_slice %arg7[%min3A_181, %dma_start3A_182] : memref<434x32xi32, #tpu.memory_space<vmem>> -> memref<1x32xi32, #tpu.memory_space<vmem>>
      %dma_start3A_184 = tpu.memref_squeeze %dma_start3A_183 : memref<1x32xi32, #tpu.memory_space<vmem>> -> memref<32xi32, #tpu.memory_space<vmem>>
      %dma_start3A_185 = arith.constant 0 : i32
      %dma_start3A_186 = arith.constant 0 : i32
      %dma_start3A_187 = tpu.memref_slice %arg2[%dma_start3A_185, %dma_start3A_186] : memref<10112x64xf32, #tpu.memory_space<hbm>> -> memref<10112x64xf32, #tpu.memory_space<hbm>>
      tpu.enqueue_indirect_dma source(%dma_start3A_187 : memref<10112x64xf32, #tpu.memory_space<hbm>>) target(%arg10 : memref<32x64xf32, #tpu.memory_space<vmem>>) offsets(%dma_start3A_184 : memref<32xi32, #tpu.memory_space<vmem>>) semaphore(%arg17 : memref<!tpu.dma_semaphore, #tpu.memory_space<semaphore_mem>>)
      "tpu.region"() ({
        %run_scoped3A = tpu.sem_alloc : memref<!tpu.dma_semaphore, #tpu.memory_space<semaphore_mem>>
        %dma_start3A_280 = arith.constant 0 : i32
        %dma_start3A_281 = tpu.memref_slice %arg8[%add3A_168, %dma_start3A_280] : memref<434x32xi32, #tpu.memory_space<vmem>> -> memref<1x32xi32, #tpu.memory_space<vmem>>
        %dma_start3A_282 = tpu.memref_squeeze %dma_start3A_281 : memref<1x32xi32, #tpu.memory_space<vmem>> -> memref<32xi32, #tpu.memory_space<vmem>>
        %dma_start3A_283 = arith.constant 0 : i32
        %dma_start3A_284 = arith.constant 0 : i32
        %dma_start3A_285 = tpu.memref_slice %arg23[%dma_start3A_283, %dma_start3A_284] : memref<10112x64xf32, #tpu.memory_space<vmem_shared>> -> memref<10112x64xf32, #tpu.memory_space<vmem_shared>>
        tpu.enqueue_indirect_dma source(%arg11 : memref<32x64xf32, #tpu.memory_space<vmem>>) target(%dma_start3A_285 : memref<10112x64xf32, #tpu.memory_space<vmem_shared>>) offsets(%dma_start3A_282 : memref<32xi32, #tpu.memory_space<vmem>>) semaphore(%run_scoped3A : memref<!tpu.dma_semaphore, #tpu.memory_space<semaphore_mem>>) {add = true}
        %dma_wait3A_286 = arith.constant 0 : i32
        %dma_wait3A_287 = tpu.memref_slice %arg8[%add3A_168, %dma_wait3A_286] : memref<434x32xi32, #tpu.memory_space<vmem>> -> memref<1x32xi32, #tpu.memory_space<vmem>>
        %dma_wait3A_288 = tpu.memref_squeeze %dma_wait3A_287 : memref<1x32xi32, #tpu.memory_space<vmem>> -> memref<32xi32, #tpu.memory_space<vmem>>
        %dma_wait3A_289 = arith.constant 0 : i32
        %dma_wait3A_290 = arith.constant 0 : i32
        %dma_wait3A_291 = tpu.memref_slice %arg23[%dma_wait3A_289, %dma_wait3A_290] : memref<10112x64xf32, #tpu.memory_space<vmem_shared>> -> memref<10112x64xf32, #tpu.memory_space<vmem_shared>>
        tpu.wait_indirect_dma semaphore(%run_scoped3A : memref<!tpu.dma_semaphore, #tpu.memory_space<semaphore_mem>>) src(%arg11 : memref<32x64xf32, #tpu.memory_space<vmem>>) dst(%dma_wait3A_291 : memref<10112x64xf32, #tpu.memory_space<vmem_shared>>)
        tpu.yield
      }) : () -> ()
      %mul3A_188 = arith.constant 7 : i32
      %mul3A_189 = arith.muli %while3A_119, %mul3A_188 : i32
      %add3A_190 = arith.constant 3 : i32
      %add3A_191 = arith.addi %mul3A_189, %add3A_190 : i32
      %dma_wait3A_192 = arith.constant 0 : i32
      %dma_wait3A_193 = tpu.memref_slice %arg7[%add3A_191, %dma_wait3A_192] : memref<434x32xi32, #tpu.memory_space<vmem>> -> memref<1x32xi32, #tpu.memory_space<vmem>>
      %dma_wait3A_194 = tpu.memref_squeeze %dma_wait3A_193 : memref<1x32xi32, #tpu.memory_space<vmem>> -> memref<32xi32, #tpu.memory_space<vmem>>
      %dma_wait3A_195 = arith.constant 0 : i32
      %dma_wait3A_196 = arith.constant 0 : i32
      %dma_wait3A_197 = tpu.memref_slice %arg2[%dma_wait3A_195, %dma_wait3A_196] : memref<10112x64xf32, #tpu.memory_space<hbm>> -> memref<10112x64xf32, #tpu.memory_space<hbm>>
      tpu.wait_indirect_dma semaphore(%arg19 : memref<!tpu.dma_semaphore, #tpu.memory_space<semaphore_mem>>) src(%dma_wait3A_197 : memref<10112x64xf32, #tpu.memory_space<hbm>>) dst(%arg12 : memref<32x64xf32, #tpu.memory_space<vmem>>)
      %add3A_198 = arith.constant 7 : i32
      %add3A_199 = arith.addi %add3A_191, %add3A_198 : i32
      %sub3A_200 = arith.constant 1 : i32
      %sub3A_201 = arith.subi %add3A_199, %sub3A_200 : i32
      %sub3A_202 = arith.constant 1 : i32
      %sub3A_203 = arith.subi %select_n3A, %sub3A_202 : i32
      %min3A_204 = arith.minsi %sub3A_201, %sub3A_203 : i32
      %dma_start3A_205 = arith.constant 0 : i32
      %dma_start3A_206 = tpu.memref_slice %arg7[%min3A_204, %dma_start3A_205] : memref<434x32xi32, #tpu.memory_space<vmem>> -> memref<1x32xi32, #tpu.memory_space<vmem>>
      %dma_start3A_207 = tpu.memref_squeeze %dma_start3A_206 : memref<1x32xi32, #tpu.memory_space<vmem>> -> memref<32xi32, #tpu.memory_space<vmem>>
      %dma_start3A_208 = arith.constant 0 : i32
      %dma_start3A_209 = arith.constant 0 : i32
      %dma_start3A_210 = tpu.memref_slice %arg2[%dma_start3A_208, %dma_start3A_209] : memref<10112x64xf32, #tpu.memory_space<hbm>> -> memref<10112x64xf32, #tpu.memory_space<hbm>>
      tpu.enqueue_indirect_dma source(%dma_start3A_210 : memref<10112x64xf32, #tpu.memory_space<hbm>>) target(%arg11 : memref<32x64xf32, #tpu.memory_space<vmem>>) offsets(%dma_start3A_207 : memref<32xi32, #tpu.memory_space<vmem>>) semaphore(%arg18 : memref<!tpu.dma_semaphore, #tpu.memory_space<semaphore_mem>>)
      "tpu.region"() ({
        %run_scoped3A = tpu.sem_alloc : memref<!tpu.dma_semaphore, #tpu.memory_space<semaphore_mem>>
        %dma_start3A_280 = arith.constant 0 : i32
        %dma_start3A_281 = tpu.memref_slice %arg8[%add3A_191, %dma_start3A_280] : memref<434x32xi32, #tpu.memory_space<vmem>> -> memref<1x32xi32, #tpu.memory_space<vmem>>
        %dma_start3A_282 = tpu.memref_squeeze %dma_start3A_281 : memref<1x32xi32, #tpu.memory_space<vmem>> -> memref<32xi32, #tpu.memory_space<vmem>>
        %dma_start3A_283 = arith.constant 0 : i32
        %dma_start3A_284 = arith.constant 0 : i32
        %dma_start3A_285 = tpu.memref_slice %arg23[%dma_start3A_283, %dma_start3A_284] : memref<10112x64xf32, #tpu.memory_space<vmem_shared>> -> memref<10112x64xf32, #tpu.memory_space<vmem_shared>>
        tpu.enqueue_indirect_dma source(%arg12 : memref<32x64xf32, #tpu.memory_space<vmem>>) target(%dma_start3A_285 : memref<10112x64xf32, #tpu.memory_space<vmem_shared>>) offsets(%dma_start3A_282 : memref<32xi32, #tpu.memory_space<vmem>>) semaphore(%run_scoped3A : memref<!tpu.dma_semaphore, #tpu.memory_space<semaphore_mem>>) {add = true}
        %dma_wait3A_286 = arith.constant 0 : i32
        %dma_wait3A_287 = tpu.memref_slice %arg8[%add3A_191, %dma_wait3A_286] : memref<434x32xi32, #tpu.memory_space<vmem>> -> memref<1x32xi32, #tpu.memory_space<vmem>>
        %dma_wait3A_288 = tpu.memref_squeeze %dma_wait3A_287 : memref<1x32xi32, #tpu.memory_space<vmem>> -> memref<32xi32, #tpu.memory_space<vmem>>
        %dma_wait3A_289 = arith.constant 0 : i32
        %dma_wait3A_290 = arith.constant 0 : i32
        %dma_wait3A_291 = tpu.memref_slice %arg23[%dma_wait3A_289, %dma_wait3A_290] : memref<10112x64xf32, #tpu.memory_space<vmem_shared>> -> memref<10112x64xf32, #tpu.memory_space<vmem_shared>>
        tpu.wait_indirect_dma semaphore(%run_scoped3A : memref<!tpu.dma_semaphore, #tpu.memory_space<semaphore_mem>>) src(%arg12 : memref<32x64xf32, #tpu.memory_space<vmem>>) dst(%dma_wait3A_291 : memref<10112x64xf32, #tpu.memory_space<vmem_shared>>)
        tpu.yield
      }) : () -> ()
      %mul3A_211 = arith.constant 7 : i32
      %mul3A_212 = arith.muli %while3A_119, %mul3A_211 : i32
      %add3A_213 = arith.constant 4 : i32
      %add3A_214 = arith.addi %mul3A_212, %add3A_213 : i32
      %dma_wait3A_215 = arith.constant 0 : i32
      %dma_wait3A_216 = tpu.memref_slice %arg7[%add3A_214, %dma_wait3A_215] : memref<434x32xi32, #tpu.memory_space<vmem>> -> memref<1x32xi32, #tpu.memory_space<vmem>>
      %dma_wait3A_217 = tpu.memref_squeeze %dma_wait3A_216 : memref<1x32xi32, #tpu.memory_space<vmem>> -> memref<32xi32, #tpu.memory_space<vmem>>
      %dma_wait3A_218 = arith.constant 0 : i32
      %dma_wait3A_219 = arith.constant 0 : i32
      %dma_wait3A_220 = tpu.memref_slice %arg2[%dma_wait3A_218, %dma_wait3A_219] : memref<10112x64xf32, #tpu.memory_space<hbm>> -> memref<10112x64xf32, #tpu.memory_space<hbm>>
      tpu.wait_indirect_dma semaphore(%arg20 : memref<!tpu.dma_semaphore, #tpu.memory_space<semaphore_mem>>) src(%dma_wait3A_220 : memref<10112x64xf32, #tpu.memory_space<hbm>>) dst(%arg13 : memref<32x64xf32, #tpu.memory_space<vmem>>)
      %add3A_221 = arith.constant 7 : i32
      %add3A_222 = arith.addi %add3A_214, %add3A_221 : i32
      %sub3A_223 = arith.constant 1 : i32
      %sub3A_224 = arith.subi %add3A_222, %sub3A_223 : i32
      %sub3A_225 = arith.constant 1 : i32
      %sub3A_226 = arith.subi %select_n3A, %sub3A_225 : i32
      %min3A_227 = arith.minsi %sub3A_224, %sub3A_226 : i32
      %dma_start3A_228 = arith.constant 0 : i32
      %dma_start3A_229 = tpu.memref_slice %arg7[%min3A_227, %dma_start3A_228] : memref<434x32xi32, #tpu.memory_space<vmem>> -> memref<1x32xi32, #tpu.memory_space<vmem>>
      %dma_start3A_230 = tpu.memref_squeeze %dma_start3A_229 : memref<1x32xi32, #tpu.memory_space<vmem>> -> memref<32xi32, #tpu.memory_space<vmem>>
      %dma_start3A_231 = arith.constant 0 : i32
      %dma_start3A_232 = arith.constant 0 : i32
      %dma_start3A_233 = tpu.memref_slice %arg2[%dma_start3A_231, %dma_start3A_232] : memref<10112x64xf32, #tpu.memory_space<hbm>> -> memref<10112x64xf32, #tpu.memory_space<hbm>>
      tpu.enqueue_indirect_dma source(%dma_start3A_233 : memref<10112x64xf32, #tpu.memory_space<hbm>>) target(%arg12 : memref<32x64xf32, #tpu.memory_space<vmem>>) offsets(%dma_start3A_230 : memref<32xi32, #tpu.memory_space<vmem>>) semaphore(%arg19 : memref<!tpu.dma_semaphore, #tpu.memory_space<semaphore_mem>>)
      "tpu.region"() ({
        %run_scoped3A = tpu.sem_alloc : memref<!tpu.dma_semaphore, #tpu.memory_space<semaphore_mem>>
        %dma_start3A_280 = arith.constant 0 : i32
        %dma_start3A_281 = tpu.memref_slice %arg8[%add3A_214, %dma_start3A_280] : memref<434x32xi32, #tpu.memory_space<vmem>> -> memref<1x32xi32, #tpu.memory_space<vmem>>
        %dma_start3A_282 = tpu.memref_squeeze %dma_start3A_281 : memref<1x32xi32, #tpu.memory_space<vmem>> -> memref<32xi32, #tpu.memory_space<vmem>>
        %dma_start3A_283 = arith.constant 0 : i32
        %dma_start3A_284 = arith.constant 0 : i32
        %dma_start3A_285 = tpu.memref_slice %arg23[%dma_start3A_283, %dma_start3A_284] : memref<10112x64xf32, #tpu.memory_space<vmem_shared>> -> memref<10112x64xf32, #tpu.memory_space<vmem_shared>>
        tpu.enqueue_indirect_dma source(%arg13 : memref<32x64xf32, #tpu.memory_space<vmem>>) target(%dma_start3A_285 : memref<10112x64xf32, #tpu.memory_space<vmem_shared>>) offsets(%dma_start3A_282 : memref<32xi32, #tpu.memory_space<vmem>>) semaphore(%run_scoped3A : memref<!tpu.dma_semaphore, #tpu.memory_space<semaphore_mem>>) {add = true}
        %dma_wait3A_286 = arith.constant 0 : i32
        %dma_wait3A_287 = tpu.memref_slice %arg8[%add3A_214, %dma_wait3A_286] : memref<434x32xi32, #tpu.memory_space<vmem>> -> memref<1x32xi32, #tpu.memory_space<vmem>>
        %dma_wait3A_288 = tpu.memref_squeeze %dma_wait3A_287 : memref<1x32xi32, #tpu.memory_space<vmem>> -> memref<32xi32, #tpu.memory_space<vmem>>
        %dma_wait3A_289 = arith.constant 0 : i32
        %dma_wait3A_290 = arith.constant 0 : i32
        %dma_wait3A_291 = tpu.memref_slice %arg23[%dma_wait3A_289, %dma_wait3A_290] : memref<10112x64xf32, #tpu.memory_space<vmem_shared>> -> memref<10112x64xf32, #tpu.memory_space<vmem_shared>>
        tpu.wait_indirect_dma semaphore(%run_scoped3A : memref<!tpu.dma_semaphore, #tpu.memory_space<semaphore_mem>>) src(%arg13 : memref<32x64xf32, #tpu.memory_space<vmem>>) dst(%dma_wait3A_291 : memref<10112x64xf32, #tpu.memory_space<vmem_shared>>)
        tpu.yield
      }) : () -> ()
      %mul3A_234 = arith.constant 7 : i32
      %mul3A_235 = arith.muli %while3A_119, %mul3A_234 : i32
      %add3A_236 = arith.constant 5 : i32
      %add3A_237 = arith.addi %mul3A_235, %add3A_236 : i32
      %dma_wait3A_238 = arith.constant 0 : i32
      %dma_wait3A_239 = tpu.memref_slice %arg7[%add3A_237, %dma_wait3A_238] : memref<434x32xi32, #tpu.memory_space<vmem>> -> memref<1x32xi32, #tpu.memory_space<vmem>>
      %dma_wait3A_240 = tpu.memref_squeeze %dma_wait3A_239 : memref<1x32xi32, #tpu.memory_space<vmem>> -> memref<32xi32, #tpu.memory_space<vmem>>
      %dma_wait3A_241 = arith.constant 0 : i32
      %dma_wait3A_242 = arith.constant 0 : i32
      %dma_wait3A_243 = tpu.memref_slice %arg2[%dma_wait3A_241, %dma_wait3A_242] : memref<10112x64xf32, #tpu.memory_space<hbm>> -> memref<10112x64xf32, #tpu.memory_space<hbm>>
      tpu.wait_indirect_dma semaphore(%arg21 : memref<!tpu.dma_semaphore, #tpu.memory_space<semaphore_mem>>) src(%dma_wait3A_243 : memref<10112x64xf32, #tpu.memory_space<hbm>>) dst(%arg14 : memref<32x64xf32, #tpu.memory_space<vmem>>)
      %add3A_244 = arith.constant 7 : i32
      %add3A_245 = arith.addi %add3A_237, %add3A_244 : i32
      %sub3A_246 = arith.constant 1 : i32
      %sub3A_247 = arith.subi %add3A_245, %sub3A_246 : i32
      %sub3A_248 = arith.constant 1 : i32
      %sub3A_249 = arith.subi %select_n3A, %sub3A_248 : i32
      %min3A_250 = arith.minsi %sub3A_247, %sub3A_249 : i32
      %dma_start3A_251 = arith.constant 0 : i32
      %dma_start3A_252 = tpu.memref_slice %arg7[%min3A_250, %dma_start3A_251] : memref<434x32xi32, #tpu.memory_space<vmem>> -> memref<1x32xi32, #tpu.memory_space<vmem>>
      %dma_start3A_253 = tpu.memref_squeeze %dma_start3A_252 : memref<1x32xi32, #tpu.memory_space<vmem>> -> memref<32xi32, #tpu.memory_space<vmem>>
      %dma_start3A_254 = arith.constant 0 : i32
      %dma_start3A_255 = arith.constant 0 : i32
      %dma_start3A_256 = tpu.memref_slice %arg2[%dma_start3A_254, %dma_start3A_255] : memref<10112x64xf32, #tpu.memory_space<hbm>> -> memref<10112x64xf32, #tpu.memory_space<hbm>>
      tpu.enqueue_indirect_dma source(%dma_start3A_256 : memref<10112x64xf32, #tpu.memory_space<hbm>>) target(%arg13 : memref<32x64xf32, #tpu.memory_space<vmem>>) offsets(%dma_start3A_253 : memref<32xi32, #tpu.memory_space<vmem>>) semaphore(%arg20 : memref<!tpu.dma_semaphore, #tpu.memory_space<semaphore_mem>>)
      "tpu.region"() ({
        %run_scoped3A = tpu.sem_alloc : memref<!tpu.dma_semaphore, #tpu.memory_space<semaphore_mem>>
        %dma_start3A_280 = arith.constant 0 : i32
        %dma_start3A_281 = tpu.memref_slice %arg8[%add3A_237, %dma_start3A_280] : memref<434x32xi32, #tpu.memory_space<vmem>> -> memref<1x32xi32, #tpu.memory_space<vmem>>
        %dma_start3A_282 = tpu.memref_squeeze %dma_start3A_281 : memref<1x32xi32, #tpu.memory_space<vmem>> -> memref<32xi32, #tpu.memory_space<vmem>>
        %dma_start3A_283 = arith.constant 0 : i32
        %dma_start3A_284 = arith.constant 0 : i32
        %dma_start3A_285 = tpu.memref_slice %arg23[%dma_start3A_283, %dma_start3A_284] : memref<10112x64xf32, #tpu.memory_space<vmem_shared>> -> memref<10112x64xf32, #tpu.memory_space<vmem_shared>>
        tpu.enqueue_indirect_dma source(%arg14 : memref<32x64xf32, #tpu.memory_space<vmem>>) target(%dma_start3A_285 : memref<10112x64xf32, #tpu.memory_space<vmem_shared>>) offsets(%dma_start3A_282 : memref<32xi32, #tpu.memory_space<vmem>>) semaphore(%run_scoped3A : memref<!tpu.dma_semaphore, #tpu.memory_space<semaphore_mem>>) {add = true}
        %dma_wait3A_286 = arith.constant 0 : i32
        %dma_wait3A_287 = tpu.memref_slice %arg8[%add3A_237, %dma_wait3A_286] : memref<434x32xi32, #tpu.memory_space<vmem>> -> memref<1x32xi32, #tpu.memory_space<vmem>>
        %dma_wait3A_288 = tpu.memref_squeeze %dma_wait3A_287 : memref<1x32xi32, #tpu.memory_space<vmem>> -> memref<32xi32, #tpu.memory_space<vmem>>
        %dma_wait3A_289 = arith.constant 0 : i32
        %dma_wait3A_290 = arith.constant 0 : i32
        %dma_wait3A_291 = tpu.memref_slice %arg23[%dma_wait3A_289, %dma_wait3A_290] : memref<10112x64xf32, #tpu.memory_space<vmem_shared>> -> memref<10112x64xf32, #tpu.memory_space<vmem_shared>>
        tpu.wait_indirect_dma semaphore(%run_scoped3A : memref<!tpu.dma_semaphore, #tpu.memory_space<semaphore_mem>>) src(%arg14 : memref<32x64xf32, #tpu.memory_space<vmem>>) dst(%dma_wait3A_291 : memref<10112x64xf32, #tpu.memory_space<vmem_shared>>)
        tpu.yield
      }) : () -> ()
      %mul3A_257 = arith.constant 7 : i32
      %mul3A_258 = arith.muli %while3A_119, %mul3A_257 : i32
      %add3A_259 = arith.constant 6 : i32
      %add3A_260 = arith.addi %mul3A_258, %add3A_259 : i32
      %dma_wait3A_261 = arith.constant 0 : i32
      %dma_wait3A_262 = tpu.memref_slice %arg7[%add3A_260, %dma_wait3A_261] : memref<434x32xi32, #tpu.memory_space<vmem>> -> memref<1x32xi32, #tpu.memory_space<vmem>>
      %dma_wait3A_263 = tpu.memref_squeeze %dma_wait3A_262 : memref<1x32xi32, #tpu.memory_space<vmem>> -> memref<32xi32, #tpu.memory_space<vmem>>
      %dma_wait3A_264 = arith.constant 0 : i32
      %dma_wait3A_265 = arith.constant 0 : i32
      %dma_wait3A_266 = tpu.memref_slice %arg2[%dma_wait3A_264, %dma_wait3A_265] : memref<10112x64xf32, #tpu.memory_space<hbm>> -> memref<10112x64xf32, #tpu.memory_space<hbm>>
      tpu.wait_indirect_dma semaphore(%arg22 : memref<!tpu.dma_semaphore, #tpu.memory_space<semaphore_mem>>) src(%dma_wait3A_266 : memref<10112x64xf32, #tpu.memory_space<hbm>>) dst(%arg15 : memref<32x64xf32, #tpu.memory_space<vmem>>)
      %add3A_267 = arith.constant 7 : i32
      %add3A_268 = arith.addi %add3A_260, %add3A_267 : i32
      %sub3A_269 = arith.constant 1 : i32
      %sub3A_270 = arith.subi %add3A_268, %sub3A_269 : i32
      %sub3A_271 = arith.constant 1 : i32
      %sub3A_272 = arith.subi %select_n3A, %sub3A_271 : i32
      %min3A_273 = arith.minsi %sub3A_270, %sub3A_272 : i32
      %dma_start3A_274 = arith.constant 0 : i32
      %dma_start3A_275 = tpu.memref_slice %arg7[%min3A_273, %dma_start3A_274] : memref<434x32xi32, #tpu.memory_space<vmem>> -> memref<1x32xi32, #tpu.memory_space<vmem>>
      %dma_start3A_276 = tpu.memref_squeeze %dma_start3A_275 : memref<1x32xi32, #tpu.memory_space<vmem>> -> memref<32xi32, #tpu.memory_space<vmem>>
      %dma_start3A_277 = arith.constant 0 : i32
      %dma_start3A_278 = arith.constant 0 : i32
      %dma_start3A_279 = tpu.memref_slice %arg2[%dma_start3A_277, %dma_start3A_278] : memref<10112x64xf32, #tpu.memory_space<hbm>> -> memref<10112x64xf32, #tpu.memory_space<hbm>>
      tpu.enqueue_indirect_dma source(%dma_start3A_279 : memref<10112x64xf32, #tpu.memory_space<hbm>>) target(%arg14 : memref<32x64xf32, #tpu.memory_space<vmem>>) offsets(%dma_start3A_276 : memref<32xi32, #tpu.memory_space<vmem>>) semaphore(%arg21 : memref<!tpu.dma_semaphore, #tpu.memory_space<semaphore_mem>>)
      "tpu.region"() ({
        %run_scoped3A = tpu.sem_alloc : memref<!tpu.dma_semaphore, #tpu.memory_space<semaphore_mem>>
        %dma_start3A_280 = arith.constant 0 : i32
        %dma_start3A_281 = tpu.memref_slice %arg8[%add3A_260, %dma_start3A_280] : memref<434x32xi32, #tpu.memory_space<vmem>> -> memref<1x32xi32, #tpu.memory_space<vmem>>
        %dma_start3A_282 = tpu.memref_squeeze %dma_start3A_281 : memref<1x32xi32, #tpu.memory_space<vmem>> -> memref<32xi32, #tpu.memory_space<vmem>>
        %dma_start3A_283 = arith.constant 0 : i32
        %dma_start3A_284 = arith.constant 0 : i32
        %dma_start3A_285 = tpu.memref_slice %arg23[%dma_start3A_283, %dma_start3A_284] : memref<10112x64xf32, #tpu.memory_space<vmem_shared>> -> memref<10112x64xf32, #tpu.memory_space<vmem_shared>>
        tpu.enqueue_indirect_dma source(%arg15 : memref<32x64xf32, #tpu.memory_space<vmem>>) target(%dma_start3A_285 : memref<10112x64xf32, #tpu.memory_space<vmem_shared>>) offsets(%dma_start3A_282 : memref<32xi32, #tpu.memory_space<vmem>>) semaphore(%run_scoped3A : memref<!tpu.dma_semaphore, #tpu.memory_space<semaphore_mem>>) {add = true}
        %dma_wait3A_286 = arith.constant 0 : i32
        %dma_wait3A_287 = tpu.memref_slice %arg8[%add3A_260, %dma_wait3A_286] : memref<434x32xi32, #tpu.memory_space<vmem>> -> memref<1x32xi32, #tpu.memory_space<vmem>>
        %dma_wait3A_288 = tpu.memref_squeeze %dma_wait3A_287 : memref<1x32xi32, #tpu.memory_space<vmem>> -> memref<32xi32, #tpu.memory_space<vmem>>
        %dma_wait3A_289 = arith.constant 0 : i32
        %dma_wait3A_290 = arith.constant 0 : i32
        %dma_wait3A_291 = tpu.memref_slice %arg23[%dma_wait3A_289, %dma_wait3A_290] : memref<10112x64xf32, #tpu.memory_space<vmem_shared>> -> memref<10112x64xf32, #tpu.memory_space<vmem_shared>>
        tpu.wait_indirect_dma semaphore(%run_scoped3A : memref<!tpu.dma_semaphore, #tpu.memory_space<semaphore_mem>>) src(%arg15 : memref<32x64xf32, #tpu.memory_space<vmem>>) dst(%dma_wait3A_291 : memref<10112x64xf32, #tpu.memory_space<vmem_shared>>)
        tpu.yield
      }) : () -> ()
    }
    %while3A_72 = arith.constant 1 : i32
    scf.for %while3A_119 = %while3A_70 to %while3A_66 step %while3A_72  : i32 {
      %mul3A_120 = arith.constant 7 : i32
      %mul3A_121 = arith.muli %while3A_119, %mul3A_120 : i32
      %add3A_122 = arith.constant 0 : i32
      %add3A_123 = arith.addi %mul3A_121, %add3A_122 : i32
      %dma_wait3A_124 = arith.constant 0 : i32
      %dma_wait3A_125 = tpu.memref_slice %arg7[%add3A_123, %dma_wait3A_124] : memref<434x32xi32, #tpu.memory_space<vmem>> -> memref<1x32xi32, #tpu.memory_space<vmem>>
      %dma_wait3A_126 = tpu.memref_squeeze %dma_wait3A_125 : memref<1x32xi32, #tpu.memory_space<vmem>> -> memref<32xi32, #tpu.memory_space<vmem>>
      %dma_wait3A_127 = arith.constant 0 : i32
      %dma_wait3A_128 = arith.constant 0 : i32
      %dma_wait3A_129 = tpu.memref_slice %arg2[%dma_wait3A_127, %dma_wait3A_128] : memref<10112x64xf32, #tpu.memory_space<hbm>> -> memref<10112x64xf32, #tpu.memory_space<hbm>>
      tpu.wait_indirect_dma semaphore(%arg16 : memref<!tpu.dma_semaphore, #tpu.memory_space<semaphore_mem>>) src(%dma_wait3A_129 : memref<10112x64xf32, #tpu.memory_space<hbm>>) dst(%arg9 : memref<32x64xf32, #tpu.memory_space<vmem>>)
      %add3A_130 = arith.constant 7 : i32
      %add3A_131 = arith.addi %add3A_123, %add3A_130 : i32
      %sub3A_132 = arith.constant 1 : i32
      %sub3A_133 = arith.subi %add3A_131, %sub3A_132 : i32
      %sub3A_134 = arith.constant 1 : i32
      %sub3A_135 = arith.subi %select_n3A, %sub3A_134 : i32
      %min3A = arith.minsi %sub3A_133, %sub3A_135 : i32
      %dma_start3A_136 = arith.constant 0 : i32
      %dma_start3A_137 = tpu.memref_slice %arg7[%min3A, %dma_start3A_136] : memref<434x32xi32, #tpu.memory_space<vmem>> -> memref<1x32xi32, #tpu.memory_space<vmem>>
      %dma_start3A_138 = tpu.memref_squeeze %dma_start3A_137 : memref<1x32xi32, #tpu.memory_space<vmem>> -> memref<32xi32, #tpu.memory_space<vmem>>
      %dma_start3A_139 = arith.constant 0 : i32
      %dma_start3A_140 = arith.constant 0 : i32
      %dma_start3A_141 = tpu.memref_slice %arg2[%dma_start3A_139, %dma_start3A_140] : memref<10112x64xf32, #tpu.memory_space<hbm>> -> memref<10112x64xf32, #tpu.memory_space<hbm>>
      tpu.enqueue_indirect_dma source(%dma_start3A_141 : memref<10112x64xf32, #tpu.memory_space<hbm>>) target(%arg15 : memref<32x64xf32, #tpu.memory_space<vmem>>) offsets(%dma_start3A_138 : memref<32xi32, #tpu.memory_space<vmem>>) semaphore(%arg22 : memref<!tpu.dma_semaphore, #tpu.memory_space<semaphore_mem>>)
      "tpu.region"() ({
        %run_scoped3A = tpu.sem_alloc : memref<!tpu.dma_semaphore, #tpu.memory_space<semaphore_mem>>
        %dma_start3A_280 = arith.constant 0 : i32
        %dma_start3A_281 = tpu.memref_slice %arg8[%add3A_123, %dma_start3A_280] : memref<434x32xi32, #tpu.memory_space<vmem>> -> memref<1x32xi32, #tpu.memory_space<vmem>>
        %dma_start3A_282 = tpu.memref_squeeze %dma_start3A_281 : memref<1x32xi32, #tpu.memory_space<vmem>> -> memref<32xi32, #tpu.memory_space<vmem>>
        %dma_start3A_283 = arith.constant 0 : i32
        %dma_start3A_284 = arith.constant 0 : i32
        %dma_start3A_285 = tpu.memref_slice %arg23[%dma_start3A_283, %dma_start3A_284] : memref<10112x64xf32, #tpu.memory_space<vmem_shared>> -> memref<10112x64xf32, #tpu.memory_space<vmem_shared>>
        tpu.enqueue_indirect_dma source(%arg9 : memref<32x64xf32, #tpu.memory_space<vmem>>) target(%dma_start3A_285 : memref<10112x64xf32, #tpu.memory_space<vmem_shared>>) offsets(%dma_start3A_282 : memref<32xi32, #tpu.memory_space<vmem>>) semaphore(%run_scoped3A : memref<!tpu.dma_semaphore, #tpu.memory_space<semaphore_mem>>) {add = true}
        %dma_wait3A_286 = arith.constant 0 : i32
        %dma_wait3A_287 = tpu.memref_slice %arg8[%add3A_123, %dma_wait3A_286] : memref<434x32xi32, #tpu.memory_space<vmem>> -> memref<1x32xi32, #tpu.memory_space<vmem>>
        %dma_wait3A_288 = tpu.memref_squeeze %dma_wait3A_287 : memref<1x32xi32, #tpu.memory_space<vmem>> -> memref<32xi32, #tpu.memory_space<vmem>>
        %dma_wait3A_289 = arith.constant 0 : i32
        %dma_wait3A_290 = arith.constant 0 : i32
        %dma_wait3A_291 = tpu.memref_slice %arg23[%dma_wait3A_289, %dma_wait3A_290] : memref<10112x64xf32, #tpu.memory_space<vmem_shared>> -> memref<10112x64xf32, #tpu.memory_space<vmem_shared>>
        tpu.wait_indirect_dma semaphore(%run_scoped3A : memref<!tpu.dma_semaphore, #tpu.memory_space<semaphore_mem>>) src(%arg9 : memref<32x64xf32, #tpu.memory_space<vmem>>) dst(%dma_wait3A_291 : memref<10112x64xf32, #tpu.memory_space<vmem_shared>>)
        tpu.yield
      }) : () -> ()
      %mul3A_142 = arith.constant 7 : i32
      %mul3A_143 = arith.muli %while3A_119, %mul3A_142 : i32
      %add3A_144 = arith.constant 1 : i32
      %add3A_145 = arith.addi %mul3A_143, %add3A_144 : i32
      %dma_wait3A_146 = arith.constant 0 : i32
      %dma_wait3A_147 = tpu.memref_slice %arg7[%add3A_145, %dma_wait3A_146] : memref<434x32xi32, #tpu.memory_space<vmem>> -> memref<1x32xi32, #tpu.memory_space<vmem>>
      %dma_wait3A_148 = tpu.memref_squeeze %dma_wait3A_147 : memref<1x32xi32, #tpu.memory_space<vmem>> -> memref<32xi32, #tpu.memory_space<vmem>>
      %dma_wait3A_149 = arith.constant 0 : i32
      %dma_wait3A_150 = arith.constant 0 : i32
      %dma_wait3A_151 = tpu.memref_slice %arg2[%dma_wait3A_149, %dma_wait3A_150] : memref<10112x64xf32, #tpu.memory_space<hbm>> -> memref<10112x64xf32, #tpu.memory_space<hbm>>
      tpu.wait_indirect_dma semaphore(%arg17 : memref<!tpu.dma_semaphore, #tpu.memory_space<semaphore_mem>>) src(%dma_wait3A_151 : memref<10112x64xf32, #tpu.memory_space<hbm>>) dst(%arg10 : memref<32x64xf32, #tpu.memory_space<vmem>>)
      %add3A_152 = arith.constant 7 : i32
      %add3A_153 = arith.addi %add3A_145, %add3A_152 : i32
      %sub3A_154 = arith.constant 1 : i32
      %sub3A_155 = arith.subi %add3A_153, %sub3A_154 : i32
      %sub3A_156 = arith.constant 1 : i32
      %sub3A_157 = arith.subi %select_n3A, %sub3A_156 : i32
      %min3A_158 = arith.minsi %sub3A_155, %sub3A_157 : i32
      %dma_start3A_159 = arith.constant 0 : i32
      %dma_start3A_160 = tpu.memref_slice %arg7[%min3A_158, %dma_start3A_159] : memref<434x32xi32, #tpu.memory_space<vmem>> -> memref<1x32xi32, #tpu.memory_space<vmem>>
      %dma_start3A_161 = tpu.memref_squeeze %dma_start3A_160 : memref<1x32xi32, #tpu.memory_space<vmem>> -> memref<32xi32, #tpu.memory_space<vmem>>
      %dma_start3A_162 = arith.constant 0 : i32
      %dma_start3A_163 = arith.constant 0 : i32
      %dma_start3A_164 = tpu.memref_slice %arg2[%dma_start3A_162, %dma_start3A_163] : memref<10112x64xf32, #tpu.memory_space<hbm>> -> memref<10112x64xf32, #tpu.memory_space<hbm>>
      tpu.enqueue_indirect_dma source(%dma_start3A_164 : memref<10112x64xf32, #tpu.memory_space<hbm>>) target(%arg9 : memref<32x64xf32, #tpu.memory_space<vmem>>) offsets(%dma_start3A_161 : memref<32xi32, #tpu.memory_space<vmem>>) semaphore(%arg16 : memref<!tpu.dma_semaphore, #tpu.memory_space<semaphore_mem>>)
      "tpu.region"() ({
        %run_scoped3A = tpu.sem_alloc : memref<!tpu.dma_semaphore, #tpu.memory_space<semaphore_mem>>
        %dma_start3A_280 = arith.constant 0 : i32
        %dma_start3A_281 = tpu.memref_slice %arg8[%add3A_145, %dma_start3A_280] : memref<434x32xi32, #tpu.memory_space<vmem>> -> memref<1x32xi32, #tpu.memory_space<vmem>>
        %dma_start3A_282 = tpu.memref_squeeze %dma_start3A_281 : memref<1x32xi32, #tpu.memory_space<vmem>> -> memref<32xi32, #tpu.memory_space<vmem>>
        %dma_start3A_283 = arith.constant 0 : i32
        %dma_start3A_284 = arith.constant 0 : i32
        %dma_start3A_285 = tpu.memref_slice %arg23[%dma_start3A_283, %dma_start3A_284] : memref<10112x64xf32, #tpu.memory_space<vmem_shared>> -> memref<10112x64xf32, #tpu.memory_space<vmem_shared>>
        tpu.enqueue_indirect_dma source(%arg10 : memref<32x64xf32, #tpu.memory_space<vmem>>) target(%dma_start3A_285 : memref<10112x64xf32, #tpu.memory_space<vmem_shared>>) offsets(%dma_start3A_282 : memref<32xi32, #tpu.memory_space<vmem>>) semaphore(%run_scoped3A : memref<!tpu.dma_semaphore, #tpu.memory_space<semaphore_mem>>) {add = true}
        %dma_wait3A_286 = arith.constant 0 : i32
        %dma_wait3A_287 = tpu.memref_slice %arg8[%add3A_145, %dma_wait3A_286] : memref<434x32xi32, #tpu.memory_space<vmem>> -> memref<1x32xi32, #tpu.memory_space<vmem>>
        %dma_wait3A_288 = tpu.memref_squeeze %dma_wait3A_287 : memref<1x32xi32, #tpu.memory_space<vmem>> -> memref<32xi32, #tpu.memory_space<vmem>>
        %dma_wait3A_289 = arith.constant 0 : i32
        %dma_wait3A_290 = arith.constant 0 : i32
        %dma_wait3A_291 = tpu.memref_slice %arg23[%dma_wait3A_289, %dma_wait3A_290] : memref<10112x64xf32, #tpu.memory_space<vmem_shared>> -> memref<10112x64xf32, #tpu.memory_space<vmem_shared>>
        tpu.wait_indirect_dma semaphore(%run_scoped3A : memref<!tpu.dma_semaphore, #tpu.memory_space<semaphore_mem>>) src(%arg10 : memref<32x64xf32, #tpu.memory_space<vmem>>) dst(%dma_wait3A_291 : memref<10112x64xf32, #tpu.memory_space<vmem_shared>>)
        tpu.yield
      }) : () -> ()
      %mul3A_165 = arith.constant 7 : i32
      %mul3A_166 = arith.muli %while3A_119, %mul3A_165 : i32
      %add3A_167 = arith.constant 2 : i32
      %add3A_168 = arith.addi %mul3A_166, %add3A_167 : i32
      %dma_wait3A_169 = arith.constant 0 : i32
      %dma_wait3A_170 = tpu.memref_slice %arg7[%add3A_168, %dma_wait3A_169] : memref<434x32xi32, #tpu.memory_space<vmem>> -> memref<1x32xi32, #tpu.memory_space<vmem>>
      %dma_wait3A_171 = tpu.memref_squeeze %dma_wait3A_170 : memref<1x32xi32, #tpu.memory_space<vmem>> -> memref<32xi32, #tpu.memory_space<vmem>>
      %dma_wait3A_172 = arith.constant 0 : i32
      %dma_wait3A_173 = arith.constant 0 : i32
      %dma_wait3A_174 = tpu.memref_slice %arg2[%dma_wait3A_172, %dma_wait3A_173] : memref<10112x64xf32, #tpu.memory_space<hbm>> -> memref<10112x64xf32, #tpu.memory_space<hbm>>
      tpu.wait_indirect_dma semaphore(%arg18 : memref<!tpu.dma_semaphore, #tpu.memory_space<semaphore_mem>>) src(%dma_wait3A_174 : memref<10112x64xf32, #tpu.memory_space<hbm>>) dst(%arg11 : memref<32x64xf32, #tpu.memory_space<vmem>>)
      %add3A_175 = arith.constant 7 : i32
      %add3A_176 = arith.addi %add3A_168, %add3A_175 : i32
      %sub3A_177 = arith.constant 1 : i32
      %sub3A_178 = arith.subi %add3A_176, %sub3A_177 : i32
      %sub3A_179 = arith.constant 1 : i32
      %sub3A_180 = arith.subi %select_n3A, %sub3A_179 : i32
      %min3A_181 = arith.minsi %sub3A_178, %sub3A_180 : i32
      %dma_start3A_182 = arith.constant 0 : i32
      %dma_start3A_183 = tpu.memref_slice %arg7[%min3A_181, %dma_start3A_182] : memref<434x32xi32, #tpu.memory_space<vmem>> -> memref<1x32xi32, #tpu.memory_space<vmem>>
      %dma_start3A_184 = tpu.memref_squeeze %dma_start3A_183 : memref<1x32xi32, #tpu.memory_space<vmem>> -> memref<32xi32, #tpu.memory_space<vmem>>
      %dma_start3A_185 = arith.constant 0 : i32
      %dma_start3A_186 = arith.constant 0 : i32
      %dma_start3A_187 = tpu.memref_slice %arg2[%dma_start3A_185, %dma_start3A_186] : memref<10112x64xf32, #tpu.memory_space<hbm>> -> memref<10112x64xf32, #tpu.memory_space<hbm>>
      tpu.enqueue_indirect_dma source(%dma_start3A_187 : memref<10112x64xf32, #tpu.memory_space<hbm>>) target(%arg10 : memref<32x64xf32, #tpu.memory_space<vmem>>) offsets(%dma_start3A_184 : memref<32xi32, #tpu.memory_space<vmem>>) semaphore(%arg17 : memref<!tpu.dma_semaphore, #tpu.memory_space<semaphore_mem>>)
      "tpu.region"() ({
        %run_scoped3A = tpu.sem_alloc : memref<!tpu.dma_semaphore, #tpu.memory_space<semaphore_mem>>
        %dma_start3A_280 = arith.constant 0 : i32
        %dma_start3A_281 = tpu.memref_slice %arg8[%add3A_168, %dma_start3A_280] : memref<434x32xi32, #tpu.memory_space<vmem>> -> memref<1x32xi32, #tpu.memory_space<vmem>>
        %dma_start3A_282 = tpu.memref_squeeze %dma_start3A_281 : memref<1x32xi32, #tpu.memory_space<vmem>> -> memref<32xi32, #tpu.memory_space<vmem>>
        %dma_start3A_283 = arith.constant 0 : i32
        %dma_start3A_284 = arith.constant 0 : i32
        %dma_start3A_285 = tpu.memref_slice %arg23[%dma_start3A_283, %dma_start3A_284] : memref<10112x64xf32, #tpu.memory_space<vmem_shared>> -> memref<10112x64xf32, #tpu.memory_space<vmem_shared>>
        tpu.enqueue_indirect_dma source(%arg11 : memref<32x64xf32, #tpu.memory_space<vmem>>) target(%dma_start3A_285 : memref<10112x64xf32, #tpu.memory_space<vmem_shared>>) offsets(%dma_start3A_282 : memref<32xi32, #tpu.memory_space<vmem>>) semaphore(%run_scoped3A : memref<!tpu.dma_semaphore, #tpu.memory_space<semaphore_mem>>) {add = true}
        %dma_wait3A_286 = arith.constant 0 : i32
        %dma_wait3A_287 = tpu.memref_slice %arg8[%add3A_168, %dma_wait3A_286] : memref<434x32xi32, #tpu.memory_space<vmem>> -> memref<1x32xi32, #tpu.memory_space<vmem>>
        %dma_wait3A_288 = tpu.memref_squeeze %dma_wait3A_287 : memref<1x32xi32, #tpu.memory_space<vmem>> -> memref<32xi32, #tpu.memory_space<vmem>>
        %dma_wait3A_289 = arith.constant 0 : i32
        %dma_wait3A_290 = arith.constant 0 : i32
        %dma_wait3A_291 = tpu.memref_slice %arg23[%dma_wait3A_289, %dma_wait3A_290] : memref<10112x64xf32, #tpu.memory_space<vmem_shared>> -> memref<10112x64xf32, #tpu.memory_space<vmem_shared>>
        tpu.wait_indirect_dma semaphore(%run_scoped3A : memref<!tpu.dma_semaphore, #tpu.memory_space<semaphore_mem>>) src(%arg11 : memref<32x64xf32, #tpu.memory_space<vmem>>) dst(%dma_wait3A_291 : memref<10112x64xf32, #tpu.memory_space<vmem_shared>>)
        tpu.yield
      }) : () -> ()
      %mul3A_188 = arith.constant 7 : i32
      %mul3A_189 = arith.muli %while3A_119, %mul3A_188 : i32
      %add3A_190 = arith.constant 3 : i32
      %add3A_191 = arith.addi %mul3A_189, %add3A_190 : i32
      %dma_wait3A_192 = arith.constant 0 : i32
      %dma_wait3A_193 = tpu.memref_slice %arg7[%add3A_191, %dma_wait3A_192] : memref<434x32xi32, #tpu.memory_space<vmem>> -> memref<1x32xi32, #tpu.memory_space<vmem>>
      %dma_wait3A_194 = tpu.memref_squeeze %dma_wait3A_193 : memref<1x32xi32, #tpu.memory_space<vmem>> -> memref<32xi32, #tpu.memory_space<vmem>>
      %dma_wait3A_195 = arith.constant 0 : i32
      %dma_wait3A_196 = arith.constant 0 : i32
      %dma_wait3A_197 = tpu.memref_slice %arg2[%dma_wait3A_195, %dma_wait3A_196] : memref<10112x64xf32, #tpu.memory_space<hbm>> -> memref<10112x64xf32, #tpu.memory_space<hbm>>
      tpu.wait_indirect_dma semaphore(%arg19 : memref<!tpu.dma_semaphore, #tpu.memory_space<semaphore_mem>>) src(%dma_wait3A_197 : memref<10112x64xf32, #tpu.memory_space<hbm>>) dst(%arg12 : memref<32x64xf32, #tpu.memory_space<vmem>>)
      %add3A_198 = arith.constant 7 : i32
      %add3A_199 = arith.addi %add3A_191, %add3A_198 : i32
      %sub3A_200 = arith.constant 1 : i32
      %sub3A_201 = arith.subi %add3A_199, %sub3A_200 : i32
      %sub3A_202 = arith.constant 1 : i32
      %sub3A_203 = arith.subi %select_n3A, %sub3A_202 : i32
      %min3A_204 = arith.minsi %sub3A_201, %sub3A_203 : i32
      %dma_start3A_205 = arith.constant 0 : i32
      %dma_start3A_206 = tpu.memref_slice %arg7[%min3A_204, %dma_start3A_205] : memref<434x32xi32, #tpu.memory_space<vmem>> -> memref<1x32xi32, #tpu.memory_space<vmem>>
      %dma_start3A_207 = tpu.memref_squeeze %dma_start3A_206 : memref<1x32xi32, #tpu.memory_space<vmem>> -> memref<32xi32, #tpu.memory_space<vmem>>
      %dma_start3A_208 = arith.constant 0 : i32
      %dma_start3A_209 = arith.constant 0 : i32
      %dma_start3A_210 = tpu.memref_slice %arg2[%dma_start3A_208, %dma_start3A_209] : memref<10112x64xf32, #tpu.memory_space<hbm>> -> memref<10112x64xf32, #tpu.memory_space<hbm>>
      tpu.enqueue_indirect_dma source(%dma_start3A_210 : memref<10112x64xf32, #tpu.memory_space<hbm>>) target(%arg11 : memref<32x64xf32, #tpu.memory_space<vmem>>) offsets(%dma_start3A_207 : memref<32xi32, #tpu.memory_space<vmem>>) semaphore(%arg18 : memref<!tpu.dma_semaphore, #tpu.memory_space<semaphore_mem>>)
      "tpu.region"() ({
        %run_scoped3A = tpu.sem_alloc : memref<!tpu.dma_semaphore, #tpu.memory_space<semaphore_mem>>
        %dma_start3A_280 = arith.constant 0 : i32
        %dma_start3A_281 = tpu.memref_slice %arg8[%add3A_191, %dma_start3A_280] : memref<434x32xi32, #tpu.memory_space<vmem>> -> memref<1x32xi32, #tpu.memory_space<vmem>>
        %dma_start3A_282 = tpu.memref_squeeze %dma_start3A_281 : memref<1x32xi32, #tpu.memory_space<vmem>> -> memref<32xi32, #tpu.memory_space<vmem>>
        %dma_start3A_283 = arith.constant 0 : i32
        %dma_start3A_284 = arith.constant 0 : i32
        %dma_start3A_285 = tpu.memref_slice %arg23[%dma_start3A_283, %dma_start3A_284] : memref<10112x64xf32, #tpu.memory_space<vmem_shared>> -> memref<10112x64xf32, #tpu.memory_space<vmem_shared>>
        tpu.enqueue_indirect_dma source(%arg12 : memref<32x64xf32, #tpu.memory_space<vmem>>) target(%dma_start3A_285 : memref<10112x64xf32, #tpu.memory_space<vmem_shared>>) offsets(%dma_start3A_282 : memref<32xi32, #tpu.memory_space<vmem>>) semaphore(%run_scoped3A : memref<!tpu.dma_semaphore, #tpu.memory_space<semaphore_mem>>) {add = true}
        %dma_wait3A_286 = arith.constant 0 : i32
        %dma_wait3A_287 = tpu.memref_slice %arg8[%add3A_191, %dma_wait3A_286] : memref<434x32xi32, #tpu.memory_space<vmem>> -> memref<1x32xi32, #tpu.memory_space<vmem>>
        %dma_wait3A_288 = tpu.memref_squeeze %dma_wait3A_287 : memref<1x32xi32, #tpu.memory_space<vmem>> -> memref<32xi32, #tpu.memory_space<vmem>>
        %dma_wait3A_289 = arith.constant 0 : i32
        %dma_wait3A_290 = arith.constant 0 : i32
        %dma_wait3A_291 = tpu.memref_slice %arg23[%dma_wait3A_289, %dma_wait3A_290] : memref<10112x64xf32, #tpu.memory_space<vmem_shared>> -> memref<10112x64xf32, #tpu.memory_space<vmem_shared>>
        tpu.wait_indirect_dma semaphore(%run_scoped3A : memref<!tpu.dma_semaphore, #tpu.memory_space<semaphore_mem>>) src(%arg12 : memref<32x64xf32, #tpu.memory_space<vmem>>) dst(%dma_wait3A_291 : memref<10112x64xf32, #tpu.memory_space<vmem_shared>>)
        tpu.yield
      }) : () -> ()
      %mul3A_211 = arith.constant 7 : i32
      %mul3A_212 = arith.muli %while3A_119, %mul3A_211 : i32
      %add3A_213 = arith.constant 4 : i32
      %add3A_214 = arith.addi %mul3A_212, %add3A_213 : i32
      %dma_wait3A_215 = arith.constant 0 : i32
      %dma_wait3A_216 = tpu.memref_slice %arg7[%add3A_214, %dma_wait3A_215] : memref<434x32xi32, #tpu.memory_space<vmem>> -> memref<1x32xi32, #tpu.memory_space<vmem>>
      %dma_wait3A_217 = tpu.memref_squeeze %dma_wait3A_216 : memref<1x32xi32, #tpu.memory_space<vmem>> -> memref<32xi32, #tpu.memory_space<vmem>>
      %dma_wait3A_218 = arith.constant 0 : i32
      %dma_wait3A_219 = arith.constant 0 : i32
      %dma_wait3A_220 = tpu.memref_slice %arg2[%dma_wait3A_218, %dma_wait3A_219] : memref<10112x64xf32, #tpu.memory_space<hbm>> -> memref<10112x64xf32, #tpu.memory_space<hbm>>
      tpu.wait_indirect_dma semaphore(%arg20 : memref<!tpu.dma_semaphore, #tpu.memory_space<semaphore_mem>>) src(%dma_wait3A_220 : memref<10112x64xf32, #tpu.memory_space<hbm>>) dst(%arg13 : memref<32x64xf32, #tpu.memory_space<vmem>>)
      %add3A_221 = arith.constant 7 : i32
      %add3A_222 = arith.addi %add3A_214, %add3A_221 : i32
      %sub3A_223 = arith.constant 1 : i32
      %sub3A_224 = arith.subi %add3A_222, %sub3A_223 : i32
      %sub3A_225 = arith.constant 1 : i32
      %sub3A_226 = arith.subi %select_n3A, %sub3A_225 : i32
      %min3A_227 = arith.minsi %sub3A_224, %sub3A_226 : i32
      %dma_start3A_228 = arith.constant 0 : i32
      %dma_start3A_229 = tpu.memref_slice %arg7[%min3A_227, %dma_start3A_228] : memref<434x32xi32, #tpu.memory_space<vmem>> -> memref<1x32xi32, #tpu.memory_space<vmem>>
      %dma_start3A_230 = tpu.memref_squeeze %dma_start3A_229 : memref<1x32xi32, #tpu.memory_space<vmem>> -> memref<32xi32, #tpu.memory_space<vmem>>
      %dma_start3A_231 = arith.constant 0 : i32
      %dma_start3A_232 = arith.constant 0 : i32
      %dma_start3A_233 = tpu.memref_slice %arg2[%dma_start3A_231, %dma_start3A_232] : memref<10112x64xf32, #tpu.memory_space<hbm>> -> memref<10112x64xf32, #tpu.memory_space<hbm>>
      tpu.enqueue_indirect_dma source(%dma_start3A_233 : memref<10112x64xf32, #tpu.memory_space<hbm>>) target(%arg12 : memref<32x64xf32, #tpu.memory_space<vmem>>) offsets(%dma_start3A_230 : memref<32xi32, #tpu.memory_space<vmem>>) semaphore(%arg19 : memref<!tpu.dma_semaphore, #tpu.memory_space<semaphore_mem>>)
      "tpu.region"() ({
        %run_scoped3A = tpu.sem_alloc : memref<!tpu.dma_semaphore, #tpu.memory_space<semaphore_mem>>
        %dma_start3A_280 = arith.constant 0 : i32
        %dma_start3A_281 = tpu.memref_slice %arg8[%add3A_214, %dma_start3A_280] : memref<434x32xi32, #tpu.memory_space<vmem>> -> memref<1x32xi32, #tpu.memory_space<vmem>>
        %dma_start3A_282 = tpu.memref_squeeze %dma_start3A_281 : memref<1x32xi32, #tpu.memory_space<vmem>> -> memref<32xi32, #tpu.memory_space<vmem>>
        %dma_start3A_283 = arith.constant 0 : i32
        %dma_start3A_284 = arith.constant 0 : i32
        %dma_start3A_285 = tpu.memref_slice %arg23[%dma_start3A_283, %dma_start3A_284] : memref<10112x64xf32, #tpu.memory_space<vmem_shared>> -> memref<10112x64xf32, #tpu.memory_space<vmem_shared>>
        tpu.enqueue_indirect_dma source(%arg13 : memref<32x64xf32, #tpu.memory_space<vmem>>) target(%dma_start3A_285 : memref<10112x64xf32, #tpu.memory_space<vmem_shared>>) offsets(%dma_start3A_282 : memref<32xi32, #tpu.memory_space<vmem>>) semaphore(%run_scoped3A : memref<!tpu.dma_semaphore, #tpu.memory_space<semaphore_mem>>) {add = true}
        %dma_wait3A_286 = arith.constant 0 : i32
        %dma_wait3A_287 = tpu.memref_slice %arg8[%add3A_214, %dma_wait3A_286] : memref<434x32xi32, #tpu.memory_space<vmem>> -> memref<1x32xi32, #tpu.memory_space<vmem>>
        %dma_wait3A_288 = tpu.memref_squeeze %dma_wait3A_287 : memref<1x32xi32, #tpu.memory_space<vmem>> -> memref<32xi32, #tpu.memory_space<vmem>>
        %dma_wait3A_289 = arith.constant 0 : i32
        %dma_wait3A_290 = arith.constant 0 : i32
        %dma_wait3A_291 = tpu.memref_slice %arg23[%dma_wait3A_289, %dma_wait3A_290] : memref<10112x64xf32, #tpu.memory_space<vmem_shared>> -> memref<10112x64xf32, #tpu.memory_space<vmem_shared>>
        tpu.wait_indirect_dma semaphore(%run_scoped3A : memref<!tpu.dma_semaphore, #tpu.memory_space<semaphore_mem>>) src(%arg13 : memref<32x64xf32, #tpu.memory_space<vmem>>) dst(%dma_wait3A_291 : memref<10112x64xf32, #tpu.memory_space<vmem_shared>>)
        tpu.yield
      }) : () -> ()
      %mul3A_234 = arith.constant 7 : i32
      %mul3A_235 = arith.muli %while3A_119, %mul3A_234 : i32
      %add3A_236 = arith.constant 5 : i32
      %add3A_237 = arith.addi %mul3A_235, %add3A_236 : i32
      %dma_wait3A_238 = arith.constant 0 : i32
      %dma_wait3A_239 = tpu.memref_slice %arg7[%add3A_237, %dma_wait3A_238] : memref<434x32xi32, #tpu.memory_space<vmem>> -> memref<1x32xi32, #tpu.memory_space<vmem>>
      %dma_wait3A_240 = tpu.memref_squeeze %dma_wait3A_239 : memref<1x32xi32, #tpu.memory_space<vmem>> -> memref<32xi32, #tpu.memory_space<vmem>>
      %dma_wait3A_241 = arith.constant 0 : i32
      %dma_wait3A_242 = arith.constant 0 : i32
      %dma_wait3A_243 = tpu.memref_slice %arg2[%dma_wait3A_241, %dma_wait3A_242] : memref<10112x64xf32, #tpu.memory_space<hbm>> -> memref<10112x64xf32, #tpu.memory_space<hbm>>
      tpu.wait_indirect_dma semaphore(%arg21 : memref<!tpu.dma_semaphore, #tpu.memory_space<semaphore_mem>>) src(%dma_wait3A_243 : memref<10112x64xf32, #tpu.memory_space<hbm>>) dst(%arg14 : memref<32x64xf32, #tpu.memory_space<vmem>>)
      %add3A_244 = arith.constant 7 : i32
      %add3A_245 = arith.addi %add3A_237, %add3A_244 : i32
      %sub3A_246 = arith.constant 1 : i32
      %sub3A_247 = arith.subi %add3A_245, %sub3A_246 : i32
      %sub3A_248 = arith.constant 1 : i32
      %sub3A_249 = arith.subi %select_n3A, %sub3A_248 : i32
      %min3A_250 = arith.minsi %sub3A_247, %sub3A_249 : i32
      %dma_start3A_251 = arith.constant 0 : i32
      %dma_start3A_252 = tpu.memref_slice %arg7[%min3A_250, %dma_start3A_251] : memref<434x32xi32, #tpu.memory_space<vmem>> -> memref<1x32xi32, #tpu.memory_space<vmem>>
      %dma_start3A_253 = tpu.memref_squeeze %dma_start3A_252 : memref<1x32xi32, #tpu.memory_space<vmem>> -> memref<32xi32, #tpu.memory_space<vmem>>
      %dma_start3A_254 = arith.constant 0 : i32
      %dma_start3A_255 = arith.constant 0 : i32
      %dma_start3A_256 = tpu.memref_slice %arg2[%dma_start3A_254, %dma_start3A_255] : memref<10112x64xf32, #tpu.memory_space<hbm>> -> memref<10112x64xf32, #tpu.memory_space<hbm>>
      tpu.enqueue_indirect_dma source(%dma_start3A_256 : memref<10112x64xf32, #tpu.memory_space<hbm>>) target(%arg13 : memref<32x64xf32, #tpu.memory_space<vmem>>) offsets(%dma_start3A_253 : memref<32xi32, #tpu.memory_space<vmem>>) semaphore(%arg20 : memref<!tpu.dma_semaphore, #tpu.memory_space<semaphore_mem>>)
      "tpu.region"() ({
        %run_scoped3A = tpu.sem_alloc : memref<!tpu.dma_semaphore, #tpu.memory_space<semaphore_mem>>
        %dma_start3A_280 = arith.constant 0 : i32
        %dma_start3A_281 = tpu.memref_slice %arg8[%add3A_237, %dma_start3A_280] : memref<434x32xi32, #tpu.memory_space<vmem>> -> memref<1x32xi32, #tpu.memory_space<vmem>>
        %dma_start3A_282 = tpu.memref_squeeze %dma_start3A_281 : memref<1x32xi32, #tpu.memory_space<vmem>> -> memref<32xi32, #tpu.memory_space<vmem>>
        %dma_start3A_283 = arith.constant 0 : i32
        %dma_start3A_284 = arith.constant 0 : i32
        %dma_start3A_285 = tpu.memref_slice %arg23[%dma_start3A_283, %dma_start3A_284] : memref<10112x64xf32, #tpu.memory_space<vmem_shared>> -> memref<10112x64xf32, #tpu.memory_space<vmem_shared>>
        tpu.enqueue_indirect_dma source(%arg14 : memref<32x64xf32, #tpu.memory_space<vmem>>) target(%dma_start3A_285 : memref<10112x64xf32, #tpu.memory_space<vmem_shared>>) offsets(%dma_start3A_282 : memref<32xi32, #tpu.memory_space<vmem>>) semaphore(%run_scoped3A : memref<!tpu.dma_semaphore, #tpu.memory_space<semaphore_mem>>) {add = true}
        %dma_wait3A_286 = arith.constant 0 : i32
        %dma_wait3A_287 = tpu.memref_slice %arg8[%add3A_237, %dma_wait3A_286] : memref<434x32xi32, #tpu.memory_space<vmem>> -> memref<1x32xi32, #tpu.memory_space<vmem>>
        %dma_wait3A_288 = tpu.memref_squeeze %dma_wait3A_287 : memref<1x32xi32, #tpu.memory_space<vmem>> -> memref<32xi32, #tpu.memory_space<vmem>>
        %dma_wait3A_289 = arith.constant 0 : i32
        %dma_wait3A_290 = arith.constant 0 : i32
        %dma_wait3A_291 = tpu.memref_slice %arg23[%dma_wait3A_289, %dma_wait3A_290] : memref<10112x64xf32, #tpu.memory_space<vmem_shared>> -> memref<10112x64xf32, #tpu.memory_space<vmem_shared>>
        tpu.wait_indirect_dma semaphore(%run_scoped3A : memref<!tpu.dma_semaphore, #tpu.memory_space<semaphore_mem>>) src(%arg14 : memref<32x64xf32, #tpu.memory_space<vmem>>) dst(%dma_wait3A_291 : memref<10112x64xf32, #tpu.memory_space<vmem_shared>>)
        tpu.yield
      }) : () -> ()
      %mul3A_257 = arith.constant 7 : i32
      %mul3A_258 = arith.muli %while3A_119, %mul3A_257 : i32
      %add3A_259 = arith.constant 6 : i32
      %add3A_260 = arith.addi %mul3A_258, %add3A_259 : i32
      %dma_wait3A_261 = arith.constant 0 : i32
      %dma_wait3A_262 = tpu.memref_slice %arg7[%add3A_260, %dma_wait3A_261] : memref<434x32xi32, #tpu.memory_space<vmem>> -> memref<1x32xi32, #tpu.memory_space<vmem>>
      %dma_wait3A_263 = tpu.memref_squeeze %dma_wait3A_262 : memref<1x32xi32, #tpu.memory_space<vmem>> -> memref<32xi32, #tpu.memory_space<vmem>>
      %dma_wait3A_264 = arith.constant 0 : i32
      %dma_wait3A_265 = arith.constant 0 : i32
      %dma_wait3A_266 = tpu.memref_slice %arg2[%dma_wait3A_264, %dma_wait3A_265] : memref<10112x64xf32, #tpu.memory_space<hbm>> -> memref<10112x64xf32, #tpu.memory_space<hbm>>
      tpu.wait_indirect_dma semaphore(%arg22 : memref<!tpu.dma_semaphore, #tpu.memory_space<semaphore_mem>>) src(%dma_wait3A_266 : memref<10112x64xf32, #tpu.memory_space<hbm>>) dst(%arg15 : memref<32x64xf32, #tpu.memory_space<vmem>>)
      %add3A_267 = arith.constant 7 : i32
      %add3A_268 = arith.addi %add3A_260, %add3A_267 : i32
      %sub3A_269 = arith.constant 1 : i32
      %sub3A_270 = arith.subi %add3A_268, %sub3A_269 : i32
      %sub3A_271 = arith.constant 1 : i32
      %sub3A_272 = arith.subi %select_n3A, %sub3A_271 : i32
      %min3A_273 = arith.minsi %sub3A_270, %sub3A_272 : i32
      %dma_start3A_274 = arith.constant 0 : i32
      %dma_start3A_275 = tpu.memref_slice %arg7[%min3A_273, %dma_start3A_274] : memref<434x32xi32, #tpu.memory_space<vmem>> -> memref<1x32xi32, #tpu.memory_space<vmem>>
      %dma_start3A_276 = tpu.memref_squeeze %dma_start3A_275 : memref<1x32xi32, #tpu.memory_space<vmem>> -> memref<32xi32, #tpu.memory_space<vmem>>
      %dma_start3A_277 = arith.constant 0 : i32
      %dma_start3A_278 = arith.constant 0 : i32
      %dma_start3A_279 = tpu.memref_slice %arg2[%dma_start3A_277, %dma_start3A_278] : memref<10112x64xf32, #tpu.memory_space<hbm>> -> memref<10112x64xf32, #tpu.memory_space<hbm>>
      tpu.enqueue_indirect_dma source(%dma_start3A_279 : memref<10112x64xf32, #tpu.memory_space<hbm>>) target(%arg14 : memref<32x64xf32, #tpu.memory_space<vmem>>) offsets(%dma_start3A_276 : memref<32xi32, #tpu.memory_space<vmem>>) semaphore(%arg21 : memref<!tpu.dma_semaphore, #tpu.memory_space<semaphore_mem>>)
      "tpu.region"() ({
        %run_scoped3A = tpu.sem_alloc : memref<!tpu.dma_semaphore, #tpu.memory_space<semaphore_mem>>
        %dma_start3A_280 = arith.constant 0 : i32
        %dma_start3A_281 = tpu.memref_slice %arg8[%add3A_260, %dma_start3A_280] : memref<434x32xi32, #tpu.memory_space<vmem>> -> memref<1x32xi32, #tpu.memory_space<vmem>>
        %dma_start3A_282 = tpu.memref_squeeze %dma_start3A_281 : memref<1x32xi32, #tpu.memory_space<vmem>> -> memref<32xi32, #tpu.memory_space<vmem>>
        %dma_start3A_283 = arith.constant 0 : i32
        %dma_start3A_284 = arith.constant 0 : i32
        %dma_start3A_285 = tpu.memref_slice %arg23[%dma_start3A_283, %dma_start3A_284] : memref<10112x64xf32, #tpu.memory_space<vmem_shared>> -> memref<10112x64xf32, #tpu.memory_space<vmem_shared>>
        tpu.enqueue_indirect_dma source(%arg15 : memref<32x64xf32, #tpu.memory_space<vmem>>) target(%dma_start3A_285 : memref<10112x64xf32, #tpu.memory_space<vmem_shared>>) offsets(%dma_start3A_282 : memref<32xi32, #tpu.memory_space<vmem>>) semaphore(%run_scoped3A : memref<!tpu.dma_semaphore, #tpu.memory_space<semaphore_mem>>) {add = true}
        %dma_wait3A_286 = arith.constant 0 : i32
        %dma_wait3A_287 = tpu.memref_slice %arg8[%add3A_260, %dma_wait3A_286] : memref<434x32xi32, #tpu.memory_space<vmem>> -> memref<1x32xi32, #tpu.memory_space<vmem>>
        %dma_wait3A_288 = tpu.memref_squeeze %dma_wait3A_287 : memref<1x32xi32, #tpu.memory_space<vmem>> -> memref<32xi32, #tpu.memory_space<vmem>>
        %dma_wait3A_289 = arith.constant 0 : i32
        %dma_wait3A_290 = arith.constant 0 : i32
        %dma_wait3A_291 = tpu.memref_slice %arg23[%dma_wait3A_289, %dma_wait3A_290] : memref<10112x64xf32, #tpu.memory_space<vmem_shared>> -> memref<10112x64xf32, #tpu.memory_space<vmem_shared>>
        tpu.wait_indirect_dma semaphore(%run_scoped3A : memref<!tpu.dma_semaphore, #tpu.memory_space<semaphore_mem>>) src(%arg15 : memref<32x64xf32, #tpu.memory_space<vmem>>) dst(%dma_wait3A_291 : memref<10112x64xf32, #tpu.memory_space<vmem_shared>>)
        tpu.yield
      }) : () -> ()
    }
    %dma_wait3A = arith.constant 0 : i32
    %dma_wait3A_73 = arith.constant 0 : i32
    %dma_wait3A_74 = tpu.memref_slice %arg7[%dma_wait3A, %dma_wait3A_73] : memref<434x32xi32, #tpu.memory_space<vmem>> -> memref<1x32xi32, #tpu.memory_space<vmem>>
    %dma_wait3A_75 = tpu.memref_squeeze %dma_wait3A_74 : memref<1x32xi32, #tpu.memory_space<vmem>> -> memref<32xi32, #tpu.memory_space<vmem>>
    %dma_wait3A_76 = arith.constant 0 : i32
    %dma_wait3A_77 = arith.constant 0 : i32
    %dma_wait3A_78 = tpu.memref_slice %arg2[%dma_wait3A_76, %dma_wait3A_77] : memref<10112x64xf32, #tpu.memory_space<hbm>> -> memref<10112x64xf32, #tpu.memory_space<hbm>>
    tpu.wait_indirect_dma semaphore(%arg16 : memref<!tpu.dma_semaphore, #tpu.memory_space<semaphore_mem>>) src(%dma_wait3A_78 : memref<10112x64xf32, #tpu.memory_space<hbm>>) dst(%arg9 : memref<32x64xf32, #tpu.memory_space<vmem>>)
    %dma_wait3A_79 = arith.constant 0 : i32
    %dma_wait3A_80 = arith.constant 0 : i32
    %dma_wait3A_81 = tpu.memref_slice %arg7[%dma_wait3A_79, %dma_wait3A_80] : memref<434x32xi32, #tpu.memory_space<vmem>> -> memref<1x32xi32, #tpu.memory_space<vmem>>
    %dma_wait3A_82 = tpu.memref_squeeze %dma_wait3A_81 : memref<1x32xi32, #tpu.memory_space<vmem>> -> memref<32xi32, #tpu.memory_space<vmem>>
    %dma_wait3A_83 = arith.constant 0 : i32
    %dma_wait3A_84 = arith.constant 0 : i32
    %dma_wait3A_85 = tpu.memref_slice %arg2[%dma_wait3A_83, %dma_wait3A_84] : memref<10112x64xf32, #tpu.memory_space<hbm>> -> memref<10112x64xf32, #tpu.memory_space<hbm>>
    tpu.wait_indirect_dma semaphore(%arg17 : memref<!tpu.dma_semaphore, #tpu.memory_space<semaphore_mem>>) src(%dma_wait3A_85 : memref<10112x64xf32, #tpu.memory_space<hbm>>) dst(%arg10 : memref<32x64xf32, #tpu.memory_space<vmem>>)
    %dma_wait3A_86 = arith.constant 0 : i32
    %dma_wait3A_87 = arith.constant 0 : i32
    %dma_wait3A_88 = tpu.memref_slice %arg7[%dma_wait3A_86, %dma_wait3A_87] : memref<434x32xi32, #tpu.memory_space<vmem>> -> memref<1x32xi32, #tpu.memory_space<vmem>>
    %dma_wait3A_89 = tpu.memref_squeeze %dma_wait3A_88 : memref<1x32xi32, #tpu.memory_space<vmem>> -> memref<32xi32, #tpu.memory_space<vmem>>
    %dma_wait3A_90 = arith.constant 0 : i32
    %dma_wait3A_91 = arith.constant 0 : i32
    %dma_wait3A_92 = tpu.memref_slice %arg2[%dma_wait3A_90, %dma_wait3A_91] : memref<10112x64xf32, #tpu.memory_space<hbm>> -> memref<10112x64xf32, #tpu.memory_space<hbm>>
    tpu.wait_indirect_dma semaphore(%arg18 : memref<!tpu.dma_semaphore, #tpu.memory_space<semaphore_mem>>) src(%dma_wait3A_92 : memref<10112x64xf32, #tpu.memory_space<hbm>>) dst(%arg11 : memref<32x64xf32, #tpu.memory_space<vmem>>)
    %dma_wait3A_93 = arith.constant 0 : i32
    %dma_wait3A_94 = arith.constant 0 : i32
    %dma_wait3A_95 = tpu.memref_slice %arg7[%dma_wait3A_93, %dma_wait3A_94] : memref<434x32xi32, #tpu.memory_space<vmem>> -> memref<1x32xi32, #tpu.memory_space<vmem>>
    %dma_wait3A_96 = tpu.memref_squeeze %dma_wait3A_95 : memref<1x32xi32, #tpu.memory_space<vmem>> -> memref<32xi32, #tpu.memory_space<vmem>>
    %dma_wait3A_97 = arith.constant 0 : i32
    %dma_wait3A_98 = arith.constant 0 : i32
    %dma_wait3A_99 = tpu.memref_slice %arg2[%dma_wait3A_97, %dma_wait3A_98] : memref<10112x64xf32, #tpu.memory_space<hbm>> -> memref<10112x64xf32, #tpu.memory_space<hbm>>
    tpu.wait_indirect_dma semaphore(%arg19 : memref<!tpu.dma_semaphore, #tpu.memory_space<semaphore_mem>>) src(%dma_wait3A_99 : memref<10112x64xf32, #tpu.memory_space<hbm>>) dst(%arg12 : memref<32x64xf32, #tpu.memory_space<vmem>>)
    %dma_wait3A_100 = arith.constant 0 : i32
    %dma_wait3A_101 = arith.constant 0 : i32
    %dma_wait3A_102 = tpu.memref_slice %arg7[%dma_wait3A_100, %dma_wait3A_101] : memref<434x32xi32, #tpu.memory_space<vmem>> -> memref<1x32xi32, #tpu.memory_space<vmem>>
    %dma_wait3A_103 = tpu.memref_squeeze %dma_wait3A_102 : memref<1x32xi32, #tpu.memory_space<vmem>> -> memref<32xi32, #tpu.memory_space<vmem>>
    %dma_wait3A_104 = arith.constant 0 : i32
    %dma_wait3A_105 = arith.constant 0 : i32
    %dma_wait3A_106 = tpu.memref_slice %arg2[%dma_wait3A_104, %dma_wait3A_105] : memref<10112x64xf32, #tpu.memory_space<hbm>> -> memref<10112x64xf32, #tpu.memory_space<hbm>>
    tpu.wait_indirect_dma semaphore(%arg20 : memref<!tpu.dma_semaphore, #tpu.memory_space<semaphore_mem>>) src(%dma_wait3A_106 : memref<10112x64xf32, #tpu.memory_space<hbm>>) dst(%arg13 : memref<32x64xf32, #tpu.memory_space<vmem>>)
    %dma_wait3A_107 = arith.constant 0 : i32
    %dma_wait3A_108 = arith.constant 0 : i32
    %dma_wait3A_109 = tpu.memref_slice %arg7[%dma_wait3A_107, %dma_wait3A_108] : memref<434x32xi32, #tpu.memory_space<vmem>> -> memref<1x32xi32, #tpu.memory_space<vmem>>
    %dma_wait3A_110 = tpu.memref_squeeze %dma_wait3A_109 : memref<1x32xi32, #tpu.memory_space<vmem>> -> memref<32xi32, #tpu.memory_space<vmem>>
    %dma_wait3A_111 = arith.constant 0 : i32
    %dma_wait3A_112 = arith.constant 0 : i32
    %dma_wait3A_113 = tpu.memref_slice %arg2[%dma_wait3A_111, %dma_wait3A_112] : memref<10112x64xf32, #tpu.memory_space<hbm>> -> memref<10112x64xf32, #tpu.memory_space<hbm>>
    tpu.wait_indirect_dma semaphore(%arg21 : memref<!tpu.dma_semaphore, #tpu.memory_space<semaphore_mem>>) src(%dma_wait3A_113 : memref<10112x64xf32, #tpu.memory_space<hbm>>) dst(%arg14 : memref<32x64xf32, #tpu.memory_space<vmem>>)
    %barrier3A_114 = arith.constant 0 : index
    tpu.barrier barrier_id(%barrier3A_114)
    %mul3A_115 = arith.constant 632 : i32
    %mul3A_116 = arith.muli %arg1, %mul3A_115 : i32
    %mul3A_117 = arith.constant 632 : i32
    %mul3A_118 = arith.muli %arg1, %mul3A_117 : i32
    "tpu.region"() ({
      %run_scoped3A = tpu.sem_alloc : memref<!tpu.dma_semaphore, #tpu.memory_space<semaphore_mem>>
      %dma_start3A_119 = arith.constant 0 : i32
      %dma_start3A_120 = tpu.memref_slice %arg6[%arg0, %mul3A_118, %dma_start3A_119] : memref<2x10112x64xf32, #tpu.memory_space<hbm>> -> memref<1x632x64xf32, #tpu.memory_space<hbm>>
      %dma_start3A_121 = tpu.memref_squeeze %dma_start3A_120 : memref<1x632x64xf32, #tpu.memory_space<hbm>> -> memref<632x64xf32, #tpu.memory_space<hbm>>
      %dma_start3A_122 = arith.constant 0 : i32
      %dma_start3A_123 = tpu.memref_slice %arg23[%mul3A_116, %dma_start3A_122] : memref<10112x64xf32, #tpu.memory_space<vmem_shared>> -> memref<632x64xf32, #tpu.memory_space<vmem_shared>>
      tpu.enqueue_dma source(%dma_start3A_123 : memref<632x64xf32, #tpu.memory_space<vmem_shared>>) target(%dma_start3A_121 : memref<632x64xf32, #tpu.memory_space<hbm>>) target_semaphore(%run_scoped3A : memref<!tpu.dma_semaphore, #tpu.memory_space<semaphore_mem>>)
      %dma_wait3A_124 = arith.constant 0 : i32
      %dma_wait3A_125 = tpu.memref_slice %arg6[%arg0, %mul3A_118, %dma_wait3A_124] : memref<2x10112x64xf32, #tpu.memory_space<hbm>> -> memref<1x632x64xf32, #tpu.memory_space<hbm>>
      %dma_wait3A_126 = tpu.memref_squeeze %dma_wait3A_125 : memref<1x632x64xf32, #tpu.memory_space<hbm>> -> memref<632x64xf32, #tpu.memory_space<hbm>>
      %dma_wait3A_127 = arith.constant 0 : i32
      %dma_wait3A_128 = tpu.memref_slice %arg23[%mul3A_116, %dma_wait3A_127] : memref<10112x64xf32, #tpu.memory_space<vmem_shared>> -> memref<632x64xf32, #tpu.memory_space<vmem_shared>>
      tpu.wait_dma2 semaphore(%run_scoped3A : memref<!tpu.dma_semaphore, #tpu.memory_space<semaphore_mem>>) src(%dma_wait3A_128 : memref<632x64xf32, #tpu.memory_space<vmem_shared>>) dst(%dma_wait3A_126 : memref<632x64xf32, #tpu.memory_space<hbm>>)
      tpu.yield
    }) : () -> ()
    return
  }
}

#map = affine_map<(d0, d1) -> (0, 0)>
#map1 = affine_map<(d0, d1) -> (0, 0, 0)>
module attributes {stable_mosaic.version = 14 : i64} {
  func.func @prop_kernel(%arg0: i32, %arg1: i32, %arg2: memref<10112x64xf32, #tpu.memory_space<hbm>>, %arg3: memref<32x434x32xi32, #tpu.memory_space<hbm>>, %arg4: memref<32x434x32xi32, #tpu.memory_space<hbm>>, %arg5: memref<632x64xf32, #tpu.memory_space<hbm>>, %arg6: memref<2x10112x64xf32, #tpu.memory_space<hbm>>, %arg7: memref<434x32xi32, #tpu.memory_space<vmem>>, %arg8: memref<434x32xi32, #tpu.memory_space<vmem>>, %arg9: memref<32x64xf32, #tpu.memory_space<vmem>>, %arg10: memref<32x64xf32, #tpu.memory_space<vmem>>, %arg11: memref<32x64xf32, #tpu.memory_space<vmem>>, %arg12: memref<32x64xf32, #tpu.memory_space<vmem>>, %arg13: memref<32x64xf32, #tpu.memory_space<vmem>>, %arg14: memref<32x64xf32, #tpu.memory_space<vmem>>, %arg15: memref<32x64xf32, #tpu.memory_space<vmem>>, %arg16: memref<!tpu.dma_semaphore, #tpu.memory_space<semaphore_mem>>, %arg17: memref<!tpu.dma_semaphore, #tpu.memory_space<semaphore_mem>>, %arg18: memref<!tpu.dma_semaphore, #tpu.memory_space<semaphore_mem>>, %arg19: memref<!tpu.dma_semaphore, #tpu.memory_space<semaphore_mem>>, %arg20: memref<!tpu.dma_semaphore, #tpu.memory_space<semaphore_mem>>, %arg21: memref<!tpu.dma_semaphore, #tpu.memory_space<semaphore_mem>>, %arg22: memref<!tpu.dma_semaphore, #tpu.memory_space<semaphore_mem>>, %arg23: memref<10112x64xf32, #tpu.memory_space<vmem_shared>>) attributes {dimension_semantics = [#tpu.dimension_semantics<core_parallel>, #tpu.dimension_semantics<subcore_parallel>], iteration_bounds = array<i64: 2, 16>, scalar_prefetch = 0 : i64, scratch_operands = 17 : i64, tpu.core_type = #tpu.core_type<sc_vector_subcore>, window_params = [{transform_indices = #map}, {transform_indices = #map1}, {transform_indices = #map1}, {transform_indices = #map}, {transform_indices = #map1}]} {
    %mul3A = arith.constant 16 : i32
    %mul3A_0 = arith.muli %arg0, %mul3A : i32
    %add3A = arith.addi %mul3A_0, %arg1 : i32
    %eq3A = arith.constant 0 : i32
    %eq3A_1 = arith.cmpi eq, %arg0, %eq3A : i32
    %jit3A = arith.constant 434 : i32
    %jit3A_2 = arith.constant 196 : i32
    %select_n3A = arith.select %eq3A_1, %jit3A, %jit3A_2 : i32
    %mul3A_3 = arith.constant 632 : i32
    %mul3A_4 = arith.muli %arg1, %mul3A_3 : i32
    "tpu.region"() ({
      %run_scoped3A = tpu.sem_alloc : memref<!tpu.dma_semaphore, #tpu.memory_space<semaphore_mem>>
      %dma_start3A_119 = arith.constant 0 : i32
      %dma_start3A_120 = tpu.memref_slice %arg23[%mul3A_4, %dma_start3A_119] : memref<10112x64xf32, #tpu.memory_space<vmem_shared>> -> memref<632x64xf32, #tpu.memory_space<vmem_shared>>
      tpu.enqueue_dma source(%arg5 : memref<632x64xf32, #tpu.memory_space<hbm>>) target(%dma_start3A_120 : memref<632x64xf32, #tpu.memory_space<vmem_shared>>) target_semaphore(%run_scoped3A : memref<!tpu.dma_semaphore, #tpu.memory_space<semaphore_mem>>)
      %dma_wait3A_121 = arith.constant 0 : i32
      %dma_wait3A_122 = tpu.memref_slice %arg23[%mul3A_4, %dma_wait3A_121] : memref<10112x64xf32, #tpu.memory_space<vmem_shared>> -> memref<632x64xf32, #tpu.memory_space<vmem_shared>>
      tpu.wait_dma2 semaphore(%run_scoped3A : memref<!tpu.dma_semaphore, #tpu.memory_space<semaphore_mem>>) src(%arg5 : memref<632x64xf32, #tpu.memory_space<hbm>>) dst(%dma_wait3A_122 : memref<632x64xf32, #tpu.memory_space<vmem_shared>>)
      tpu.yield
    }) : () -> ()
    "tpu.region"() ({
      %run_scoped3A = tpu.sem_alloc : memref<!tpu.dma_semaphore, #tpu.memory_space<semaphore_mem>>
      %dma_start3A_119 = arith.constant 0 : i32
      %dma_start3A_120 = arith.constant 0 : i32
      %dma_start3A_121 = tpu.memref_slice %arg3[%add3A, %dma_start3A_119, %dma_start3A_120] : memref<32x434x32xi32, #tpu.memory_space<hbm>> -> memref<1x434x32xi32, #tpu.memory_space<hbm>>
      %dma_start3A_122 = tpu.memref_squeeze %dma_start3A_121 : memref<1x434x32xi32, #tpu.memory_space<hbm>> -> memref<434x32xi32, #tpu.memory_space<hbm>>
      %dma_start3A_123 = arith.constant 0 : i32
      %dma_start3A_124 = arith.constant 0 : i32
      %dma_start3A_125 = tpu.memref_slice %arg3[%add3A, %dma_start3A_123, %dma_start3A_124] : memref<32x434x32xi32, #tpu.memory_space<hbm>> -> memref<1x434x32xi32, #tpu.memory_space<hbm>>
      %dma_start3A_126 = tpu.memref_squeeze %dma_start3A_125 : memref<1x434x32xi32, #tpu.memory_space<hbm>> -> memref<434x32xi32, #tpu.memory_space<hbm>>
      tpu.enqueue_dma source(%dma_start3A_126 : memref<434x32xi32, #tpu.memory_space<hbm>>) target(%arg7 : memref<434x32xi32, #tpu.memory_space<vmem>>) target_semaphore(%run_scoped3A : memref<!tpu.dma_semaphore, #tpu.memory_space<semaphore_mem>>)
      %dma_wait3A_127 = arith.constant 0 : i32
      %dma_wait3A_128 = arith.constant 0 : i32
      %dma_wait3A_129 = tpu.memref_slice %arg3[%add3A, %dma_wait3A_127, %dma_wait3A_128] : memref<32x434x32xi32, #tpu.memory_space<hbm>> -> memref<1x434x32xi32, #tpu.memory_space<hbm>>
      %dma_wait3A_130 = tpu.memref_squeeze %dma_wait3A_129 : memref<1x434x32xi32, #tpu.memory_space<hbm>> -> memref<434x32xi32, #tpu.memory_space<hbm>>
      %dma_wait3A_131 = arith.constant 0 : i32
      %dma_wait3A_132 = arith.constant 0 : i32
      %dma_wait3A_133 = tpu.memref_slice %arg3[%add3A, %dma_wait3A_131, %dma_wait3A_132] : memref<32x434x32xi32, #tpu.memory_space<hbm>> -> memref<1x434x32xi32, #tpu.memory_space<hbm>>
      %dma_wait3A_134 = tpu.memref_squeeze %dma_wait3A_133 : memref<1x434x32xi32, #tpu.memory_space<hbm>> -> memref<434x32xi32, #tpu.memory_space<hbm>>
      tpu.wait_dma2 semaphore(%run_scoped3A : memref<!tpu.dma_semaphore, #tpu.memory_space<semaphore_mem>>) src(%dma_wait3A_134 : memref<434x32xi32, #tpu.memory_space<hbm>>) dst(%arg7 : memref<434x32xi32, #tpu.memory_space<vmem>>)
      tpu.yield
    }) : () -> ()
    "tpu.region"() ({
      %run_scoped3A = tpu.sem_alloc : memref<!tpu.dma_semaphore, #tpu.memory_space<semaphore_mem>>
      %dma_start3A_119 = arith.constant 0 : i32
      %dma_start3A_120 = arith.constant 0 : i32
      %dma_start3A_121 = tpu.memref_slice %arg4[%add3A, %dma_start3A_119, %dma_start3A_120] : memref<32x434x32xi32, #tpu.memory_space<hbm>> -> memref<1x434x32xi32, #tpu.memory_space<hbm>>
      %dma_start3A_122 = tpu.memref_squeeze %dma_start3A_121 : memref<1x434x32xi32, #tpu.memory_space<hbm>> -> memref<434x32xi32, #tpu.memory_space<hbm>>
      %dma_start3A_123 = arith.constant 0 : i32
      %dma_start3A_124 = arith.constant 0 : i32
      %dma_start3A_125 = tpu.memref_slice %arg4[%add3A, %dma_start3A_123, %dma_start3A_124] : memref<32x434x32xi32, #tpu.memory_space<hbm>> -> memref<1x434x32xi32, #tpu.memory_space<hbm>>
      %dma_start3A_126 = tpu.memref_squeeze %dma_start3A_125 : memref<1x434x32xi32, #tpu.memory_space<hbm>> -> memref<434x32xi32, #tpu.memory_space<hbm>>
      tpu.enqueue_dma source(%dma_start3A_126 : memref<434x32xi32, #tpu.memory_space<hbm>>) target(%arg8 : memref<434x32xi32, #tpu.memory_space<vmem>>) target_semaphore(%run_scoped3A : memref<!tpu.dma_semaphore, #tpu.memory_space<semaphore_mem>>)
      %dma_wait3A_127 = arith.constant 0 : i32
      %dma_wait3A_128 = arith.constant 0 : i32
      %dma_wait3A_129 = tpu.memref_slice %arg4[%add3A, %dma_wait3A_127, %dma_wait3A_128] : memref<32x434x32xi32, #tpu.memory_space<hbm>> -> memref<1x434x32xi32, #tpu.memory_space<hbm>>
      %dma_wait3A_130 = tpu.memref_squeeze %dma_wait3A_129 : memref<1x434x32xi32, #tpu.memory_space<hbm>> -> memref<434x32xi32, #tpu.memory_space<hbm>>
      %dma_wait3A_131 = arith.constant 0 : i32
      %dma_wait3A_132 = arith.constant 0 : i32
      %dma_wait3A_133 = tpu.memref_slice %arg4[%add3A, %dma_wait3A_131, %dma_wait3A_132] : memref<32x434x32xi32, #tpu.memory_space<hbm>> -> memref<1x434x32xi32, #tpu.memory_space<hbm>>
      %dma_wait3A_134 = tpu.memref_squeeze %dma_wait3A_133 : memref<1x434x32xi32, #tpu.memory_space<hbm>> -> memref<434x32xi32, #tpu.memory_space<hbm>>
      tpu.wait_dma2 semaphore(%run_scoped3A : memref<!tpu.dma_semaphore, #tpu.memory_space<semaphore_mem>>) src(%dma_wait3A_134 : memref<434x32xi32, #tpu.memory_space<hbm>>) dst(%arg8 : memref<434x32xi32, #tpu.memory_space<vmem>>)
      tpu.yield
    }) : () -> ()
    %barrier3A = arith.constant 0 : index
    tpu.barrier barrier_id(%barrier3A)
    %dma_start3A = arith.constant 0 : i32
    %dma_start3A_5 = arith.constant 0 : i32
    %dma_start3A_6 = tpu.memref_slice %arg7[%dma_start3A, %dma_start3A_5] : memref<434x32xi32, #tpu.memory_space<vmem>> -> memref<1x32xi32, #tpu.memory_space<vmem>>
    %dma_start3A_7 = tpu.memref_squeeze %dma_start3A_6 : memref<1x32xi32, #tpu.memory_space<vmem>> -> memref<32xi32, #tpu.memory_space<vmem>>
    %dma_start3A_8 = arith.constant 0 : i32
    %dma_start3A_9 = arith.constant 0 : i32
    %dma_start3A_10 = tpu.memref_slice %arg2[%dma_start3A_8, %dma_start3A_9] : memref<10112x64xf32, #tpu.memory_space<hbm>> -> memref<10112x64xf32, #tpu.memory_space<hbm>>
    tpu.enqueue_indirect_dma source(%dma_start3A_10 : memref<10112x64xf32, #tpu.memory_space<hbm>>) target(%arg9 : memref<32x64xf32, #tpu.memory_space<vmem>>) offsets(%dma_start3A_7 : memref<32xi32, #tpu.memory_space<vmem>>) semaphore(%arg16 : memref<!tpu.dma_semaphore, #tpu.memory_space<semaphore_mem>>)
    %dma_start3A_11 = arith.constant 1 : i32
    %dma_start3A_12 = arith.constant 0 : i32
    %dma_start3A_13 = tpu.memref_slice %arg7[%dma_start3A_11, %dma_start3A_12] : memref<434x32xi32, #tpu.memory_space<vmem>> -> memref<1x32xi32, #tpu.memory_space<vmem>>
    %dma_start3A_14 = tpu.memref_squeeze %dma_start3A_13 : memref<1x32xi32, #tpu.memory_space<vmem>> -> memref<32xi32, #tpu.memory_space<vmem>>
    %dma_start3A_15 = arith.constant 0 : i32
    %dma_start3A_16 = arith.constant 0 : i32
    %dma_start3A_17 = tpu.memref_slice %arg2[%dma_start3A_15, %dma_start3A_16] : memref<10112x64xf32, #tpu.memory_space<hbm>> -> memref<10112x64xf32, #tpu.memory_space<hbm>>
    tpu.enqueue_indirect_dma source(%dma_start3A_17 : memref<10112x64xf32, #tpu.memory_space<hbm>>) target(%arg10 : memref<32x64xf32, #tpu.memory_space<vmem>>) offsets(%dma_start3A_14 : memref<32xi32, #tpu.memory_space<vmem>>) semaphore(%arg17 : memref<!tpu.dma_semaphore, #tpu.memory_space<semaphore_mem>>)
    %dma_start3A_18 = arith.constant 2 : i32
    %dma_start3A_19 = arith.constant 0 : i32
    %dma_start3A_20 = tpu.memref_slice %arg7[%dma_start3A_18, %dma_start3A_19] : memref<434x32xi32, #tpu.memory_space<vmem>> -> memref<1x32xi32, #tpu.memory_space<vmem>>
    %dma_start3A_21 = tpu.memref_squeeze %dma_start3A_20 : memref<1x32xi32, #tpu.memory_space<vmem>> -> memref<32xi32, #tpu.memory_space<vmem>>
    %dma_start3A_22 = arith.constant 0 : i32
    %dma_start3A_23 = arith.constant 0 : i32
    %dma_start3A_24 = tpu.memref_slice %arg2[%dma_start3A_22, %dma_start3A_23] : memref<10112x64xf32, #tpu.memory_space<hbm>> -> memref<10112x64xf32, #tpu.memory_space<hbm>>
    tpu.enqueue_indirect_dma source(%dma_start3A_24 : memref<10112x64xf32, #tpu.memory_space<hbm>>) target(%arg11 : memref<32x64xf32, #tpu.memory_space<vmem>>) offsets(%dma_start3A_21 : memref<32xi32, #tpu.memory_space<vmem>>) semaphore(%arg18 : memref<!tpu.dma_semaphore, #tpu.memory_space<semaphore_mem>>)
    %dma_start3A_25 = arith.constant 3 : i32
    %dma_start3A_26 = arith.constant 0 : i32
    %dma_start3A_27 = tpu.memref_slice %arg7[%dma_start3A_25, %dma_start3A_26] : memref<434x32xi32, #tpu.memory_space<vmem>> -> memref<1x32xi32, #tpu.memory_space<vmem>>
    %dma_start3A_28 = tpu.memref_squeeze %dma_start3A_27 : memref<1x32xi32, #tpu.memory_space<vmem>> -> memref<32xi32, #tpu.memory_space<vmem>>
    %dma_start3A_29 = arith.constant 0 : i32
    %dma_start3A_30 = arith.constant 0 : i32
    %dma_start3A_31 = tpu.memref_slice %arg2[%dma_start3A_29, %dma_start3A_30] : memref<10112x64xf32, #tpu.memory_space<hbm>> -> memref<10112x64xf32, #tpu.memory_space<hbm>>
    tpu.enqueue_indirect_dma source(%dma_start3A_31 : memref<10112x64xf32, #tpu.memory_space<hbm>>) target(%arg12 : memref<32x64xf32, #tpu.memory_space<vmem>>) offsets(%dma_start3A_28 : memref<32xi32, #tpu.memory_space<vmem>>) semaphore(%arg19 : memref<!tpu.dma_semaphore, #tpu.memory_space<semaphore_mem>>)
    %dma_start3A_32 = arith.constant 4 : i32
    %dma_start3A_33 = arith.constant 0 : i32
    %dma_start3A_34 = tpu.memref_slice %arg7[%dma_start3A_32, %dma_start3A_33] : memref<434x32xi32, #tpu.memory_space<vmem>> -> memref<1x32xi32, #tpu.memory_space<vmem>>
    %dma_start3A_35 = tpu.memref_squeeze %dma_start3A_34 : memref<1x32xi32, #tpu.memory_space<vmem>> -> memref<32xi32, #tpu.memory_space<vmem>>
    %dma_start3A_36 = arith.constant 0 : i32
    %dma_start3A_37 = arith.constant 0 : i32
    %dma_start3A_38 = tpu.memref_slice %arg2[%dma_start3A_36, %dma_start3A_37] : memref<10112x64xf32, #tpu.memory_space<hbm>> -> memref<10112x64xf32, #tpu.memory_space<hbm>>
    tpu.enqueue_indirect_dma source(%dma_start3A_38 : memref<10112x64xf32, #tpu.memory_space<hbm>>) target(%arg13 : memref<32x64xf32, #tpu.memory_space<vmem>>) offsets(%dma_start3A_35 : memref<32xi32, #tpu.memory_space<vmem>>) semaphore(%arg20 : memref<!tpu.dma_semaphore, #tpu.memory_space<semaphore_mem>>)
    %dma_start3A_39 = arith.constant 5 : i32
    %dma_start3A_40 = arith.constant 0 : i32
    %dma_start3A_41 = tpu.memref_slice %arg7[%dma_start3A_39, %dma_start3A_40] : memref<434x32xi32, #tpu.memory_space<vmem>> -> memref<1x32xi32, #tpu.memory_space<vmem>>
    %dma_start3A_42 = tpu.memref_squeeze %dma_start3A_41 : memref<1x32xi32, #tpu.memory_space<vmem>> -> memref<32xi32, #tpu.memory_space<vmem>>
    %dma_start3A_43 = arith.constant 0 : i32
    %dma_start3A_44 = arith.constant 0 : i32
    %dma_start3A_45 = tpu.memref_slice %arg2[%dma_start3A_43, %dma_start3A_44] : memref<10112x64xf32, #tpu.memory_space<hbm>> -> memref<10112x64xf32, #tpu.memory_space<hbm>>
    tpu.enqueue_indirect_dma source(%dma_start3A_45 : memref<10112x64xf32, #tpu.memory_space<hbm>>) target(%arg14 : memref<32x64xf32, #tpu.memory_space<vmem>>) offsets(%dma_start3A_42 : memref<32xi32, #tpu.memory_space<vmem>>) semaphore(%arg21 : memref<!tpu.dma_semaphore, #tpu.memory_space<semaphore_mem>>)
    %jit3A_46 = arith.constant 7 : i32
    %div3A = arith.divsi %select_n3A, %jit3A_46 : i32
    %sign3A = arith.constant 0 : i32
    %sign3A_47 = arith.cmpi sgt, %select_n3A, %sign3A : i32
    %sign3A_48 = arith.extui %sign3A_47 : i1 to i32
    %sign3A_49 = arith.constant 0 : i32
    %sign3A_50 = arith.cmpi slt, %select_n3A, %sign3A_49 : i32
    %sign3A_51 = arith.extui %sign3A_50 : i1 to i32
    %sign3A_52 = arith.subi %sign3A_48, %sign3A_51 : i32
    %sign3A_53 = arith.constant 0 : i32
    %sign3A_54 = arith.cmpi sgt, %jit3A_46, %sign3A_53 : i32
    %sign3A_55 = arith.extui %sign3A_54 : i1 to i32
    %sign3A_56 = arith.constant 0 : i32
    %sign3A_57 = arith.cmpi slt, %jit3A_46, %sign3A_56 : i32
    %sign3A_58 = arith.extui %sign3A_57 : i1 to i32
    %sign3A_59 = arith.subi %sign3A_55, %sign3A_58 : i32
    %ne3A = arith.cmpi ne, %sign3A_52, %sign3A_59 : i32
    %rem3A = arith.remsi %select_n3A, %jit3A_46 : i32
    %ne3A_60 = arith.constant 0 : i32
    %ne3A_61 = arith.cmpi ne, %rem3A, %ne3A_60 : i32
    %and3A = arith.andi %ne3A, %ne3A_61 : i1
    %sub3A = arith.constant 1 : i32
    %sub3A_62 = arith.subi %div3A, %sub3A : i32
    %select_n3A_63 = arith.select %and3A, %sub3A_62, %div3A : i32
    %while3A = arith.constant 0 : i32
    %while3A_64 = arith.constant 0 : i32
    %while3A_65 = arith.subi %select_n3A_63, %while3A_64 : i32
    %while3A_66 = arith.addi %while3A_64, %while3A_65 : i32
    %while3A_67 = arith.constant 1 : i32
    %while3A_68 = arith.divsi %while3A_65, %while3A_67 : i32
    %while3A_69 = arith.muli %while3A_68, %while3A_67 : i32
    %while3A_70 = arith.addi %while3A_64, %while3A_69 : i32
    %while3A_71 = arith.constant 1 : i32
    scf.for %while3A_119 = %while3A_64 to %while3A_70 step %while3A_71  : i32 {
      %mul3A_120 = arith.constant 7 : i32
      %mul3A_121 = arith.muli %while3A_119, %mul3A_120 : i32
      %add3A_122 = arith.constant 0 : i32
      %add3A_123 = arith.addi %mul3A_121, %add3A_122 : i32
      %dma_wait3A_124 = arith.constant 0 : i32
      %dma_wait3A_125 = tpu.memref_slice %arg7[%add3A_123, %dma_wait3A_124] : memref<434x32xi32, #tpu.memory_space<vmem>> -> memref<1x32xi32, #tpu.memory_space<vmem>>
      %dma_wait3A_126 = tpu.memref_squeeze %dma_wait3A_125 : memref<1x32xi32, #tpu.memory_space<vmem>> -> memref<32xi32, #tpu.memory_space<vmem>>
      %dma_wait3A_127 = arith.constant 0 : i32
      %dma_wait3A_128 = arith.constant 0 : i32
      %dma_wait3A_129 = tpu.memref_slice %arg2[%dma_wait3A_127, %dma_wait3A_128] : memref<10112x64xf32, #tpu.memory_space<hbm>> -> memref<10112x64xf32, #tpu.memory_space<hbm>>
      tpu.wait_indirect_dma semaphore(%arg16 : memref<!tpu.dma_semaphore, #tpu.memory_space<semaphore_mem>>) src(%dma_wait3A_129 : memref<10112x64xf32, #tpu.memory_space<hbm>>) dst(%arg9 : memref<32x64xf32, #tpu.memory_space<vmem>>)
      %add3A_130 = arith.constant 7 : i32
      %add3A_131 = arith.addi %add3A_123, %add3A_130 : i32
      %sub3A_132 = arith.constant 1 : i32
      %sub3A_133 = arith.subi %add3A_131, %sub3A_132 : i32
      %sub3A_134 = arith.constant 1 : i32
      %sub3A_135 = arith.subi %select_n3A, %sub3A_134 : i32
      %min3A = arith.minsi %sub3A_133, %sub3A_135 : i32
      %dma_start3A_136 = arith.constant 0 : i32
      %dma_start3A_137 = tpu.memref_slice %arg7[%min3A, %dma_start3A_136] : memref<434x32xi32, #tpu.memory_space<vmem>> -> memref<1x32xi32, #tpu.memory_space<vmem>>
      %dma_start3A_138 = tpu.memref_squeeze %dma_start3A_137 : memref<1x32xi32, #tpu.memory_space<vmem>> -> memref<32xi32, #tpu.memory_space<vmem>>
      %dma_start3A_139 = arith.constant 0 : i32
      %dma_start3A_140 = arith.constant 0 : i32
      %dma_start3A_141 = tpu.memref_slice %arg2[%dma_start3A_139, %dma_start3A_140] : memref<10112x64xf32, #tpu.memory_space<hbm>> -> memref<10112x64xf32, #tpu.memory_space<hbm>>
      tpu.enqueue_indirect_dma source(%dma_start3A_141 : memref<10112x64xf32, #tpu.memory_space<hbm>>) target(%arg15 : memref<32x64xf32, #tpu.memory_space<vmem>>) offsets(%dma_start3A_138 : memref<32xi32, #tpu.memory_space<vmem>>) semaphore(%arg22 : memref<!tpu.dma_semaphore, #tpu.memory_space<semaphore_mem>>)
      "tpu.region"() ({
        %run_scoped3A = tpu.sem_alloc : memref<!tpu.dma_semaphore, #tpu.memory_space<semaphore_mem>>
        %dma_start3A_280 = arith.constant 0 : i32
        %dma_start3A_281 = tpu.memref_slice %arg8[%add3A_123, %dma_start3A_280] : memref<434x32xi32, #tpu.memory_space<vmem>> -> memref<1x32xi32, #tpu.memory_space<vmem>>
        %dma_start3A_282 = tpu.memref_squeeze %dma_start3A_281 : memref<1x32xi32, #tpu.memory_space<vmem>> -> memref<32xi32, #tpu.memory_space<vmem>>
        %dma_start3A_283 = arith.constant 0 : i32
        %dma_start3A_284 = arith.constant 0 : i32
        %dma_start3A_285 = tpu.memref_slice %arg23[%dma_start3A_283, %dma_start3A_284] : memref<10112x64xf32, #tpu.memory_space<vmem_shared>> -> memref<10112x64xf32, #tpu.memory_space<vmem_shared>>
        tpu.enqueue_indirect_dma source(%arg9 : memref<32x64xf32, #tpu.memory_space<vmem>>) target(%dma_start3A_285 : memref<10112x64xf32, #tpu.memory_space<vmem_shared>>) offsets(%dma_start3A_282 : memref<32xi32, #tpu.memory_space<vmem>>) semaphore(%run_scoped3A : memref<!tpu.dma_semaphore, #tpu.memory_space<semaphore_mem>>) {add = true}
        %dma_wait3A_286 = arith.constant 0 : i32
        %dma_wait3A_287 = tpu.memref_slice %arg8[%add3A_123, %dma_wait3A_286] : memref<434x32xi32, #tpu.memory_space<vmem>> -> memref<1x32xi32, #tpu.memory_space<vmem>>
        %dma_wait3A_288 = tpu.memref_squeeze %dma_wait3A_287 : memref<1x32xi32, #tpu.memory_space<vmem>> -> memref<32xi32, #tpu.memory_space<vmem>>
        %dma_wait3A_289 = arith.constant 0 : i32
        %dma_wait3A_290 = arith.constant 0 : i32
        %dma_wait3A_291 = tpu.memref_slice %arg23[%dma_wait3A_289, %dma_wait3A_290] : memref<10112x64xf32, #tpu.memory_space<vmem_shared>> -> memref<10112x64xf32, #tpu.memory_space<vmem_shared>>
        tpu.wait_indirect_dma semaphore(%run_scoped3A : memref<!tpu.dma_semaphore, #tpu.memory_space<semaphore_mem>>) src(%arg9 : memref<32x64xf32, #tpu.memory_space<vmem>>) dst(%dma_wait3A_291 : memref<10112x64xf32, #tpu.memory_space<vmem_shared>>)
        tpu.yield
      }) : () -> ()
      %mul3A_142 = arith.constant 7 : i32
      %mul3A_143 = arith.muli %while3A_119, %mul3A_142 : i32
      %add3A_144 = arith.constant 1 : i32
      %add3A_145 = arith.addi %mul3A_143, %add3A_144 : i32
      %dma_wait3A_146 = arith.constant 0 : i32
      %dma_wait3A_147 = tpu.memref_slice %arg7[%add3A_145, %dma_wait3A_146] : memref<434x32xi32, #tpu.memory_space<vmem>> -> memref<1x32xi32, #tpu.memory_space<vmem>>
      %dma_wait3A_148 = tpu.memref_squeeze %dma_wait3A_147 : memref<1x32xi32, #tpu.memory_space<vmem>> -> memref<32xi32, #tpu.memory_space<vmem>>
      %dma_wait3A_149 = arith.constant 0 : i32
      %dma_wait3A_150 = arith.constant 0 : i32
      %dma_wait3A_151 = tpu.memref_slice %arg2[%dma_wait3A_149, %dma_wait3A_150] : memref<10112x64xf32, #tpu.memory_space<hbm>> -> memref<10112x64xf32, #tpu.memory_space<hbm>>
      tpu.wait_indirect_dma semaphore(%arg17 : memref<!tpu.dma_semaphore, #tpu.memory_space<semaphore_mem>>) src(%dma_wait3A_151 : memref<10112x64xf32, #tpu.memory_space<hbm>>) dst(%arg10 : memref<32x64xf32, #tpu.memory_space<vmem>>)
      %add3A_152 = arith.constant 7 : i32
      %add3A_153 = arith.addi %add3A_145, %add3A_152 : i32
      %sub3A_154 = arith.constant 1 : i32
      %sub3A_155 = arith.subi %add3A_153, %sub3A_154 : i32
      %sub3A_156 = arith.constant 1 : i32
      %sub3A_157 = arith.subi %select_n3A, %sub3A_156 : i32
      %min3A_158 = arith.minsi %sub3A_155, %sub3A_157 : i32
      %dma_start3A_159 = arith.constant 0 : i32
      %dma_start3A_160 = tpu.memref_slice %arg7[%min3A_158, %dma_start3A_159] : memref<434x32xi32, #tpu.memory_space<vmem>> -> memref<1x32xi32, #tpu.memory_space<vmem>>
      %dma_start3A_161 = tpu.memref_squeeze %dma_start3A_160 : memref<1x32xi32, #tpu.memory_space<vmem>> -> memref<32xi32, #tpu.memory_space<vmem>>
      %dma_start3A_162 = arith.constant 0 : i32
      %dma_start3A_163 = arith.constant 0 : i32
      %dma_start3A_164 = tpu.memref_slice %arg2[%dma_start3A_162, %dma_start3A_163] : memref<10112x64xf32, #tpu.memory_space<hbm>> -> memref<10112x64xf32, #tpu.memory_space<hbm>>
      tpu.enqueue_indirect_dma source(%dma_start3A_164 : memref<10112x64xf32, #tpu.memory_space<hbm>>) target(%arg9 : memref<32x64xf32, #tpu.memory_space<vmem>>) offsets(%dma_start3A_161 : memref<32xi32, #tpu.memory_space<vmem>>) semaphore(%arg16 : memref<!tpu.dma_semaphore, #tpu.memory_space<semaphore_mem>>)
      "tpu.region"() ({
        %run_scoped3A = tpu.sem_alloc : memref<!tpu.dma_semaphore, #tpu.memory_space<semaphore_mem>>
        %dma_start3A_280 = arith.constant 0 : i32
        %dma_start3A_281 = tpu.memref_slice %arg8[%add3A_145, %dma_start3A_280] : memref<434x32xi32, #tpu.memory_space<vmem>> -> memref<1x32xi32, #tpu.memory_space<vmem>>
        %dma_start3A_282 = tpu.memref_squeeze %dma_start3A_281 : memref<1x32xi32, #tpu.memory_space<vmem>> -> memref<32xi32, #tpu.memory_space<vmem>>
        %dma_start3A_283 = arith.constant 0 : i32
        %dma_start3A_284 = arith.constant 0 : i32
        %dma_start3A_285 = tpu.memref_slice %arg23[%dma_start3A_283, %dma_start3A_284] : memref<10112x64xf32, #tpu.memory_space<vmem_shared>> -> memref<10112x64xf32, #tpu.memory_space<vmem_shared>>
        tpu.enqueue_indirect_dma source(%arg10 : memref<32x64xf32, #tpu.memory_space<vmem>>) target(%dma_start3A_285 : memref<10112x64xf32, #tpu.memory_space<vmem_shared>>) offsets(%dma_start3A_282 : memref<32xi32, #tpu.memory_space<vmem>>) semaphore(%run_scoped3A : memref<!tpu.dma_semaphore, #tpu.memory_space<semaphore_mem>>) {add = true}
        %dma_wait3A_286 = arith.constant 0 : i32
        %dma_wait3A_287 = tpu.memref_slice %arg8[%add3A_145, %dma_wait3A_286] : memref<434x32xi32, #tpu.memory_space<vmem>> -> memref<1x32xi32, #tpu.memory_space<vmem>>
        %dma_wait3A_288 = tpu.memref_squeeze %dma_wait3A_287 : memref<1x32xi32, #tpu.memory_space<vmem>> -> memref<32xi32, #tpu.memory_space<vmem>>
        %dma_wait3A_289 = arith.constant 0 : i32
        %dma_wait3A_290 = arith.constant 0 : i32
        %dma_wait3A_291 = tpu.memref_slice %arg23[%dma_wait3A_289, %dma_wait3A_290] : memref<10112x64xf32, #tpu.memory_space<vmem_shared>> -> memref<10112x64xf32, #tpu.memory_space<vmem_shared>>
        tpu.wait_indirect_dma semaphore(%run_scoped3A : memref<!tpu.dma_semaphore, #tpu.memory_space<semaphore_mem>>) src(%arg10 : memref<32x64xf32, #tpu.memory_space<vmem>>) dst(%dma_wait3A_291 : memref<10112x64xf32, #tpu.memory_space<vmem_shared>>)
        tpu.yield
      }) : () -> ()
      %mul3A_165 = arith.constant 7 : i32
      %mul3A_166 = arith.muli %while3A_119, %mul3A_165 : i32
      %add3A_167 = arith.constant 2 : i32
      %add3A_168 = arith.addi %mul3A_166, %add3A_167 : i32
      %dma_wait3A_169 = arith.constant 0 : i32
      %dma_wait3A_170 = tpu.memref_slice %arg7[%add3A_168, %dma_wait3A_169] : memref<434x32xi32, #tpu.memory_space<vmem>> -> memref<1x32xi32, #tpu.memory_space<vmem>>
      %dma_wait3A_171 = tpu.memref_squeeze %dma_wait3A_170 : memref<1x32xi32, #tpu.memory_space<vmem>> -> memref<32xi32, #tpu.memory_space<vmem>>
      %dma_wait3A_172 = arith.constant 0 : i32
      %dma_wait3A_173 = arith.constant 0 : i32
      %dma_wait3A_174 = tpu.memref_slice %arg2[%dma_wait3A_172, %dma_wait3A_173] : memref<10112x64xf32, #tpu.memory_space<hbm>> -> memref<10112x64xf32, #tpu.memory_space<hbm>>
      tpu.wait_indirect_dma semaphore(%arg18 : memref<!tpu.dma_semaphore, #tpu.memory_space<semaphore_mem>>) src(%dma_wait3A_174 : memref<10112x64xf32, #tpu.memory_space<hbm>>) dst(%arg11 : memref<32x64xf32, #tpu.memory_space<vmem>>)
      %add3A_175 = arith.constant 7 : i32
      %add3A_176 = arith.addi %add3A_168, %add3A_175 : i32
      %sub3A_177 = arith.constant 1 : i32
      %sub3A_178 = arith.subi %add3A_176, %sub3A_177 : i32
      %sub3A_179 = arith.constant 1 : i32
      %sub3A_180 = arith.subi %select_n3A, %sub3A_179 : i32
      %min3A_181 = arith.minsi %sub3A_178, %sub3A_180 : i32
      %dma_start3A_182 = arith.constant 0 : i32
      %dma_start3A_183 = tpu.memref_slice %arg7[%min3A_181, %dma_start3A_182] : memref<434x32xi32, #tpu.memory_space<vmem>> -> memref<1x32xi32, #tpu.memory_space<vmem>>
      %dma_start3A_184 = tpu.memref_squeeze %dma_start3A_183 : memref<1x32xi32, #tpu.memory_space<vmem>> -> memref<32xi32, #tpu.memory_space<vmem>>
      %dma_start3A_185 = arith.constant 0 : i32
      %dma_start3A_186 = arith.constant 0 : i32
      %dma_start3A_187 = tpu.memref_slice %arg2[%dma_start3A_185, %dma_start3A_186] : memref<10112x64xf32, #tpu.memory_space<hbm>> -> memref<10112x64xf32, #tpu.memory_space<hbm>>
      tpu.enqueue_indirect_dma source(%dma_start3A_187 : memref<10112x64xf32, #tpu.memory_space<hbm>>) target(%arg10 : memref<32x64xf32, #tpu.memory_space<vmem>>) offsets(%dma_start3A_184 : memref<32xi32, #tpu.memory_space<vmem>>) semaphore(%arg17 : memref<!tpu.dma_semaphore, #tpu.memory_space<semaphore_mem>>)
      "tpu.region"() ({
        %run_scoped3A = tpu.sem_alloc : memref<!tpu.dma_semaphore, #tpu.memory_space<semaphore_mem>>
        %dma_start3A_280 = arith.constant 0 : i32
        %dma_start3A_281 = tpu.memref_slice %arg8[%add3A_168, %dma_start3A_280] : memref<434x32xi32, #tpu.memory_space<vmem>> -> memref<1x32xi32, #tpu.memory_space<vmem>>
        %dma_start3A_282 = tpu.memref_squeeze %dma_start3A_281 : memref<1x32xi32, #tpu.memory_space<vmem>> -> memref<32xi32, #tpu.memory_space<vmem>>
        %dma_start3A_283 = arith.constant 0 : i32
        %dma_start3A_284 = arith.constant 0 : i32
        %dma_start3A_285 = tpu.memref_slice %arg23[%dma_start3A_283, %dma_start3A_284] : memref<10112x64xf32, #tpu.memory_space<vmem_shared>> -> memref<10112x64xf32, #tpu.memory_space<vmem_shared>>
        tpu.enqueue_indirect_dma source(%arg11 : memref<32x64xf32, #tpu.memory_space<vmem>>) target(%dma_start3A_285 : memref<10112x64xf32, #tpu.memory_space<vmem_shared>>) offsets(%dma_start3A_282 : memref<32xi32, #tpu.memory_space<vmem>>) semaphore(%run_scoped3A : memref<!tpu.dma_semaphore, #tpu.memory_space<semaphore_mem>>) {add = true}
        %dma_wait3A_286 = arith.constant 0 : i32
        %dma_wait3A_287 = tpu.memref_slice %arg8[%add3A_168, %dma_wait3A_286] : memref<434x32xi32, #tpu.memory_space<vmem>> -> memref<1x32xi32, #tpu.memory_space<vmem>>
        %dma_wait3A_288 = tpu.memref_squeeze %dma_wait3A_287 : memref<1x32xi32, #tpu.memory_space<vmem>> -> memref<32xi32, #tpu.memory_space<vmem>>
        %dma_wait3A_289 = arith.constant 0 : i32
        %dma_wait3A_290 = arith.constant 0 : i32
        %dma_wait3A_291 = tpu.memref_slice %arg23[%dma_wait3A_289, %dma_wait3A_290] : memref<10112x64xf32, #tpu.memory_space<vmem_shared>> -> memref<10112x64xf32, #tpu.memory_space<vmem_shared>>
        tpu.wait_indirect_dma semaphore(%run_scoped3A : memref<!tpu.dma_semaphore, #tpu.memory_space<semaphore_mem>>) src(%arg11 : memref<32x64xf32, #tpu.memory_space<vmem>>) dst(%dma_wait3A_291 : memref<10112x64xf32, #tpu.memory_space<vmem_shared>>)
        tpu.yield
      }) : () -> ()
      %mul3A_188 = arith.constant 7 : i32
      %mul3A_189 = arith.muli %while3A_119, %mul3A_188 : i32
      %add3A_190 = arith.constant 3 : i32
      %add3A_191 = arith.addi %mul3A_189, %add3A_190 : i32
      %dma_wait3A_192 = arith.constant 0 : i32
      %dma_wait3A_193 = tpu.memref_slice %arg7[%add3A_191, %dma_wait3A_192] : memref<434x32xi32, #tpu.memory_space<vmem>> -> memref<1x32xi32, #tpu.memory_space<vmem>>
      %dma_wait3A_194 = tpu.memref_squeeze %dma_wait3A_193 : memref<1x32xi32, #tpu.memory_space<vmem>> -> memref<32xi32, #tpu.memory_space<vmem>>
      %dma_wait3A_195 = arith.constant 0 : i32
      %dma_wait3A_196 = arith.constant 0 : i32
      %dma_wait3A_197 = tpu.memref_slice %arg2[%dma_wait3A_195, %dma_wait3A_196] : memref<10112x64xf32, #tpu.memory_space<hbm>> -> memref<10112x64xf32, #tpu.memory_space<hbm>>
      tpu.wait_indirect_dma semaphore(%arg19 : memref<!tpu.dma_semaphore, #tpu.memory_space<semaphore_mem>>) src(%dma_wait3A_197 : memref<10112x64xf32, #tpu.memory_space<hbm>>) dst(%arg12 : memref<32x64xf32, #tpu.memory_space<vmem>>)
      %add3A_198 = arith.constant 7 : i32
      %add3A_199 = arith.addi %add3A_191, %add3A_198 : i32
      %sub3A_200 = arith.constant 1 : i32
      %sub3A_201 = arith.subi %add3A_199, %sub3A_200 : i32
      %sub3A_202 = arith.constant 1 : i32
      %sub3A_203 = arith.subi %select_n3A, %sub3A_202 : i32
      %min3A_204 = arith.minsi %sub3A_201, %sub3A_203 : i32
      %dma_start3A_205 = arith.constant 0 : i32
      %dma_start3A_206 = tpu.memref_slice %arg7[%min3A_204, %dma_start3A_205] : memref<434x32xi32, #tpu.memory_space<vmem>> -> memref<1x32xi32, #tpu.memory_space<vmem>>
      %dma_start3A_207 = tpu.memref_squeeze %dma_start3A_206 : memref<1x32xi32, #tpu.memory_space<vmem>> -> memref<32xi32, #tpu.memory_space<vmem>>
      %dma_start3A_208 = arith.constant 0 : i32
      %dma_start3A_209 = arith.constant 0 : i32
      %dma_start3A_210 = tpu.memref_slice %arg2[%dma_start3A_208, %dma_start3A_209] : memref<10112x64xf32, #tpu.memory_space<hbm>> -> memref<10112x64xf32, #tpu.memory_space<hbm>>
      tpu.enqueue_indirect_dma source(%dma_start3A_210 : memref<10112x64xf32, #tpu.memory_space<hbm>>) target(%arg11 : memref<32x64xf32, #tpu.memory_space<vmem>>) offsets(%dma_start3A_207 : memref<32xi32, #tpu.memory_space<vmem>>) semaphore(%arg18 : memref<!tpu.dma_semaphore, #tpu.memory_space<semaphore_mem>>)
      "tpu.region"() ({
        %run_scoped3A = tpu.sem_alloc : memref<!tpu.dma_semaphore, #tpu.memory_space<semaphore_mem>>
        %dma_start3A_280 = arith.constant 0 : i32
        %dma_start3A_281 = tpu.memref_slice %arg8[%add3A_191, %dma_start3A_280] : memref<434x32xi32, #tpu.memory_space<vmem>> -> memref<1x32xi32, #tpu.memory_space<vmem>>
        %dma_start3A_282 = tpu.memref_squeeze %dma_start3A_281 : memref<1x32xi32, #tpu.memory_space<vmem>> -> memref<32xi32, #tpu.memory_space<vmem>>
        %dma_start3A_283 = arith.constant 0 : i32
        %dma_start3A_284 = arith.constant 0 : i32
        %dma_start3A_285 = tpu.memref_slice %arg23[%dma_start3A_283, %dma_start3A_284] : memref<10112x64xf32, #tpu.memory_space<vmem_shared>> -> memref<10112x64xf32, #tpu.memory_space<vmem_shared>>
        tpu.enqueue_indirect_dma source(%arg12 : memref<32x64xf32, #tpu.memory_space<vmem>>) target(%dma_start3A_285 : memref<10112x64xf32, #tpu.memory_space<vmem_shared>>) offsets(%dma_start3A_282 : memref<32xi32, #tpu.memory_space<vmem>>) semaphore(%run_scoped3A : memref<!tpu.dma_semaphore, #tpu.memory_space<semaphore_mem>>) {add = true}
        %dma_wait3A_286 = arith.constant 0 : i32
        %dma_wait3A_287 = tpu.memref_slice %arg8[%add3A_191, %dma_wait3A_286] : memref<434x32xi32, #tpu.memory_space<vmem>> -> memref<1x32xi32, #tpu.memory_space<vmem>>
        %dma_wait3A_288 = tpu.memref_squeeze %dma_wait3A_287 : memref<1x32xi32, #tpu.memory_space<vmem>> -> memref<32xi32, #tpu.memory_space<vmem>>
        %dma_wait3A_289 = arith.constant 0 : i32
        %dma_wait3A_290 = arith.constant 0 : i32
        %dma_wait3A_291 = tpu.memref_slice %arg23[%dma_wait3A_289, %dma_wait3A_290] : memref<10112x64xf32, #tpu.memory_space<vmem_shared>> -> memref<10112x64xf32, #tpu.memory_space<vmem_shared>>
        tpu.wait_indirect_dma semaphore(%run_scoped3A : memref<!tpu.dma_semaphore, #tpu.memory_space<semaphore_mem>>) src(%arg12 : memref<32x64xf32, #tpu.memory_space<vmem>>) dst(%dma_wait3A_291 : memref<10112x64xf32, #tpu.memory_space<vmem_shared>>)
        tpu.yield
      }) : () -> ()
      %mul3A_211 = arith.constant 7 : i32
      %mul3A_212 = arith.muli %while3A_119, %mul3A_211 : i32
      %add3A_213 = arith.constant 4 : i32
      %add3A_214 = arith.addi %mul3A_212, %add3A_213 : i32
      %dma_wait3A_215 = arith.constant 0 : i32
      %dma_wait3A_216 = tpu.memref_slice %arg7[%add3A_214, %dma_wait3A_215] : memref<434x32xi32, #tpu.memory_space<vmem>> -> memref<1x32xi32, #tpu.memory_space<vmem>>
      %dma_wait3A_217 = tpu.memref_squeeze %dma_wait3A_216 : memref<1x32xi32, #tpu.memory_space<vmem>> -> memref<32xi32, #tpu.memory_space<vmem>>
      %dma_wait3A_218 = arith.constant 0 : i32
      %dma_wait3A_219 = arith.constant 0 : i32
      %dma_wait3A_220 = tpu.memref_slice %arg2[%dma_wait3A_218, %dma_wait3A_219] : memref<10112x64xf32, #tpu.memory_space<hbm>> -> memref<10112x64xf32, #tpu.memory_space<hbm>>
      tpu.wait_indirect_dma semaphore(%arg20 : memref<!tpu.dma_semaphore, #tpu.memory_space<semaphore_mem>>) src(%dma_wait3A_220 : memref<10112x64xf32, #tpu.memory_space<hbm>>) dst(%arg13 : memref<32x64xf32, #tpu.memory_space<vmem>>)
      %add3A_221 = arith.constant 7 : i32
      %add3A_222 = arith.addi %add3A_214, %add3A_221 : i32
      %sub3A_223 = arith.constant 1 : i32
      %sub3A_224 = arith.subi %add3A_222, %sub3A_223 : i32
      %sub3A_225 = arith.constant 1 : i32
      %sub3A_226 = arith.subi %select_n3A, %sub3A_225 : i32
      %min3A_227 = arith.minsi %sub3A_224, %sub3A_226 : i32
      %dma_start3A_228 = arith.constant 0 : i32
      %dma_start3A_229 = tpu.memref_slice %arg7[%min3A_227, %dma_start3A_228] : memref<434x32xi32, #tpu.memory_space<vmem>> -> memref<1x32xi32, #tpu.memory_space<vmem>>
      %dma_start3A_230 = tpu.memref_squeeze %dma_start3A_229 : memref<1x32xi32, #tpu.memory_space<vmem>> -> memref<32xi32, #tpu.memory_space<vmem>>
      %dma_start3A_231 = arith.constant 0 : i32
      %dma_start3A_232 = arith.constant 0 : i32
      %dma_start3A_233 = tpu.memref_slice %arg2[%dma_start3A_231, %dma_start3A_232] : memref<10112x64xf32, #tpu.memory_space<hbm>> -> memref<10112x64xf32, #tpu.memory_space<hbm>>
      tpu.enqueue_indirect_dma source(%dma_start3A_233 : memref<10112x64xf32, #tpu.memory_space<hbm>>) target(%arg12 : memref<32x64xf32, #tpu.memory_space<vmem>>) offsets(%dma_start3A_230 : memref<32xi32, #tpu.memory_space<vmem>>) semaphore(%arg19 : memref<!tpu.dma_semaphore, #tpu.memory_space<semaphore_mem>>)
      "tpu.region"() ({
        %run_scoped3A = tpu.sem_alloc : memref<!tpu.dma_semaphore, #tpu.memory_space<semaphore_mem>>
        %dma_start3A_280 = arith.constant 0 : i32
        %dma_start3A_281 = tpu.memref_slice %arg8[%add3A_214, %dma_start3A_280] : memref<434x32xi32, #tpu.memory_space<vmem>> -> memref<1x32xi32, #tpu.memory_space<vmem>>
        %dma_start3A_282 = tpu.memref_squeeze %dma_start3A_281 : memref<1x32xi32, #tpu.memory_space<vmem>> -> memref<32xi32, #tpu.memory_space<vmem>>
        %dma_start3A_283 = arith.constant 0 : i32
        %dma_start3A_284 = arith.constant 0 : i32
        %dma_start3A_285 = tpu.memref_slice %arg23[%dma_start3A_283, %dma_start3A_284] : memref<10112x64xf32, #tpu.memory_space<vmem_shared>> -> memref<10112x64xf32, #tpu.memory_space<vmem_shared>>
        tpu.enqueue_indirect_dma source(%arg13 : memref<32x64xf32, #tpu.memory_space<vmem>>) target(%dma_start3A_285 : memref<10112x64xf32, #tpu.memory_space<vmem_shared>>) offsets(%dma_start3A_282 : memref<32xi32, #tpu.memory_space<vmem>>) semaphore(%run_scoped3A : memref<!tpu.dma_semaphore, #tpu.memory_space<semaphore_mem>>) {add = true}
        %dma_wait3A_286 = arith.constant 0 : i32
        %dma_wait3A_287 = tpu.memref_slice %arg8[%add3A_214, %dma_wait3A_286] : memref<434x32xi32, #tpu.memory_space<vmem>> -> memref<1x32xi32, #tpu.memory_space<vmem>>
        %dma_wait3A_288 = tpu.memref_squeeze %dma_wait3A_287 : memref<1x32xi32, #tpu.memory_space<vmem>> -> memref<32xi32, #tpu.memory_space<vmem>>
        %dma_wait3A_289 = arith.constant 0 : i32
        %dma_wait3A_290 = arith.constant 0 : i32
        %dma_wait3A_291 = tpu.memref_slice %arg23[%dma_wait3A_289, %dma_wait3A_290] : memref<10112x64xf32, #tpu.memory_space<vmem_shared>> -> memref<10112x64xf32, #tpu.memory_space<vmem_shared>>
        tpu.wait_indirect_dma semaphore(%run_scoped3A : memref<!tpu.dma_semaphore, #tpu.memory_space<semaphore_mem>>) src(%arg13 : memref<32x64xf32, #tpu.memory_space<vmem>>) dst(%dma_wait3A_291 : memref<10112x64xf32, #tpu.memory_space<vmem_shared>>)
        tpu.yield
      }) : () -> ()
      %mul3A_234 = arith.constant 7 : i32
      %mul3A_235 = arith.muli %while3A_119, %mul3A_234 : i32
      %add3A_236 = arith.constant 5 : i32
      %add3A_237 = arith.addi %mul3A_235, %add3A_236 : i32
      %dma_wait3A_238 = arith.constant 0 : i32
      %dma_wait3A_239 = tpu.memref_slice %arg7[%add3A_237, %dma_wait3A_238] : memref<434x32xi32, #tpu.memory_space<vmem>> -> memref<1x32xi32, #tpu.memory_space<vmem>>
      %dma_wait3A_240 = tpu.memref_squeeze %dma_wait3A_239 : memref<1x32xi32, #tpu.memory_space<vmem>> -> memref<32xi32, #tpu.memory_space<vmem>>
      %dma_wait3A_241 = arith.constant 0 : i32
      %dma_wait3A_242 = arith.constant 0 : i32
      %dma_wait3A_243 = tpu.memref_slice %arg2[%dma_wait3A_241, %dma_wait3A_242] : memref<10112x64xf32, #tpu.memory_space<hbm>> -> memref<10112x64xf32, #tpu.memory_space<hbm>>
      tpu.wait_indirect_dma semaphore(%arg21 : memref<!tpu.dma_semaphore, #tpu.memory_space<semaphore_mem>>) src(%dma_wait3A_243 : memref<10112x64xf32, #tpu.memory_space<hbm>>) dst(%arg14 : memref<32x64xf32, #tpu.memory_space<vmem>>)
      %add3A_244 = arith.constant 7 : i32
      %add3A_245 = arith.addi %add3A_237, %add3A_244 : i32
      %sub3A_246 = arith.constant 1 : i32
      %sub3A_247 = arith.subi %add3A_245, %sub3A_246 : i32
      %sub3A_248 = arith.constant 1 : i32
      %sub3A_249 = arith.subi %select_n3A, %sub3A_248 : i32
      %min3A_250 = arith.minsi %sub3A_247, %sub3A_249 : i32
      %dma_start3A_251 = arith.constant 0 : i32
      %dma_start3A_252 = tpu.memref_slice %arg7[%min3A_250, %dma_start3A_251] : memref<434x32xi32, #tpu.memory_space<vmem>> -> memref<1x32xi32, #tpu.memory_space<vmem>>
      %dma_start3A_253 = tpu.memref_squeeze %dma_start3A_252 : memref<1x32xi32, #tpu.memory_space<vmem>> -> memref<32xi32, #tpu.memory_space<vmem>>
      %dma_start3A_254 = arith.constant 0 : i32
      %dma_start3A_255 = arith.constant 0 : i32
      %dma_start3A_256 = tpu.memref_slice %arg2[%dma_start3A_254, %dma_start3A_255] : memref<10112x64xf32, #tpu.memory_space<hbm>> -> memref<10112x64xf32, #tpu.memory_space<hbm>>
      tpu.enqueue_indirect_dma source(%dma_start3A_256 : memref<10112x64xf32, #tpu.memory_space<hbm>>) target(%arg13 : memref<32x64xf32, #tpu.memory_space<vmem>>) offsets(%dma_start3A_253 : memref<32xi32, #tpu.memory_space<vmem>>) semaphore(%arg20 : memref<!tpu.dma_semaphore, #tpu.memory_space<semaphore_mem>>)
      "tpu.region"() ({
        %run_scoped3A = tpu.sem_alloc : memref<!tpu.dma_semaphore, #tpu.memory_space<semaphore_mem>>
        %dma_start3A_280 = arith.constant 0 : i32
        %dma_start3A_281 = tpu.memref_slice %arg8[%add3A_237, %dma_start3A_280] : memref<434x32xi32, #tpu.memory_space<vmem>> -> memref<1x32xi32, #tpu.memory_space<vmem>>
        %dma_start3A_282 = tpu.memref_squeeze %dma_start3A_281 : memref<1x32xi32, #tpu.memory_space<vmem>> -> memref<32xi32, #tpu.memory_space<vmem>>
        %dma_start3A_283 = arith.constant 0 : i32
        %dma_start3A_284 = arith.constant 0 : i32
        %dma_start3A_285 = tpu.memref_slice %arg23[%dma_start3A_283, %dma_start3A_284] : memref<10112x64xf32, #tpu.memory_space<vmem_shared>> -> memref<10112x64xf32, #tpu.memory_space<vmem_shared>>
        tpu.enqueue_indirect_dma source(%arg14 : memref<32x64xf32, #tpu.memory_space<vmem>>) target(%dma_start3A_285 : memref<10112x64xf32, #tpu.memory_space<vmem_shared>>) offsets(%dma_start3A_282 : memref<32xi32, #tpu.memory_space<vmem>>) semaphore(%run_scoped3A : memref<!tpu.dma_semaphore, #tpu.memory_space<semaphore_mem>>) {add = true}
        %dma_wait3A_286 = arith.constant 0 : i32
        %dma_wait3A_287 = tpu.memref_slice %arg8[%add3A_237, %dma_wait3A_286] : memref<434x32xi32, #tpu.memory_space<vmem>> -> memref<1x32xi32, #tpu.memory_space<vmem>>
        %dma_wait3A_288 = tpu.memref_squeeze %dma_wait3A_287 : memref<1x32xi32, #tpu.memory_space<vmem>> -> memref<32xi32, #tpu.memory_space<vmem>>
        %dma_wait3A_289 = arith.constant 0 : i32
        %dma_wait3A_290 = arith.constant 0 : i32
        %dma_wait3A_291 = tpu.memref_slice %arg23[%dma_wait3A_289, %dma_wait3A_290] : memref<10112x64xf32, #tpu.memory_space<vmem_shared>> -> memref<10112x64xf32, #tpu.memory_space<vmem_shared>>
        tpu.wait_indirect_dma semaphore(%run_scoped3A : memref<!tpu.dma_semaphore, #tpu.memory_space<semaphore_mem>>) src(%arg14 : memref<32x64xf32, #tpu.memory_space<vmem>>) dst(%dma_wait3A_291 : memref<10112x64xf32, #tpu.memory_space<vmem_shared>>)
        tpu.yield
      }) : () -> ()
      %mul3A_257 = arith.constant 7 : i32
      %mul3A_258 = arith.muli %while3A_119, %mul3A_257 : i32
      %add3A_259 = arith.constant 6 : i32
      %add3A_260 = arith.addi %mul3A_258, %add3A_259 : i32
      %dma_wait3A_261 = arith.constant 0 : i32
      %dma_wait3A_262 = tpu.memref_slice %arg7[%add3A_260, %dma_wait3A_261] : memref<434x32xi32, #tpu.memory_space<vmem>> -> memref<1x32xi32, #tpu.memory_space<vmem>>
      %dma_wait3A_263 = tpu.memref_squeeze %dma_wait3A_262 : memref<1x32xi32, #tpu.memory_space<vmem>> -> memref<32xi32, #tpu.memory_space<vmem>>
      %dma_wait3A_264 = arith.constant 0 : i32
      %dma_wait3A_265 = arith.constant 0 : i32
      %dma_wait3A_266 = tpu.memref_slice %arg2[%dma_wait3A_264, %dma_wait3A_265] : memref<10112x64xf32, #tpu.memory_space<hbm>> -> memref<10112x64xf32, #tpu.memory_space<hbm>>
      tpu.wait_indirect_dma semaphore(%arg22 : memref<!tpu.dma_semaphore, #tpu.memory_space<semaphore_mem>>) src(%dma_wait3A_266 : memref<10112x64xf32, #tpu.memory_space<hbm>>) dst(%arg15 : memref<32x64xf32, #tpu.memory_space<vmem>>)
      %add3A_267 = arith.constant 7 : i32
      %add3A_268 = arith.addi %add3A_260, %add3A_267 : i32
      %sub3A_269 = arith.constant 1 : i32
      %sub3A_270 = arith.subi %add3A_268, %sub3A_269 : i32
      %sub3A_271 = arith.constant 1 : i32
      %sub3A_272 = arith.subi %select_n3A, %sub3A_271 : i32
      %min3A_273 = arith.minsi %sub3A_270, %sub3A_272 : i32
      %dma_start3A_274 = arith.constant 0 : i32
      %dma_start3A_275 = tpu.memref_slice %arg7[%min3A_273, %dma_start3A_274] : memref<434x32xi32, #tpu.memory_space<vmem>> -> memref<1x32xi32, #tpu.memory_space<vmem>>
      %dma_start3A_276 = tpu.memref_squeeze %dma_start3A_275 : memref<1x32xi32, #tpu.memory_space<vmem>> -> memref<32xi32, #tpu.memory_space<vmem>>
      %dma_start3A_277 = arith.constant 0 : i32
      %dma_start3A_278 = arith.constant 0 : i32
      %dma_start3A_279 = tpu.memref_slice %arg2[%dma_start3A_277, %dma_start3A_278] : memref<10112x64xf32, #tpu.memory_space<hbm>> -> memref<10112x64xf32, #tpu.memory_space<hbm>>
      tpu.enqueue_indirect_dma source(%dma_start3A_279 : memref<10112x64xf32, #tpu.memory_space<hbm>>) target(%arg14 : memref<32x64xf32, #tpu.memory_space<vmem>>) offsets(%dma_start3A_276 : memref<32xi32, #tpu.memory_space<vmem>>) semaphore(%arg21 : memref<!tpu.dma_semaphore, #tpu.memory_space<semaphore_mem>>)
      "tpu.region"() ({
        %run_scoped3A = tpu.sem_alloc : memref<!tpu.dma_semaphore, #tpu.memory_space<semaphore_mem>>
        %dma_start3A_280 = arith.constant 0 : i32
        %dma_start3A_281 = tpu.memref_slice %arg8[%add3A_260, %dma_start3A_280] : memref<434x32xi32, #tpu.memory_space<vmem>> -> memref<1x32xi32, #tpu.memory_space<vmem>>
        %dma_start3A_282 = tpu.memref_squeeze %dma_start3A_281 : memref<1x32xi32, #tpu.memory_space<vmem>> -> memref<32xi32, #tpu.memory_space<vmem>>
        %dma_start3A_283 = arith.constant 0 : i32
        %dma_start3A_284 = arith.constant 0 : i32
        %dma_start3A_285 = tpu.memref_slice %arg23[%dma_start3A_283, %dma_start3A_284] : memref<10112x64xf32, #tpu.memory_space<vmem_shared>> -> memref<10112x64xf32, #tpu.memory_space<vmem_shared>>
        tpu.enqueue_indirect_dma source(%arg15 : memref<32x64xf32, #tpu.memory_space<vmem>>) target(%dma_start3A_285 : memref<10112x64xf32, #tpu.memory_space<vmem_shared>>) offsets(%dma_start3A_282 : memref<32xi32, #tpu.memory_space<vmem>>) semaphore(%run_scoped3A : memref<!tpu.dma_semaphore, #tpu.memory_space<semaphore_mem>>) {add = true}
        %dma_wait3A_286 = arith.constant 0 : i32
        %dma_wait3A_287 = tpu.memref_slice %arg8[%add3A_260, %dma_wait3A_286] : memref<434x32xi32, #tpu.memory_space<vmem>> -> memref<1x32xi32, #tpu.memory_space<vmem>>
        %dma_wait3A_288 = tpu.memref_squeeze %dma_wait3A_287 : memref<1x32xi32, #tpu.memory_space<vmem>> -> memref<32xi32, #tpu.memory_space<vmem>>
        %dma_wait3A_289 = arith.constant 0 : i32
        %dma_wait3A_290 = arith.constant 0 : i32
        %dma_wait3A_291 = tpu.memref_slice %arg23[%dma_wait3A_289, %dma_wait3A_290] : memref<10112x64xf32, #tpu.memory_space<vmem_shared>> -> memref<10112x64xf32, #tpu.memory_space<vmem_shared>>
        tpu.wait_indirect_dma semaphore(%run_scoped3A : memref<!tpu.dma_semaphore, #tpu.memory_space<semaphore_mem>>) src(%arg15 : memref<32x64xf32, #tpu.memory_space<vmem>>) dst(%dma_wait3A_291 : memref<10112x64xf32, #tpu.memory_space<vmem_shared>>)
        tpu.yield
      }) : () -> ()
    }
    %while3A_72 = arith.constant 1 : i32
    scf.for %while3A_119 = %while3A_70 to %while3A_66 step %while3A_72  : i32 {
      %mul3A_120 = arith.constant 7 : i32
      %mul3A_121 = arith.muli %while3A_119, %mul3A_120 : i32
      %add3A_122 = arith.constant 0 : i32
      %add3A_123 = arith.addi %mul3A_121, %add3A_122 : i32
      %dma_wait3A_124 = arith.constant 0 : i32
      %dma_wait3A_125 = tpu.memref_slice %arg7[%add3A_123, %dma_wait3A_124] : memref<434x32xi32, #tpu.memory_space<vmem>> -> memref<1x32xi32, #tpu.memory_space<vmem>>
      %dma_wait3A_126 = tpu.memref_squeeze %dma_wait3A_125 : memref<1x32xi32, #tpu.memory_space<vmem>> -> memref<32xi32, #tpu.memory_space<vmem>>
      %dma_wait3A_127 = arith.constant 0 : i32
      %dma_wait3A_128 = arith.constant 0 : i32
      %dma_wait3A_129 = tpu.memref_slice %arg2[%dma_wait3A_127, %dma_wait3A_128] : memref<10112x64xf32, #tpu.memory_space<hbm>> -> memref<10112x64xf32, #tpu.memory_space<hbm>>
      tpu.wait_indirect_dma semaphore(%arg16 : memref<!tpu.dma_semaphore, #tpu.memory_space<semaphore_mem>>) src(%dma_wait3A_129 : memref<10112x64xf32, #tpu.memory_space<hbm>>) dst(%arg9 : memref<32x64xf32, #tpu.memory_space<vmem>>)
      %add3A_130 = arith.constant 7 : i32
      %add3A_131 = arith.addi %add3A_123, %add3A_130 : i32
      %sub3A_132 = arith.constant 1 : i32
      %sub3A_133 = arith.subi %add3A_131, %sub3A_132 : i32
      %sub3A_134 = arith.constant 1 : i32
      %sub3A_135 = arith.subi %select_n3A, %sub3A_134 : i32
      %min3A = arith.minsi %sub3A_133, %sub3A_135 : i32
      %dma_start3A_136 = arith.constant 0 : i32
      %dma_start3A_137 = tpu.memref_slice %arg7[%min3A, %dma_start3A_136] : memref<434x32xi32, #tpu.memory_space<vmem>> -> memref<1x32xi32, #tpu.memory_space<vmem>>
      %dma_start3A_138 = tpu.memref_squeeze %dma_start3A_137 : memref<1x32xi32, #tpu.memory_space<vmem>> -> memref<32xi32, #tpu.memory_space<vmem>>
      %dma_start3A_139 = arith.constant 0 : i32
      %dma_start3A_140 = arith.constant 0 : i32
      %dma_start3A_141 = tpu.memref_slice %arg2[%dma_start3A_139, %dma_start3A_140] : memref<10112x64xf32, #tpu.memory_space<hbm>> -> memref<10112x64xf32, #tpu.memory_space<hbm>>
      tpu.enqueue_indirect_dma source(%dma_start3A_141 : memref<10112x64xf32, #tpu.memory_space<hbm>>) target(%arg15 : memref<32x64xf32, #tpu.memory_space<vmem>>) offsets(%dma_start3A_138 : memref<32xi32, #tpu.memory_space<vmem>>) semaphore(%arg22 : memref<!tpu.dma_semaphore, #tpu.memory_space<semaphore_mem>>)
      "tpu.region"() ({
        %run_scoped3A = tpu.sem_alloc : memref<!tpu.dma_semaphore, #tpu.memory_space<semaphore_mem>>
        %dma_start3A_280 = arith.constant 0 : i32
        %dma_start3A_281 = tpu.memref_slice %arg8[%add3A_123, %dma_start3A_280] : memref<434x32xi32, #tpu.memory_space<vmem>> -> memref<1x32xi32, #tpu.memory_space<vmem>>
        %dma_start3A_282 = tpu.memref_squeeze %dma_start3A_281 : memref<1x32xi32, #tpu.memory_space<vmem>> -> memref<32xi32, #tpu.memory_space<vmem>>
        %dma_start3A_283 = arith.constant 0 : i32
        %dma_start3A_284 = arith.constant 0 : i32
        %dma_start3A_285 = tpu.memref_slice %arg23[%dma_start3A_283, %dma_start3A_284] : memref<10112x64xf32, #tpu.memory_space<vmem_shared>> -> memref<10112x64xf32, #tpu.memory_space<vmem_shared>>
        tpu.enqueue_indirect_dma source(%arg9 : memref<32x64xf32, #tpu.memory_space<vmem>>) target(%dma_start3A_285 : memref<10112x64xf32, #tpu.memory_space<vmem_shared>>) offsets(%dma_start3A_282 : memref<32xi32, #tpu.memory_space<vmem>>) semaphore(%run_scoped3A : memref<!tpu.dma_semaphore, #tpu.memory_space<semaphore_mem>>) {add = true}
        %dma_wait3A_286 = arith.constant 0 : i32
        %dma_wait3A_287 = tpu.memref_slice %arg8[%add3A_123, %dma_wait3A_286] : memref<434x32xi32, #tpu.memory_space<vmem>> -> memref<1x32xi32, #tpu.memory_space<vmem>>
        %dma_wait3A_288 = tpu.memref_squeeze %dma_wait3A_287 : memref<1x32xi32, #tpu.memory_space<vmem>> -> memref<32xi32, #tpu.memory_space<vmem>>
        %dma_wait3A_289 = arith.constant 0 : i32
        %dma_wait3A_290 = arith.constant 0 : i32
        %dma_wait3A_291 = tpu.memref_slice %arg23[%dma_wait3A_289, %dma_wait3A_290] : memref<10112x64xf32, #tpu.memory_space<vmem_shared>> -> memref<10112x64xf32, #tpu.memory_space<vmem_shared>>
        tpu.wait_indirect_dma semaphore(%run_scoped3A : memref<!tpu.dma_semaphore, #tpu.memory_space<semaphore_mem>>) src(%arg9 : memref<32x64xf32, #tpu.memory_space<vmem>>) dst(%dma_wait3A_291 : memref<10112x64xf32, #tpu.memory_space<vmem_shared>>)
        tpu.yield
      }) : () -> ()
      %mul3A_142 = arith.constant 7 : i32
      %mul3A_143 = arith.muli %while3A_119, %mul3A_142 : i32
      %add3A_144 = arith.constant 1 : i32
      %add3A_145 = arith.addi %mul3A_143, %add3A_144 : i32
      %dma_wait3A_146 = arith.constant 0 : i32
      %dma_wait3A_147 = tpu.memref_slice %arg7[%add3A_145, %dma_wait3A_146] : memref<434x32xi32, #tpu.memory_space<vmem>> -> memref<1x32xi32, #tpu.memory_space<vmem>>
      %dma_wait3A_148 = tpu.memref_squeeze %dma_wait3A_147 : memref<1x32xi32, #tpu.memory_space<vmem>> -> memref<32xi32, #tpu.memory_space<vmem>>
      %dma_wait3A_149 = arith.constant 0 : i32
      %dma_wait3A_150 = arith.constant 0 : i32
      %dma_wait3A_151 = tpu.memref_slice %arg2[%dma_wait3A_149, %dma_wait3A_150] : memref<10112x64xf32, #tpu.memory_space<hbm>> -> memref<10112x64xf32, #tpu.memory_space<hbm>>
      tpu.wait_indirect_dma semaphore(%arg17 : memref<!tpu.dma_semaphore, #tpu.memory_space<semaphore_mem>>) src(%dma_wait3A_151 : memref<10112x64xf32, #tpu.memory_space<hbm>>) dst(%arg10 : memref<32x64xf32, #tpu.memory_space<vmem>>)
      %add3A_152 = arith.constant 7 : i32
      %add3A_153 = arith.addi %add3A_145, %add3A_152 : i32
      %sub3A_154 = arith.constant 1 : i32
      %sub3A_155 = arith.subi %add3A_153, %sub3A_154 : i32
      %sub3A_156 = arith.constant 1 : i32
      %sub3A_157 = arith.subi %select_n3A, %sub3A_156 : i32
      %min3A_158 = arith.minsi %sub3A_155, %sub3A_157 : i32
      %dma_start3A_159 = arith.constant 0 : i32
      %dma_start3A_160 = tpu.memref_slice %arg7[%min3A_158, %dma_start3A_159] : memref<434x32xi32, #tpu.memory_space<vmem>> -> memref<1x32xi32, #tpu.memory_space<vmem>>
      %dma_start3A_161 = tpu.memref_squeeze %dma_start3A_160 : memref<1x32xi32, #tpu.memory_space<vmem>> -> memref<32xi32, #tpu.memory_space<vmem>>
      %dma_start3A_162 = arith.constant 0 : i32
      %dma_start3A_163 = arith.constant 0 : i32
      %dma_start3A_164 = tpu.memref_slice %arg2[%dma_start3A_162, %dma_start3A_163] : memref<10112x64xf32, #tpu.memory_space<hbm>> -> memref<10112x64xf32, #tpu.memory_space<hbm>>
      tpu.enqueue_indirect_dma source(%dma_start3A_164 : memref<10112x64xf32, #tpu.memory_space<hbm>>) target(%arg9 : memref<32x64xf32, #tpu.memory_space<vmem>>) offsets(%dma_start3A_161 : memref<32xi32, #tpu.memory_space<vmem>>) semaphore(%arg16 : memref<!tpu.dma_semaphore, #tpu.memory_space<semaphore_mem>>)
      "tpu.region"() ({
        %run_scoped3A = tpu.sem_alloc : memref<!tpu.dma_semaphore, #tpu.memory_space<semaphore_mem>>
        %dma_start3A_280 = arith.constant 0 : i32
        %dma_start3A_281 = tpu.memref_slice %arg8[%add3A_145, %dma_start3A_280] : memref<434x32xi32, #tpu.memory_space<vmem>> -> memref<1x32xi32, #tpu.memory_space<vmem>>
        %dma_start3A_282 = tpu.memref_squeeze %dma_start3A_281 : memref<1x32xi32, #tpu.memory_space<vmem>> -> memref<32xi32, #tpu.memory_space<vmem>>
        %dma_start3A_283 = arith.constant 0 : i32
        %dma_start3A_284 = arith.constant 0 : i32
        %dma_start3A_285 = tpu.memref_slice %arg23[%dma_start3A_283, %dma_start3A_284] : memref<10112x64xf32, #tpu.memory_space<vmem_shared>> -> memref<10112x64xf32, #tpu.memory_space<vmem_shared>>
        tpu.enqueue_indirect_dma source(%arg10 : memref<32x64xf32, #tpu.memory_space<vmem>>) target(%dma_start3A_285 : memref<10112x64xf32, #tpu.memory_space<vmem_shared>>) offsets(%dma_start3A_282 : memref<32xi32, #tpu.memory_space<vmem>>) semaphore(%run_scoped3A : memref<!tpu.dma_semaphore, #tpu.memory_space<semaphore_mem>>) {add = true}
        %dma_wait3A_286 = arith.constant 0 : i32
        %dma_wait3A_287 = tpu.memref_slice %arg8[%add3A_145, %dma_wait3A_286] : memref<434x32xi32, #tpu.memory_space<vmem>> -> memref<1x32xi32, #tpu.memory_space<vmem>>
        %dma_wait3A_288 = tpu.memref_squeeze %dma_wait3A_287 : memref<1x32xi32, #tpu.memory_space<vmem>> -> memref<32xi32, #tpu.memory_space<vmem>>
        %dma_wait3A_289 = arith.constant 0 : i32
        %dma_wait3A_290 = arith.constant 0 : i32
        %dma_wait3A_291 = tpu.memref_slice %arg23[%dma_wait3A_289, %dma_wait3A_290] : memref<10112x64xf32, #tpu.memory_space<vmem_shared>> -> memref<10112x64xf32, #tpu.memory_space<vmem_shared>>
        tpu.wait_indirect_dma semaphore(%run_scoped3A : memref<!tpu.dma_semaphore, #tpu.memory_space<semaphore_mem>>) src(%arg10 : memref<32x64xf32, #tpu.memory_space<vmem>>) dst(%dma_wait3A_291 : memref<10112x64xf32, #tpu.memory_space<vmem_shared>>)
        tpu.yield
      }) : () -> ()
      %mul3A_165 = arith.constant 7 : i32
      %mul3A_166 = arith.muli %while3A_119, %mul3A_165 : i32
      %add3A_167 = arith.constant 2 : i32
      %add3A_168 = arith.addi %mul3A_166, %add3A_167 : i32
      %dma_wait3A_169 = arith.constant 0 : i32
      %dma_wait3A_170 = tpu.memref_slice %arg7[%add3A_168, %dma_wait3A_169] : memref<434x32xi32, #tpu.memory_space<vmem>> -> memref<1x32xi32, #tpu.memory_space<vmem>>
      %dma_wait3A_171 = tpu.memref_squeeze %dma_wait3A_170 : memref<1x32xi32, #tpu.memory_space<vmem>> -> memref<32xi32, #tpu.memory_space<vmem>>
      %dma_wait3A_172 = arith.constant 0 : i32
      %dma_wait3A_173 = arith.constant 0 : i32
      %dma_wait3A_174 = tpu.memref_slice %arg2[%dma_wait3A_172, %dma_wait3A_173] : memref<10112x64xf32, #tpu.memory_space<hbm>> -> memref<10112x64xf32, #tpu.memory_space<hbm>>
      tpu.wait_indirect_dma semaphore(%arg18 : memref<!tpu.dma_semaphore, #tpu.memory_space<semaphore_mem>>) src(%dma_wait3A_174 : memref<10112x64xf32, #tpu.memory_space<hbm>>) dst(%arg11 : memref<32x64xf32, #tpu.memory_space<vmem>>)
      %add3A_175 = arith.constant 7 : i32
      %add3A_176 = arith.addi %add3A_168, %add3A_175 : i32
      %sub3A_177 = arith.constant 1 : i32
      %sub3A_178 = arith.subi %add3A_176, %sub3A_177 : i32
      %sub3A_179 = arith.constant 1 : i32
      %sub3A_180 = arith.subi %select_n3A, %sub3A_179 : i32
      %min3A_181 = arith.minsi %sub3A_178, %sub3A_180 : i32
      %dma_start3A_182 = arith.constant 0 : i32
      %dma_start3A_183 = tpu.memref_slice %arg7[%min3A_181, %dma_start3A_182] : memref<434x32xi32, #tpu.memory_space<vmem>> -> memref<1x32xi32, #tpu.memory_space<vmem>>
      %dma_start3A_184 = tpu.memref_squeeze %dma_start3A_183 : memref<1x32xi32, #tpu.memory_space<vmem>> -> memref<32xi32, #tpu.memory_space<vmem>>
      %dma_start3A_185 = arith.constant 0 : i32
      %dma_start3A_186 = arith.constant 0 : i32
      %dma_start3A_187 = tpu.memref_slice %arg2[%dma_start3A_185, %dma_start3A_186] : memref<10112x64xf32, #tpu.memory_space<hbm>> -> memref<10112x64xf32, #tpu.memory_space<hbm>>
      tpu.enqueue_indirect_dma source(%dma_start3A_187 : memref<10112x64xf32, #tpu.memory_space<hbm>>) target(%arg10 : memref<32x64xf32, #tpu.memory_space<vmem>>) offsets(%dma_start3A_184 : memref<32xi32, #tpu.memory_space<vmem>>) semaphore(%arg17 : memref<!tpu.dma_semaphore, #tpu.memory_space<semaphore_mem>>)
      "tpu.region"() ({
        %run_scoped3A = tpu.sem_alloc : memref<!tpu.dma_semaphore, #tpu.memory_space<semaphore_mem>>
        %dma_start3A_280 = arith.constant 0 : i32
        %dma_start3A_281 = tpu.memref_slice %arg8[%add3A_168, %dma_start3A_280] : memref<434x32xi32, #tpu.memory_space<vmem>> -> memref<1x32xi32, #tpu.memory_space<vmem>>
        %dma_start3A_282 = tpu.memref_squeeze %dma_start3A_281 : memref<1x32xi32, #tpu.memory_space<vmem>> -> memref<32xi32, #tpu.memory_space<vmem>>
        %dma_start3A_283 = arith.constant 0 : i32
        %dma_start3A_284 = arith.constant 0 : i32
        %dma_start3A_285 = tpu.memref_slice %arg23[%dma_start3A_283, %dma_start3A_284] : memref<10112x64xf32, #tpu.memory_space<vmem_shared>> -> memref<10112x64xf32, #tpu.memory_space<vmem_shared>>
        tpu.enqueue_indirect_dma source(%arg11 : memref<32x64xf32, #tpu.memory_space<vmem>>) target(%dma_start3A_285 : memref<10112x64xf32, #tpu.memory_space<vmem_shared>>) offsets(%dma_start3A_282 : memref<32xi32, #tpu.memory_space<vmem>>) semaphore(%run_scoped3A : memref<!tpu.dma_semaphore, #tpu.memory_space<semaphore_mem>>) {add = true}
        %dma_wait3A_286 = arith.constant 0 : i32
        %dma_wait3A_287 = tpu.memref_slice %arg8[%add3A_168, %dma_wait3A_286] : memref<434x32xi32, #tpu.memory_space<vmem>> -> memref<1x32xi32, #tpu.memory_space<vmem>>
        %dma_wait3A_288 = tpu.memref_squeeze %dma_wait3A_287 : memref<1x32xi32, #tpu.memory_space<vmem>> -> memref<32xi32, #tpu.memory_space<vmem>>
        %dma_wait3A_289 = arith.constant 0 : i32
        %dma_wait3A_290 = arith.constant 0 : i32
        %dma_wait3A_291 = tpu.memref_slice %arg23[%dma_wait3A_289, %dma_wait3A_290] : memref<10112x64xf32, #tpu.memory_space<vmem_shared>> -> memref<10112x64xf32, #tpu.memory_space<vmem_shared>>
        tpu.wait_indirect_dma semaphore(%run_scoped3A : memref<!tpu.dma_semaphore, #tpu.memory_space<semaphore_mem>>) src(%arg11 : memref<32x64xf32, #tpu.memory_space<vmem>>) dst(%dma_wait3A_291 : memref<10112x64xf32, #tpu.memory_space<vmem_shared>>)
        tpu.yield
      }) : () -> ()
      %mul3A_188 = arith.constant 7 : i32
      %mul3A_189 = arith.muli %while3A_119, %mul3A_188 : i32
      %add3A_190 = arith.constant 3 : i32
      %add3A_191 = arith.addi %mul3A_189, %add3A_190 : i32
      %dma_wait3A_192 = arith.constant 0 : i32
      %dma_wait3A_193 = tpu.memref_slice %arg7[%add3A_191, %dma_wait3A_192] : memref<434x32xi32, #tpu.memory_space<vmem>> -> memref<1x32xi32, #tpu.memory_space<vmem>>
      %dma_wait3A_194 = tpu.memref_squeeze %dma_wait3A_193 : memref<1x32xi32, #tpu.memory_space<vmem>> -> memref<32xi32, #tpu.memory_space<vmem>>
      %dma_wait3A_195 = arith.constant 0 : i32
      %dma_wait3A_196 = arith.constant 0 : i32
      %dma_wait3A_197 = tpu.memref_slice %arg2[%dma_wait3A_195, %dma_wait3A_196] : memref<10112x64xf32, #tpu.memory_space<hbm>> -> memref<10112x64xf32, #tpu.memory_space<hbm>>
      tpu.wait_indirect_dma semaphore(%arg19 : memref<!tpu.dma_semaphore, #tpu.memory_space<semaphore_mem>>) src(%dma_wait3A_197 : memref<10112x64xf32, #tpu.memory_space<hbm>>) dst(%arg12 : memref<32x64xf32, #tpu.memory_space<vmem>>)
      %add3A_198 = arith.constant 7 : i32
      %add3A_199 = arith.addi %add3A_191, %add3A_198 : i32
      %sub3A_200 = arith.constant 1 : i32
      %sub3A_201 = arith.subi %add3A_199, %sub3A_200 : i32
      %sub3A_202 = arith.constant 1 : i32
      %sub3A_203 = arith.subi %select_n3A, %sub3A_202 : i32
      %min3A_204 = arith.minsi %sub3A_201, %sub3A_203 : i32
      %dma_start3A_205 = arith.constant 0 : i32
      %dma_start3A_206 = tpu.memref_slice %arg7[%min3A_204, %dma_start3A_205] : memref<434x32xi32, #tpu.memory_space<vmem>> -> memref<1x32xi32, #tpu.memory_space<vmem>>
      %dma_start3A_207 = tpu.memref_squeeze %dma_start3A_206 : memref<1x32xi32, #tpu.memory_space<vmem>> -> memref<32xi32, #tpu.memory_space<vmem>>
      %dma_start3A_208 = arith.constant 0 : i32
      %dma_start3A_209 = arith.constant 0 : i32
      %dma_start3A_210 = tpu.memref_slice %arg2[%dma_start3A_208, %dma_start3A_209] : memref<10112x64xf32, #tpu.memory_space<hbm>> -> memref<10112x64xf32, #tpu.memory_space<hbm>>
      tpu.enqueue_indirect_dma source(%dma_start3A_210 : memref<10112x64xf32, #tpu.memory_space<hbm>>) target(%arg11 : memref<32x64xf32, #tpu.memory_space<vmem>>) offsets(%dma_start3A_207 : memref<32xi32, #tpu.memory_space<vmem>>) semaphore(%arg18 : memref<!tpu.dma_semaphore, #tpu.memory_space<semaphore_mem>>)
      "tpu.region"() ({
        %run_scoped3A = tpu.sem_alloc : memref<!tpu.dma_semaphore, #tpu.memory_space<semaphore_mem>>
        %dma_start3A_280 = arith.constant 0 : i32
        %dma_start3A_281 = tpu.memref_slice %arg8[%add3A_191, %dma_start3A_280] : memref<434x32xi32, #tpu.memory_space<vmem>> -> memref<1x32xi32, #tpu.memory_space<vmem>>
        %dma_start3A_282 = tpu.memref_squeeze %dma_start3A_281 : memref<1x32xi32, #tpu.memory_space<vmem>> -> memref<32xi32, #tpu.memory_space<vmem>>
        %dma_start3A_283 = arith.constant 0 : i32
        %dma_start3A_284 = arith.constant 0 : i32
        %dma_start3A_285 = tpu.memref_slice %arg23[%dma_start3A_283, %dma_start3A_284] : memref<10112x64xf32, #tpu.memory_space<vmem_shared>> -> memref<10112x64xf32, #tpu.memory_space<vmem_shared>>
        tpu.enqueue_indirect_dma source(%arg12 : memref<32x64xf32, #tpu.memory_space<vmem>>) target(%dma_start3A_285 : memref<10112x64xf32, #tpu.memory_space<vmem_shared>>) offsets(%dma_start3A_282 : memref<32xi32, #tpu.memory_space<vmem>>) semaphore(%run_scoped3A : memref<!tpu.dma_semaphore, #tpu.memory_space<semaphore_mem>>) {add = true}
        %dma_wait3A_286 = arith.constant 0 : i32
        %dma_wait3A_287 = tpu.memref_slice %arg8[%add3A_191, %dma_wait3A_286] : memref<434x32xi32, #tpu.memory_space<vmem>> -> memref<1x32xi32, #tpu.memory_space<vmem>>
        %dma_wait3A_288 = tpu.memref_squeeze %dma_wait3A_287 : memref<1x32xi32, #tpu.memory_space<vmem>> -> memref<32xi32, #tpu.memory_space<vmem>>
        %dma_wait3A_289 = arith.constant 0 : i32
        %dma_wait3A_290 = arith.constant 0 : i32
        %dma_wait3A_291 = tpu.memref_slice %arg23[%dma_wait3A_289, %dma_wait3A_290] : memref<10112x64xf32, #tpu.memory_space<vmem_shared>> -> memref<10112x64xf32, #tpu.memory_space<vmem_shared>>
        tpu.wait_indirect_dma semaphore(%run_scoped3A : memref<!tpu.dma_semaphore, #tpu.memory_space<semaphore_mem>>) src(%arg12 : memref<32x64xf32, #tpu.memory_space<vmem>>) dst(%dma_wait3A_291 : memref<10112x64xf32, #tpu.memory_space<vmem_shared>>)
        tpu.yield
      }) : () -> ()
      %mul3A_211 = arith.constant 7 : i32
      %mul3A_212 = arith.muli %while3A_119, %mul3A_211 : i32
      %add3A_213 = arith.constant 4 : i32
      %add3A_214 = arith.addi %mul3A_212, %add3A_213 : i32
      %dma_wait3A_215 = arith.constant 0 : i32
      %dma_wait3A_216 = tpu.memref_slice %arg7[%add3A_214, %dma_wait3A_215] : memref<434x32xi32, #tpu.memory_space<vmem>> -> memref<1x32xi32, #tpu.memory_space<vmem>>
      %dma_wait3A_217 = tpu.memref_squeeze %dma_wait3A_216 : memref<1x32xi32, #tpu.memory_space<vmem>> -> memref<32xi32, #tpu.memory_space<vmem>>
      %dma_wait3A_218 = arith.constant 0 : i32
      %dma_wait3A_219 = arith.constant 0 : i32
      %dma_wait3A_220 = tpu.memref_slice %arg2[%dma_wait3A_218, %dma_wait3A_219] : memref<10112x64xf32, #tpu.memory_space<hbm>> -> memref<10112x64xf32, #tpu.memory_space<hbm>>
      tpu.wait_indirect_dma semaphore(%arg20 : memref<!tpu.dma_semaphore, #tpu.memory_space<semaphore_mem>>) src(%dma_wait3A_220 : memref<10112x64xf32, #tpu.memory_space<hbm>>) dst(%arg13 : memref<32x64xf32, #tpu.memory_space<vmem>>)
      %add3A_221 = arith.constant 7 : i32
      %add3A_222 = arith.addi %add3A_214, %add3A_221 : i32
      %sub3A_223 = arith.constant 1 : i32
      %sub3A_224 = arith.subi %add3A_222, %sub3A_223 : i32
      %sub3A_225 = arith.constant 1 : i32
      %sub3A_226 = arith.subi %select_n3A, %sub3A_225 : i32
      %min3A_227 = arith.minsi %sub3A_224, %sub3A_226 : i32
      %dma_start3A_228 = arith.constant 0 : i32
      %dma_start3A_229 = tpu.memref_slice %arg7[%min3A_227, %dma_start3A_228] : memref<434x32xi32, #tpu.memory_space<vmem>> -> memref<1x32xi32, #tpu.memory_space<vmem>>
      %dma_start3A_230 = tpu.memref_squeeze %dma_start3A_229 : memref<1x32xi32, #tpu.memory_space<vmem>> -> memref<32xi32, #tpu.memory_space<vmem>>
      %dma_start3A_231 = arith.constant 0 : i32
      %dma_start3A_232 = arith.constant 0 : i32
      %dma_start3A_233 = tpu.memref_slice %arg2[%dma_start3A_231, %dma_start3A_232] : memref<10112x64xf32, #tpu.memory_space<hbm>> -> memref<10112x64xf32, #tpu.memory_space<hbm>>
      tpu.enqueue_indirect_dma source(%dma_start3A_233 : memref<10112x64xf32, #tpu.memory_space<hbm>>) target(%arg12 : memref<32x64xf32, #tpu.memory_space<vmem>>) offsets(%dma_start3A_230 : memref<32xi32, #tpu.memory_space<vmem>>) semaphore(%arg19 : memref<!tpu.dma_semaphore, #tpu.memory_space<semaphore_mem>>)
      "tpu.region"() ({
        %run_scoped3A = tpu.sem_alloc : memref<!tpu.dma_semaphore, #tpu.memory_space<semaphore_mem>>
        %dma_start3A_280 = arith.constant 0 : i32
        %dma_start3A_281 = tpu.memref_slice %arg8[%add3A_214, %dma_start3A_280] : memref<434x32xi32, #tpu.memory_space<vmem>> -> memref<1x32xi32, #tpu.memory_space<vmem>>
        %dma_start3A_282 = tpu.memref_squeeze %dma_start3A_281 : memref<1x32xi32, #tpu.memory_space<vmem>> -> memref<32xi32, #tpu.memory_space<vmem>>
        %dma_start3A_283 = arith.constant 0 : i32
        %dma_start3A_284 = arith.constant 0 : i32
        %dma_start3A_285 = tpu.memref_slice %arg23[%dma_start3A_283, %dma_start3A_284] : memref<10112x64xf32, #tpu.memory_space<vmem_shared>> -> memref<10112x64xf32, #tpu.memory_space<vmem_shared>>
        tpu.enqueue_indirect_dma source(%arg13 : memref<32x64xf32, #tpu.memory_space<vmem>>) target(%dma_start3A_285 : memref<10112x64xf32, #tpu.memory_space<vmem_shared>>) offsets(%dma_start3A_282 : memref<32xi32, #tpu.memory_space<vmem>>) semaphore(%run_scoped3A : memref<!tpu.dma_semaphore, #tpu.memory_space<semaphore_mem>>) {add = true}
        %dma_wait3A_286 = arith.constant 0 : i32
        %dma_wait3A_287 = tpu.memref_slice %arg8[%add3A_214, %dma_wait3A_286] : memref<434x32xi32, #tpu.memory_space<vmem>> -> memref<1x32xi32, #tpu.memory_space<vmem>>
        %dma_wait3A_288 = tpu.memref_squeeze %dma_wait3A_287 : memref<1x32xi32, #tpu.memory_space<vmem>> -> memref<32xi32, #tpu.memory_space<vmem>>
        %dma_wait3A_289 = arith.constant 0 : i32
        %dma_wait3A_290 = arith.constant 0 : i32
        %dma_wait3A_291 = tpu.memref_slice %arg23[%dma_wait3A_289, %dma_wait3A_290] : memref<10112x64xf32, #tpu.memory_space<vmem_shared>> -> memref<10112x64xf32, #tpu.memory_space<vmem_shared>>
        tpu.wait_indirect_dma semaphore(%run_scoped3A : memref<!tpu.dma_semaphore, #tpu.memory_space<semaphore_mem>>) src(%arg13 : memref<32x64xf32, #tpu.memory_space<vmem>>) dst(%dma_wait3A_291 : memref<10112x64xf32, #tpu.memory_space<vmem_shared>>)
        tpu.yield
      }) : () -> ()
      %mul3A_234 = arith.constant 7 : i32
      %mul3A_235 = arith.muli %while3A_119, %mul3A_234 : i32
      %add3A_236 = arith.constant 5 : i32
      %add3A_237 = arith.addi %mul3A_235, %add3A_236 : i32
      %dma_wait3A_238 = arith.constant 0 : i32
      %dma_wait3A_239 = tpu.memref_slice %arg7[%add3A_237, %dma_wait3A_238] : memref<434x32xi32, #tpu.memory_space<vmem>> -> memref<1x32xi32, #tpu.memory_space<vmem>>
      %dma_wait3A_240 = tpu.memref_squeeze %dma_wait3A_239 : memref<1x32xi32, #tpu.memory_space<vmem>> -> memref<32xi32, #tpu.memory_space<vmem>>
      %dma_wait3A_241 = arith.constant 0 : i32
      %dma_wait3A_242 = arith.constant 0 : i32
      %dma_wait3A_243 = tpu.memref_slice %arg2[%dma_wait3A_241, %dma_wait3A_242] : memref<10112x64xf32, #tpu.memory_space<hbm>> -> memref<10112x64xf32, #tpu.memory_space<hbm>>
      tpu.wait_indirect_dma semaphore(%arg21 : memref<!tpu.dma_semaphore, #tpu.memory_space<semaphore_mem>>) src(%dma_wait3A_243 : memref<10112x64xf32, #tpu.memory_space<hbm>>) dst(%arg14 : memref<32x64xf32, #tpu.memory_space<vmem>>)
      %add3A_244 = arith.constant 7 : i32
      %add3A_245 = arith.addi %add3A_237, %add3A_244 : i32
      %sub3A_246 = arith.constant 1 : i32
      %sub3A_247 = arith.subi %add3A_245, %sub3A_246 : i32
      %sub3A_248 = arith.constant 1 : i32
      %sub3A_249 = arith.subi %select_n3A, %sub3A_248 : i32
      %min3A_250 = arith.minsi %sub3A_247, %sub3A_249 : i32
      %dma_start3A_251 = arith.constant 0 : i32
      %dma_start3A_252 = tpu.memref_slice %arg7[%min3A_250, %dma_start3A_251] : memref<434x32xi32, #tpu.memory_space<vmem>> -> memref<1x32xi32, #tpu.memory_space<vmem>>
      %dma_start3A_253 = tpu.memref_squeeze %dma_start3A_252 : memref<1x32xi32, #tpu.memory_space<vmem>> -> memref<32xi32, #tpu.memory_space<vmem>>
      %dma_start3A_254 = arith.constant 0 : i32
      %dma_start3A_255 = arith.constant 0 : i32
      %dma_start3A_256 = tpu.memref_slice %arg2[%dma_start3A_254, %dma_start3A_255] : memref<10112x64xf32, #tpu.memory_space<hbm>> -> memref<10112x64xf32, #tpu.memory_space<hbm>>
      tpu.enqueue_indirect_dma source(%dma_start3A_256 : memref<10112x64xf32, #tpu.memory_space<hbm>>) target(%arg13 : memref<32x64xf32, #tpu.memory_space<vmem>>) offsets(%dma_start3A_253 : memref<32xi32, #tpu.memory_space<vmem>>) semaphore(%arg20 : memref<!tpu.dma_semaphore, #tpu.memory_space<semaphore_mem>>)
      "tpu.region"() ({
        %run_scoped3A = tpu.sem_alloc : memref<!tpu.dma_semaphore, #tpu.memory_space<semaphore_mem>>
        %dma_start3A_280 = arith.constant 0 : i32
        %dma_start3A_281 = tpu.memref_slice %arg8[%add3A_237, %dma_start3A_280] : memref<434x32xi32, #tpu.memory_space<vmem>> -> memref<1x32xi32, #tpu.memory_space<vmem>>
        %dma_start3A_282 = tpu.memref_squeeze %dma_start3A_281 : memref<1x32xi32, #tpu.memory_space<vmem>> -> memref<32xi32, #tpu.memory_space<vmem>>
        %dma_start3A_283 = arith.constant 0 : i32
        %dma_start3A_284 = arith.constant 0 : i32
        %dma_start3A_285 = tpu.memref_slice %arg23[%dma_start3A_283, %dma_start3A_284] : memref<10112x64xf32, #tpu.memory_space<vmem_shared>> -> memref<10112x64xf32, #tpu.memory_space<vmem_shared>>
        tpu.enqueue_indirect_dma source(%arg14 : memref<32x64xf32, #tpu.memory_space<vmem>>) target(%dma_start3A_285 : memref<10112x64xf32, #tpu.memory_space<vmem_shared>>) offsets(%dma_start3A_282 : memref<32xi32, #tpu.memory_space<vmem>>) semaphore(%run_scoped3A : memref<!tpu.dma_semaphore, #tpu.memory_space<semaphore_mem>>) {add = true}
        %dma_wait3A_286 = arith.constant 0 : i32
        %dma_wait3A_287 = tpu.memref_slice %arg8[%add3A_237, %dma_wait3A_286] : memref<434x32xi32, #tpu.memory_space<vmem>> -> memref<1x32xi32, #tpu.memory_space<vmem>>
        %dma_wait3A_288 = tpu.memref_squeeze %dma_wait3A_287 : memref<1x32xi32, #tpu.memory_space<vmem>> -> memref<32xi32, #tpu.memory_space<vmem>>
        %dma_wait3A_289 = arith.constant 0 : i32
        %dma_wait3A_290 = arith.constant 0 : i32
        %dma_wait3A_291 = tpu.memref_slice %arg23[%dma_wait3A_289, %dma_wait3A_290] : memref<10112x64xf32, #tpu.memory_space<vmem_shared>> -> memref<10112x64xf32, #tpu.memory_space<vmem_shared>>
        tpu.wait_indirect_dma semaphore(%run_scoped3A : memref<!tpu.dma_semaphore, #tpu.memory_space<semaphore_mem>>) src(%arg14 : memref<32x64xf32, #tpu.memory_space<vmem>>) dst(%dma_wait3A_291 : memref<10112x64xf32, #tpu.memory_space<vmem_shared>>)
        tpu.yield
      }) : () -> ()
      %mul3A_257 = arith.constant 7 : i32
      %mul3A_258 = arith.muli %while3A_119, %mul3A_257 : i32
      %add3A_259 = arith.constant 6 : i32
      %add3A_260 = arith.addi %mul3A_258, %add3A_259 : i32
      %dma_wait3A_261 = arith.constant 0 : i32
      %dma_wait3A_262 = tpu.memref_slice %arg7[%add3A_260, %dma_wait3A_261] : memref<434x32xi32, #tpu.memory_space<vmem>> -> memref<1x32xi32, #tpu.memory_space<vmem>>
      %dma_wait3A_263 = tpu.memref_squeeze %dma_wait3A_262 : memref<1x32xi32, #tpu.memory_space<vmem>> -> memref<32xi32, #tpu.memory_space<vmem>>
      %dma_wait3A_264 = arith.constant 0 : i32
      %dma_wait3A_265 = arith.constant 0 : i32
      %dma_wait3A_266 = tpu.memref_slice %arg2[%dma_wait3A_264, %dma_wait3A_265] : memref<10112x64xf32, #tpu.memory_space<hbm>> -> memref<10112x64xf32, #tpu.memory_space<hbm>>
      tpu.wait_indirect_dma semaphore(%arg22 : memref<!tpu.dma_semaphore, #tpu.memory_space<semaphore_mem>>) src(%dma_wait3A_266 : memref<10112x64xf32, #tpu.memory_space<hbm>>) dst(%arg15 : memref<32x64xf32, #tpu.memory_space<vmem>>)
      %add3A_267 = arith.constant 7 : i32
      %add3A_268 = arith.addi %add3A_260, %add3A_267 : i32
      %sub3A_269 = arith.constant 1 : i32
      %sub3A_270 = arith.subi %add3A_268, %sub3A_269 : i32
      %sub3A_271 = arith.constant 1 : i32
      %sub3A_272 = arith.subi %select_n3A, %sub3A_271 : i32
      %min3A_273 = arith.minsi %sub3A_270, %sub3A_272 : i32
      %dma_start3A_274 = arith.constant 0 : i32
      %dma_start3A_275 = tpu.memref_slice %arg7[%min3A_273, %dma_start3A_274] : memref<434x32xi32, #tpu.memory_space<vmem>> -> memref<1x32xi32, #tpu.memory_space<vmem>>
      %dma_start3A_276 = tpu.memref_squeeze %dma_start3A_275 : memref<1x32xi32, #tpu.memory_space<vmem>> -> memref<32xi32, #tpu.memory_space<vmem>>
      %dma_start3A_277 = arith.constant 0 : i32
      %dma_start3A_278 = arith.constant 0 : i32
      %dma_start3A_279 = tpu.memref_slice %arg2[%dma_start3A_277, %dma_start3A_278] : memref<10112x64xf32, #tpu.memory_space<hbm>> -> memref<10112x64xf32, #tpu.memory_space<hbm>>
      tpu.enqueue_indirect_dma source(%dma_start3A_279 : memref<10112x64xf32, #tpu.memory_space<hbm>>) target(%arg14 : memref<32x64xf32, #tpu.memory_space<vmem>>) offsets(%dma_start3A_276 : memref<32xi32, #tpu.memory_space<vmem>>) semaphore(%arg21 : memref<!tpu.dma_semaphore, #tpu.memory_space<semaphore_mem>>)
      "tpu.region"() ({
        %run_scoped3A = tpu.sem_alloc : memref<!tpu.dma_semaphore, #tpu.memory_space<semaphore_mem>>
        %dma_start3A_280 = arith.constant 0 : i32
        %dma_start3A_281 = tpu.memref_slice %arg8[%add3A_260, %dma_start3A_280] : memref<434x32xi32, #tpu.memory_space<vmem>> -> memref<1x32xi32, #tpu.memory_space<vmem>>
        %dma_start3A_282 = tpu.memref_squeeze %dma_start3A_281 : memref<1x32xi32, #tpu.memory_space<vmem>> -> memref<32xi32, #tpu.memory_space<vmem>>
        %dma_start3A_283 = arith.constant 0 : i32
        %dma_start3A_284 = arith.constant 0 : i32
        %dma_start3A_285 = tpu.memref_slice %arg23[%dma_start3A_283, %dma_start3A_284] : memref<10112x64xf32, #tpu.memory_space<vmem_shared>> -> memref<10112x64xf32, #tpu.memory_space<vmem_shared>>
        tpu.enqueue_indirect_dma source(%arg15 : memref<32x64xf32, #tpu.memory_space<vmem>>) target(%dma_start3A_285 : memref<10112x64xf32, #tpu.memory_space<vmem_shared>>) offsets(%dma_start3A_282 : memref<32xi32, #tpu.memory_space<vmem>>) semaphore(%run_scoped3A : memref<!tpu.dma_semaphore, #tpu.memory_space<semaphore_mem>>) {add = true}
        %dma_wait3A_286 = arith.constant 0 : i32
        %dma_wait3A_287 = tpu.memref_slice %arg8[%add3A_260, %dma_wait3A_286] : memref<434x32xi32, #tpu.memory_space<vmem>> -> memref<1x32xi32, #tpu.memory_space<vmem>>
        %dma_wait3A_288 = tpu.memref_squeeze %dma_wait3A_287 : memref<1x32xi32, #tpu.memory_space<vmem>> -> memref<32xi32, #tpu.memory_space<vmem>>
        %dma_wait3A_289 = arith.constant 0 : i32
        %dma_wait3A_290 = arith.constant 0 : i32
        %dma_wait3A_291 = tpu.memref_slice %arg23[%dma_wait3A_289, %dma_wait3A_290] : memref<10112x64xf32, #tpu.memory_space<vmem_shared>> -> memref<10112x64xf32, #tpu.memory_space<vmem_shared>>
        tpu.wait_indirect_dma semaphore(%run_scoped3A : memref<!tpu.dma_semaphore, #tpu.memory_space<semaphore_mem>>) src(%arg15 : memref<32x64xf32, #tpu.memory_space<vmem>>) dst(%dma_wait3A_291 : memref<10112x64xf32, #tpu.memory_space<vmem_shared>>)
        tpu.yield
      }) : () -> ()
    }
    %dma_wait3A = arith.constant 0 : i32
    %dma_wait3A_73 = arith.constant 0 : i32
    %dma_wait3A_74 = tpu.memref_slice %arg7[%dma_wait3A, %dma_wait3A_73] : memref<434x32xi32, #tpu.memory_space<vmem>> -> memref<1x32xi32, #tpu.memory_space<vmem>>
    %dma_wait3A_75 = tpu.memref_squeeze %dma_wait3A_74 : memref<1x32xi32, #tpu.memory_space<vmem>> -> memref<32xi32, #tpu.memory_space<vmem>>
    %dma_wait3A_76 = arith.constant 0 : i32
    %dma_wait3A_77 = arith.constant 0 : i32
    %dma_wait3A_78 = tpu.memref_slice %arg2[%dma_wait3A_76, %dma_wait3A_77] : memref<10112x64xf32, #tpu.memory_space<hbm>> -> memref<10112x64xf32, #tpu.memory_space<hbm>>
    tpu.wait_indirect_dma semaphore(%arg16 : memref<!tpu.dma_semaphore, #tpu.memory_space<semaphore_mem>>) src(%dma_wait3A_78 : memref<10112x64xf32, #tpu.memory_space<hbm>>) dst(%arg9 : memref<32x64xf32, #tpu.memory_space<vmem>>)
    %dma_wait3A_79 = arith.constant 0 : i32
    %dma_wait3A_80 = arith.constant 0 : i32
    %dma_wait3A_81 = tpu.memref_slice %arg7[%dma_wait3A_79, %dma_wait3A_80] : memref<434x32xi32, #tpu.memory_space<vmem>> -> memref<1x32xi32, #tpu.memory_space<vmem>>
    %dma_wait3A_82 = tpu.memref_squeeze %dma_wait3A_81 : memref<1x32xi32, #tpu.memory_space<vmem>> -> memref<32xi32, #tpu.memory_space<vmem>>
    %dma_wait3A_83 = arith.constant 0 : i32
    %dma_wait3A_84 = arith.constant 0 : i32
    %dma_wait3A_85 = tpu.memref_slice %arg2[%dma_wait3A_83, %dma_wait3A_84] : memref<10112x64xf32, #tpu.memory_space<hbm>> -> memref<10112x64xf32, #tpu.memory_space<hbm>>
    tpu.wait_indirect_dma semaphore(%arg17 : memref<!tpu.dma_semaphore, #tpu.memory_space<semaphore_mem>>) src(%dma_wait3A_85 : memref<10112x64xf32, #tpu.memory_space<hbm>>) dst(%arg10 : memref<32x64xf32, #tpu.memory_space<vmem>>)
    %dma_wait3A_86 = arith.constant 0 : i32
    %dma_wait3A_87 = arith.constant 0 : i32
    %dma_wait3A_88 = tpu.memref_slice %arg7[%dma_wait3A_86, %dma_wait3A_87] : memref<434x32xi32, #tpu.memory_space<vmem>> -> memref<1x32xi32, #tpu.memory_space<vmem>>
    %dma_wait3A_89 = tpu.memref_squeeze %dma_wait3A_88 : memref<1x32xi32, #tpu.memory_space<vmem>> -> memref<32xi32, #tpu.memory_space<vmem>>
    %dma_wait3A_90 = arith.constant 0 : i32
    %dma_wait3A_91 = arith.constant 0 : i32
    %dma_wait3A_92 = tpu.memref_slice %arg2[%dma_wait3A_90, %dma_wait3A_91] : memref<10112x64xf32, #tpu.memory_space<hbm>> -> memref<10112x64xf32, #tpu.memory_space<hbm>>
    tpu.wait_indirect_dma semaphore(%arg18 : memref<!tpu.dma_semaphore, #tpu.memory_space<semaphore_mem>>) src(%dma_wait3A_92 : memref<10112x64xf32, #tpu.memory_space<hbm>>) dst(%arg11 : memref<32x64xf32, #tpu.memory_space<vmem>>)
    %dma_wait3A_93 = arith.constant 0 : i32
    %dma_wait3A_94 = arith.constant 0 : i32
    %dma_wait3A_95 = tpu.memref_slice %arg7[%dma_wait3A_93, %dma_wait3A_94] : memref<434x32xi32, #tpu.memory_space<vmem>> -> memref<1x32xi32, #tpu.memory_space<vmem>>
    %dma_wait3A_96 = tpu.memref_squeeze %dma_wait3A_95 : memref<1x32xi32, #tpu.memory_space<vmem>> -> memref<32xi32, #tpu.memory_space<vmem>>
    %dma_wait3A_97 = arith.constant 0 : i32
    %dma_wait3A_98 = arith.constant 0 : i32
    %dma_wait3A_99 = tpu.memref_slice %arg2[%dma_wait3A_97, %dma_wait3A_98] : memref<10112x64xf32, #tpu.memory_space<hbm>> -> memref<10112x64xf32, #tpu.memory_space<hbm>>
    tpu.wait_indirect_dma semaphore(%arg19 : memref<!tpu.dma_semaphore, #tpu.memory_space<semaphore_mem>>) src(%dma_wait3A_99 : memref<10112x64xf32, #tpu.memory_space<hbm>>) dst(%arg12 : memref<32x64xf32, #tpu.memory_space<vmem>>)
    %dma_wait3A_100 = arith.constant 0 : i32
    %dma_wait3A_101 = arith.constant 0 : i32
    %dma_wait3A_102 = tpu.memref_slice %arg7[%dma_wait3A_100, %dma_wait3A_101] : memref<434x32xi32, #tpu.memory_space<vmem>> -> memref<1x32xi32, #tpu.memory_space<vmem>>
    %dma_wait3A_103 = tpu.memref_squeeze %dma_wait3A_102 : memref<1x32xi32, #tpu.memory_space<vmem>> -> memref<32xi32, #tpu.memory_space<vmem>>
    %dma_wait3A_104 = arith.constant 0 : i32
    %dma_wait3A_105 = arith.constant 0 : i32
    %dma_wait3A_106 = tpu.memref_slice %arg2[%dma_wait3A_104, %dma_wait3A_105] : memref<10112x64xf32, #tpu.memory_space<hbm>> -> memref<10112x64xf32, #tpu.memory_space<hbm>>
    tpu.wait_indirect_dma semaphore(%arg20 : memref<!tpu.dma_semaphore, #tpu.memory_space<semaphore_mem>>) src(%dma_wait3A_106 : memref<10112x64xf32, #tpu.memory_space<hbm>>) dst(%arg13 : memref<32x64xf32, #tpu.memory_space<vmem>>)
    %dma_wait3A_107 = arith.constant 0 : i32
    %dma_wait3A_108 = arith.constant 0 : i32
    %dma_wait3A_109 = tpu.memref_slice %arg7[%dma_wait3A_107, %dma_wait3A_108] : memref<434x32xi32, #tpu.memory_space<vmem>> -> memref<1x32xi32, #tpu.memory_space<vmem>>
    %dma_wait3A_110 = tpu.memref_squeeze %dma_wait3A_109 : memref<1x32xi32, #tpu.memory_space<vmem>> -> memref<32xi32, #tpu.memory_space<vmem>>
    %dma_wait3A_111 = arith.constant 0 : i32
    %dma_wait3A_112 = arith.constant 0 : i32
    %dma_wait3A_113 = tpu.memref_slice %arg2[%dma_wait3A_111, %dma_wait3A_112] : memref<10112x64xf32, #tpu.memory_space<hbm>> -> memref<10112x64xf32, #tpu.memory_space<hbm>>
    tpu.wait_indirect_dma semaphore(%arg21 : memref<!tpu.dma_semaphore, #tpu.memory_space<semaphore_mem>>) src(%dma_wait3A_113 : memref<10112x64xf32, #tpu.memory_space<hbm>>) dst(%arg14 : memref<32x64xf32, #tpu.memory_space<vmem>>)
    %barrier3A_114 = arith.constant 0 : index
    tpu.barrier barrier_id(%barrier3A_114)
    %mul3A_115 = arith.constant 632 : i32
    %mul3A_116 = arith.muli %arg1, %mul3A_115 : i32
    %mul3A_117 = arith.constant 632 : i32
    %mul3A_118 = arith.muli %arg1, %mul3A_117 : i32
    "tpu.region"() ({
      %run_scoped3A = tpu.sem_alloc : memref<!tpu.dma_semaphore, #tpu.memory_space<semaphore_mem>>
      %dma_start3A_119 = arith.constant 0 : i32
      %dma_start3A_120 = tpu.memref_slice %arg6[%arg0, %mul3A_118, %dma_start3A_119] : memref<2x10112x64xf32, #tpu.memory_space<hbm>> -> memref<1x632x64xf32, #tpu.memory_space<hbm>>
      %dma_start3A_121 = tpu.memref_squeeze %dma_start3A_120 : memref<1x632x64xf32, #tpu.memory_space<hbm>> -> memref<632x64xf32, #tpu.memory_space<hbm>>
      %dma_start3A_122 = arith.constant 0 : i32
      %dma_start3A_123 = tpu.memref_slice %arg23[%mul3A_116, %dma_start3A_122] : memref<10112x64xf32, #tpu.memory_space<vmem_shared>> -> memref<632x64xf32, #tpu.memory_space<vmem_shared>>
      tpu.enqueue_dma source(%dma_start3A_123 : memref<632x64xf32, #tpu.memory_space<vmem_shared>>) target(%dma_start3A_121 : memref<632x64xf32, #tpu.memory_space<hbm>>) target_semaphore(%run_scoped3A : memref<!tpu.dma_semaphore, #tpu.memory_space<semaphore_mem>>)
      %dma_wait3A_124 = arith.constant 0 : i32
      %dma_wait3A_125 = tpu.memref_slice %arg6[%arg0, %mul3A_118, %dma_wait3A_124] : memref<2x10112x64xf32, #tpu.memory_space<hbm>> -> memref<1x632x64xf32, #tpu.memory_space<hbm>>
      %dma_wait3A_126 = tpu.memref_squeeze %dma_wait3A_125 : memref<1x632x64xf32, #tpu.memory_space<hbm>> -> memref<632x64xf32, #tpu.memory_space<hbm>>
      %dma_wait3A_127 = arith.constant 0 : i32
      %dma_wait3A_128 = tpu.memref_slice %arg23[%mul3A_116, %dma_wait3A_127] : memref<10112x64xf32, #tpu.memory_space<vmem_shared>> -> memref<632x64xf32, #tpu.memory_space<vmem_shared>>
      tpu.wait_dma2 semaphore(%run_scoped3A : memref<!tpu.dma_semaphore, #tpu.memory_space<semaphore_mem>>) src(%dma_wait3A_128 : memref<632x64xf32, #tpu.memory_space<vmem_shared>>) dst(%dma_wait3A_126 : memref<632x64xf32, #tpu.memory_space<hbm>>)
      tpu.yield
    }) : () -> ()
    return
  }
}

module attributes {stable_mosaic.version = 14 : i64} {
  func.func @body(%arg0: i32, %arg1: memref<632x128xf32, #tpu.memory_space<vmem>>, %arg2: memref<128x128xf32, #tpu.memory_space<vmem>>, %arg3: memref<632x8xf32, #tpu.memory_space<vmem>>, %arg4: memref<632x8xf32, #tpu.memory_space<vmem>>, %arg5: memref<632x128xf32, #tpu.memory_space<vmem>>) attributes {dimension_semantics = [#tpu.dimension_semantics<arbitrary>], iteration_bounds = array<i64: 16>, scalar_prefetch = 0 : i64, scratch_operands = 0 : i64, tpu.core_type = #tpu.core_type<tc>, window_params = [{transform_indices = @transform_0, window_bounds = array<i64: 632, 128>}, {pipeline_mode = #tpu.pipeline_mode<synchronous>, transform_indices = @transform_1, window_bounds = array<i64: 128, 128>}, {transform_indices = @transform_2, window_bounds = array<i64: 632, 8>}, {transform_indices = @transform_3, window_bounds = array<i64: 632, 8>}, {transform_indices = @transform_4, window_bounds = array<i64: 632, 128>}]} {
    %get3A = arith.constant 0 : index
    %get3A_0 = arith.constant 0 : index
    %get3A_1 = vector.load %arg3[%get3A, %get3A_0] : memref<632x8xf32, #tpu.memory_space<vmem>>, vector<632x1xf32>
    %get3A_2 = arith.constant 0 : index
    %get3A_3 = arith.constant 0 : index
    %get3A_4 = vector.load %arg4[%get3A_2, %get3A_3] : memref<632x8xf32, #tpu.memory_space<vmem>>, vector<632x1xf32>
    %add3A = arith.addf %get3A_1, %get3A_4 : vector<632x1xf32>
    %add3A_5 = arith.constant 1.000000e+00 : f32
    %add3A_6 = vector.broadcast %add3A_5 : f32 to vector<632x1xf32>
    %add3A_7 = arith.addf %add3A, %add3A_6 : vector<632x1xf32>
    %max3A = arith.constant 9.99999996E-13 : f32
    %max3A_8 = vector.broadcast %max3A : f32 to vector<632x1xf32>
    %max3A_9 = arith.maximumf %add3A_7, %max3A_8 : vector<632x1xf32>
    %rsqrt3A = math.rsqrt %max3A_9 : vector<632x1xf32>
    %get3A_10 = arith.constant 0 : index
    %get3A_11 = arith.constant 0 : index
    %get3A_12 = vector.load %arg1[%get3A_10, %get3A_11] : memref<632x128xf32, #tpu.memory_space<vmem>>, vector<632x128xf32>
    %get3A_13 = arith.constant 0 : index
    %get3A_14 = arith.constant 0 : index
    %get3A_15 = vector.load %arg2[%get3A_13, %get3A_14] : memref<128x128xf32, #tpu.memory_space<vmem>>, vector<128x128xf32>
    %dot_general3A = arith.constant dense<0.000000e+00> : vector<632x128xf32>
    %dot_general3A_16 = tpu.matmul %get3A_12, %get3A_15, %dot_general3A {dimension_numbers = #tpu.dot_dimension_numbers<[1], [0], [0], [1], [0, 0, 1, 1], [], []>, transpose_lhs_hint = false} : vector<632x128xf32>, vector<128x128xf32>, vector<632x128xf32> -> vector<632x128xf32>
    %mul3A = vector.broadcast %rsqrt3A : vector<632x1xf32> to vector<632x128xf32>
    %mul3A_17 = arith.mulf %dot_general3A_16, %mul3A : vector<632x128xf32>
    %swap3A = arith.constant 0 : index
    %swap3A_18 = arith.constant 0 : index
    %swap3A_19 = vector.load %arg5[%swap3A, %swap3A_18] : memref<632x128xf32, #tpu.memory_space<vmem>>, vector<632x128xf32>
    tpu.vector_store %arg5[%swap3A, %swap3A_18], %mul3A_17 {strides = array<i32>} : memref<632x128xf32, #tpu.memory_space<vmem>>, vector<632x128xf32>,
    return
  }
  func.func @transform_0(%arg0: i32) -> (i32, i32) {
    %c0_i32 = arith.constant 0 : i32
    %c0_i32_0 = arith.constant 0 : i32
    return %arg0, %c0_i32 : i32, i32
  }
  func.func @transform_1(%arg0: i32) -> (i32, i32) {
    %c0_i32 = arith.constant 0 : i32
    %c0_i32_0 = arith.constant 0 : i32
    %c0_i32_1 = arith.constant 0 : i32
    return %c0_i32, %c0_i32_0 : i32, i32
  }
  func.func @transform_2(%arg0: i32) -> (i32, i32) {
    %c0_i32 = arith.constant 0 : i32
    %c0_i32_0 = arith.constant 0 : i32
    return %arg0, %c0_i32 : i32, i32
  }
  func.func @transform_3(%arg0: i32) -> (i32, i32) {
    %c0_i32 = arith.constant 0 : i32
    %c0_i32_0 = arith.constant 0 : i32
    return %arg0, %c0_i32 : i32, i32
  }
  func.func @transform_4(%arg0: i32) -> (i32, i32) {
    %c0_i32 = arith.constant 0 : i32
    %c0_i32_0 = arith.constant 0 : i32
    return %arg0, %c0_i32 : i32, i32
  }
}

module attributes {stable_mosaic.version = 14 : i64} {
  func.func @body(%arg0: i32, %arg1: memref<632x128xf32, #tpu.memory_space<vmem>>, %arg2: memref<632x128xf32, #tpu.memory_space<vmem>>, %arg3: memref<632x128xf32, #tpu.memory_space<vmem>>, %arg4: memref<632x8xf32, #tpu.memory_space<vmem>>, %arg5: memref<632x8xf32, #tpu.memory_space<vmem>>, %arg6: memref<1x128xf32, #tpu.memory_space<vmem>>, %arg7: memref<128x64xf32, #tpu.memory_space<vmem>>, %arg8: memref<632x64xf32, #tpu.memory_space<vmem>>) attributes {dimension_semantics = [#tpu.dimension_semantics<arbitrary>], iteration_bounds = array<i64: 16>, scalar_prefetch = 0 : i64, scratch_operands = 0 : i64, tpu.core_type = #tpu.core_type<tc>, window_params = [{transform_indices = @transform_0, window_bounds = array<i64: 632, 128>}, {transform_indices = @transform_1, window_bounds = array<i64: 632, 128>}, {transform_indices = @transform_2, window_bounds = array<i64: 632, 128>}, {transform_indices = @transform_3, window_bounds = array<i64: 632, 8>}, {transform_indices = @transform_4, window_bounds = array<i64: 632, 8>}, {pipeline_mode = #tpu.pipeline_mode<synchronous>, transform_indices = @transform_5, window_bounds = array<i64: 1, 128>}, {pipeline_mode = #tpu.pipeline_mode<synchronous>, transform_indices = @transform_6, window_bounds = array<i64: 128, 64>}, {transform_indices = @transform_7, window_bounds = array<i64: 632, 64>}]} {
    %get3A = arith.constant 0 : index
    %get3A_0 = arith.constant 0 : index
    %get3A_1 = vector.load %arg4[%get3A, %get3A_0] : memref<632x8xf32, #tpu.memory_space<vmem>>, vector<632x1xf32>
    %get3A_2 = arith.constant 0 : index
    %get3A_3 = arith.constant 0 : index
    %get3A_4 = vector.load %arg5[%get3A_2, %get3A_3] : memref<632x8xf32, #tpu.memory_space<vmem>>, vector<632x1xf32>
    %add3A = arith.addf %get3A_1, %get3A_4 : vector<632x1xf32>
    %add3A_5 = arith.constant 1.000000e+00 : f32
    %add3A_6 = vector.broadcast %add3A_5 : f32 to vector<632x1xf32>
    %add3A_7 = arith.addf %add3A, %add3A_6 : vector<632x1xf32>
    %max3A = arith.constant 9.99999996E-13 : f32
    %max3A_8 = vector.broadcast %max3A : f32 to vector<632x1xf32>
    %max3A_9 = arith.maximumf %add3A_7, %max3A_8 : vector<632x1xf32>
    %rsqrt3A = math.rsqrt %max3A_9 : vector<632x1xf32>
    %get3A_10 = arith.constant 0 : index
    %get3A_11 = arith.constant 0 : index
    %get3A_12 = vector.load %arg1[%get3A_10, %get3A_11] : memref<632x128xf32, #tpu.memory_space<vmem>>, vector<632x128xf32>
    %get3A_13 = arith.constant 0 : index
    %get3A_14 = arith.constant 0 : index
    %get3A_15 = vector.load %arg2[%get3A_13, %get3A_14] : memref<632x128xf32, #tpu.memory_space<vmem>>, vector<632x128xf32>
    %add3A_16 = arith.addf %get3A_12, %get3A_15 : vector<632x128xf32>
    %get3A_17 = arith.constant 0 : index
    %get3A_18 = arith.constant 0 : index
    %get3A_19 = vector.load %arg3[%get3A_17, %get3A_18] : memref<632x128xf32, #tpu.memory_space<vmem>>, vector<632x128xf32>
    %add3A_20 = arith.addf %add3A_16, %get3A_19 : vector<632x128xf32>
    %mul3A = vector.broadcast %rsqrt3A : vector<632x1xf32> to vector<632x128xf32>
    %mul3A_21 = arith.mulf %mul3A, %add3A_20 : vector<632x128xf32>
    %get3A_22 = arith.constant 0 : index
    %get3A_23 = arith.constant 0 : index
    %get3A_24 = vector.load %arg6[%get3A_22, %get3A_23] : memref<1x128xf32, #tpu.memory_space<vmem>>, vector<1x128xf32>
    %add3A_25 = vector.broadcast %get3A_24 : vector<1x128xf32> to vector<632x128xf32>
    %add3A_26 = arith.addf %mul3A_21, %add3A_25 : vector<632x128xf32>
    %max3A_27 = arith.constant 0.000000e+00 : f32
    %max3A_28 = vector.broadcast %max3A_27 : f32 to vector<632x128xf32>
    %max3A_29 = arith.maximumf %add3A_26, %max3A_28 : vector<632x128xf32>
    %get3A_30 = arith.constant 0 : index
    %get3A_31 = arith.constant 0 : index
    %get3A_32 = vector.load %arg7[%get3A_30, %get3A_31] : memref<128x64xf32, #tpu.memory_space<vmem>>, vector<128x64xf32>
    %dot_general3A = arith.constant dense<0.000000e+00> : vector<632x64xf32>
    %dot_general3A_33 = tpu.matmul %max3A_29, %get3A_32, %dot_general3A {dimension_numbers = #tpu.dot_dimension_numbers<[1], [0], [0], [1], [0, 0, 1, 1], [], []>, transpose_lhs_hint = false} : vector<632x128xf32>, vector<128x64xf32>, vector<632x64xf32> -> vector<632x64xf32>
    %mul3A_34 = vector.broadcast %rsqrt3A : vector<632x1xf32> to vector<632x64xf32>
    %mul3A_35 = arith.mulf %dot_general3A_33, %mul3A_34 : vector<632x64xf32>
    %swap3A = arith.constant 0 : index
    %swap3A_36 = arith.constant 0 : index
    %swap3A_37 = vector.load %arg8[%swap3A, %swap3A_36] : memref<632x64xf32, #tpu.memory_space<vmem>>, vector<632x64xf32>
    tpu.vector_store %arg8[%swap3A, %swap3A_36], %mul3A_35 {strides = array<i32>} : memref<632x64xf32, #tpu.memory_space<vmem>>, vector<632x64xf32>,
    return
  }
  func.func @transform_0(%arg0: i32) -> (i32, i32) {
    %c0_i32 = arith.constant 0 : i32
    %c0_i32_0 = arith.constant 0 : i32
    return %arg0, %c0_i32 : i32, i32
  }
  func.func @transform_1(%arg0: i32) -> (i32, i32) {
    %c0_i32 = arith.constant 0 : i32
    %c0_i32_0 = arith.constant 0 : i32
    return %arg0, %c0_i32 : i32, i32
  }
  func.func @transform_2(%arg0: i32) -> (i32, i32) {
    %c0_i32 = arith.constant 0 : i32
    %c0_i32_0 = arith.constant 0 : i32
    return %arg0, %c0_i32 : i32, i32
  }
  func.func @transform_3(%arg0: i32) -> (i32, i32) {
    %c0_i32 = arith.constant 0 : i32
    %c0_i32_0 = arith.constant 0 : i32
    return %arg0, %c0_i32 : i32, i32
  }
  func.func @transform_4(%arg0: i32) -> (i32, i32) {
    %c0_i32 = arith.constant 0 : i32
    %c0_i32_0 = arith.constant 0 : i32
    return %arg0, %c0_i32 : i32, i32
  }
  func.func @transform_5(%arg0: i32) -> (i32, i32) {
    %c0_i32 = arith.constant 0 : i32
    %c0_i32_0 = arith.constant 0 : i32
    %c0_i32_1 = arith.constant 0 : i32
    return %c0_i32, %c0_i32_0 : i32, i32
  }
  func.func @transform_6(%arg0: i32) -> (i32, i32) {
    %c0_i32 = arith.constant 0 : i32
    %c0_i32_0 = arith.constant 0 : i32
    %c0_i32_1 = arith.constant 0 : i32
    return %c0_i32, %c0_i32_0 : i32, i32
  }
  func.func @transform_7(%arg0: i32) -> (i32, i32) {
    %c0_i32 = arith.constant 0 : i32
    %c0_i32_0 = arith.constant 0 : i32
    return %arg0, %c0_i32 : i32, i32
  }
}

module attributes {stable_mosaic.version = 14 : i64} {
  func.func @body(%arg0: i32, %arg1: memref<632x64xf32, #tpu.memory_space<vmem>>, %arg2: memref<632x64xf32, #tpu.memory_space<vmem>>, %arg3: memref<632x64xf32, #tpu.memory_space<vmem>>, %arg4: memref<632x8xf32, #tpu.memory_space<vmem>>, %arg5: memref<632x8xf32, #tpu.memory_space<vmem>>, %arg6: memref<1x64xf32, #tpu.memory_space<vmem>>, %arg7: memref<64x64xf32, #tpu.memory_space<vmem>>, %arg8: memref<632x64xf32, #tpu.memory_space<vmem>>) attributes {dimension_semantics = [#tpu.dimension_semantics<arbitrary>], iteration_bounds = array<i64: 16>, scalar_prefetch = 0 : i64, scratch_operands = 0 : i64, tpu.core_type = #tpu.core_type<tc>, window_params = [{transform_indices = @transform_0, window_bounds = array<i64: 632, 64>}, {transform_indices = @transform_1, window_bounds = array<i64: 632, 64>}, {transform_indices = @transform_2, window_bounds = array<i64: 632, 64>}, {transform_indices = @transform_3, window_bounds = array<i64: 632, 8>}, {transform_indices = @transform_4, window_bounds = array<i64: 632, 8>}, {pipeline_mode = #tpu.pipeline_mode<synchronous>, transform_indices = @transform_5, window_bounds = array<i64: 1, 64>}, {pipeline_mode = #tpu.pipeline_mode<synchronous>, transform_indices = @transform_6, window_bounds = array<i64: 64, 64>}, {transform_indices = @transform_7, window_bounds = array<i64: 632, 64>}]} {
    %get3A = arith.constant 0 : index
    %get3A_0 = arith.constant 0 : index
    %get3A_1 = vector.load %arg4[%get3A, %get3A_0] : memref<632x8xf32, #tpu.memory_space<vmem>>, vector<632x1xf32>
    %get3A_2 = arith.constant 0 : index
    %get3A_3 = arith.constant 0 : index
    %get3A_4 = vector.load %arg5[%get3A_2, %get3A_3] : memref<632x8xf32, #tpu.memory_space<vmem>>, vector<632x1xf32>
    %add3A = arith.addf %get3A_1, %get3A_4 : vector<632x1xf32>
    %add3A_5 = arith.constant 1.000000e+00 : f32
    %add3A_6 = vector.broadcast %add3A_5 : f32 to vector<632x1xf32>
    %add3A_7 = arith.addf %add3A, %add3A_6 : vector<632x1xf32>
    %max3A = arith.constant 9.99999996E-13 : f32
    %max3A_8 = vector.broadcast %max3A : f32 to vector<632x1xf32>
    %max3A_9 = arith.maximumf %add3A_7, %max3A_8 : vector<632x1xf32>
    %rsqrt3A = math.rsqrt %max3A_9 : vector<632x1xf32>
    %get3A_10 = arith.constant 0 : index
    %get3A_11 = arith.constant 0 : index
    %get3A_12 = vector.load %arg1[%get3A_10, %get3A_11] : memref<632x64xf32, #tpu.memory_space<vmem>>, vector<632x64xf32>
    %get3A_13 = arith.constant 0 : index
    %get3A_14 = arith.constant 0 : index
    %get3A_15 = vector.load %arg2[%get3A_13, %get3A_14] : memref<632x64xf32, #tpu.memory_space<vmem>>, vector<632x64xf32>
    %add3A_16 = arith.addf %get3A_12, %get3A_15 : vector<632x64xf32>
    %get3A_17 = arith.constant 0 : index
    %get3A_18 = arith.constant 0 : index
    %get3A_19 = vector.load %arg3[%get3A_17, %get3A_18] : memref<632x64xf32, #tpu.memory_space<vmem>>, vector<632x64xf32>
    %add3A_20 = arith.addf %add3A_16, %get3A_19 : vector<632x64xf32>
    %mul3A = vector.broadcast %rsqrt3A : vector<632x1xf32> to vector<632x64xf32>
    %mul3A_21 = arith.mulf %mul3A, %add3A_20 : vector<632x64xf32>
    %get3A_22 = arith.constant 0 : index
    %get3A_23 = arith.constant 0 : index
    %get3A_24 = vector.load %arg6[%get3A_22, %get3A_23] : memref<1x64xf32, #tpu.memory_space<vmem>>, vector<1x64xf32>
    %add3A_25 = vector.broadcast %get3A_24 : vector<1x64xf32> to vector<632x64xf32>
    %add3A_26 = arith.addf %mul3A_21, %add3A_25 : vector<632x64xf32>
    %max3A_27 = arith.constant 0.000000e+00 : f32
    %max3A_28 = vector.broadcast %max3A_27 : f32 to vector<632x64xf32>
    %max3A_29 = arith.maximumf %add3A_26, %max3A_28 : vector<632x64xf32>
    %get3A_30 = arith.constant 0 : index
    %get3A_31 = arith.constant 0 : index
    %get3A_32 = vector.load %arg7[%get3A_30, %get3A_31] : memref<64x64xf32, #tpu.memory_space<vmem>>, vector<64x64xf32>
    %dot_general3A = arith.constant dense<0.000000e+00> : vector<632x64xf32>
    %dot_general3A_33 = tpu.matmul %max3A_29, %get3A_32, %dot_general3A {dimension_numbers = #tpu.dot_dimension_numbers<[1], [0], [0], [1], [0, 0, 1, 1], [], []>, transpose_lhs_hint = false} : vector<632x64xf32>, vector<64x64xf32>, vector<632x64xf32> -> vector<632x64xf32>
    %mul3A_34 = vector.broadcast %rsqrt3A : vector<632x1xf32> to vector<632x64xf32>
    %mul3A_35 = arith.mulf %dot_general3A_33, %mul3A_34 : vector<632x64xf32>
    %swap3A = arith.constant 0 : index
    %swap3A_36 = arith.constant 0 : index
    %swap3A_37 = vector.load %arg8[%swap3A, %swap3A_36] : memref<632x64xf32, #tpu.memory_space<vmem>>, vector<632x64xf32>
    tpu.vector_store %arg8[%swap3A, %swap3A_36], %mul3A_35 {strides = array<i32>} : memref<632x64xf32, #tpu.memory_space<vmem>>, vector<632x64xf32>,
    return
  }
  func.func @transform_0(%arg0: i32) -> (i32, i32) {
    %c0_i32 = arith.constant 0 : i32
    %c0_i32_0 = arith.constant 0 : i32
    return %arg0, %c0_i32 : i32, i32
  }
  func.func @transform_1(%arg0: i32) -> (i32, i32) {
    %c0_i32 = arith.constant 0 : i32
    %c0_i32_0 = arith.constant 0 : i32
    return %arg0, %c0_i32 : i32, i32
  }
  func.func @transform_2(%arg0: i32) -> (i32, i32) {
    %c0_i32 = arith.constant 0 : i32
    %c0_i32_0 = arith.constant 0 : i32
    return %arg0, %c0_i32 : i32, i32
  }
  func.func @transform_3(%arg0: i32) -> (i32, i32) {
    %c0_i32 = arith.constant 0 : i32
    %c0_i32_0 = arith.constant 0 : i32
    return %arg0, %c0_i32 : i32, i32
  }
  func.func @transform_4(%arg0: i32) -> (i32, i32) {
    %c0_i32 = arith.constant 0 : i32
    %c0_i32_0 = arith.constant 0 : i32
    return %arg0, %c0_i32 : i32, i32
  }
  func.func @transform_5(%arg0: i32) -> (i32, i32) {
    %c0_i32 = arith.constant 0 : i32
    %c0_i32_0 = arith.constant 0 : i32
    %c0_i32_1 = arith.constant 0 : i32
    return %c0_i32, %c0_i32_0 : i32, i32
  }
  func.func @transform_6(%arg0: i32) -> (i32, i32) {
    %c0_i32 = arith.constant 0 : i32
    %c0_i32_0 = arith.constant 0 : i32
    %c0_i32_1 = arith.constant 0 : i32
    return %c0_i32, %c0_i32_0 : i32, i32
  }
  func.func @transform_7(%arg0: i32) -> (i32, i32) {
    %c0_i32 = arith.constant 0 : i32
    %c0_i32_0 = arith.constant 0 : i32
    return %arg0, %c0_i32 : i32, i32
  }
}

module attributes {stable_mosaic.version = 14 : i64} {
  func.func @body(%arg0: i32, %arg1: memref<632x64xf32, #tpu.memory_space<vmem>>, %arg2: memref<632x64xf32, #tpu.memory_space<vmem>>, %arg3: memref<632x64xf32, #tpu.memory_space<vmem>>, %arg4: memref<632x8xf32, #tpu.memory_space<vmem>>, %arg5: memref<632x8xf32, #tpu.memory_space<vmem>>, %arg6: memref<1x64xf32, #tpu.memory_space<vmem>>, %arg7: memref<632x64xf32, #tpu.memory_space<vmem>>) attributes {dimension_semantics = [#tpu.dimension_semantics<arbitrary>], iteration_bounds = array<i64: 16>, scalar_prefetch = 0 : i64, scratch_operands = 0 : i64, tpu.core_type = #tpu.core_type<tc>, window_params = [{transform_indices = @transform_0, window_bounds = array<i64: 632, 64>}, {transform_indices = @transform_1, window_bounds = array<i64: 632, 64>}, {transform_indices = @transform_2, window_bounds = array<i64: 632, 64>}, {transform_indices = @transform_3, window_bounds = array<i64: 632, 8>}, {transform_indices = @transform_4, window_bounds = array<i64: 632, 8>}, {pipeline_mode = #tpu.pipeline_mode<synchronous>, transform_indices = @transform_5, window_bounds = array<i64: 1, 64>}, {transform_indices = @transform_6, window_bounds = array<i64: 632, 64>}]} {
    %get3A = arith.constant 0 : index
    %get3A_0 = arith.constant 0 : index
    %get3A_1 = vector.load %arg4[%get3A, %get3A_0] : memref<632x8xf32, #tpu.memory_space<vmem>>, vector<632x1xf32>
    %get3A_2 = arith.constant 0 : index
    %get3A_3 = arith.constant 0 : index
    %get3A_4 = vector.load %arg5[%get3A_2, %get3A_3] : memref<632x8xf32, #tpu.memory_space<vmem>>, vector<632x1xf32>
    %add3A = arith.addf %get3A_1, %get3A_4 : vector<632x1xf32>
    %add3A_5 = arith.constant 1.000000e+00 : f32
    %add3A_6 = vector.broadcast %add3A_5 : f32 to vector<632x1xf32>
    %add3A_7 = arith.addf %add3A, %add3A_6 : vector<632x1xf32>
    %max3A = arith.constant 9.99999996E-13 : f32
    %max3A_8 = vector.broadcast %max3A : f32 to vector<632x1xf32>
    %max3A_9 = arith.maximumf %add3A_7, %max3A_8 : vector<632x1xf32>
    %rsqrt3A = math.rsqrt %max3A_9 : vector<632x1xf32>
    %get3A_10 = arith.constant 0 : index
    %get3A_11 = arith.constant 0 : index
    %get3A_12 = vector.load %arg1[%get3A_10, %get3A_11] : memref<632x64xf32, #tpu.memory_space<vmem>>, vector<632x64xf32>
    %get3A_13 = arith.constant 0 : index
    %get3A_14 = arith.constant 0 : index
    %get3A_15 = vector.load %arg2[%get3A_13, %get3A_14] : memref<632x64xf32, #tpu.memory_space<vmem>>, vector<632x64xf32>
    %add3A_16 = arith.addf %get3A_12, %get3A_15 : vector<632x64xf32>
    %get3A_17 = arith.constant 0 : index
    %get3A_18 = arith.constant 0 : index
    %get3A_19 = vector.load %arg3[%get3A_17, %get3A_18] : memref<632x64xf32, #tpu.memory_space<vmem>>, vector<632x64xf32>
    %add3A_20 = arith.addf %add3A_16, %get3A_19 : vector<632x64xf32>
    %mul3A = vector.broadcast %rsqrt3A : vector<632x1xf32> to vector<632x64xf32>
    %mul3A_21 = arith.mulf %mul3A, %add3A_20 : vector<632x64xf32>
    %get3A_22 = arith.constant 0 : index
    %get3A_23 = arith.constant 0 : index
    %get3A_24 = vector.load %arg6[%get3A_22, %get3A_23] : memref<1x64xf32, #tpu.memory_space<vmem>>, vector<1x64xf32>
    %add3A_25 = vector.broadcast %get3A_24 : vector<1x64xf32> to vector<632x64xf32>
    %add3A_26 = arith.addf %mul3A_21, %add3A_25 : vector<632x64xf32>
    %reduce_max3A = arith.constant dense<0xFF800000> : vector<632xf32>
    %reduce_max3A_27 = vector.multi_reduction <maximumf>, %add3A_26, %reduce_max3A [1] : vector<632x64xf32> to vector<632xf32>
    %broadcast_in_dim3A = vector.shape_cast %reduce_max3A_27 : vector<632xf32> to vector<632x1xf32>
    %sub3A = vector.broadcast %broadcast_in_dim3A : vector<632x1xf32> to vector<632x64xf32>
    %sub3A_28 = arith.subf %add3A_26, %sub3A : vector<632x64xf32>
    %exp3A = math.exp %sub3A_28 : vector<632x64xf32>
    %reduce_sum3A = arith.constant dense<0.000000e+00> : vector<632xf32>
    %reduce_sum3A_29 = vector.multi_reduction <add>, %exp3A, %reduce_sum3A [1] : vector<632x64xf32> to vector<632xf32>
    %broadcast_in_dim3A_30 = vector.shape_cast %reduce_sum3A_29 : vector<632xf32> to vector<632x1xf32>
    %log3A = math.log %broadcast_in_dim3A_30 : vector<632x1xf32>
    %add3A_31 = arith.addf %log3A, %broadcast_in_dim3A : vector<632x1xf32>
    %sub3A_32 = vector.broadcast %add3A_31 : vector<632x1xf32> to vector<632x64xf32>
    %sub3A_33 = arith.subf %add3A_26, %sub3A_32 : vector<632x64xf32>
    %swap3A = arith.constant 0 : index
    %swap3A_34 = arith.constant 0 : index
    %swap3A_35 = vector.load %arg7[%swap3A, %swap3A_34] : memref<632x64xf32, #tpu.memory_space<vmem>>, vector<632x64xf32>
    tpu.vector_store %arg7[%swap3A, %swap3A_34], %sub3A_33 {strides = array<i32>} : memref<632x64xf32, #tpu.memory_space<vmem>>, vector<632x64xf32>,
    return
  }
  func.func @transform_0(%arg0: i32) -> (i32, i32) {
    %c0_i32 = arith.constant 0 : i32
    %c0_i32_0 = arith.constant 0 : i32
    return %arg0, %c0_i32 : i32, i32
  }
  func.func @transform_1(%arg0: i32) -> (i32, i32) {
    %c0_i32 = arith.constant 0 : i32
    %c0_i32_0 = arith.constant 0 : i32
    return %arg0, %c0_i32 : i32, i32
  }
  func.func @transform_2(%arg0: i32) -> (i32, i32) {
    %c0_i32 = arith.constant 0 : i32
    %c0_i32_0 = arith.constant 0 : i32
    return %arg0, %c0_i32 : i32, i32
  }
  func.func @transform_3(%arg0: i32) -> (i32, i32) {
    %c0_i32 = arith.constant 0 : i32
    %c0_i32_0 = arith.constant 0 : i32
    return %arg0, %c0_i32 : i32, i32
  }
  func.func @transform_4(%arg0: i32) -> (i32, i32) {
    %c0_i32 = arith.constant 0 : i32
    %c0_i32_0 = arith.constant 0 : i32
    return %arg0, %c0_i32 : i32, i32
  }
  func.func @transform_5(%arg0: i32) -> (i32, i32) {
    %c0_i32 = arith.constant 0 : i32
    %c0_i32_0 = arith.constant 0 : i32
    %c0_i32_1 = arith.constant 0 : i32
    return %c0_i32, %c0_i32_0 : i32, i32
  }
  func.func @transform_6(%arg0: i32) -> (i32, i32) {
    %c0_i32 = arith.constant 0 : i32
    %c0_i32_0 = arith.constant 0 : i32
    return %arg0, %c0_i32 : i32, i32
  }
}

</mosaic_0001>

<sc_bundles>
// kernel: kernel.10.cloned.1.call-start
scs
__scs_entry_jumppad:
0x0: {  	(pc) =	sbr.rel $0x88, $3  }
0x1: {  	(tag) =	ssettag $0x0;
	lr =	simm.s32 $0x1  }
0x2: {  	[smem:$0x3F99] =	sst lr;
	_ =	strace $0xD0000000  }
0x3: {  	_ = 	snop  }
0x4: {  	_ = 	snop  }
0x5: {  	_ = 	snop  }
0x6: {  	_ = 	snop  }
0x7: {  	_ = 	snop  }
__scs_overlays_trampoline_lowered:
0x8: {  	[smem:$0x3FA8] =	sst s0  }
0x9: {  	[smem:$0x3FA9] =	sst s1  }
0xa: {  	[smem:$0x3FAA] =	sst s2  }
0xb: {  	[smem:$0x3FAB] =	sst s3  }
0xc: {  	[smem:$0x3FAC] =	sst s4  }
0xd: {  	[smem:$0x3FAD] =	sst s5  }
0xe: {  	[smem:$0x3FAE] =	sst s6  }
0xf: {  	[smem:$0x3FAF] =	sst s7  }
0x10: {  	[smem:$0x3FB0] =	sst s8  }
0x11: {  	[smem:$0x3FB1] =	sst s9;
	s0 =	simm.s32 @!p0 $0x0  }
0x12: {  	s1 =	sld [smem:$0x3F97];
	s0 =	simm.s32 @p0 $0x1  }
0x13: {  	[smem:$0x3FB2] =	sst s0;
	s0 =	simm.s32 @!p1 $0x0  }
0x14: {  	s2 =	sld [smem:$0x3F96];
	s0 =	simm.s32 @p1 $0x1  }
0x15: {  	[smem:$0x3FB3] =	sst s0;
	s0 =	simm.s32 @!p2 $0x0  }
0x16: {  	s3 =	sld [smem:$0x3FDB];
	s0 =	simm.s32 @p2 $0x1  }
0x17: {  	s4 =	simm.s32 $0x1BF5;
	[smem:$0x3FB5] =	sst s0  }
0x18: {  	s0 =	sld [smem:$0x3F98];
	_ =	swait.ge [sflag:s4], $0x0  }
0x19: {  	s7 =	sld [smem:$0x3F99]  }
0x1a: {  	s8 =	sadd.s32 $0xFFFFE003, lr  }
0x1b: {  	s9 =	sadd.s32 $0xFFFFFEF7, lr;
	s5 =	simm.s32 $0xFFFFFFFF;
	p2 =	slt.u32 s8, $0xFFFFF086  }
0x1c: {  	p1 =	slt.u32 s9, $0xF7A;
	s5 =	simm.s32 @!p2 $0x0  }
0x1d: {  	s5 =	simm.s32 @p1 $0x1;
	p0 =	seq.s32 s7, s2  }
0x1e: {  	s7 =	smul.u32 @!p0 $0xF7A, s2;
	p2 =	seq.s32 @!p0 s5, $0x0  }
0x1f: {  	s9 =	smul.u32 $0xF7A, s1;
	s8 =	simm.s32 @!p0 $0x1BF5;
	p2 =	por !p2, p0  }
0x20: {  	[sflag:s8] =	ssyncset.s32 @!p0 $0xFFFFF086;
	s6 =	sadd.s32 @!p0 s3, s7;
	s7 =	simm.s32 @!p0 $0x108  }
0x21: {  	s3 =	sadd.s32 s3, s9;
	s6 =	sadd.s32 @!p0 $0x88, s6;
	s7 =	simm.s32 @p2 $0x1082  }
0x22: {  	[simem:s7], [sflag:s8] =	dma.local @!p0 [hbm:s6], $0xF7A  }
0x23: {  	s9 =	sor.u32 $0xD0000000, s2;
	s6 =	simm.s32 $0x108;
	_ =	swait.ge @!p0 [sflag:s8], $0x0  }
0x24: {  	s3 =	sadd.s32 $0x88, s3;
	s6 =	simm.s32 @!p1 $0x1082;
	[sflag:s4] =	ssyncset.s32 $0xFFFFF086  }
0x25: {  	[simem:s6], [sflag:s4] =	dma.local [hbm:s3], $0xF7A  }
0x26: {  	[smem:$0x3F99] =	sst s1;
	(tag) =	ssettag s2;
	_ =	strace s9  }
0x27: {  	s1 =	sld [smem:$0x3FA9]  }
0x28: {  	s2 =	sld [smem:$0x3FAA]  }
0x29: {  	s4 =	sld [smem:$0x3FAC]  }
0x2a: {  	p0 =	seq.s32 s5, $0x0;
	s5 =	sld [smem:$0x3FAD]  }
0x2b: {  	s6 =	sld [smem:$0x3FAE]  }
0x2c: {  	s7 =	sld [smem:$0x3FAF]  }
0x2d: {  	s3 =	simm.s32 $0x108;
	s8 =	sld [smem:$0x3FB0]  }
0x2e: {  	s3 =	simm.s32 @!p0 $0x1082;
	s9 =	sld [smem:$0x3FB1]  }
0x2f: {  	lr =	sadd.s32 s0, s3;
	s0 =	sld [smem:$0x3FA8]  }
0x30: {  	s3 =	sld [smem:$0x3FAB]  }
0x31: {  	[smem:$0x3FB4] =	sst s10  }
0x32: {  	s10 =	sld [smem:$0x3FB2];
	_ =	sdelay $0x3  }
0x33: {  	p0 =	seq.s32 s10, $0x1;
	s10 =	sld [smem:$0x3FB4];
	_ =	sdelay $0x3  }
0x34: {  	[smem:$0x3FB4] =	sst s10  }
0x35: {  	s10 =	sld [smem:$0x3FB3];
	_ =	sdelay $0x3  }
0x36: {  	p1 =	seq.s32 s10, $0x1;
	s10 =	sld [smem:$0x3FB4];
	_ =	sdelay $0x3  }
0x37: {  	[smem:$0x3FB4] =	sst s10  }
0x38: {  	s10 =	sld [smem:$0x3FB5]  }
0x39: {  	_ = 	snop;
	(pc) =	sbr.ind lr, $3  }
0x3a: {  	_ = 	snop  }
0x3b: {  	_ = 	snop  }
0x3c: {  	p2 =	seq.s32 s10, $0x1;
	s10 =	sld [smem:$0x3FB4]  }
0x3d: {  	_ =	shalt  }
0x3e: {  	_ =	shalt  }
0x3f: {  	_ =	shalt  }
0x40: {  	_ =	shalt  }
0x41: {  	_ =	shalt  }
0x42: {  	_ =	shalt  }
0x43: {  	_ =	shalt  }
0x44: {  	_ =	shalt  }
0x45: {  	_ =	shalt  }
0x46: {  	_ =	shalt  }
0x47: {  	_ =	shalt  }
0x48: {  	_ =	shalt  }
0x49: {  	_ =	shalt  }
0x4a: {  	_ =	shalt  }
0x4b: {  	_ =	shalt  }
0x4c: {  	_ =	shalt  }
0x4d: {  	_ =	shalt  }
0x4e: {  	_ =	shalt  }
0x4f: {  	_ =	shalt  }
0x50: {  	_ =	shalt  }
0x51: {  	_ =	shalt  }
0x52: {  	_ =	shalt  }
0x53: {  	_ =	shalt  }
0x54: {  	_ =	shalt  }
0x55: {  	_ =	shalt  }
0x56: {  	_ =	shalt  }
0x57: {  	_ =	shalt  }
0x58: {  	_ =	shalt  }
0x59: {  	_ =	shalt  }
0x5a: {  	_ =	shalt  }
0x5b: {  	_ =	shalt  }
0x5c: {  	_ =	shalt  }
0x5d: {  	_ =	shalt  }
0x5e: {  	_ =	shalt  }
0x5f: {  	_ =	shalt  }
0x60: {  	_ =	shalt  }
0x61: {  	_ =	shalt  }
0x62: {  	_ =	shalt  }
0x63: {  	_ =	shalt  }
0x64: {  	_ =	shalt  }
0x65: {  	_ =	shalt  }
0x66: {  	_ =	shalt  }
0x67: {  	_ =	shalt  }
0x68: {  	_ =	shalt  }
0x69: {  	_ =	shalt  }
0x6a: {  	_ =	shalt  }
0x6b: {  	_ =	shalt  }
0x6c: {  	_ =	shalt  }
0x6d: {  	_ =	shalt  }
0x6e: {  	_ =	shalt  }
0x6f: {  	_ =	shalt  }
0x70: {  	_ =	shalt  }
0x71: {  	_ =	shalt  }
0x72: {  	_ =	shalt  }
0x73: {  	_ =	shalt  }
0x74: {  	_ =	shalt  }
0x75: {  	_ =	shalt  }
0x76: {  	_ =	shalt  }
0x77: {  	_ =	shalt  }
0x78: {  	_ =	shalt  }
0x79: {  	_ =	shalt  }
0x7a: {  	_ =	shalt  }
0x7b: {  	_ =	shalt  }
0x7c: {  	_ =	shalt  }
0x7d: {  	_ =	shalt  }
0x7e: {  	_ =	shalt  }
0x7f: {  	_ =	shalt  }
0x80: {  	_ =	shalt  }
0x81: {  	_ =	shalt  }
0x82: {  	_ =	shalt  }
0x83: {  	_ =	shalt  }
0x84: {  	_ =	shalt  }
0x85: {  	_ =	shalt  }
0x86: {  	_ =	shalt  }
0x87: {  	_ =	shalt  }
.Lfunc_end0:
.L_simem_size_0:
called_computation_lowered:
.L_overlay_start_0:
0x88: {  	s2 =	sld [smem:$0x3FD9]  }
0x89: {  	s3 =	sld [smem:$0x3FFE];
	_ =	sdelay $0x1  }
0x8a: {  	s1 =	srdreg.scid  }
0x8b: {  	s0 =	sand.u32 $0x1, s1  }
0x8c: {  	s16 =	sshll.u32 s0, $0xA;
	s2 =	sadd.s32 s3, s2  }
0x8d: {  	s2 =	sadd.s32 s2, s16  }
0x8e: {  	[smem:$0x3FC0] =	sst s2  }
0x8f: {  	_ = 	snop  }
0x90: {  	(tm) =	ssettm $0x1  }
0x91: {  	s17 =	sld [smem:$0x3FFB];
	_ =	sdelay $0x3  }
0x92: {  	_ =	strace s17  }
0x93: {  	s2 =	sld [smem:$0x3FFC];
	_ =	sdelay $0x3  }
0x94: {  	_ =	strace s2  }
0x95: {  	s2 =	sld [smem:$0x3FFD];
	_ =	sdelay $0x3  }
0x96: {  	_ =	strace s2  }
0x97: {  	_ =	strace $0x8FFFFFFF  }
0x98: {  	s18 =	sld [smem:$0x3FDB];
	_ =	sdelay $0x1  }
0x99: {  	s19 =	simm.s32 $_scs_section_size  }
0x9a: {  	s4 =	simm.s32 $_size__tile_overlayer_lowered;
	s5 =	simm.s32 $_tile_overlayer_lowered  }
0x9b: {  	s22 =	simm.s32 $0x1BFF;
	s21 =	sshll.u32 s5, $0x1;
	s2 =	sadd.s32 s19, s18  }
0x9c: {  	s6 =	simm.s32 $0x0;
	s20 =	sshll.u32 s4, $0x1;
	s4 =	sadd.s32 s21, s2  }
0x9d: {  	[timem:s6], [sflag:s22] =	dma.local [hbm:s4], s20  }
0x9e: {  	_ =	swait.ge [sflag:s22], s20  }
0x9f: {  	s3 =	ssub.s32 $0x0, s20;
	[sflag:s22] =	ssyncset.done $0x0  }
0xa0: {  	[sflag:s22] =	ssyncadd.s32 s3;
	_ =	sdelay $0x1  }
0xa1: {  	s23 =	simm.s32 $0x1B8B  }
0xa2: {  	_ =	swait.ge [sflag:s23], $0x1  }
0xa3: {  	[sflag:s23] =	ssyncset.done $0x0  }
0xa4: {  	s25 =	simm.s32 $0x1B8E;
	s24 =	sld [smem:$0x3FFE];
	[sflag:s23] =	ssyncadd.s32 $0xFFFFFFFF  }
0xa5: {  	s26 =	simm.s32 $execute0_lowered;
	[smem:$0x3FD2] =	sst s25  }
0xa6: {  	s4 =	sshll.u32 s26, $0x1;
	_ =	strace $0x80000046;
	[dreg:$0x1] =	wrdreg $0xFFFFFFFF  }
0xa7: {  	s28 =	simm.s32 $_size_execute0_lowered;
	s2 =	sadd.s32 s2, s4;
	[dreg:$0x0] =	wrdreg $0x0  }
0xa8: {  	s4 =	sshll.u32 s28, $0x1;
	[dreg:$0x2] =	wrdreg s2  }
0xa9: {  	[dreg:$0x3] =	wrdreg s4  }
0xaa: {  	[dreg:$0x4] =	wrdreg $0xC0  }
0xab: {  	_ =	task [dreg:s6], $0x5FFFF  }
0xac: {  	[dreg:$0x1] =	wrdreg $0xFFFFFFFF  }
0xad: {  	[dreg:$0x0] =	wrdreg $0x60  }
0xae: {  	[dreg:$0x2] =	wrdreg s24  }
0xaf: {  	[dreg:$0x3] =	wrdreg $0x28600  }
0xb0: {  	[dreg:$0x4] =	wrdreg $0x9  }
0xb1: {  	_ =	task.clear_ibuf [dreg:s6], $0x5FFFF;
	_ =	strace $0x90000046  }
0xb2: {  	s29 =	simm.s32 $0x9;
	_ =	strace $0x80000048  }
0xb3: {  	_ =	swait.ge [sflag:s29], $0x1  }
0xb4: {  	[sflag:s29] =	ssyncadd.s32 $0xFFFFFFFF  }
0xb5: {  	_ =	strace $0x90000048  }
0xb6: {  	_ =	sfence  }
0xb7: {  	s30 =	sld [smem:$0x0];
	_ =	sdelay $0x2  }
0xb8: {  	s31 =	sshll.u32 s1, $0xD;
	s1 =	sshrl.u32 s1, $0x2  }
0xb9: {  	s3 =	sand.u32 $0x4000, s31;
	s1 =	sadd.s32 s1, s30  }
0xba: {  	s0 =	sor.u32 s3, s0;
	s1 =	sshll.u32 s1, $0x11  }
0xbb: {  	s0 =	sor.u32 s1, s0  }
0xbc: {  	s0 =	sadd.s32 $0x8F2B, s0  }
0xbd: {  	[sflag:s0] =	ssyncadd.remote.s32 $0x1  }
0xbe: {  	_ =	sfence.sel $0xFFFF  }
0xbf: {  	[dreg:$0x0] =	wrdreg $0xFFFFFFFF;
	(pc) =	sbr.abs _section_cstart, $3  }
0xc0: {  	[dreg:$0x1] =	wrdreg $0xFFFFFFFF  }
0xc1: {  	_ =	task.clear_ibuf [dreg:s6], $0x2FFFF;
	_ =	strace $0x9FFFFFFF  }
0xc2: {  	(tm) =	ssettm $0x7FFFFFFF  }
0xc3: {  	_ =	shalt  }
tec
execute0_lowered:
.L_overlay_start_1:
0x0: {  	(tag) =	ssettag $0x1  }
0x1: {  	s6 =	rddreg [dreg:$0x0]  }
0x2: {  	s0 =	srdreg.scid;
	s2 =	rddreg [dreg:$0x1];
	s3 =	simm.s32 $0x0  }
0x3: {  	s12 =	simm.s32 $0x2760;
	s5 =	sand.u32 $0x1, s0;
	s0 =	stileid.u32  }
0x4: {  	s13 =	simm.s32 $0x20;
	s14 =	simm.s32 $0x0;
	s7 =	smul.u32 $0x13C0, s0  }
0x5: {  	[smem:$0x7FF] =	sst s3;
	s1 =	sshll.u32 s5, $0x4;
	s8 =	smul.u32 $0x13C00, s5  }
0x6: {  	s10 =	ssub.s32 $0x2, s5;
	s5 =	sadd.s32 $0xC000, s6;
	s1 =	sor.u32 s0, s1  }
0x7: {  	s31 =	sshll.u32 s0, $0x6;
	s30 =	sshrl.u32 s10, $0x1;
	s4 =	smul.u32 $0x4EC, s1  }
0x8: {  	s1 =	rddreg [dreg:$0x2];
	_ =	strace $0x80000047;
	s8 =	sadd.s32 s7, s8  }
0x9: {  	s10 =	ssub.s32 s10, s30;
	s11 =	sadd.s32 s7, s2;
	s8 =	sshrl.u32 s8, $0x3  }
0xa: {  	s9 =	sadd.s32 s4, s6;
	s4 =	sadd.s32 $0xBC00, s6;
	s8 =	sadd.s32 s8, s6  }
0xb: {  	s6 =	sor.u32 $0x1C01, s31;
	s7 =	sadd.s32 $0x1E00, s9;
	s8 =	sadd.s32 $0xC200, s8  }
0xc: {  	s9 =	smax.u32 s10, $0x1;
	s10 =	sshrl.u32 s11, $0x3;
	s11 =	simm.s32 $0x1  }
.LBB2_1:
0xd: {  	[spmem:s10], [sflag:s6] =	dma.local [hbm:s4], $0x278  }
0xe: {  	_ =	swait.ge [sflag:s11], $0x278  }
0xf: {  	[sflag:s11] =	ssyncset.done $0x0  }
0x10: {  	[sflag:s11] =	ssyncadd.s32 $0xFFFFFD88  }
0x11: {  	[tilespmem:s3], [sflag:$0x1] =	stream.linear.gather [hbm4b:s7+s3], $0x2760, $0x38;
	[tilespmem:$0x3C20] =	vst v63  }
0x12: {  	_ =	swait.ge [sflag:s11], $0x2760  }
0x13: {  	[sflag:s11] =	ssyncset.done $0x0  }
0x14: {  	[sflag:s11] =	ssyncadd.s32 $0xFFFFD8A0  }
0x15: {  	[tilespmem:s12], [sflag:$0x1] =	stream.linear.gather [hbm4b:s5+s3], $0x100, $0x38;
	[tilespmem:$0x3C20] =	vst v63  }
0x16: {  	_ =	swait.ge [sflag:s11], $0x100  }
0x17: {  	[sflag:s11] =	ssyncset.done $0x0  }
0x18: {  	[sflag:s11] =	ssyncadd.s32 $0xFFFFFF00  }
0x19: {  	s15 =	simm.s32 $0x0;
	[bflag:$0x0] =	sbarrier.arrive $0xFFFF  }
0x1a: {  	[spmem:s2] =	stream.indirect.scatter.add.f32 [tilespmem:s12], [sflag:$0x1], $0x8, s15, s13, $0xb8;
	[tilespmem:$0x3C20] =	vst v63  }
0x1b: {  	_ =	swait.ge [sflag:s11], $0x100  }
0x1c: {  	[sflag:s11] =	ssyncset.done $0x0  }
0x1d: {  	s28 =	simm.s32 $0x20;
	[sflag:s11] =	ssyncadd.s32 $0xFFFFFF00  }
0x1e: {  	[spmem:s2] =	stream.indirect.scatter.add.f32 [tilespmem:s12], [sflag:$0x1], $0x8, s28, s13, $0xb8;
	[tilespmem:$0x3C20] =	vst v63  }
0x1f: {  	_ =	swait.ge [sflag:s11], $0x100  }
0x20: {  	[sflag:s11] =	ssyncset.done $0x0  }
0x21: {  	s29 =	simm.s32 $0x40;
	[sflag:s11] =	ssyncadd.s32 $0xFFFFFF00  }
0x22: {  	[spmem:s2] =	stream.indirect.scatter.add.f32 [tilespmem:s12], [sflag:$0x1], $0x8, s29, s13, $0xb8;
	[tilespmem:$0x3C20] =	vst v63  }
0x23: {  	_ =	swait.ge [sflag:s11], $0x100  }
0x24: {  	[sflag:s11] =	ssyncset.done $0x0  }
0x25: {  	s30 =	simm.s32 $0x60;
	[sflag:s11] =	ssyncadd.s32 $0xFFFFFF00  }
0x26: {  	[spmem:s2] =	stream.indirect.scatter.add.f32 [tilespmem:s12], [sflag:$0x1], $0x8, s30, s13, $0xb8;
	[tilespmem:$0x3C20] =	vst v63  }
0x27: {  	_ =	swait.ge [sflag:s11], $0x100  }
0x28: {  	[sflag:s11] =	ssyncset.done $0x0  }
0x29: {  	s31 =	simm.s32 $0x80;
	[sflag:s11] =	ssyncadd.s32 $0xFFFFFF00  }
0x2a: {  	[spmem:s2] =	stream.indirect.scatter.add.f32 [tilespmem:s12], [sflag:$0x1], $0x8, s31, s13, $0xb8;
	[tilespmem:$0x3C20] =	vst v63  }
0x2b: {  	_ =	swait.ge [sflag:s11], $0x100  }
0x2c: {  	s16 =	simm.s32 $0x500;
	s15 =	simm.s32 $0x280;
	[sflag:s11] =	ssyncset.done $0x0  }
.LBB2_2:
0x2d: {  	s17 =	sshra.s32 s15, $0x2  }
0x2e: {  	[sflag:s11] =	ssyncadd.s32 $0xFFFFFF00;
	s15 =	smov.u32 s16;
	s18 =	sadd.s32 $0x280, s16  }
0x2f: {  	[spmem:s2] =	stream.indirect.scatter.add.f32 [tilespmem:s12], [sflag:$0x1], $0x8, s17, s13, $0xb8;
	[tilespmem:$0x3C20] =	vst v63  }
0x30: {  	p0 =	sne.s32 s16, $0x9B00;
	_ =	swait.ge [sflag:s11], $0x100  }
0x31: {  	[sflag:s11] =	ssyncset.done $0x0  }
0x32: {  	s16 =	sadd.s32 $0x20, s17;
	[sflag:s11] =	ssyncadd.s32 $0xFFFFFF00  }
0x33: {  	[spmem:s2] =	stream.indirect.scatter.add.f32 [tilespmem:s12], [sflag:$0x1], $0x8, s16, s13, $0xb8;
	[tilespmem:$0x3C20] =	vst v63  }
0x34: {  	_ =	swait.ge [sflag:s11], $0x100  }
0x35: {  	[sflag:s11] =	ssyncset.done $0x0  }
0x36: {  	s16 =	sadd.s32 $0x40, s17;
	[sflag:s11] =	ssyncadd.s32 $0xFFFFFF00  }
0x37: {  	[spmem:s2] =	stream.indirect.scatter.add.f32 [tilespmem:s12], [sflag:$0x1], $0x8, s16, s13, $0xb8;
	[tilespmem:$0x3C20] =	vst v63  }
0x38: {  	_ =	swait.ge [sflag:s11], $0x100  }
0x39: {  	[sflag:s11] =	ssyncset.done $0x0  }
0x3a: {  	s16 =	sadd.s32 $0x60, s17;
	[sflag:s11] =	ssyncadd.s32 $0xFFFFFF00  }
0x3b: {  	[spmem:s2] =	stream.indirect.scatter.add.f32 [tilespmem:s12], [sflag:$0x1], $0x8, s16, s13, $0xb8;
	[tilespmem:$0x3C20] =	vst v63  }
0x3c: {  	_ =	swait.ge [sflag:s11], $0x100  }
.Ltmp0:
0x3d: {  	[sflag:s11] =	ssyncset.done $0x0;
	(pc) =	sbr.rel @p0 .LBB2_2-.Ltmp0, $4  }
0x3e: {  	s16 =	sadd.s32 $0x80, s17;
	[sflag:s11] =	ssyncadd.s32 $0xFFFFFF00  }
0x3f: {  	[spmem:s2] =	stream.indirect.scatter.add.f32 [tilespmem:s12], [sflag:$0x1], $0x8, s16, s13, $0xb8;
	[tilespmem:$0x3C20] =	vst v63  }
0x40: {  	_ =	swait.ge [sflag:s11], $0x100  }
0x41: {  	s16 =	smov.u32 s18;
	[sflag:s11] =	ssyncset.done $0x0  }
0x42: {  	s15 =	sshra.s32 s15, $0x2;
	[sflag:s11] =	ssyncadd.s32 $0xFFFFFF00  }
0x43: {  	[spmem:s2] =	stream.indirect.scatter.add.f32 [tilespmem:s12], [sflag:$0x1], $0x8, s15, s13, $0xb8;
	[tilespmem:$0x3C20] =	vst v63  }
0x44: {  	_ =	swait.ge [sflag:s11], $0x100  }
0x45: {  	[sflag:s11] =	ssyncset.done $0x0  }
0x46: {  	s16 =	sadd.s32 $0x20, s15;
	[sflag:s11] =	ssyncadd.s32 $0xFFFFFF00  }
0x47: {  	[spmem:s2] =	stream.indirect.scatter.add.f32 [tilespmem:s12], [sflag:$0x1], $0x8, s16, s13, $0xb8;
	[tilespmem:$0x3C20] =	vst v63  }
0x48: {  	_ =	swait.ge [sflag:s11], $0x100  }
0x49: {  	[sflag:s11] =	ssyncset.done $0x0  }
0x4a: {  	s30 =	sadd.s32 $0x40, s15;
	[sflag:s11] =	ssyncadd.s32 $0xFFFFFF00  }
0x4b: {  	[spmem:s2] =	stream.indirect.scatter.add.f32 [tilespmem:s12], [sflag:$0x1], $0x8, s30, s13, $0xb8;
	[tilespmem:$0x3C20] =	vst v63  }
0x4c: {  	_ =	swait.ge [sflag:s11], $0x100  }
0x4d: {  	[sflag:s11] =	ssyncset.done $0x0  }
0x4e: {  	s31 =	sadd.s32 $0x60, s15;
	[sflag:s11] =	ssyncadd.s32 $0xFFFFFF00  }
0x4f: {  	[spmem:s2] =	stream.indirect.scatter.add.f32 [tilespmem:s12], [sflag:$0x1], $0x8, s31, s13, $0xb8;
	[tilespmem:$0x3C20] =	vst v63  }
0x50: {  	_ =	swait.ge [sflag:s11], $0x100  }
0x51: {  	[sflag:s11] =	ssyncset.done $0x0  }
0x52: {  	s15 =	sadd.s32 $0x80, s15;
	[sflag:s11] =	ssyncadd.s32 $0xFFFFFF00  }
0x53: {  	[spmem:s2] =	stream.indirect.scatter.add.f32 [tilespmem:s12], [sflag:$0x1], $0x8, s15, s13, $0xb8;
	[tilespmem:$0x3C20] =	vst v63  }
0x54: {  	_ =	swait.ge [sflag:s11], $0x100  }
0x55: {  	s14 =	sadd.s32 $0x1, s14;
	[sflag:s11] =	ssyncset.done $0x0  }
0x56: {  	p0 =	sne.s32 s14, s9;
	[sflag:s11] =	ssyncadd.s32 $0xFFFFFF00  }
.Ltmp1:
0x57: {  	[bflag:$0x0] =	sbarrier.arrive $0xFFFF;
	(pc) =	sbr.rel @p0 .LBB2_1-.Ltmp1, $4  }
0x58: {  	[hbm:s8], [sflag:s6] =	dma.local [spmem:s10], $0x278  }
0x59: {  	_ =	swait.ge [sflag:s11], $0x278  }
0x5a: {  	[sflag:s11] =	ssyncset.done $0x0  }
0x5b: {  	[sflag:s11] =	ssyncadd.s32 $0xFFFFFD88  }
0x5c: {  	_ =	sfence.sel $0x180000  }
0x5d: {  	[bflag:$0x0] =	sbarrier.arrive $0xFFFF  }
0x5e: {  	p0 =	sne.s32 s0, $0x0;
	_ =	strace $0x90000047  }
0x5f: {  	s0 =	sadd.s32 @!p0 $0x100000, s1;
	[bflag:$0x2] =	sbarrier.arrive $0xFFFF  }
0x60: {  	[sflag:s0] =	ssyncadd.tile.s32 @!p0 $0x1;
	_ =	shalt  }
.Lfunc_end2:
_tile_overlayer_lowered:
.L_overlay_start_2:
0x61: {  	(tag) =	ssettag $0x2  }
0x62: {  	s0 =	rddreg [dreg:$0x0];
	s2 =	stileid.u32  }
0x63: {  	s1 =	rddreg [dreg:$0x1];
	p0 =	sne.s32 s2, $0x0  }
0x64: {  	s3 =	rddreg [dreg:$0x2];
	[bflag:$0x3] =	sbarrier.arrive $0xFFFF;
	s2 =	simm.s32 @!p0 $0x1C01  }
0x65: {  	[timem:s3], [sflag:s2] =	dma.local @!p0 [hbm:s0], s1  }
0x66: {  	s0 =	simm.s32 @!p0 $0x1  }
0x67: {  	_ =	swait.ge @!p0 [sflag:s0], s1  }
0x68: {  	s1 =	ssub.s32 @!p0 $0x0, s1;
	[sflag:s0] =	ssyncset.done @!p0 $0x0  }
0x69: {  	[sflag:s0] =	ssyncadd.s32 @!p0 s1  }
0x6a: {  	[bflag:$0x3] =	sbarrier.arrive $0xFFFF  }
0x6b: {  	_ =	shalt  }

// kernel: kernel.13.cloned.1.call-start
scs
__scs_entry_jumppad:
0x0: {  	(pc) =	sbr.rel $0x88, $3  }
0x1: {  	(tag) =	ssettag $0x0;
	lr =	simm.s32 $0x1  }
0x2: {  	[smem:$0x3F99] =	sst lr;
	_ =	strace $0xD0000000  }
0x3: {  	_ = 	snop  }
0x4: {  	_ = 	snop  }
0x5: {  	_ = 	snop  }
0x6: {  	_ = 	snop  }
0x7: {  	_ = 	snop  }
__scs_overlays_trampoline_lowered:
0x8: {  	[smem:$0x3FA8] =	sst s0  }
0x9: {  	[smem:$0x3FA9] =	sst s1  }
0xa: {  	[smem:$0x3FAA] =	sst s2  }
0xb: {  	[smem:$0x3FAB] =	sst s3  }
0xc: {  	[smem:$0x3FAC] =	sst s4  }
0xd: {  	[smem:$0x3FAD] =	sst s5  }
0xe: {  	[smem:$0x3FAE] =	sst s6  }
0xf: {  	[smem:$0x3FAF] =	sst s7  }
0x10: {  	[smem:$0x3FB0] =	sst s8  }
0x11: {  	[smem:$0x3FB1] =	sst s9;
	s0 =	simm.s32 @!p0 $0x0  }
0x12: {  	s1 =	sld [smem:$0x3F97];
	s0 =	simm.s32 @p0 $0x1  }
0x13: {  	[smem:$0x3FB2] =	sst s0;
	s0 =	simm.s32 @!p1 $0x0  }
0x14: {  	s2 =	sld [smem:$0x3F96];
	s0 =	simm.s32 @p1 $0x1  }
0x15: {  	[smem:$0x3FB3] =	sst s0;
	s0 =	simm.s32 @!p2 $0x0  }
0x16: {  	s3 =	sld [smem:$0x3FDB];
	s0 =	simm.s32 @p2 $0x1  }
0x17: {  	s4 =	simm.s32 $0x1BF5;
	[smem:$0x3FB5] =	sst s0  }
0x18: {  	s0 =	sld [smem:$0x3F98];
	_ =	swait.ge [sflag:s4], $0x0  }
0x19: {  	s7 =	sld [smem:$0x3F99]  }
0x1a: {  	s8 =	sadd.s32 $0xFFFFE003, lr  }
0x1b: {  	s9 =	sadd.s32 $0xFFFFFEF7, lr;
	s5 =	simm.s32 $0xFFFFFFFF;
	p2 =	slt.u32 s8, $0xFFFFF086  }
0x1c: {  	p1 =	slt.u32 s9, $0xF7A;
	s5 =	simm.s32 @!p2 $0x0  }
0x1d: {  	s5 =	simm.s32 @p1 $0x1;
	p0 =	seq.s32 s7, s2  }
0x1e: {  	s7 =	smul.u32 @!p0 $0xF7A, s2;
	p2 =	seq.s32 @!p0 s5, $0x0  }
0x1f: {  	s9 =	smul.u32 $0xF7A, s1;
	s8 =	simm.s32 @!p0 $0x1BF5;
	p2 =	por !p2, p0  }
0x20: {  	[sflag:s8] =	ssyncset.s32 @!p0 $0xFFFFF086;
	s6 =	sadd.s32 @!p0 s3, s7;
	s7 =	simm.s32 @!p0 $0x108  }
0x21: {  	s3 =	sadd.s32 s3, s9;
	s6 =	sadd.s32 @!p0 $0x88, s6;
	s7 =	simm.s32 @p2 $0x1082  }
0x22: {  	[simem:s7], [sflag:s8] =	dma.local @!p0 [hbm:s6], $0xF7A  }
0x23: {  	s9 =	sor.u32 $0xD0000000, s2;
	s6 =	simm.s32 $0x108;
	_ =	swait.ge @!p0 [sflag:s8], $0x0  }
0x24: {  	s3 =	sadd.s32 $0x88, s3;
	s6 =	simm.s32 @!p1 $0x1082;
	[sflag:s4] =	ssyncset.s32 $0xFFFFF086  }
0x25: {  	[simem:s6], [sflag:s4] =	dma.local [hbm:s3], $0xF7A  }
0x26: {  	[smem:$0x3F99] =	sst s1;
	(tag) =	ssettag s2;
	_ =	strace s9  }
0x27: {  	s1 =	sld [smem:$0x3FA9]  }
0x28: {  	s2 =	sld [smem:$0x3FAA]  }
0x29: {  	s4 =	sld [smem:$0x3FAC]  }
0x2a: {  	p0 =	seq.s32 s5, $0x0;
	s5 =	sld [smem:$0x3FAD]  }
0x2b: {  	s6 =	sld [smem:$0x3FAE]  }
0x2c: {  	s7 =	sld [smem:$0x3FAF]  }
0x2d: {  	s3 =	simm.s32 $0x108;
	s8 =	sld [smem:$0x3FB0]  }
0x2e: {  	s3 =	simm.s32 @!p0 $0x1082;
	s9 =	sld [smem:$0x3FB1]  }
0x2f: {  	lr =	sadd.s32 s0, s3;
	s0 =	sld [smem:$0x3FA8]  }
0x30: {  	s3 =	sld [smem:$0x3FAB]  }
0x31: {  	[smem:$0x3FB4] =	sst s10  }
0x32: {  	s10 =	sld [smem:$0x3FB2];
	_ =	sdelay $0x3  }
0x33: {  	p0 =	seq.s32 s10, $0x1;
	s10 =	sld [smem:$0x3FB4];
	_ =	sdelay $0x3  }
0x34: {  	[smem:$0x3FB4] =	sst s10  }
0x35: {  	s10 =	sld [smem:$0x3FB3];
	_ =	sdelay $0x3  }
0x36: {  	p1 =	seq.s32 s10, $0x1;
	s10 =	sld [smem:$0x3FB4];
	_ =	sdelay $0x3  }
0x37: {  	[smem:$0x3FB4] =	sst s10  }
0x38: {  	s10 =	sld [smem:$0x3FB5]  }
0x39: {  	_ = 	snop;
	(pc) =	sbr.ind lr, $3  }
0x3a: {  	_ = 	snop  }
0x3b: {  	_ = 	snop  }
0x3c: {  	p2 =	seq.s32 s10, $0x1;
	s10 =	sld [smem:$0x3FB4]  }
0x3d: {  	_ =	shalt  }
0x3e: {  	_ =	shalt  }
0x3f: {  	_ =	shalt  }
0x40: {  	_ =	shalt  }
0x41: {  	_ =	shalt  }
0x42: {  	_ =	shalt  }
0x43: {  	_ =	shalt  }
0x44: {  	_ =	shalt  }
0x45: {  	_ =	shalt  }
0x46: {  	_ =	shalt  }
0x47: {  	_ =	shalt  }
0x48: {  	_ =	shalt  }
0x49: {  	_ =	shalt  }
0x4a: {  	_ =	shalt  }
0x4b: {  	_ =	shalt  }
0x4c: {  	_ =	shalt  }
0x4d: {  	_ =	shalt  }
0x4e: {  	_ =	shalt  }
0x4f: {  	_ =	shalt  }
0x50: {  	_ =	shalt  }
0x51: {  	_ =	shalt  }
0x52: {  	_ =	shalt  }
0x53: {  	_ =	shalt  }
0x54: {  	_ =	shalt  }
0x55: {  	_ =	shalt  }
0x56: {  	_ =	shalt  }
0x57: {  	_ =	shalt  }
0x58: {  	_ =	shalt  }
0x59: {  	_ =	shalt  }
0x5a: {  	_ =	shalt  }
0x5b: {  	_ =	shalt  }
0x5c: {  	_ =	shalt  }
0x5d: {  	_ =	shalt  }
0x5e: {  	_ =	shalt  }
0x5f: {  	_ =	shalt  }
0x60: {  	_ =	shalt  }
0x61: {  	_ =	shalt  }
0x62: {  	_ =	shalt  }
0x63: {  	_ =	shalt  }
0x64: {  	_ =	shalt  }
0x65: {  	_ =	shalt  }
0x66: {  	_ =	shalt  }
0x67: {  	_ =	shalt  }
0x68: {  	_ =	shalt  }
0x69: {  	_ =	shalt  }
0x6a: {  	_ =	shalt  }
0x6b: {  	_ =	shalt  }
0x6c: {  	_ =	shalt  }
0x6d: {  	_ =	shalt  }
0x6e: {  	_ =	shalt  }
0x6f: {  	_ =	shalt  }
0x70: {  	_ =	shalt  }
0x71: {  	_ =	shalt  }
0x72: {  	_ =	shalt  }
0x73: {  	_ =	shalt  }
0x74: {  	_ =	shalt  }
0x75: {  	_ =	shalt  }
0x76: {  	_ =	shalt  }
0x77: {  	_ =	shalt  }
0x78: {  	_ =	shalt  }
0x79: {  	_ =	shalt  }
0x7a: {  	_ =	shalt  }
0x7b: {  	_ =	shalt  }
0x7c: {  	_ =	shalt  }
0x7d: {  	_ =	shalt  }
0x7e: {  	_ =	shalt  }
0x7f: {  	_ =	shalt  }
0x80: {  	_ =	shalt  }
0x81: {  	_ =	shalt  }
0x82: {  	_ =	shalt  }
0x83: {  	_ =	shalt  }
0x84: {  	_ =	shalt  }
0x85: {  	_ =	shalt  }
0x86: {  	_ =	shalt  }
0x87: {  	_ =	shalt  }
.Lfunc_end0:
.L_simem_size_0:
called_computation.1_lowered:
.L_overlay_start_0:
0x88: {  	s2 =	sld [smem:$0x3FD9]  }
0x89: {  	s3 =	sld [smem:$0x3FFE];
	_ =	sdelay $0x1  }
0x8a: {  	s1 =	srdreg.scid  }
0x8b: {  	s0 =	sand.u32 $0x1, s1  }
0x8c: {  	s17 =	sshll.u32 s0, $0xA;
	s2 =	sadd.s32 s3, s2  }
0x8d: {  	s2 =	sadd.s32 s2, s17  }
0x8e: {  	[smem:$0x3FC0] =	sst s2  }
0x8f: {  	_ = 	snop  }
0x90: {  	s2 =	sld [smem:$0x3FD0];
	(tm) =	ssettm $0x1  }
0x91: {  	s18 =	sld [smem:$0x3FFB];
	_ =	sdelay $0x3  }
0x92: {  	_ =	strace s18  }
0x93: {  	s3 =	sld [smem:$0x3FFC];
	_ =	sdelay $0x3  }
0x94: {  	_ =	strace s3  }
0x95: {  	s3 =	sld [smem:$0x3FFD];
	_ =	sdelay $0x3  }
0x96: {  	_ =	strace s3  }
0x97: {  	_ =	strace $0x8FFFFFFF  }
0x98: {  	s19 =	sld [smem:$0x3FDB];
	_ =	sdelay $0x1  }
0x99: {  	s4 =	simm.s32 $_scs_section_size  }
0x9a: {  	s5 =	simm.s32 $_size__tile_overlayer_lowered;
	s6 =	simm.s32 $_tile_overlayer_lowered  }
0x9b: {  	s22 =	simm.s32 $0x1BFF;
	s21 =	sshll.u32 s6, $0x1;
	s3 =	sadd.s32 s4, s19  }
0x9c: {  	s7 =	simm.s32 $0x0;
	s20 =	sshll.u32 s5, $0x1;
	s5 =	sadd.s32 s21, s3  }
0x9d: {  	[timem:s7], [sflag:s22] =	dma.local [hbm:s5], s20  }
0x9e: {  	_ =	swait.ge [sflag:s22], s20  }
0x9f: {  	s4 =	ssub.s32 $0x0, s20;
	[sflag:s22] =	ssyncset.done $0x0  }
0xa0: {  	[sflag:s22] =	ssyncadd.s32 s4;
	_ =	sdelay $0x1  }
0xa1: {  	s23 =	simm.s32 $0x1B8B  }
0xa2: {  	_ =	swait.ge [sflag:s23], $0x1  }
0xa3: {  	[sflag:s23] =	ssyncset.done $0x0  }
0xa4: {  	s25 =	simm.s32 $0x1B8E;
	s24 =	sld [smem:$0x3FFE];
	[sflag:s23] =	ssyncadd.s32 $0xFFFFFFFF  }
0xa5: {  	s26 =	simm.s32 $execute0_lowered;
	[smem:$0x3FD2] =	sst s25  }
0xa6: {  	s5 =	sshll.u32 s26, $0x1;
	_ =	strace $0x80000049;
	[dreg:$0x1] =	wrdreg $0xFFFFFFFF  }
0xa7: {  	s28 =	simm.s32 $_size_execute0_lowered;
	s3 =	sadd.s32 s3, s5;
	[dreg:$0x0] =	wrdreg $0x0  }
0xa8: {  	s5 =	sshll.u32 s28, $0x1;
	[dreg:$0x2] =	wrdreg s3  }
0xa9: {  	[dreg:$0x3] =	wrdreg s5  }
0xaa: {  	[dreg:$0x4] =	wrdreg $0xC0  }
0xab: {  	_ =	task [dreg:s7], $0x5FFFF  }
0xac: {  	[dreg:$0x1] =	wrdreg $0xFFFFFFFF  }
0xad: {  	[dreg:$0x0] =	wrdreg $0x60  }
0xae: {  	[dreg:$0x2] =	wrdreg s24  }
0xaf: {  	[dreg:$0x3] =	wrdreg s2  }
0xb0: {  	[dreg:$0x4] =	wrdreg $0xB6800  }
0xb1: {  	[dreg:$0x5] =	wrdreg $0x9  }
0xb2: {  	_ =	task.clear_ibuf [dreg:s7], $0x6FFFF;
	_ =	strace $0x90000049  }
0xb3: {  	s29 =	simm.s32 $0x9;
	_ =	strace $0x8000004B  }
0xb4: {  	_ =	swait.ge [sflag:s29], $0x1  }
0xb5: {  	[sflag:s29] =	ssyncadd.s32 $0xFFFFFFFF  }
0xb6: {  	_ =	strace $0x9000004B  }
0xb7: {  	_ =	sfence  }
0xb8: {  	s30 =	sld [smem:$0x0];
	_ =	sdelay $0x2  }
0xb9: {  	s31 =	sshll.u32 s1, $0xD;
	s1 =	sshrl.u32 s1, $0x2  }
0xba: {  	s3 =	sand.u32 $0x4000, s31;
	s1 =	sadd.s32 s1, s30  }
0xbb: {  	s0 =	sor.u32 s3, s0;
	s1 =	sshll.u32 s1, $0x11  }
0xbc: {  	s0 =	sor.u32 s1, s0  }
0xbd: {  	s0 =	sadd.s32 $0x8F2B, s0  }
0xbe: {  	[sflag:s0] =	ssyncadd.remote.s32 $0x1  }
0xbf: {  	_ =	sfence.sel $0xFFFF  }
0xc0: {  	[dreg:$0x0] =	wrdreg $0xFFFFFFFF;
	(pc) =	sbr.abs _section_cstart, $3  }
0xc1: {  	[dreg:$0x1] =	wrdreg $0xFFFFFFFF  }
0xc2: {  	_ =	task.clear_ibuf [dreg:s7], $0x2FFFF;
	_ =	strace $0x9FFFFFFF  }
0xc3: {  	(tm) =	ssettm $0x7FFFFFFF  }
tec
execute0_lowered:
.L_overlay_start_1:
0x0: {  	(tag) =	ssettag $0x1  }
0x1: {  	s6 =	rddreg [dreg:$0x0]  }
0x2: {  	s0 =	srdreg.scid;
	s7 =	rddreg [dreg:$0x1]  }
0x3: {  	s2 =	rddreg [dreg:$0x2];
	s1 =	stileid.u32;
	s3 =	simm.s32 $0x0  }
0x4: {  	s13 =	simm.s32 $0x19A;
	s17 =	simm.s32 $0x7680;
	s18 =	simm.s32 $0x40  }
0x5: {  	s19 =	simm.s32 $0x8680;
	s20 =	simm.s32 $0x60;
	s21 =	simm.s32 $0x9680  }
0x6: {  	s22 =	simm.s32 $0x1;
	s23 =	simm.s32 $0xA680;
	s24 =	simm.s32 $0x2  }
0x7: {  	s25 =	simm.s32 $0x3;
	s28 =	simm.s32 $0x5;
	s29 =	simm.s32 $0x0  }
0x8: {  	s8 =	sand.u32 $0x1, s0;
	[smem:$0x7FF] =	sst s3;
	s10 =	smul.u32 $0x13C00, s1  }
0x9: {  	s5 =	sadd.s32 $0x1E00, s6;
	s30 =	sshll.u32 s1, $0x6;
	s4 =	sshll.u32 s8, $0x4  }
0xa: {  	_ =	strace $0x8000004A;
	s12 =	smul.u32 $0x13C000, s8;
	p0 =	seq.s32 s8, $0x0  }
0xb: {  	s8 =	ssub.s32 $0x2, s8;
	s4 =	sor.u32 s1, s4;
	s13 =	simm.s32 @!p0 $0xDC  }
0xc: {  	s14 =	sshrl.u32 s8, $0x1;
	s16 =	sadd.s32 s10, s2;
	s9 =	smul.u32 $0x668, s4  }
0xd: {  	s4 =	sadd.s32 $0x6D000, s6;
	s12 =	sadd.s32 s10, s12;
	s15 =	smul.u32 $0x3334, s13  }
0xe: {  	s26 =	ssub.s32 s8, s14;
	s14 =	sadd.s32 $0xFFFFFFFF, s13;
	s12 =	sshrl.u32 s12, $0x3  }
0xf: {  	s13 =	simm.s32 $0x6;
	s11 =	sadd.s32 s9, s6;
	s12 =	sadd.s32 s12, s6  }
0x10: {  	s6 =	sor.u32 $0x1C06, s30;
	s31 =	sshrl.u32 s15, $0x10;
	s7 =	sadd.s32 s7, s9  }
0x11: {  	s8 =	sadd.s32 $0x11200, s11;
	s15 =	smul.u32 $0x280, s31;
	s10 =	sadd.s32 $0x94800, s12  }
0x12: {  	s11 =	smax.u32 s26, $0x1;
	s12 =	sshrl.u32 s16, $0x3;
	s16 =	simm.s32 $0x6680  }
0x13: {  	s26 =	simm.s32 $0x4;
	[dreg:$0x4] =	wrdreg s15;
	s15 =	simm.s32 $0x20  }
.LBB2_1:
0x14: {  	[spmem:s12], [sflag:s6] =	dma.local [hbm:s5], $0x2780  }
0x15: {  	_ =	swait.ge [sflag:s13], $0x2780  }
0x16: {  	[sflag:s13] =	ssyncset.done $0x0  }
0x17: {  	[sflag:s13] =	ssyncadd.s32 $0xFFFFD880  }
0x18: {  	[tilespmem:s3], [sflag:$0x6] =	stream.linear.gather [hbm4b:s7+s3], $0x3340, $0x38;
	[tilespmem:$0x1F280] =	vst v63  }
0x19: {  	_ =	swait.ge [sflag:s13], $0x3340  }
0x1a: {  	[sflag:s13] =	ssyncset.done $0x0  }
0x1b: {  	s0 =	simm.s32 $0x3340;
	[sflag:s13] =	ssyncadd.s32 $0xFFFFCCC0  }
0x1c: {  	[tilespmem:s0], [sflag:$0x6] =	stream.linear.gather [hbm4b:s8+s3], $0x3340, $0x38;
	[tilespmem:$0x1F280] =	vst v63  }
0x1d: {  	_ =	swait.ge [sflag:s13], $0x3340  }
0x1e: {  	[sflag:s13] =	ssyncset.done $0x0  }
0x1f: {  	[sflag:s13] =	ssyncadd.s32 $0xFFFFCCC0  }
0x20: {  	[bflag:$0x0] =	sbarrier.arrive $0xFFFF  }
0x21: {  	[tilespmem:s16], [sflag:$0x1] =	stream.indirect.gather [hbm4b:s4+s15], $0x80, s3, s15, $0xb8;
	[tilespmem:$0x1F280] =	vst v63  }
0x22: {  	_ = 	snop  }
0x23: {  	[tilespmem:s17], [sflag:$0x2] =	stream.indirect.gather [hbm4b:s4+s15], $0x80, s15, s15, $0xb8;
	[tilespmem:$0x1F280] =	vst v63  }
0x24: {  	_ = 	snop  }
0x25: {  	[tilespmem:s19], [sflag:$0x3] =	stream.indirect.gather [hbm4b:s4+s15], $0x80, s18, s15, $0xb8;
	[tilespmem:$0x1F280] =	vst v63  }
0x26: {  	s30 =	simm.s32 $0x8;
	s31 =	simm.s32 $0x0  }
0x27: {  	[tilespmem:s21], [sflag:$0x4] =	stream.indirect.gather [hbm4b:s4+s15], $0x80, s20, s15, $0xb8;
	[tilespmem:$0x1F280] =	vst v63  }
.LBB2_2:
0x28: {  	s0 =	sadd.s32 $0xFFFFFFFC, s30  }
0x29: {  	s9 =	smov.u32 s14;
	p0 =	slt.s32 s0, s14  }
0x2a: {  	_ =	swait.ge [sflag:s22], $0x1000;
	s9 =	smov.u32 @p0 s0  }
0x2b: {  	[sflag:s22] =	ssyncset.done $0x0;
	s0 =	sshll.u32 s9, $0x5  }
0x2c: {  	[sflag:s22] =	ssyncadd.s32 $0xFFFFF000;
	s0 =	sand.u32 $0x3FFFFFE0, s0  }
0x2d: {  	[tilespmem:s23], [sflag:$0x5] =	stream.indirect.gather [hbm4b:s4+s15], $0x80, s0, s15, $0xb8;
	[tilespmem:$0x1F280] =	vst v63  }
0x2e: {  	s0 =	sshra.s32 s31, $0x2  }
0x2f: {  	s1 =	sadd.s32 $0x3340, s0  }
0x30: {  	[spmem:s2] =	stream.indirect.scatter.add.f32 [tilespmem:s16], [sflag:$0x6], $0x80, s1, s15, $0xb8;
	[tilespmem:$0x1F280] =	vst v63  }
0x31: {  	_ =	swait.ge [sflag:s13], $0x1000  }
0x32: {  	s9 =	sadd.s32 $0xFFFFFFFD, s30;
	[sflag:s13] =	ssyncset.done $0x0  }
0x33: {  	p0 =	slt.s32 s9, s14;
	s1 =	smov.u32 s14;
	[sflag:s13] =	ssyncadd.s32 $0xFFFFF000  }
0x34: {  	s1 =	smov.u32 @p0 s9;
	_ =	swait.ge [sflag:s24], $0x1000  }
0x35: {  	s1 =	sshll.u32 s1, $0x5;
	[sflag:s24] =	ssyncset.done $0x0  }
0x36: {  	s1 =	sand.u32 $0x3FFFFFE0, s1;
	[sflag:s24] =	ssyncadd.s32 $0xFFFFF000  }
0x37: {  	[tilespmem:s16], [sflag:$0x1] =	stream.indirect.gather [hbm4b:s4+s15], $0x80, s1, s15, $0xb8;
	[tilespmem:$0x1F280] =	vst v63  }
0x38: {  	s9 =	sadd.s32 $0x3360, s0  }
0x39: {  	[spmem:s2] =	stream.indirect.scatter.add.f32 [tilespmem:s17], [sflag:$0x6], $0x80, s9, s15, $0xb8;
	[tilespmem:$0x1F280] =	vst v63  }
0x3a: {  	_ =	swait.ge [sflag:s13], $0x1000  }
0x3b: {  	s1 =	sadd.s32 $0xFFFFFFFE, s30;
	[sflag:s13] =	ssyncset.done $0x0  }
0x3c: {  	p0 =	slt.s32 s1, s14;
	s9 =	smov.u32 s14;
	[sflag:s13] =	ssyncadd.s32 $0xFFFFF000  }
0x3d: {  	s9 =	smov.u32 @p0 s1;
	_ =	swait.ge [sflag:s25], $0x1000  }
0x3e: {  	s1 =	sshll.u32 s9, $0x5;
	[sflag:s25] =	ssyncset.done $0x0  }
0x3f: {  	s1 =	sand.u32 $0x3FFFFFE0, s1;
	[sflag:s25] =	ssyncadd.s32 $0xFFFFF000  }
0x40: {  	[tilespmem:s17], [sflag:$0x2] =	stream.indirect.gather [hbm4b:s4+s15], $0x80, s1, s15, $0xb8;
	[tilespmem:$0x1F280] =	vst v63  }
0x41: {  	s9 =	sadd.s32 $0x3380, s0  }
0x42: {  	[spmem:s2] =	stream.indirect.scatter.add.f32 [tilespmem:s19], [sflag:$0x6], $0x80, s9, s15, $0xb8;
	[tilespmem:$0x1F280] =	vst v63  }
0x43: {  	_ =	swait.ge [sflag:s13], $0x1000  }
0x44: {  	s1 =	sadd.s32 $0xFFFFFFFF, s30;
	[sflag:s13] =	ssyncset.done $0x0  }
0x45: {  	p0 =	slt.s32 s1, s14;
	s9 =	smov.u32 s14;
	[sflag:s13] =	ssyncadd.s32 $0xFFFFF000  }
0x46: {  	s9 =	smov.u32 @p0 s1;
	_ =	swait.ge [sflag:s26], $0x1000  }
0x47: {  	s1 =	sshll.u32 s9, $0x5;
	[sflag:s26] =	ssyncset.done $0x0  }
0x48: {  	s1 =	sand.u32 $0x3FFFFFE0, s1;
	[sflag:s26] =	ssyncadd.s32 $0xFFFFF000  }
0x49: {  	[tilespmem:s19], [sflag:$0x3] =	stream.indirect.gather [hbm4b:s4+s15], $0x80, s1, s15, $0xb8;
	[tilespmem:$0x1F280] =	vst v63  }
0x4a: {  	s9 =	sadd.s32 $0x33A0, s0  }
0x4b: {  	[spmem:s2] =	stream.indirect.scatter.add.f32 [tilespmem:s21], [sflag:$0x6], $0x80, s9, s15, $0xb8;
	[tilespmem:$0x1F280] =	vst v63  }
0x4c: {  	_ =	swait.ge [sflag:s13], $0x1000  }
0x4d: {  	[sflag:s13] =	ssyncset.done $0x0  }
0x4e: {  	p0 =	slt.s32 s30, s14;
	s1 =	smov.u32 s14;
	[sflag:s13] =	ssyncadd.s32 $0xFFFFF000  }
0x4f: {  	s1 =	smov.u32 @p0 s30;
	_ =	swait.ge [sflag:s28], $0x1000  }
0x50: {  	s1 =	sshll.u32 s1, $0x5;
	[sflag:s28] =	ssyncset.done $0x0  }
0x51: {  	s1 =	sand.u32 $0x3FFFFFE0, s1;
	[sflag:s28] =	ssyncadd.s32 $0xFFFFF000  }
0x52: {  	[tilespmem:s21], [sflag:$0x4] =	stream.indirect.gather [hbm4b:s4+s15], $0x80, s1, s15, $0xb8;
	[tilespmem:$0x1F280] =	vst v63  }
0x53: {  	s0 =	sadd.s32 $0x33C0, s0  }
0x54: {  	[spmem:s2] =	stream.indirect.scatter.add.f32 [tilespmem:s23], [sflag:$0x6], $0x80, s0, s15, $0xb8;
	[tilespmem:$0x1F280] =	vst v63  }
0x55: {  	_ =	swait.ge [sflag:s13], $0x1000  }
0x56: {  	s31 =	sadd.s32 $0x280, s31;
	s9 =	rddreg [dreg:$0x4]  }
0x57: {  	p0 =	sne.s32 s9, s31  }
.Ltmp0:
0x58: {  	_ = 	snop;
	(pc) =	sbr.rel @p0 .LBB2_2-.Ltmp0, $3  }
0x59: {  	_ =	sdelay $0x1  }
0x5a: {  	[sflag:s13] =	ssyncset.done $0x0  }
0x5b: {  	s30 =	sadd.s32 $0x5, s30;
	[sflag:s13] =	ssyncadd.s32 $0xFFFFF000  }
0x5c: {  	_ =	swait.ge [sflag:s22], $0x1000  }
0x5d: {  	[sflag:s22] =	ssyncset.done $0x0  }
0x5e: {  	[sflag:s22] =	ssyncadd.s32 $0xFFFFF000  }
0x5f: {  	_ =	swait.ge [sflag:s24], $0x1000  }
0x60: {  	[sflag:s24] =	ssyncset.done $0x0  }
0x61: {  	[sflag:s24] =	ssyncadd.s32 $0xFFFFF000  }
0x62: {  	_ =	swait.ge [sflag:s25], $0x1000  }
0x63: {  	[sflag:s25] =	ssyncset.done $0x0  }
0x64: {  	[sflag:s25] =	ssyncadd.s32 $0xFFFFF000  }
0x65: {  	_ =	swait.ge [sflag:s26], $0x1000  }
0x66: {  	s29 =	sadd.s32 $0x1, s29;
	[sflag:s26] =	ssyncset.done $0x0  }
0x67: {  	p0 =	sne.s32 s29, s11;
	[sflag:s26] =	ssyncadd.s32 $0xFFFFF000  }
.Ltmp1:
0x68: {  	[bflag:$0x0] =	sbarrier.arrive $0xFFFF;
	(pc) =	sbr.rel @p0 .LBB2_1-.Ltmp1, $4  }
0x69: {  	[hbm:s10], [sflag:s6] =	dma.local [spmem:s12], $0x2780  }
0x6a: {  	_ =	swait.ge [sflag:s13], $0x2780  }
0x6b: {  	[sflag:s13] =	ssyncset.done $0x0  }
0x6c: {  	[sflag:s13] =	ssyncadd.s32 $0xFFFFD880  }
0x6d: {  	_ =	sfence.sel $0x180000  }
0x6e: {  	[bflag:$0x0] =	sbarrier.arrive $0xFFFF  }
0x6f: {  	_ =	strace $0x9000004A  }
0x70: {  	s0 =	stileid.u32;
	[bflag:$0x2] =	sbarrier.arrive $0xFFFF  }
0x71: {  	p0 =	sne.s32 s0, $0x0;
	s0 =	rddreg [dreg:$0x3]  }
0x72: {  	s0 =	sadd.s32 @!p0 $0x100000, s0  }
0x73: {  	[sflag:s0] =	ssyncadd.tile.s32 @!p0 $0x1;
	_ =	shalt  }
.Lfunc_end2:
_tile_overlayer_lowered:
.L_overlay_start_2:
0x74: {  	(tag) =	ssettag $0x2  }
0x75: {  	s0 =	rddreg [dreg:$0x0];
	s2 =	stileid.u32  }
0x76: {  	s1 =	rddreg [dreg:$0x1];
	p0 =	sne.s32 s2, $0x0  }
0x77: {  	s3 =	rddreg [dreg:$0x2];
	[bflag:$0x3] =	sbarrier.arrive $0xFFFF;
	s2 =	simm.s32 @!p0 $0x1C06  }
0x78: {  	[timem:s3], [sflag:s2] =	dma.local @!p0 [hbm:s0], s1  }
0x79: {  	s0 =	simm.s32 @!p0 $0x6  }
0x7a: {  	_ =	swait.ge @!p0 [sflag:s0], s1  }
0x7b: {  	s1 =	ssub.s32 @!p0 $0x0, s1;
	[sflag:s0] =	ssyncset.done @!p0 $0x0  }
0x7c: {  	[sflag:s0] =	ssyncadd.s32 @!p0 s1  }
0x7d: {  	[bflag:$0x3] =	sbarrier.arrive $0xFFFF  }
0x7e: {  	_ =	shalt  }

// kernel: kernel.16.cloned.1.call-start
scs
__scs_entry_jumppad:
0x0: {  	(pc) =	sbr.rel $0x88, $3  }
0x1: {  	(tag) =	ssettag $0x0;
	lr =	simm.s32 $0x1  }
0x2: {  	[smem:$0x3F99] =	sst lr;
	_ =	strace $0xD0000000  }
0x3: {  	_ = 	snop  }
0x4: {  	_ = 	snop  }
0x5: {  	_ = 	snop  }
0x6: {  	_ = 	snop  }
0x7: {  	_ = 	snop  }
__scs_overlays_trampoline_lowered:
0x8: {  	[smem:$0x3FA8] =	sst s0  }
0x9: {  	[smem:$0x3FA9] =	sst s1  }
0xa: {  	[smem:$0x3FAA] =	sst s2  }
0xb: {  	[smem:$0x3FAB] =	sst s3  }
0xc: {  	[smem:$0x3FAC] =	sst s4  }
0xd: {  	[smem:$0x3FAD] =	sst s5  }
0xe: {  	[smem:$0x3FAE] =	sst s6  }
0xf: {  	[smem:$0x3FAF] =	sst s7  }
0x10: {  	[smem:$0x3FB0] =	sst s8  }
0x11: {  	[smem:$0x3FB1] =	sst s9;
	s0 =	simm.s32 @!p0 $0x0  }
0x12: {  	s1 =	sld [smem:$0x3F97];
	s0 =	simm.s32 @p0 $0x1  }
0x13: {  	[smem:$0x3FB2] =	sst s0;
	s0 =	simm.s32 @!p1 $0x0  }
0x14: {  	s2 =	sld [smem:$0x3F96];
	s0 =	simm.s32 @p1 $0x1  }
0x15: {  	[smem:$0x3FB3] =	sst s0;
	s0 =	simm.s32 @!p2 $0x0  }
0x16: {  	s3 =	sld [smem:$0x3FDB];
	s0 =	simm.s32 @p2 $0x1  }
0x17: {  	s4 =	simm.s32 $0x1BF5;
	[smem:$0x3FB5] =	sst s0  }
0x18: {  	s0 =	sld [smem:$0x3F98];
	_ =	swait.ge [sflag:s4], $0x0  }
0x19: {  	s7 =	sld [smem:$0x3F99]  }
0x1a: {  	s8 =	sadd.s32 $0xFFFFE003, lr  }
0x1b: {  	s9 =	sadd.s32 $0xFFFFFEF7, lr;
	s5 =	simm.s32 $0xFFFFFFFF;
	p2 =	slt.u32 s8, $0xFFFFF086  }
0x1c: {  	p1 =	slt.u32 s9, $0xF7A;
	s5 =	simm.s32 @!p2 $0x0  }
0x1d: {  	s5 =	simm.s32 @p1 $0x1;
	p0 =	seq.s32 s7, s2  }
0x1e: {  	s7 =	smul.u32 @!p0 $0xF7A, s2;
	p2 =	seq.s32 @!p0 s5, $0x0  }
0x1f: {  	s9 =	smul.u32 $0xF7A, s1;
	s8 =	simm.s32 @!p0 $0x1BF5;
	p2 =	por !p2, p0  }
0x20: {  	[sflag:s8] =	ssyncset.s32 @!p0 $0xFFFFF086;
	s6 =	sadd.s32 @!p0 s3, s7;
	s7 =	simm.s32 @!p0 $0x108  }
0x21: {  	s3 =	sadd.s32 s3, s9;
	s6 =	sadd.s32 @!p0 $0x88, s6;
	s7 =	simm.s32 @p2 $0x1082  }
0x22: {  	[simem:s7], [sflag:s8] =	dma.local @!p0 [hbm:s6], $0xF7A  }
0x23: {  	s9 =	sor.u32 $0xD0000000, s2;
	s6 =	simm.s32 $0x108;
	_ =	swait.ge @!p0 [sflag:s8], $0x0  }
0x24: {  	s3 =	sadd.s32 $0x88, s3;
	s6 =	simm.s32 @!p1 $0x1082;
	[sflag:s4] =	ssyncset.s32 $0xFFFFF086  }
0x25: {  	[simem:s6], [sflag:s4] =	dma.local [hbm:s3], $0xF7A  }
0x26: {  	[smem:$0x3F99] =	sst s1;
	(tag) =	ssettag s2;
	_ =	strace s9  }
0x27: {  	s1 =	sld [smem:$0x3FA9]  }
0x28: {  	s2 =	sld [smem:$0x3FAA]  }
0x29: {  	s4 =	sld [smem:$0x3FAC]  }
0x2a: {  	p0 =	seq.s32 s5, $0x0;
	s5 =	sld [smem:$0x3FAD]  }
0x2b: {  	s6 =	sld [smem:$0x3FAE]  }
0x2c: {  	s7 =	sld [smem:$0x3FAF]  }
0x2d: {  	s3 =	simm.s32 $0x108;
	s8 =	sld [smem:$0x3FB0]  }
0x2e: {  	s3 =	simm.s32 @!p0 $0x1082;
	s9 =	sld [smem:$0x3FB1]  }
0x2f: {  	lr =	sadd.s32 s0, s3;
	s0 =	sld [smem:$0x3FA8]  }
0x30: {  	s3 =	sld [smem:$0x3FAB]  }
0x31: {  	[smem:$0x3FB4] =	sst s10  }
0x32: {  	s10 =	sld [smem:$0x3FB2];
	_ =	sdelay $0x3  }
0x33: {  	p0 =	seq.s32 s10, $0x1;
	s10 =	sld [smem:$0x3FB4];
	_ =	sdelay $0x3  }
0x34: {  	[smem:$0x3FB4] =	sst s10  }
0x35: {  	s10 =	sld [smem:$0x3FB3];
	_ =	sdelay $0x3  }
0x36: {  	p1 =	seq.s32 s10, $0x1;
	s10 =	sld [smem:$0x3FB4];
	_ =	sdelay $0x3  }
0x37: {  	[smem:$0x3FB4] =	sst s10  }
0x38: {  	s10 =	sld [smem:$0x3FB5]  }
0x39: {  	_ = 	snop;
	(pc) =	sbr.ind lr, $3  }
0x3a: {  	_ = 	snop  }
0x3b: {  	_ = 	snop  }
0x3c: {  	p2 =	seq.s32 s10, $0x1;
	s10 =	sld [smem:$0x3FB4]  }
0x3d: {  	_ =	shalt  }
0x3e: {  	_ =	shalt  }
0x3f: {  	_ =	shalt  }
0x40: {  	_ =	shalt  }
0x41: {  	_ =	shalt  }
0x42: {  	_ =	shalt  }
0x43: {  	_ =	shalt  }
0x44: {  	_ =	shalt  }
0x45: {  	_ =	shalt  }
0x46: {  	_ =	shalt  }
0x47: {  	_ =	shalt  }
0x48: {  	_ =	shalt  }
0x49: {  	_ =	shalt  }
0x4a: {  	_ =	shalt  }
0x4b: {  	_ =	shalt  }
0x4c: {  	_ =	shalt  }
0x4d: {  	_ =	shalt  }
0x4e: {  	_ =	shalt  }
0x4f: {  	_ =	shalt  }
0x50: {  	_ =	shalt  }
0x51: {  	_ =	shalt  }
0x52: {  	_ =	shalt  }
0x53: {  	_ =	shalt  }
0x54: {  	_ =	shalt  }
0x55: {  	_ =	shalt  }
0x56: {  	_ =	shalt  }
0x57: {  	_ =	shalt  }
0x58: {  	_ =	shalt  }
0x59: {  	_ =	shalt  }
0x5a: {  	_ =	shalt  }
0x5b: {  	_ =	shalt  }
0x5c: {  	_ =	shalt  }
0x5d: {  	_ =	shalt  }
0x5e: {  	_ =	shalt  }
0x5f: {  	_ =	shalt  }
0x60: {  	_ =	shalt  }
0x61: {  	_ =	shalt  }
0x62: {  	_ =	shalt  }
0x63: {  	_ =	shalt  }
0x64: {  	_ =	shalt  }
0x65: {  	_ =	shalt  }
0x66: {  	_ =	shalt  }
0x67: {  	_ =	shalt  }
0x68: {  	_ =	shalt  }
0x69: {  	_ =	shalt  }
0x6a: {  	_ =	shalt  }
0x6b: {  	_ =	shalt  }
0x6c: {  	_ =	shalt  }
0x6d: {  	_ =	shalt  }
0x6e: {  	_ =	shalt  }
0x6f: {  	_ =	shalt  }
0x70: {  	_ =	shalt  }
0x71: {  	_ =	shalt  }
0x72: {  	_ =	shalt  }
0x73: {  	_ =	shalt  }
0x74: {  	_ =	shalt  }
0x75: {  	_ =	shalt  }
0x76: {  	_ =	shalt  }
0x77: {  	_ =	shalt  }
0x78: {  	_ =	shalt  }
0x79: {  	_ =	shalt  }
0x7a: {  	_ =	shalt  }
0x7b: {  	_ =	shalt  }
0x7c: {  	_ =	shalt  }
0x7d: {  	_ =	shalt  }
0x7e: {  	_ =	shalt  }
0x7f: {  	_ =	shalt  }
0x80: {  	_ =	shalt  }
0x81: {  	_ =	shalt  }
0x82: {  	_ =	shalt  }
0x83: {  	_ =	shalt  }
0x84: {  	_ =	shalt  }
0x85: {  	_ =	shalt  }
0x86: {  	_ =	shalt  }
0x87: {  	_ =	shalt  }
.Lfunc_end0:
.L_simem_size_0:
called_computation.2_lowered:
.L_overlay_start_0:
0x88: {  	s2 =	sld [smem:$0x3FD9]  }
0x89: {  	s3 =	sld [smem:$0x3FFE];
	_ =	sdelay $0x1  }
0x8a: {  	s1 =	srdreg.scid  }
0x8b: {  	s0 =	sand.u32 $0x1, s1  }
0x8c: {  	s17 =	sshll.u32 s0, $0xA;
	s2 =	sadd.s32 s3, s2  }
0x8d: {  	s2 =	sadd.s32 s2, s17  }
0x8e: {  	[smem:$0x3FC0] =	sst s2  }
0x8f: {  	_ = 	snop  }
0x90: {  	s2 =	sld [smem:$0x3FD0];
	(tm) =	ssettm $0x1  }
0x91: {  	s18 =	sld [smem:$0x3FFB];
	_ =	sdelay $0x3  }
0x92: {  	_ =	strace s18  }
0x93: {  	s3 =	sld [smem:$0x3FFC];
	_ =	sdelay $0x3  }
0x94: {  	_ =	strace s3  }
0x95: {  	s3 =	sld [smem:$0x3FFD];
	_ =	sdelay $0x3  }
0x96: {  	_ =	strace s3  }
0x97: {  	_ =	strace $0x8FFFFFFF  }
0x98: {  	s19 =	sld [smem:$0x3FDB];
	_ =	sdelay $0x1  }
0x99: {  	s4 =	simm.s32 $_scs_section_size  }
0x9a: {  	s5 =	simm.s32 $_size__tile_overlayer_lowered;
	s6 =	simm.s32 $_tile_overlayer_lowered  }
0x9b: {  	s22 =	simm.s32 $0x1BFF;
	s21 =	sshll.u32 s6, $0x1;
	s3 =	sadd.s32 s4, s19  }
0x9c: {  	s7 =	simm.s32 $0x0;
	s20 =	sshll.u32 s5, $0x1;
	s5 =	sadd.s32 s21, s3  }
0x9d: {  	[timem:s7], [sflag:s22] =	dma.local [hbm:s5], s20  }
0x9e: {  	_ =	swait.ge [sflag:s22], s20  }
0x9f: {  	s4 =	ssub.s32 $0x0, s20;
	[sflag:s22] =	ssyncset.done $0x0  }
0xa0: {  	[sflag:s22] =	ssyncadd.s32 s4;
	_ =	sdelay $0x1  }
0xa1: {  	s23 =	simm.s32 $0x1B8B  }
0xa2: {  	_ =	swait.ge [sflag:s23], $0x1  }
0xa3: {  	[sflag:s23] =	ssyncset.done $0x0  }
0xa4: {  	s25 =	simm.s32 $0x1B8E;
	s24 =	sld [smem:$0x3FFE];
	[sflag:s23] =	ssyncadd.s32 $0xFFFFFFFF  }
0xa5: {  	s26 =	simm.s32 $execute0_lowered;
	[smem:$0x3FD2] =	sst s25  }
0xa6: {  	s5 =	sshll.u32 s26, $0x1;
	_ =	strace $0x8000004C;
	[dreg:$0x1] =	wrdreg $0xFFFFFFFF  }
0xa7: {  	s28 =	simm.s32 $_size_execute0_lowered;
	s3 =	sadd.s32 s3, s5;
	[dreg:$0x0] =	wrdreg $0x0  }
0xa8: {  	s5 =	sshll.u32 s28, $0x1;
	[dreg:$0x2] =	wrdreg s3  }
0xa9: {  	[dreg:$0x3] =	wrdreg s5  }
0xaa: {  	[dreg:$0x4] =	wrdreg $0xC0  }
0xab: {  	_ =	task [dreg:s7], $0x5FFFF  }
0xac: {  	[dreg:$0x1] =	wrdreg $0xFFFFFFFF  }
0xad: {  	[dreg:$0x0] =	wrdreg $0x60  }
0xae: {  	[dreg:$0x2] =	wrdreg s2  }
0xaf: {  	[dreg:$0x3] =	wrdreg s24  }
0xb0: {  	[dreg:$0x4] =	wrdreg $0xA4800  }
0xb1: {  	[dreg:$0x5] =	wrdreg $0x9  }
0xb2: {  	_ =	task.clear_ibuf [dreg:s7], $0x6FFFF;
	_ =	strace $0x9000004C  }
0xb3: {  	s29 =	simm.s32 $0x9;
	_ =	strace $0x8000004E  }
0xb4: {  	_ =	swait.ge [sflag:s29], $0x1  }
0xb5: {  	[sflag:s29] =	ssyncadd.s32 $0xFFFFFFFF  }
0xb6: {  	_ =	strace $0x9000004E  }
0xb7: {  	_ =	sfence  }
0xb8: {  	s30 =	sld [smem:$0x0];
	_ =	sdelay $0x2  }
0xb9: {  	s31 =	sshll.u32 s1, $0xD;
	s1 =	sshrl.u32 s1, $0x2  }
0xba: {  	s3 =	sand.u32 $0x4000, s31;
	s1 =	sadd.s32 s1, s30  }
0xbb: {  	s0 =	sor.u32 s3, s0;
	s1 =	sshll.u32 s1, $0x11  }
0xbc: {  	s0 =	sor.u32 s1, s0  }
0xbd: {  	s0 =	sadd.s32 $0x8F2B, s0  }
0xbe: {  	[sflag:s0] =	ssyncadd.remote.s32 $0x1  }
0xbf: {  	_ =	sfence.sel $0xFFFF  }
0xc0: {  	[dreg:$0x0] =	wrdreg $0xFFFFFFFF;
	(pc) =	sbr.abs _section_cstart, $3  }
0xc1: {  	[dreg:$0x1] =	wrdreg $0xFFFFFFFF  }
0xc2: {  	_ =	task.clear_ibuf [dreg:s7], $0x2FFFF;
	_ =	strace $0x9FFFFFFF  }
0xc3: {  	(tm) =	ssettm $0x7FFFFFFF  }
tec
execute0_lowered:
.L_overlay_start_1:
0x0: {  	(tag) =	ssettag $0x1  }
0x1: {  	s1 =	rddreg [dreg:$0x0]  }
0x2: {  	s0 =	srdreg.scid;
	s2 =	rddreg [dreg:$0x1]  }
0x3: {  	s12 =	stileid.u32;
	s3 =	rddreg [dreg:$0x2];
	s9 =	simm.s32 $0x1B2  }
0x4: {  	s15 =	simm.s32 $0x20;
	s16 =	simm.s32 $0x6C80;
	s17 =	simm.s32 $0x7480  }
0x5: {  	s19 =	simm.s32 $0x7C80;
	s21 =	simm.s32 $0x8480;
	s28 =	simm.s32 $0x9C80  }
0x6: {  	s29 =	simm.s32 $0x2;
	s30 =	simm.s32 $0x3;
	s31 =	simm.s32 $0x4  }
0x7: {  	s14 =	simm.s32 $0x7;
	s18 =	simm.s32 $0x0;
	s0 =	sand.u32 $0x1, s0  }
0x8: {  	s6 =	smul.u32 $0x9E00, s12;
	s22 =	sadd.s32 $0x1E00, s2;
	s23 =	sshll.u32 s12, $0x6  }
0x9: {  	s4 =	sshll.u32 s0, $0x4;
	s7 =	smul.u32 $0x9E000, s0;
	p0 =	seq.s32 s0, $0x0  }
0xa: {  	s0 =	ssub.s32 $0x2, s0;
	s5 =	sor.u32 s12, s4;
	s4 =	simm.s32 $0x0  }
0xb: {  	s9 =	simm.s32 @!p0 $0xC4;
	s10 =	sshrl.u32 s0, $0x1;
	s24 =	sadd.s32 s6, s3  }
0xc: {  	s5 =	smul.u32 $0x6C8, s5;
	[smem:$0x7FF] =	sst s4;
	s7 =	sadd.s32 s6, s7  }
0xd: {  	s11 =	smul.u32 $0x2493, s9;
	s0 =	ssub.s32 s0, s10;
	s6 =	sor.u32 $0x1C08, s23  }
0xe: {  	s12 =	sshrl.u32 s24, $0x3;
	s23 =	simm.s32 $0x8C80;
	_ =	strace $0x8000004D  }
0xf: {  	[dreg:$0x5] =	wrdreg s22;
	s7 =	sshrl.u32 s7, $0x3;
	s8 =	sadd.s32 s5, s2  }
0x10: {  	s2 =	sadd.s32 s7, s2;
	s25 =	sshrl.u32 s11, $0x10;
	s7 =	sadd.s32 $0xFFFFFFFF, s9  }
0x11: {  	s11 =	smax.u32 s0, $0x1;
	s0 =	simm.s32 $0x6;
	s26 =	sadd.s32 $0xE3800, s8  }
0x12: {  	s8 =	sadd.s32 $0xF1200, s8;
	s13 =	smul.u32 $0x380, s25;
	s10 =	sadd.s32 $0x6D000, s2  }
0x13: {  	s25 =	simm.s32 $0x9480;
	s2 =	simm.s32 $0x5;
	[dreg:$0x6] =	wrdreg s26  }
0x14: {  	s26 =	simm.s32 $0x1;
	[dreg:$0x4] =	wrdreg s13;
	s13 =	simm.s32 $0x8  }
.LBB2_1:
0x15: {  	s5 =	rddreg [dreg:$0x5]  }
0x16: {  	[spmem:s12], [sflag:s6] =	dma.local [hbm:s5], $0x13C0  }
0x17: {  	_ =	swait.ge [sflag:s13], $0x13C0  }
0x18: {  	[sflag:s13] =	ssyncset.done $0x0  }
0x19: {  	s22 =	rddreg [dreg:$0x6];
	[sflag:s13] =	ssyncadd.s32 $0xFFFFEC40  }
0x1a: {  	[tilespmem:s4], [sflag:$0x8] =	stream.linear.gather [hbm4b:s22+s4], $0x3640, $0x38;
	[tilespmem:$0x14280] =	vst v63  }
0x1b: {  	_ =	swait.ge [sflag:s13], $0x3640  }
0x1c: {  	[sflag:s13] =	ssyncset.done $0x0  }
0x1d: {  	s24 =	simm.s32 $0x3640;
	[sflag:s13] =	ssyncadd.s32 $0xFFFFC9C0  }
0x1e: {  	[tilespmem:s24], [sflag:$0x8] =	stream.linear.gather [hbm4b:s8+s4], $0x3640, $0x38;
	[tilespmem:$0x14280] =	vst v63  }
0x1f: {  	_ =	swait.ge [sflag:s13], $0x3640  }
0x20: {  	[sflag:s13] =	ssyncset.done $0x0  }
0x21: {  	[sflag:s13] =	ssyncadd.s32 $0xFFFFC9C0  }
0x22: {  	[bflag:$0x0] =	sbarrier.arrive $0xFFFF  }
0x23: {  	[tilespmem:s16], [sflag:$0x1] =	stream.indirect.gather [hbm4b:s1+s15], $0x40, s4, s15, $0xb8;
	[tilespmem:$0x14280] =	vst v63  }
0x24: {  	_ = 	snop  }
0x25: {  	[tilespmem:s17], [sflag:$0x2] =	stream.indirect.gather [hbm4b:s1+s15], $0x40, s15, s15, $0xb8;
	[tilespmem:$0x14280] =	vst v63  }
0x26: {  	s9 =	simm.s32 $0x40  }
0x27: {  	[tilespmem:s19], [sflag:$0x3] =	stream.indirect.gather [hbm4b:s1+s15], $0x40, s9, s15, $0xb8;
	[tilespmem:$0x14280] =	vst v63  }
0x28: {  	s20 =	simm.s32 $0x60  }
0x29: {  	[tilespmem:s21], [sflag:$0x4] =	stream.indirect.gather [hbm4b:s1+s15], $0x40, s20, s15, $0xb8;
	[tilespmem:$0x14280] =	vst v63  }
0x2a: {  	s22 =	simm.s32 $0x80  }
0x2b: {  	[tilespmem:s23], [sflag:$0x5] =	stream.indirect.gather [hbm4b:s1+s15], $0x40, s22, s15, $0xb8;
	[tilespmem:$0x14280] =	vst v63  }
0x2c: {  	s24 =	simm.s32 $0xA0;
	s20 =	simm.s32 $0xC;
	s22 =	simm.s32 $0x0  }
0x2d: {  	[tilespmem:s25], [sflag:$0x6] =	stream.indirect.gather [hbm4b:s1+s15], $0x40, s24, s15, $0xb8;
	[tilespmem:$0x14280] =	vst v63  }
.LBB2_2:
0x2e: {  	s24 =	sadd.s32 $0xFFFFFFFA, s20  }
0x2f: {  	s9 =	smov.u32 s7;
	p0 =	slt.s32 s24, s7  }
0x30: {  	_ =	swait.ge [sflag:s26], $0x800;
	s9 =	smov.u32 @p0 s24  }
0x31: {  	[sflag:s26] =	ssyncset.done $0x0;
	s9 =	sshll.u32 s9, $0x5  }
0x32: {  	[sflag:s26] =	ssyncadd.s32 $0xFFFFF800;
	s24 =	sshra.s32 s22, $0x2;
	s9 =	sand.u32 $0x3FFFFFE0, s9  }
0x33: {  	[tilespmem:s28], [sflag:$0x7] =	stream.indirect.gather [hbm4b:s1+s15], $0x40, s9, s15, $0xb8;
	[tilespmem:$0x14280] =	vst v63  }
0x34: {  	s5 =	sadd.s32 $0x3640, s24  }
0x35: {  	[spmem:s3] =	stream.indirect.scatter.add.f32 [tilespmem:s16], [sflag:$0x8], $0x40, s5, s15, $0xb8;
	[tilespmem:$0x14280] =	vst v63  }
0x36: {  	_ =	swait.ge [sflag:s13], $0x800  }
0x37: {  	s9 =	sadd.s32 $0xFFFFFFFB, s20;
	[sflag:s13] =	ssyncset.done $0x0  }
0x38: {  	p0 =	slt.s32 s9, s7;
	s5 =	smov.u32 s7;
	[sflag:s13] =	ssyncadd.s32 $0xFFFFF800  }
0x39: {  	s5 =	smov.u32 @p0 s9;
	_ =	swait.ge [sflag:s29], $0x800  }
0x3a: {  	s5 =	sshll.u32 s5, $0x5;
	[sflag:s29] =	ssyncset.done $0x0  }
0x3b: {  	s5 =	sand.u32 $0x3FFFFFE0, s5;
	[sflag:s29] =	ssyncadd.s32 $0xFFFFF800  }
0x3c: {  	[tilespmem:s16], [sflag:$0x1] =	stream.indirect.gather [hbm4b:s1+s15], $0x40, s5, s15, $0xb8;
	[tilespmem:$0x14280] =	vst v63  }
0x3d: {  	s9 =	sadd.s32 $0x3660, s24  }
0x3e: {  	[spmem:s3] =	stream.indirect.scatter.add.f32 [tilespmem:s17], [sflag:$0x8], $0x40, s9, s15, $0xb8;
	[tilespmem:$0x14280] =	vst v63  }
0x3f: {  	_ =	swait.ge [sflag:s13], $0x800  }
0x40: {  	s5 =	sadd.s32 $0xFFFFFFFC, s20;
	[sflag:s13] =	ssyncset.done $0x0  }
0x41: {  	p0 =	slt.s32 s5, s7;
	s9 =	smov.u32 s7;
	[sflag:s13] =	ssyncadd.s32 $0xFFFFF800  }
0x42: {  	s9 =	smov.u32 @p0 s5;
	_ =	swait.ge [sflag:s30], $0x800  }
0x43: {  	s5 =	sshll.u32 s9, $0x5;
	[sflag:s30] =	ssyncset.done $0x0  }
0x44: {  	s5 =	sand.u32 $0x3FFFFFE0, s5;
	[sflag:s30] =	ssyncadd.s32 $0xFFFFF800  }
0x45: {  	[tilespmem:s17], [sflag:$0x2] =	stream.indirect.gather [hbm4b:s1+s15], $0x40, s5, s15, $0xb8;
	[tilespmem:$0x14280] =	vst v63  }
0x46: {  	s9 =	sadd.s32 $0x3680, s24  }
0x47: {  	[spmem:s3] =	stream.indirect.scatter.add.f32 [tilespmem:s19], [sflag:$0x8], $0x40, s9, s15, $0xb8;
	[tilespmem:$0x14280] =	vst v63  }
0x48: {  	_ =	swait.ge [sflag:s13], $0x800  }
0x49: {  	s5 =	sadd.s32 $0xFFFFFFFD, s20;
	[sflag:s13] =	ssyncset.done $0x0  }
0x4a: {  	p0 =	slt.s32 s5, s7;
	s9 =	smov.u32 s7;
	[sflag:s13] =	ssyncadd.s32 $0xFFFFF800  }
0x4b: {  	s9 =	smov.u32 @p0 s5;
	_ =	swait.ge [sflag:s31], $0x800  }
0x4c: {  	s5 =	sshll.u32 s9, $0x5;
	[sflag:s31] =	ssyncset.done $0x0  }
0x4d: {  	s5 =	sand.u32 $0x3FFFFFE0, s5;
	[sflag:s31] =	ssyncadd.s32 $0xFFFFF800  }
0x4e: {  	[tilespmem:s19], [sflag:$0x3] =	stream.indirect.gather [hbm4b:s1+s15], $0x40, s5, s15, $0xb8;
	[tilespmem:$0x14280] =	vst v63  }
0x4f: {  	s9 =	sadd.s32 $0x36A0, s24  }
0x50: {  	[spmem:s3] =	stream.indirect.scatter.add.f32 [tilespmem:s21], [sflag:$0x8], $0x40, s9, s15, $0xb8;
	[tilespmem:$0x14280] =	vst v63  }
0x51: {  	_ =	swait.ge [sflag:s13], $0x800  }
0x52: {  	s5 =	sadd.s32 $0xFFFFFFFE, s20;
	[sflag:s13] =	ssyncset.done $0x0  }
0x53: {  	p0 =	slt.s32 s5, s7;
	s9 =	smov.u32 s7;
	[sflag:s13] =	ssyncadd.s32 $0xFFFFF800  }
0x54: {  	s9 =	smov.u32 @p0 s5;
	_ =	swait.ge [sflag:s2], $0x800  }
0x55: {  	s5 =	sshll.u32 s9, $0x5;
	[sflag:s2] =	ssyncset.done $0x0  }
0x56: {  	s5 =	sand.u32 $0x3FFFFFE0, s5;
	[sflag:s2] =	ssyncadd.s32 $0xFFFFF800  }
0x57: {  	[tilespmem:s21], [sflag:$0x4] =	stream.indirect.gather [hbm4b:s1+s15], $0x40, s5, s15, $0xb8;
	[tilespmem:$0x14280] =	vst v63  }
0x58: {  	s9 =	sadd.s32 $0x36C0, s24  }
0x59: {  	[spmem:s3] =	stream.indirect.scatter.add.f32 [tilespmem:s23], [sflag:$0x8], $0x40, s9, s15, $0xb8;
	[tilespmem:$0x14280] =	vst v63  }
0x5a: {  	_ =	swait.ge [sflag:s13], $0x800  }
0x5b: {  	s5 =	sadd.s32 $0xFFFFFFFF, s20;
	[sflag:s13] =	ssyncset.done $0x0  }
0x5c: {  	p0 =	slt.s32 s5, s7;
	s9 =	smov.u32 s7;
	[sflag:s13] =	ssyncadd.s32 $0xFFFFF800  }
0x5d: {  	s9 =	smov.u32 @p0 s5;
	_ =	swait.ge [sflag:s0], $0x800  }
0x5e: {  	s5 =	sshll.u32 s9, $0x5;
	[sflag:s0] =	ssyncset.done $0x0  }
0x5f: {  	s5 =	sand.u32 $0x3FFFFFE0, s5;
	[sflag:s0] =	ssyncadd.s32 $0xFFFFF800  }
0x60: {  	[tilespmem:s23], [sflag:$0x5] =	stream.indirect.gather [hbm4b:s1+s15], $0x40, s5, s15, $0xb8;
	[tilespmem:$0x14280] =	vst v63  }
0x61: {  	s9 =	sadd.s32 $0x36E0, s24  }
0x62: {  	[spmem:s3] =	stream.indirect.scatter.add.f32 [tilespmem:s25], [sflag:$0x8], $0x40, s9, s15, $0xb8;
	[tilespmem:$0x14280] =	vst v63  }
0x63: {  	_ =	swait.ge [sflag:s13], $0x800  }
0x64: {  	[sflag:s13] =	ssyncset.done $0x0  }
0x65: {  	p0 =	slt.s32 s20, s7;
	s5 =	smov.u32 s7;
	[sflag:s13] =	ssyncadd.s32 $0xFFFFF800  }
0x66: {  	s5 =	smov.u32 @p0 s20;
	_ =	swait.ge [sflag:s14], $0x800  }
0x67: {  	s5 =	sshll.u32 s5, $0x5;
	[sflag:s14] =	ssyncset.done $0x0  }
0x68: {  	s5 =	sand.u32 $0x3FFFFFE0, s5;
	[sflag:s14] =	ssyncadd.s32 $0xFFFFF800  }
0x69: {  	[tilespmem:s25], [sflag:$0x6] =	stream.indirect.gather [hbm4b:s1+s15], $0x40, s5, s15, $0xb8;
	[tilespmem:$0x14280] =	vst v63  }
0x6a: {  	s9 =	sadd.s32 $0x3700, s24  }
0x6b: {  	[spmem:s3] =	stream.indirect.scatter.add.f32 [tilespmem:s28], [sflag:$0x8], $0x40, s9, s15, $0xb8;
	[tilespmem:$0x14280] =	vst v63  }
0x6c: {  	_ =	swait.ge [sflag:s13], $0x800  }
0x6d: {  	s22 =	sadd.s32 $0x380, s22;
	s24 =	rddreg [dreg:$0x4]  }
0x6e: {  	p0 =	sne.s32 s24, s22  }
.Ltmp0:
0x6f: {  	_ = 	snop;
	(pc) =	sbr.rel @p0 .LBB2_2-.Ltmp0, $3  }
0x70: {  	_ =	sdelay $0x1  }
0x71: {  	[sflag:s13] =	ssyncset.done $0x0  }
0x72: {  	s20 =	sadd.s32 $0x7, s20;
	[sflag:s13] =	ssyncadd.s32 $0xFFFFF800  }
0x73: {  	_ =	swait.ge [sflag:s26], $0x800  }
0x74: {  	[sflag:s26] =	ssyncset.done $0x0  }
0x75: {  	[sflag:s26] =	ssyncadd.s32 $0xFFFFF800  }
0x76: {  	_ =	swait.ge [sflag:s29], $0x800  }
0x77: {  	[sflag:s29] =	ssyncset.done $0x0  }
0x78: {  	[sflag:s29] =	ssyncadd.s32 $0xFFFFF800  }
0x79: {  	_ =	swait.ge [sflag:s30], $0x800  }
0x7a: {  	[sflag:s30] =	ssyncset.done $0x0  }
0x7b: {  	[sflag:s30] =	ssyncadd.s32 $0xFFFFF800  }
0x7c: {  	_ =	swait.ge [sflag:s31], $0x800  }
0x7d: {  	[sflag:s31] =	ssyncset.done $0x0  }
0x7e: {  	[sflag:s31] =	ssyncadd.s32 $0xFFFFF800  }
0x7f: {  	_ =	swait.ge [sflag:s2], $0x800  }
0x80: {  	[sflag:s2] =	ssyncset.done $0x0  }
0x81: {  	[sflag:s2] =	ssyncadd.s32 $0xFFFFF800  }
0x82: {  	_ =	swait.ge [sflag:s0], $0x800  }
0x83: {  	s18 =	sadd.s32 $0x1, s18;
	[sflag:s0] =	ssyncset.done $0x0  }
0x84: {  	p0 =	sne.s32 s18, s11;
	[sflag:s0] =	ssyncadd.s32 $0xFFFFF800  }
.Ltmp1:
0x85: {  	[bflag:$0x0] =	sbarrier.arrive $0xFFFF;
	(pc) =	sbr.rel @p0 .LBB2_1-.Ltmp1, $4  }
0x86: {  	[hbm:s10], [sflag:s6] =	dma.local [spmem:s12], $0x13C0  }
0x87: {  	_ =	swait.ge [sflag:s13], $0x13C0  }
0x88: {  	[sflag:s13] =	ssyncset.done $0x0  }
0x89: {  	[sflag:s13] =	ssyncadd.s32 $0xFFFFEC40  }
0x8a: {  	_ =	sfence.sel $0x180000  }
0x8b: {  	[bflag:$0x0] =	sbarrier.arrive $0xFFFF  }
0x8c: {  	_ =	strace $0x9000004D  }
0x8d: {  	s0 =	stileid.u32;
	[bflag:$0x2] =	sbarrier.arrive $0xFFFF  }
0x8e: {  	p0 =	sne.s32 s0, $0x0;
	s0 =	rddreg [dreg:$0x3]  }
0x8f: {  	s0 =	sadd.s32 @!p0 $0x100000, s0  }
0x90: {  	[sflag:s0] =	ssyncadd.tile.s32 @!p0 $0x1;
	_ =	shalt  }
.Lfunc_end2:
_tile_overlayer_lowered:
.L_overlay_start_2:
0x91: {  	(tag) =	ssettag $0x2  }
0x92: {  	s0 =	rddreg [dreg:$0x0];
	s2 =	stileid.u32  }
0x93: {  	s1 =	rddreg [dreg:$0x1];
	p0 =	sne.s32 s2, $0x0  }
0x94: {  	s3 =	rddreg [dreg:$0x2];
	[bflag:$0x3] =	sbarrier.arrive $0xFFFF;
	s2 =	simm.s32 @!p0 $0x1C08  }
0x95: {  	[timem:s3], [sflag:s2] =	dma.local @!p0 [hbm:s0], s1  }
0x96: {  	s0 =	simm.s32 @!p0 $0x8  }
0x97: {  	_ =	swait.ge @!p0 [sflag:s0], s1  }
0x98: {  	s1 =	ssub.s32 @!p0 $0x0, s1;
	[sflag:s0] =	ssyncset.done @!p0 $0x0  }
0x99: {  	[sflag:s0] =	ssyncadd.s32 @!p0 s1  }
0x9a: {  	[bflag:$0x3] =	sbarrier.arrive $0xFFFF  }
0x9b: {  	_ =	shalt  }

// kernel: kernel.19.cloned.1.call-start
scs
__scs_entry_jumppad:
0x0: {  	(pc) =	sbr.rel $0x88, $3  }
0x1: {  	(tag) =	ssettag $0x0;
	lr =	simm.s32 $0x1  }
0x2: {  	[smem:$0x3F99] =	sst lr;
	_ =	strace $0xD0000000  }
0x3: {  	_ = 	snop  }
0x4: {  	_ = 	snop  }
0x5: {  	_ = 	snop  }
0x6: {  	_ = 	snop  }
0x7: {  	_ = 	snop  }
__scs_overlays_trampoline_lowered:
0x8: {  	[smem:$0x3FA8] =	sst s0  }
0x9: {  	[smem:$0x3FA9] =	sst s1  }
0xa: {  	[smem:$0x3FAA] =	sst s2  }
0xb: {  	[smem:$0x3FAB] =	sst s3  }
0xc: {  	[smem:$0x3FAC] =	sst s4  }
0xd: {  	[smem:$0x3FAD] =	sst s5  }
0xe: {  	[smem:$0x3FAE] =	sst s6  }
0xf: {  	[smem:$0x3FAF] =	sst s7  }
0x10: {  	[smem:$0x3FB0] =	sst s8  }
0x11: {  	[smem:$0x3FB1] =	sst s9;
	s0 =	simm.s32 @!p0 $0x0  }
0x12: {  	s1 =	sld [smem:$0x3F97];
	s0 =	simm.s32 @p0 $0x1  }
0x13: {  	[smem:$0x3FB2] =	sst s0;
	s0 =	simm.s32 @!p1 $0x0  }
0x14: {  	s2 =	sld [smem:$0x3F96];
	s0 =	simm.s32 @p1 $0x1  }
0x15: {  	[smem:$0x3FB3] =	sst s0;
	s0 =	simm.s32 @!p2 $0x0  }
0x16: {  	s3 =	sld [smem:$0x3FDB];
	s0 =	simm.s32 @p2 $0x1  }
0x17: {  	s4 =	simm.s32 $0x1BF5;
	[smem:$0x3FB5] =	sst s0  }
0x18: {  	s0 =	sld [smem:$0x3F98];
	_ =	swait.ge [sflag:s4], $0x0  }
0x19: {  	s7 =	sld [smem:$0x3F99]  }
0x1a: {  	s8 =	sadd.s32 $0xFFFFE003, lr  }
0x1b: {  	s9 =	sadd.s32 $0xFFFFFEF7, lr;
	s5 =	simm.s32 $0xFFFFFFFF;
	p2 =	slt.u32 s8, $0xFFFFF086  }
0x1c: {  	p1 =	slt.u32 s9, $0xF7A;
	s5 =	simm.s32 @!p2 $0x0  }
0x1d: {  	s5 =	simm.s32 @p1 $0x1;
	p0 =	seq.s32 s7, s2  }
0x1e: {  	s7 =	smul.u32 @!p0 $0xF7A, s2;
	p2 =	seq.s32 @!p0 s5, $0x0  }
0x1f: {  	s9 =	smul.u32 $0xF7A, s1;
	s8 =	simm.s32 @!p0 $0x1BF5;
	p2 =	por !p2, p0  }
0x20: {  	[sflag:s8] =	ssyncset.s32 @!p0 $0xFFFFF086;
	s6 =	sadd.s32 @!p0 s3, s7;
	s7 =	simm.s32 @!p0 $0x108  }
0x21: {  	s3 =	sadd.s32 s3, s9;
	s6 =	sadd.s32 @!p0 $0x88, s6;
	s7 =	simm.s32 @p2 $0x1082  }
0x22: {  	[simem:s7], [sflag:s8] =	dma.local @!p0 [hbm:s6], $0xF7A  }
0x23: {  	s9 =	sor.u32 $0xD0000000, s2;
	s6 =	simm.s32 $0x108;
	_ =	swait.ge @!p0 [sflag:s8], $0x0  }
0x24: {  	s3 =	sadd.s32 $0x88, s3;
	s6 =	simm.s32 @!p1 $0x1082;
	[sflag:s4] =	ssyncset.s32 $0xFFFFF086  }
0x25: {  	[simem:s6], [sflag:s4] =	dma.local [hbm:s3], $0xF7A  }
0x26: {  	[smem:$0x3F99] =	sst s1;
	(tag) =	ssettag s2;
	_ =	strace s9  }
0x27: {  	s1 =	sld [smem:$0x3FA9]  }
0x28: {  	s2 =	sld [smem:$0x3FAA]  }
0x29: {  	s4 =	sld [smem:$0x3FAC]  }
0x2a: {  	p0 =	seq.s32 s5, $0x0;
	s5 =	sld [smem:$0x3FAD]  }
0x2b: {  	s6 =	sld [smem:$0x3FAE]  }
0x2c: {  	s7 =	sld [smem:$0x3FAF]  }
0x2d: {  	s3 =	simm.s32 $0x108;
	s8 =	sld [smem:$0x3FB0]  }
0x2e: {  	s3 =	simm.s32 @!p0 $0x1082;
	s9 =	sld [smem:$0x3FB1]  }
0x2f: {  	lr =	sadd.s32 s0, s3;
	s0 =	sld [smem:$0x3FA8]  }
0x30: {  	s3 =	sld [smem:$0x3FAB]  }
0x31: {  	[smem:$0x3FB4] =	sst s10  }
0x32: {  	s10 =	sld [smem:$0x3FB2];
	_ =	sdelay $0x3  }
0x33: {  	p0 =	seq.s32 s10, $0x1;
	s10 =	sld [smem:$0x3FB4];
	_ =	sdelay $0x3  }
0x34: {  	[smem:$0x3FB4] =	sst s10  }
0x35: {  	s10 =	sld [smem:$0x3FB3];
	_ =	sdelay $0x3  }
0x36: {  	p1 =	seq.s32 s10, $0x1;
	s10 =	sld [smem:$0x3FB4];
	_ =	sdelay $0x3  }
0x37: {  	[smem:$0x3FB4] =	sst s10  }
0x38: {  	s10 =	sld [smem:$0x3FB5]  }
0x39: {  	_ = 	snop;
	(pc) =	sbr.ind lr, $3  }
0x3a: {  	_ = 	snop  }
0x3b: {  	_ = 	snop  }
0x3c: {  	p2 =	seq.s32 s10, $0x1;
	s10 =	sld [smem:$0x3FB4]  }
0x3d: {  	_ =	shalt  }
0x3e: {  	_ =	shalt  }
0x3f: {  	_ =	shalt  }
0x40: {  	_ =	shalt  }
0x41: {  	_ =	shalt  }
0x42: {  	_ =	shalt  }
0x43: {  	_ =	shalt  }
0x44: {  	_ =	shalt  }
0x45: {  	_ =	shalt  }
0x46: {  	_ =	shalt  }
0x47: {  	_ =	shalt  }
0x48: {  	_ =	shalt  }
0x49: {  	_ =	shalt  }
0x4a: {  	_ =	shalt  }
0x4b: {  	_ =	shalt  }
0x4c: {  	_ =	shalt  }
0x4d: {  	_ =	shalt  }
0x4e: {  	_ =	shalt  }
0x4f: {  	_ =	shalt  }
0x50: {  	_ =	shalt  }
0x51: {  	_ =	shalt  }
0x52: {  	_ =	shalt  }
0x53: {  	_ =	shalt  }
0x54: {  	_ =	shalt  }
0x55: {  	_ =	shalt  }
0x56: {  	_ =	shalt  }
0x57: {  	_ =	shalt  }
0x58: {  	_ =	shalt  }
0x59: {  	_ =	shalt  }
0x5a: {  	_ =	shalt  }
0x5b: {  	_ =	shalt  }
0x5c: {  	_ =	shalt  }
0x5d: {  	_ =	shalt  }
0x5e: {  	_ =	shalt  }
0x5f: {  	_ =	shalt  }
0x60: {  	_ =	shalt  }
0x61: {  	_ =	shalt  }
0x62: {  	_ =	shalt  }
0x63: {  	_ =	shalt  }
0x64: {  	_ =	shalt  }
0x65: {  	_ =	shalt  }
0x66: {  	_ =	shalt  }
0x67: {  	_ =	shalt  }
0x68: {  	_ =	shalt  }
0x69: {  	_ =	shalt  }
0x6a: {  	_ =	shalt  }
0x6b: {  	_ =	shalt  }
0x6c: {  	_ =	shalt  }
0x6d: {  	_ =	shalt  }
0x6e: {  	_ =	shalt  }
0x6f: {  	_ =	shalt  }
0x70: {  	_ =	shalt  }
0x71: {  	_ =	shalt  }
0x72: {  	_ =	shalt  }
0x73: {  	_ =	shalt  }
0x74: {  	_ =	shalt  }
0x75: {  	_ =	shalt  }
0x76: {  	_ =	shalt  }
0x77: {  	_ =	shalt  }
0x78: {  	_ =	shalt  }
0x79: {  	_ =	shalt  }
0x7a: {  	_ =	shalt  }
0x7b: {  	_ =	shalt  }
0x7c: {  	_ =	shalt  }
0x7d: {  	_ =	shalt  }
0x7e: {  	_ =	shalt  }
0x7f: {  	_ =	shalt  }
0x80: {  	_ =	shalt  }
0x81: {  	_ =	shalt  }
0x82: {  	_ =	shalt  }
0x83: {  	_ =	shalt  }
0x84: {  	_ =	shalt  }
0x85: {  	_ =	shalt  }
0x86: {  	_ =	shalt  }
0x87: {  	_ =	shalt  }
.Lfunc_end0:
.L_simem_size_0:
called_computation.3_lowered:
.L_overlay_start_0:
0x88: {  	s2 =	sld [smem:$0x3FD9]  }
0x89: {  	s3 =	sld [smem:$0x3FFE];
	_ =	sdelay $0x1  }
0x8a: {  	s1 =	srdreg.scid  }
0x8b: {  	s0 =	sand.u32 $0x1, s1  }
0x8c: {  	s17 =	sshll.u32 s0, $0xA;
	s2 =	sadd.s32 s3, s2  }
0x8d: {  	s2 =	sadd.s32 s2, s17  }
0x8e: {  	[smem:$0x3FC0] =	sst s2  }
0x8f: {  	_ = 	snop  }
0x90: {  	s2 =	sld [smem:$0x3FD0];
	(tm) =	ssettm $0x1  }
0x91: {  	s18 =	sld [smem:$0x3FFB];
	_ =	sdelay $0x3  }
0x92: {  	_ =	strace s18  }
0x93: {  	s3 =	sld [smem:$0x3FFC];
	_ =	sdelay $0x3  }
0x94: {  	_ =	strace s3  }
0x95: {  	s3 =	sld [smem:$0x3FFD];
	_ =	sdelay $0x3  }
0x96: {  	_ =	strace s3  }
0x97: {  	_ =	strace $0x8FFFFFFF  }
0x98: {  	s19 =	sld [smem:$0x3FDB];
	_ =	sdelay $0x1  }
0x99: {  	s4 =	simm.s32 $_scs_section_size  }
0x9a: {  	s5 =	simm.s32 $_size__tile_overlayer_lowered;
	s6 =	simm.s32 $_tile_overlayer_lowered  }
0x9b: {  	s22 =	simm.s32 $0x1BFF;
	s21 =	sshll.u32 s6, $0x1;
	s3 =	sadd.s32 s4, s19  }
0x9c: {  	s7 =	simm.s32 $0x0;
	s20 =	sshll.u32 s5, $0x1;
	s5 =	sadd.s32 s21, s3  }
0x9d: {  	[timem:s7], [sflag:s22] =	dma.local [hbm:s5], s20  }
0x9e: {  	_ =	swait.ge [sflag:s22], s20  }
0x9f: {  	s4 =	ssub.s32 $0x0, s20;
	[sflag:s22] =	ssyncset.done $0x0  }
0xa0: {  	[sflag:s22] =	ssyncadd.s32 s4;
	_ =	sdelay $0x1  }
0xa1: {  	s23 =	simm.s32 $0x1B8B  }
0xa2: {  	_ =	swait.ge [sflag:s23], $0x1  }
0xa3: {  	[sflag:s23] =	ssyncset.done $0x0  }
0xa4: {  	s25 =	simm.s32 $0x1B8E;
	s24 =	sld [smem:$0x3FFE];
	[sflag:s23] =	ssyncadd.s32 $0xFFFFFFFF  }
0xa5: {  	s26 =	simm.s32 $execute0_lowered;
	[smem:$0x3FD2] =	sst s25  }
0xa6: {  	s5 =	sshll.u32 s26, $0x1;
	_ =	strace $0x8000004F;
	[dreg:$0x1] =	wrdreg $0xFFFFFFFF  }
0xa7: {  	s28 =	simm.s32 $_size_execute0_lowered;
	s3 =	sadd.s32 s3, s5;
	[dreg:$0x0] =	wrdreg $0x0  }
0xa8: {  	s5 =	sshll.u32 s28, $0x1;
	[dreg:$0x2] =	wrdreg s3  }
0xa9: {  	[dreg:$0x3] =	wrdreg s5  }
0xaa: {  	[dreg:$0x4] =	wrdreg $0xC0  }
0xab: {  	_ =	task [dreg:s7], $0x5FFFF  }
0xac: {  	[dreg:$0x1] =	wrdreg $0xFFFFFFFF  }
0xad: {  	[dreg:$0x0] =	wrdreg $0x60  }
0xae: {  	[dreg:$0x2] =	wrdreg s2  }
0xaf: {  	[dreg:$0x3] =	wrdreg s24  }
0xb0: {  	[dreg:$0x4] =	wrdreg $0xA4800  }
0xb1: {  	[dreg:$0x5] =	wrdreg $0x9  }
0xb2: {  	_ =	task.clear_ibuf [dreg:s7], $0x6FFFF;
	_ =	strace $0x9000004F  }
0xb3: {  	s29 =	simm.s32 $0x9;
	_ =	strace $0x80000051  }
0xb4: {  	_ =	swait.ge [sflag:s29], $0x1  }
0xb5: {  	[sflag:s29] =	ssyncadd.s32 $0xFFFFFFFF  }
0xb6: {  	_ =	strace $0x90000051  }
0xb7: {  	_ =	sfence  }
0xb8: {  	s30 =	sld [smem:$0x0];
	_ =	sdelay $0x2  }
0xb9: {  	s31 =	sshll.u32 s1, $0xD;
	s1 =	sshrl.u32 s1, $0x2  }
0xba: {  	s3 =	sand.u32 $0x4000, s31;
	s1 =	sadd.s32 s1, s30  }
0xbb: {  	s0 =	sor.u32 s3, s0;
	s1 =	sshll.u32 s1, $0x11  }
0xbc: {  	s0 =	sor.u32 s1, s0  }
0xbd: {  	s0 =	sadd.s32 $0x8F2B, s0  }
0xbe: {  	[sflag:s0] =	ssyncadd.remote.s32 $0x1  }
0xbf: {  	_ =	sfence.sel $0xFFFF  }
0xc0: {  	[dreg:$0x0] =	wrdreg $0xFFFFFFFF;
	(pc) =	sbr.abs _section_cstart, $3  }
0xc1: {  	[dreg:$0x1] =	wrdreg $0xFFFFFFFF  }
0xc2: {  	_ =	task.clear_ibuf [dreg:s7], $0x2FFFF;
	_ =	strace $0x9FFFFFFF  }
0xc3: {  	(tm) =	ssettm $0x7FFFFFFF  }
tec
execute0_lowered:
.L_overlay_start_1:
0x0: {  	(tag) =	ssettag $0x1  }
0x1: {  	s1 =	rddreg [dreg:$0x0]  }
0x2: {  	s0 =	srdreg.scid;
	s2 =	rddreg [dreg:$0x1]  }
0x3: {  	s12 =	stileid.u32;
	s3 =	rddreg [dreg:$0x2];
	s9 =	simm.s32 $0x1B2  }
0x4: {  	s15 =	simm.s32 $0x20;
	s16 =	simm.s32 $0x6C80;
	s17 =	simm.s32 $0x7480  }
0x5: {  	s19 =	simm.s32 $0x7C80;
	s21 =	simm.s32 $0x8480;
	s28 =	simm.s32 $0x9C80  }
0x6: {  	s29 =	simm.s32 $0x2;
	s30 =	simm.s32 $0x3;
	s31 =	simm.s32 $0x4  }
0x7: {  	s14 =	simm.s32 $0x7;
	s18 =	simm.s32 $0x0;
	s0 =	sand.u32 $0x1, s0  }
0x8: {  	s6 =	smul.u32 $0x9E00, s12;
	s22 =	sadd.s32 $0x1E00, s2;
	s23 =	sshll.u32 s12, $0x6  }
0x9: {  	s4 =	sshll.u32 s0, $0x4;
	s7 =	smul.u32 $0x9E000, s0;
	p0 =	seq.s32 s0, $0x0  }
0xa: {  	s0 =	ssub.s32 $0x2, s0;
	s5 =	sor.u32 s12, s4;
	s4 =	simm.s32 $0x0  }
0xb: {  	s9 =	simm.s32 @!p0 $0xC4;
	s10 =	sshrl.u32 s0, $0x1;
	s24 =	sadd.s32 s6, s3  }
0xc: {  	s5 =	smul.u32 $0x6C8, s5;
	[smem:$0x7FF] =	sst s4;
	s7 =	sadd.s32 s6, s7  }
0xd: {  	s11 =	smul.u32 $0x2493, s9;
	s0 =	ssub.s32 s0, s10;
	s6 =	sor.u32 $0x1C08, s23  }
0xe: {  	s12 =	sshrl.u32 s24, $0x3;
	s23 =	simm.s32 $0x8C80;
	_ =	strace $0x80000050  }
0xf: {  	[dreg:$0x5] =	wrdreg s22;
	s7 =	sshrl.u32 s7, $0x3;
	s8 =	sadd.s32 s5, s2  }
0x10: {  	s2 =	sadd.s32 s7, s2;
	s25 =	sshrl.u32 s11, $0x10;
	s7 =	sadd.s32 $0xFFFFFFFF, s9  }
0x11: {  	s11 =	smax.u32 s0, $0x1;
	s0 =	simm.s32 $0x6;
	s26 =	sadd.s32 $0xE3800, s8  }
0x12: {  	s8 =	sadd.s32 $0xF1200, s8;
	s13 =	smul.u32 $0x380, s25;
	s10 =	sadd.s32 $0x6D000, s2  }
0x13: {  	s25 =	simm.s32 $0x9480;
	s2 =	simm.s32 $0x5;
	[dreg:$0x6] =	wrdreg s26  }
0x14: {  	s26 =	simm.s32 $0x1;
	[dreg:$0x4] =	wrdreg s13;
	s13 =	simm.s32 $0x8  }
.LBB2_1:
0x15: {  	s5 =	rddreg [dreg:$0x5]  }
0x16: {  	[spmem:s12], [sflag:s6] =	dma.local [hbm:s5], $0x13C0  }
0x17: {  	_ =	swait.ge [sflag:s13], $0x13C0  }
0x18: {  	[sflag:s13] =	ssyncset.done $0x0  }
0x19: {  	s22 =	rddreg [dreg:$0x6];
	[sflag:s13] =	ssyncadd.s32 $0xFFFFEC40  }
0x1a: {  	[tilespmem:s4], [sflag:$0x8] =	stream.linear.gather [hbm4b:s22+s4], $0x3640, $0x38;
	[tilespmem:$0x14280] =	vst v63  }
0x1b: {  	_ =	swait.ge [sflag:s13], $0x3640  }
0x1c: {  	[sflag:s13] =	ssyncset.done $0x0  }
0x1d: {  	s24 =	simm.s32 $0x3640;
	[sflag:s13] =	ssyncadd.s32 $0xFFFFC9C0  }
0x1e: {  	[tilespmem:s24], [sflag:$0x8] =	stream.linear.gather [hbm4b:s8+s4], $0x3640, $0x38;
	[tilespmem:$0x14280] =	vst v63  }
0x1f: {  	_ =	swait.ge [sflag:s13], $0x3640  }
0x20: {  	[sflag:s13] =	ssyncset.done $0x0  }
0x21: {  	[sflag:s13] =	ssyncadd.s32 $0xFFFFC9C0  }
0x22: {  	[bflag:$0x0] =	sbarrier.arrive $0xFFFF  }
0x23: {  	[tilespmem:s16], [sflag:$0x1] =	stream.indirect.gather [hbm4b:s1+s15], $0x40, s4, s15, $0xb8;
	[tilespmem:$0x14280] =	vst v63  }
0x24: {  	_ = 	snop  }
0x25: {  	[tilespmem:s17], [sflag:$0x2] =	stream.indirect.gather [hbm4b:s1+s15], $0x40, s15, s15, $0xb8;
	[tilespmem:$0x14280] =	vst v63  }
0x26: {  	s9 =	simm.s32 $0x40  }
0x27: {  	[tilespmem:s19], [sflag:$0x3] =	stream.indirect.gather [hbm4b:s1+s15], $0x40, s9, s15, $0xb8;
	[tilespmem:$0x14280] =	vst v63  }
0x28: {  	s20 =	simm.s32 $0x60  }
0x29: {  	[tilespmem:s21], [sflag:$0x4] =	stream.indirect.gather [hbm4b:s1+s15], $0x40, s20, s15, $0xb8;
	[tilespmem:$0x14280] =	vst v63  }
0x2a: {  	s22 =	simm.s32 $0x80  }
0x2b: {  	[tilespmem:s23], [sflag:$0x5] =	stream.indirect.gather [hbm4b:s1+s15], $0x40, s22, s15, $0xb8;
	[tilespmem:$0x14280] =	vst v63  }
0x2c: {  	s24 =	simm.s32 $0xA0;
	s20 =	simm.s32 $0xC;
	s22 =	simm.s32 $0x0  }
0x2d: {  	[tilespmem:s25], [sflag:$0x6] =	stream.indirect.gather [hbm4b:s1+s15], $0x40, s24, s15, $0xb8;
	[tilespmem:$0x14280] =	vst v63  }
.LBB2_2:
0x2e: {  	s24 =	sadd.s32 $0xFFFFFFFA, s20  }
0x2f: {  	s9 =	smov.u32 s7;
	p0 =	slt.s32 s24, s7  }
0x30: {  	_ =	swait.ge [sflag:s26], $0x800;
	s9 =	smov.u32 @p0 s24  }
0x31: {  	[sflag:s26] =	ssyncset.done $0x0;
	s9 =	sshll.u32 s9, $0x5  }
0x32: {  	[sflag:s26] =	ssyncadd.s32 $0xFFFFF800;
	s24 =	sshra.s32 s22, $0x2;
	s9 =	sand.u32 $0x3FFFFFE0, s9  }
0x33: {  	[tilespmem:s28], [sflag:$0x7] =	stream.indirect.gather [hbm4b:s1+s15], $0x40, s9, s15, $0xb8;
	[tilespmem:$0x14280] =	vst v63  }
0x34: {  	s5 =	sadd.s32 $0x3640, s24  }
0x35: {  	[spmem:s3] =	stream.indirect.scatter.add.f32 [tilespmem:s16], [sflag:$0x8], $0x40, s5, s15, $0xb8;
	[tilespmem:$0x14280] =	vst v63  }
0x36: {  	_ =	swait.ge [sflag:s13], $0x800  }
0x37: {  	s9 =	sadd.s32 $0xFFFFFFFB, s20;
	[sflag:s13] =	ssyncset.done $0x0  }
0x38: {  	p0 =	slt.s32 s9, s7;
	s5 =	smov.u32 s7;
	[sflag:s13] =	ssyncadd.s32 $0xFFFFF800  }
0x39: {  	s5 =	smov.u32 @p0 s9;
	_ =	swait.ge [sflag:s29], $0x800  }
0x3a: {  	s5 =	sshll.u32 s5, $0x5;
	[sflag:s29] =	ssyncset.done $0x0  }
0x3b: {  	s5 =	sand.u32 $0x3FFFFFE0, s5;
	[sflag:s29] =	ssyncadd.s32 $0xFFFFF800  }
0x3c: {  	[tilespmem:s16], [sflag:$0x1] =	stream.indirect.gather [hbm4b:s1+s15], $0x40, s5, s15, $0xb8;
	[tilespmem:$0x14280] =	vst v63  }
0x3d: {  	s9 =	sadd.s32 $0x3660, s24  }
0x3e: {  	[spmem:s3] =	stream.indirect.scatter.add.f32 [tilespmem:s17], [sflag:$0x8], $0x40, s9, s15, $0xb8;
	[tilespmem:$0x14280] =	vst v63  }
0x3f: {  	_ =	swait.ge [sflag:s13], $0x800  }
0x40: {  	s5 =	sadd.s32 $0xFFFFFFFC, s20;
	[sflag:s13] =	ssyncset.done $0x0  }
0x41: {  	p0 =	slt.s32 s5, s7;
	s9 =	smov.u32 s7;
	[sflag:s13] =	ssyncadd.s32 $0xFFFFF800  }
0x42: {  	s9 =	smov.u32 @p0 s5;
	_ =	swait.ge [sflag:s30], $0x800  }
0x43: {  	s5 =	sshll.u32 s9, $0x5;
	[sflag:s30] =	ssyncset.done $0x0  }
0x44: {  	s5 =	sand.u32 $0x3FFFFFE0, s5;
	[sflag:s30] =	ssyncadd.s32 $0xFFFFF800  }
0x45: {  	[tilespmem:s17], [sflag:$0x2] =	stream.indirect.gather [hbm4b:s1+s15], $0x40, s5, s15, $0xb8;
	[tilespmem:$0x14280] =	vst v63  }
0x46: {  	s9 =	sadd.s32 $0x3680, s24  }
0x47: {  	[spmem:s3] =	stream.indirect.scatter.add.f32 [tilespmem:s19], [sflag:$0x8], $0x40, s9, s15, $0xb8;
	[tilespmem:$0x14280] =	vst v63  }
0x48: {  	_ =	swait.ge [sflag:s13], $0x800  }
0x49: {  	s5 =	sadd.s32 $0xFFFFFFFD, s20;
	[sflag:s13] =	ssyncset.done $0x0  }
0x4a: {  	p0 =	slt.s32 s5, s7;
	s9 =	smov.u32 s7;
	[sflag:s13] =	ssyncadd.s32 $0xFFFFF800  }
0x4b: {  	s9 =	smov.u32 @p0 s5;
	_ =	swait.ge [sflag:s31], $0x800  }
0x4c: {  	s5 =	sshll.u32 s9, $0x5;
	[sflag:s31] =	ssyncset.done $0x0  }
0x4d: {  	s5 =	sand.u32 $0x3FFFFFE0, s5;
	[sflag:s31] =	ssyncadd.s32 $0xFFFFF800  }
0x4e: {  	[tilespmem:s19], [sflag:$0x3] =	stream.indirect.gather [hbm4b:s1+s15], $0x40, s5, s15, $0xb8;
	[tilespmem:$0x14280] =	vst v63  }
0x4f: {  	s9 =	sadd.s32 $0x36A0, s24  }
0x50: {  	[spmem:s3] =	stream.indirect.scatter.add.f32 [tilespmem:s21], [sflag:$0x8], $0x40, s9, s15, $0xb8;
	[tilespmem:$0x14280] =	vst v63  }
0x51: {  	_ =	swait.ge [sflag:s13], $0x800  }
0x52: {  	s5 =	sadd.s32 $0xFFFFFFFE, s20;
	[sflag:s13] =	ssyncset.done $0x0  }
0x53: {  	p0 =	slt.s32 s5, s7;
	s9 =	smov.u32 s7;
	[sflag:s13] =	ssyncadd.s32 $0xFFFFF800  }
0x54: {  	s9 =	smov.u32 @p0 s5;
	_ =	swait.ge [sflag:s2], $0x800  }
0x55: {  	s5 =	sshll.u32 s9, $0x5;
	[sflag:s2] =	ssyncset.done $0x0  }
0x56: {  	s5 =	sand.u32 $0x3FFFFFE0, s5;
	[sflag:s2] =	ssyncadd.s32 $0xFFFFF800  }
0x57: {  	[tilespmem:s21], [sflag:$0x4] =	stream.indirect.gather [hbm4b:s1+s15], $0x40, s5, s15, $0xb8;
	[tilespmem:$0x14280] =	vst v63  }
0x58: {  	s9 =	sadd.s32 $0x36C0, s24  }
0x59: {  	[spmem:s3] =	stream.indirect.scatter.add.f32 [tilespmem:s23], [sflag:$0x8], $0x40, s9, s15, $0xb8;
	[tilespmem:$0x14280] =	vst v63  }
0x5a: {  	_ =	swait.ge [sflag:s13], $0x800  }
0x5b: {  	s5 =	sadd.s32 $0xFFFFFFFF, s20;
	[sflag:s13] =	ssyncset.done $0x0  }
0x5c: {  	p0 =	slt.s32 s5, s7;
	s9 =	smov.u32 s7;
	[sflag:s13] =	ssyncadd.s32 $0xFFFFF800  }
0x5d: {  	s9 =	smov.u32 @p0 s5;
	_ =	swait.ge [sflag:s0], $0x800  }
0x5e: {  	s5 =	sshll.u32 s9, $0x5;
	[sflag:s0] =	ssyncset.done $0x0  }
0x5f: {  	s5 =	sand.u32 $0x3FFFFFE0, s5;
	[sflag:s0] =	ssyncadd.s32 $0xFFFFF800  }
0x60: {  	[tilespmem:s23], [sflag:$0x5] =	stream.indirect.gather [hbm4b:s1+s15], $0x40, s5, s15, $0xb8;
	[tilespmem:$0x14280] =	vst v63  }
0x61: {  	s9 =	sadd.s32 $0x36E0, s24  }
0x62: {  	[spmem:s3] =	stream.indirect.scatter.add.f32 [tilespmem:s25], [sflag:$0x8], $0x40, s9, s15, $0xb8;
	[tilespmem:$0x14280] =	vst v63  }
0x63: {  	_ =	swait.ge [sflag:s13], $0x800  }
0x64: {  	[sflag:s13] =	ssyncset.done $0x0  }
0x65: {  	p0 =	slt.s32 s20, s7;
	s5 =	smov.u32 s7;
	[sflag:s13] =	ssyncadd.s32 $0xFFFFF800  }
0x66: {  	s5 =	smov.u32 @p0 s20;
	_ =	swait.ge [sflag:s14], $0x800  }
0x67: {  	s5 =	sshll.u32 s5, $0x5;
	[sflag:s14] =	ssyncset.done $0x0  }
0x68: {  	s5 =	sand.u32 $0x3FFFFFE0, s5;
	[sflag:s14] =	ssyncadd.s32 $0xFFFFF800  }
0x69: {  	[tilespmem:s25], [sflag:$0x6] =	stream.indirect.gather [hbm4b:s1+s15], $0x40, s5, s15, $0xb8;
	[tilespmem:$0x14280] =	vst v63  }
0x6a: {  	s9 =	sadd.s32 $0x3700, s24  }
0x6b: {  	[spmem:s3] =	stream.indirect.scatter.add.f32 [tilespmem:s28], [sflag:$0x8], $0x40, s9, s15, $0xb8;
	[tilespmem:$0x14280] =	vst v63  }
0x6c: {  	_ =	swait.ge [sflag:s13], $0x800  }
0x6d: {  	s22 =	sadd.s32 $0x380, s22;
	s24 =	rddreg [dreg:$0x4]  }
0x6e: {  	p0 =	sne.s32 s24, s22  }
.Ltmp0:
0x6f: {  	_ = 	snop;
	(pc) =	sbr.rel @p0 .LBB2_2-.Ltmp0, $3  }
0x70: {  	_ =	sdelay $0x1  }
0x71: {  	[sflag:s13] =	ssyncset.done $0x0  }
0x72: {  	s20 =	sadd.s32 $0x7, s20;
	[sflag:s13] =	ssyncadd.s32 $0xFFFFF800  }
0x73: {  	_ =	swait.ge [sflag:s26], $0x800  }
0x74: {  	[sflag:s26] =	ssyncset.done $0x0  }
0x75: {  	[sflag:s26] =	ssyncadd.s32 $0xFFFFF800  }
0x76: {  	_ =	swait.ge [sflag:s29], $0x800  }
0x77: {  	[sflag:s29] =	ssyncset.done $0x0  }
0x78: {  	[sflag:s29] =	ssyncadd.s32 $0xFFFFF800  }
0x79: {  	_ =	swait.ge [sflag:s30], $0x800  }
0x7a: {  	[sflag:s30] =	ssyncset.done $0x0  }
0x7b: {  	[sflag:s30] =	ssyncadd.s32 $0xFFFFF800  }
0x7c: {  	_ =	swait.ge [sflag:s31], $0x800  }
0x7d: {  	[sflag:s31] =	ssyncset.done $0x0  }
0x7e: {  	[sflag:s31] =	ssyncadd.s32 $0xFFFFF800  }
0x7f: {  	_ =	swait.ge [sflag:s2], $0x800  }
0x80: {  	[sflag:s2] =	ssyncset.done $0x0  }
0x81: {  	[sflag:s2] =	ssyncadd.s32 $0xFFFFF800  }
0x82: {  	_ =	swait.ge [sflag:s0], $0x800  }
0x83: {  	s18 =	sadd.s32 $0x1, s18;
	[sflag:s0] =	ssyncset.done $0x0  }
0x84: {  	p0 =	sne.s32 s18, s11;
	[sflag:s0] =	ssyncadd.s32 $0xFFFFF800  }
.Ltmp1:
0x85: {  	[bflag:$0x0] =	sbarrier.arrive $0xFFFF;
	(pc) =	sbr.rel @p0 .LBB2_1-.Ltmp1, $4  }
0x86: {  	[hbm:s10], [sflag:s6] =	dma.local [spmem:s12], $0x13C0  }
0x87: {  	_ =	swait.ge [sflag:s13], $0x13C0  }
0x88: {  	[sflag:s13] =	ssyncset.done $0x0  }
0x89: {  	[sflag:s13] =	ssyncadd.s32 $0xFFFFEC40  }
0x8a: {  	_ =	sfence.sel $0x180000  }
0x8b: {  	[bflag:$0x0] =	sbarrier.arrive $0xFFFF  }
0x8c: {  	_ =	strace $0x90000050  }
0x8d: {  	s0 =	stileid.u32;
	[bflag:$0x2] =	sbarrier.arrive $0xFFFF  }
0x8e: {  	p0 =	sne.s32 s0, $0x0;
	s0 =	rddreg [dreg:$0x3]  }
0x8f: {  	s0 =	sadd.s32 @!p0 $0x100000, s0  }
0x90: {  	[sflag:s0] =	ssyncadd.tile.s32 @!p0 $0x1;
	_ =	shalt  }
.Lfunc_end2:
_tile_overlayer_lowered:
.L_overlay_start_2:
0x91: {  	(tag) =	ssettag $0x2  }
0x92: {  	s0 =	rddreg [dreg:$0x0];
	s2 =	stileid.u32  }
0x93: {  	s1 =	rddreg [dreg:$0x1];
	p0 =	sne.s32 s2, $0x0  }
0x94: {  	s3 =	rddreg [dreg:$0x2];
	[bflag:$0x3] =	sbarrier.arrive $0xFFFF;
	s2 =	simm.s32 @!p0 $0x1C08  }
0x95: {  	[timem:s3], [sflag:s2] =	dma.local @!p0 [hbm:s0], s1  }
0x96: {  	s0 =	simm.s32 @!p0 $0x8  }
0x97: {  	_ =	swait.ge @!p0 [sflag:s0], s1  }
0x98: {  	s1 =	ssub.s32 @!p0 $0x0, s1;
	[sflag:s0] =	ssyncset.done @!p0 $0x0  }
0x99: {  	[sflag:s0] =	ssyncadd.s32 @!p0 s1  }
0x9a: {  	[bflag:$0x3] =	sbarrier.arrive $0xFFFF  }
0x9b: {  	_ =	shalt  }

</sc_bundles>
